<compile_context>
chip_gen: v7x
topology: tpu7x:2x2x1
jax: 0.10.2.dev20260603
libtpu: 0.0.44.dev20260713+nightly
codegen_flags: <defaults>
</compile_context>

<pallas_src>
import functools

import jax
import jax.numpy as jnp
from jax import lax
from jax.experimental import pallas as pl
from jax.experimental.pallas import tpu as pltpu
from jax.experimental.pallas import tpu_sc as plsc

N = 10000
M = 16
F = 128
E = 16
B = 100
A = 100
NE = N * M
BN_BLK = 400
NBLK = N // BN_BLK
EDGE_BLK = BN_BLK * M

_NC, _NS = 2, 16
_NW = _NC * _NS
_CH = 128
_CPW = 40
_PW = NE // _NW
_NBUF = 5


def _softplus(x):
    return jnp.maximum(x, 0.0) + jnp.log1p(jnp.exp(-jnp.abs(x)))


def _sigmoid(x):
    return 0.5 * jnp.tanh(0.5 * x) + 0.5


def _sc_gather(table, idx2d):
    mesh = plsc.VectorSubcoreMesh(core_axis_name="c", subcore_axis_name="s")

    @functools.partial(
        pl.kernel,
        mesh=mesh,
        out_type=jax.ShapeDtypeStruct((NE, F), jnp.float32),
        scratch_types=[
            pltpu.VMEM((_CPW, _CH), jnp.int32),
            pltpu.VMEM((_NBUF, _CH, F), jnp.float32),
        ] + [pltpu.SemaphoreType.DMA] * _NBUF,
    )
    def k(table_hbm, idx_hbm, out_hbm, idx_v, rows_v, *sems):
        wid = lax.axis_index("s") * _NC + lax.axis_index("c")
        pltpu.sync_copy(idx_hbm.at[pl.ds(wid * _CPW, _CPW)], idx_v)

        def chunk_off(j):
            return wid * _PW + lax.min(j * _CH, _PW - _CH)

        for b in range(_NBUF):
            pltpu.async_copy(table_hbm.at[idx_v.at[b]], rows_v.at[b], sems[b])

        def outer(j0, _):
            for b in range(_NBUF):
                j = j0 + b
                pltpu.make_async_copy(
                    table_hbm.at[idx_v.at[j]], rows_v.at[b], sems[b]).wait()
                pltpu.sync_copy(rows_v.at[b],
                                out_hbm.at[pl.ds(chunk_off(j), _CH)])
                pltpu.async_copy(
                    table_hbm.at[idx_v.at[j + _NBUF]], rows_v.at[b], sems[b])
            return ()

        lax.fori_loop(0, (_CPW - _NBUF) // _NBUF,
                      lambda t, c: outer(t * _NBUF, c), (), unroll=False)

        for b in range(_NBUF):
            j = _CPW - _NBUF + b
            pltpu.make_async_copy(
                table_hbm.at[idx_v.at[j]], rows_v.at[b], sems[b]).wait()
            pltpu.sync_copy(rows_v.at[b],
                            out_hbm.at[pl.ds(chunk_off(j), _CH)])

    return k(table, idx2d)


def _emb_kernel(fea_ref, tab_ref, out_ref):
    idx = fea_ref[...]
    kk = lax.broadcasted_iota(jnp.int32, (1, 128), 1)
    oh = (idx == kk).astype(jnp.float32)
    emb = jnp.dot(oh, tab_ref[...], preferred_element_type=jnp.float32,
                  precision=lax.Precision.HIGHEST)
    mu = jnp.mean(emb, axis=0, keepdims=True)
    var = jnp.mean((emb - mu) ** 2, axis=0, keepdims=True)
    out_ref[...] = (emb - mu) * lax.rsqrt(var + 1e-5)


def _emb(atom_fea, emb_pad):
    return pl.pallas_call(
        _emb_kernel,
        out_shape=jax.ShapeDtypeStruct((N, F), jnp.float32),
    )(atom_fea.reshape(N, 1).astype(jnp.int32), emb_pad)


def _stats1_kernel(atom_ref, gat_ref, nbr_ref, ws_ref, wn_ref, we_ref, b_ref,
                   out_ref, s1_ref, s2_ref):
    i = pl.program_id(0)

    @pl.when(i == 0)
    def _():
        s1_ref[...] = jnp.zeros_like(s1_ref)
        s2_ref[...] = jnp.zeros_like(s2_ref)

    g = jnp.dot(gat_ref[...], wn_ref[...], preferred_element_type=jnp.float32)
    g = g + jnp.dot(nbr_ref[...], we_ref[...],
                    preferred_element_type=jnp.float32)
    p = jnp.dot(atom_ref[...], ws_ref[...],
                preferred_element_type=jnp.float32) + b_ref[...]
    g3 = g.reshape(BN_BLK, M, 2 * F) + p[:, None, :]
    s1_ref[...] += jnp.sum(jnp.sum(g3, axis=1), axis=0, keepdims=True)
    s2_ref[...] += jnp.sum(jnp.sum(g3 * g3, axis=1), axis=0, keepdims=True)

    @pl.when(i == pl.num_programs(0) - 1)
    def _():
        out_ref[0:1, :] = s1_ref[...]
        out_ref[1:2, :] = s2_ref[...]


def _stats1(atom, gat, nbr2d, ws, wn, we, b2d):
    return pl.pallas_call(
        _stats1_kernel,
        grid=(NBLK,),
        in_specs=[
            pl.BlockSpec((BN_BLK, F), lambda i: (i, 0)),
            pl.BlockSpec((EDGE_BLK, F), lambda i: (i, 0)),
            pl.BlockSpec((EDGE_BLK, E), lambda i: (i, 0)),
            pl.BlockSpec((F, 2 * F), lambda i: (0, 0)),
            pl.BlockSpec((F, 2 * F), lambda i: (0, 0)),
            pl.BlockSpec((E, 2 * F), lambda i: (0, 0)),
            pl.BlockSpec((1, 2 * F), lambda i: (0, 0)),
        ],
        out_specs=pl.BlockSpec((2, 2 * F), lambda i: (0, 0)),
        out_shape=jax.ShapeDtypeStruct((2, 2 * F), jnp.float32),
        scratch_shapes=[
            pltpu.VMEM((1, 2 * F), jnp.float32),
            pltpu.VMEM((1, 2 * F), jnp.float32),
        ],
    )(atom, gat, nbr2d, ws, wn, we, b2d)


def _convB_kernel(atom_ref, gat_ref, nbr_ref, ws_ref, wn_ref, we_ref, b_ref,
                  st_ref, sum_ref, st2_ref, a1_ref, a2_ref):
    i = pl.program_id(0)

    @pl.when(i == 0)
    def _():
        a1_ref[...] = jnp.zeros_like(a1_ref)
        a2_ref[...] = jnp.zeros_like(a2_ref)

    mu = st_ref[0:1, :] / NE
    var = st_ref[1:2, :] / NE - mu * mu
    inv = lax.rsqrt(var + 1e-5)

    g = jnp.dot(gat_ref[...], wn_ref[...], preferred_element_type=jnp.float32)
    g = g + jnp.dot(nbr_ref[...], we_ref[...],
                    preferred_element_type=jnp.float32)
    p = jnp.dot(atom_ref[...], ws_ref[...],
                preferred_element_type=jnp.float32) + b_ref[...]
    g3 = g.reshape(BN_BLK, M, 2 * F) + p[:, None, :]
    g3 = (g3 - mu[None, :, :]) * inv[None, :, :]
    filt = _sigmoid(g3[:, :, :F])
    core = _softplus(g3[:, :, F:])
    s = jnp.sum(filt * core, axis=1)
    sum_ref[...] = s
    a1_ref[...] += jnp.sum(s, axis=0, keepdims=True)
    a2_ref[...] += jnp.sum(s * s, axis=0, keepdims=True)

    @pl.when(i == pl.num_programs(0) - 1)
    def _():
        st2_ref[0:1, :] = a1_ref[...]
        st2_ref[1:2, :] = a2_ref[...]


def _convB(atom, gat, nbr2d, ws, wn, we, b2d, st):
    return pl.pallas_call(
        _convB_kernel,
        grid=(NBLK,),
        in_specs=[
            pl.BlockSpec((BN_BLK, F), lambda i: (i, 0)),
            pl.BlockSpec((EDGE_BLK, F), lambda i: (i, 0)),
            pl.BlockSpec((EDGE_BLK, E), lambda i: (i, 0)),
            pl.BlockSpec((F, 2 * F), lambda i: (0, 0)),
            pl.BlockSpec((F, 2 * F), lambda i: (0, 0)),
            pl.BlockSpec((E, 2 * F), lambda i: (0, 0)),
            pl.BlockSpec((1, 2 * F), lambda i: (0, 0)),
            pl.BlockSpec((2, 2 * F), lambda i: (0, 0)),
        ],
        out_specs=[
            pl.BlockSpec((BN_BLK, F), lambda i: (i, 0)),
            pl.BlockSpec((2, F), lambda i: (0, 0)),
        ],
        out_shape=[
            jax.ShapeDtypeStruct((N, F), jnp.float32),
            jax.ShapeDtypeStruct((2, F), jnp.float32),
        ],
        scratch_shapes=[
            pltpu.VMEM((1, F), jnp.float32),
            pltpu.VMEM((1, F), jnp.float32),
        ],
    )(atom, gat, nbr2d, ws, wn, we, b2d, st)


def _update_kernel(atom_ref, sum_ref, st2_ref, out_ref):
    mu = st2_ref[0:1, :] / N
    var = st2_ref[1:2, :] / N - mu * mu
    inv = lax.rsqrt(var + 1e-5)
    out_ref[...] = _softplus(atom_ref[...] + (sum_ref[...] - mu) * inv)


def _update(atom, summed, st2):
    return pl.pallas_call(
        _update_kernel,
        out_shape=jax.ShapeDtypeStruct((N, F), jnp.float32),
    )(atom, summed, st2)


def _mean0(x):
    ones = jnp.ones((1, B), jnp.float32)
    return jnp.dot(ones, x, preferred_element_type=jnp.float32,
                   precision=lax.Precision.HIGHEST) * (1.0 / B)


def _head_kernel(atom_ref, ex_ref, wex_ref, bex_ref, wfc_ref, bfc_ref,
                 wout_ref, bout_ref, out_ref, task_ref):
    rows = lax.broadcasted_iota(jnp.int32, (B, N), 0)
    cols = lax.broadcasted_iota(jnp.int32, (B, N), 1)
    sel = (rows == cols // A).astype(jnp.float32)
    crys = jnp.dot(sel, atom_ref[...], preferred_element_type=jnp.float32,
                   precision=lax.Precision.HIGHEST) * (1.0 / A)

    ex = jnp.dot(ex_ref[...], wex_ref[...],
                 preferred_element_type=jnp.float32) + bex_ref[...]
    me = _mean0(ex)
    ve = _mean0((ex - me) ** 2)
    ex = _softplus((ex - me) * lax.rsqrt(ve + 1e-5))

    h = jnp.concatenate([crys, ex], axis=1)
    h = _softplus(jnp.dot(h, wfc_ref[...],
                          preferred_element_type=jnp.float32) + bfc_ref[...])
    mh = _mean0(h)
    vh = _mean0((h - mh) ** 2)
    h = (h - mh) * lax.rsqrt(vh + 1e-5)

    t = h + h
    mt = jnp.mean(t, axis=1, keepdims=True)
    vt = jnp.mean((t - mt) ** 2, axis=1, keepdims=True)
    task = (t - mt) * lax.rsqrt(vt + 1e-5)
    task_ref[...] = task
    out_ref[...] = jnp.dot(task, wout_ref[...],
                           preferred_element_type=jnp.float32) + bout_ref[...]


def _head(atom3, extra, wex, bex, wfc, bfc, wout, bout):
    return pl.pallas_call(
        _head_kernel,
        out_shape=[
            jax.ShapeDtypeStruct((B, 1), jnp.float32),
            jax.ShapeDtypeStruct((B, F), jnp.float32),
        ],
    )(atom3, extra, wex, bex.reshape(1, -1), wfc, bfc.reshape(1, -1),
      wout, bout.reshape(1, 1))


def kernel(atom_fea, nbr_fea_idx, nbr_fea, crystal_atom_idx, extra_fea,
           uni_idx, uni_count, emb_table, W_full1, b_full1, W_full2, b_full2,
           W_full3, b_full3, W_extra, b_extra, W_fc, b_fc, W_out, b_out):
    emb_pad = jnp.concatenate(
        [emb_table, jnp.zeros((128 - emb_table.shape[0], F),
                              dtype=jnp.float32)], axis=0)
    idx_flat = nbr_fea_idx.reshape(-1).astype(jnp.int32)
    jj = jnp.minimum(jnp.arange(_CPW) * _CH, _PW - _CH)
    starts = (jnp.arange(_NW)[:, None] * _PW + jj[None, :]).reshape(-1)
    idx2d = idx_flat[starts[:, None] + jnp.arange(_CH)[None, :]]
    nbr2d = nbr_fea.reshape(NE, E)

    atom = _emb(atom_fea, emb_pad)

    for (W, b) in ((W_full1, b_full1), (W_full2, b_full2),
                   (W_full3, b_full3)):
        ws, wn, we = W[:F], W[F:2 * F], W[2 * F:]
        b2d = b.reshape(1, 2 * F)
        gat = _sc_gather(atom, idx2d)
        st = _stats1(atom, gat, nbr2d, ws, wn, we, b2d)
        summed, st2 = _convB(atom, gat, nbr2d, ws, wn, we, b2d, st)
        atom = _update(atom, summed, st2)

    out, task_fea = _head(atom, extra_fea, W_extra, b_extra, W_fc, b_fc,
                          W_out, b_out)
    return (out, task_fea)

# --- scband reference (transcript-rebuilt; emitter-appended) ---
"""Pipeline reference for scband-crystal-graph-conv-net-11209864642908 (READ-ONLY COPY).

The authoritative reference and input builder live on the scoring server;
editing this copy changes nothing except your own understanding.
"""

import jax, jax.numpy as jnp
import numpy as np

def _bn(x):
    mu = x.mean(axis=0)
    var = x.var(axis=0)
    return (x - mu) / jnp.sqrt(var + 1e-5)

def _ln(x):
    mu = x.mean(axis=-1, keepdims=True)
    var = x.var(axis=-1, keepdims=True)
    return (x - mu) / jnp.sqrt(var + 1e-5)

def _conv(atom, nbr_fea, nbr_idx, W, b):
    N, M = nbr_idx.shape
    F = atom.shape[-1]
    nbr_atom = jnp.take(atom, nbr_idx, axis=0)  # [N, M, F] gather
    self_exp = jnp.broadcast_to(atom[:, None, :], (N, M, F))
    total = jnp.concatenate([self_exp, nbr_atom, nbr_fea], axis=2)  # [N, M, 2F+E]
    gated = total @ W + b  # [N, M, 2F]
    gated = _bn(gated.reshape(-1, gated.shape[-1])).reshape(N, M, -1)
    filt, core = jnp.split(gated, 2, axis=2)
    filt = jax.nn.sigmoid(filt)
    core = jax.nn.softplus(core)
    summed = (filt * core).sum(axis=1)  # [N, F]
    summed = _bn(summed)
    return jax.nn.softplus(atom + summed)

def setup_inputs(seed: int = 0) -> dict:
    key = jax.random.key(seed)
    ks = jax.random.split(key, 20)
    N, M, F, E = 10000, 16, 128, 16
    B, A = 100, 100
    H = 128
    EXIN, EXOUT = 8, 32
    inp = {}
    inp['atom_fea'] = jax.random.randint(ks[0], (N,), 0, 119)
    inp['nbr_fea_idx'] = jax.random.randint(ks[1], (N, M), 0, N)
    inp['nbr_fea'] = jax.random.normal(ks[2], (N, M, E), dtype=jnp.float32)
    inp['crystal_atom_idx'] = jnp.arange(N, dtype=jnp.int32).reshape(B, A)
    inp['extra_fea'] = jax.random.normal(ks[3], (B, EXIN), dtype=jnp.float32)
    inp['uni_idx'] = jnp.zeros((B,), dtype=jnp.int32)
    inp['uni_count'] = jnp.zeros((B,), dtype=jnp.int32)
    inp['emb_table'] = jax.random.normal(ks[4], (119, F), dtype=jnp.float32) * 0.1
    inp['W_full1'] = jax.random.normal(ks[5], (2 * F + E, 2 * F), dtype=jnp.float32) * 0.05
    inp['b_full1'] = jnp.zeros((2 * F,), dtype=jnp.float32)
    inp['W_full2'] = jax.random.normal(ks[6], (2 * F + E, 2 * F), dtype=jnp.float32) * 0.05
    inp['b_full2'] = jnp.zeros((2 * F,), dtype=jnp.float32)
    inp['W_full3'] = jax.random.normal(ks[7], (2 * F + E, 2 * F), dtype=jnp.float32) * 0.05
    inp['b_full3'] = jnp.zeros((2 * F,), dtype=jnp.float32)
    inp['W_extra'] = jax.random.normal(ks[8], (EXIN, EXOUT), dtype=jnp.float32) * 0.3
    inp['b_extra'] = jnp.zeros((EXOUT,), dtype=jnp.float32)
    inp['W_fc'] = jax.random.normal(ks[9], (F + EXOUT, H), dtype=jnp.float32) * 0.08
    inp['b_fc'] = jnp.zeros((H,), dtype=jnp.float32)
    inp['W_out'] = jax.random.normal(ks[10], (H, 1), dtype=jnp.float32) * 0.1
    inp['b_out'] = jnp.zeros((1,), dtype=jnp.float32)
    return inp

def reference(atom_fea, nbr_fea_idx, nbr_fea, crystal_atom_idx, extra_fea, uni_idx, uni_count, emb_table, W_full1, b_full1, W_full2, b_full2, W_full3, b_full3, W_extra, b_extra, W_fc, b_fc, W_out, b_out):
    # embedding lookup + batchnorm (training-mode batch stats, gamma=1 beta=0)
    atom = jnp.take(emb_table, atom_fea, axis=0)
    atom = _bn(atom)
    # 3 CGCNN conv layers
    for (W, b) in ((W_full1, b_full1), (W_full2, b_full2), (W_full3, b_full3)):
        atom = _conv(atom, nbr_fea, nbr_fea_idx, W, b)
    # mean pooling per crystal (equal-sized graphs -> [B, A] index tensor)
    crys = jnp.take(atom, crystal_atom_idx, axis=0).mean(axis=1)  # [B, F]
    # extra feature branch
    ex = jax.nn.softplus(_bn(extra_fea @ W_extra + b_extra))
    crys = jnp.concatenate([crys, ex], axis=1)
    crys = _bn(jax.nn.softplus(crys @ W_fc + b_fc))
    # single regression task; task_att_type='none' -> Identity attention; task_norm -> LayerNorm(crys + crys)
    task_fea = _ln(crys + crys)
    out = task_fea @ W_out + b_out  # OutputLayer(regression) -> Linear(h, 1)
    return (out, task_fea)

if __name__ == "__main__":
    import jax
    _d = setup_inputs()
    print(jax.jit(kernel)(*tuple(_d.values())))

</pallas_src>

<mosaic_0001>
#map = affine_map<(d0, d1) -> (0, 0)>
module attributes {stable_mosaic.version = 14 : i64} {
  func.func @k(%arg0: i32, %arg1: i32, %arg2: memref<10000x128xf32, #tpu.memory_space<hbm>>, %arg3: memref<1280x128xi32, #tpu.memory_space<hbm>>, %arg4: memref<160000x128xf32, #tpu.memory_space<hbm>>, %arg5: memref<40x128xi32, #tpu.memory_space<vmem>>, %arg6: memref<5x128x128xf32, #tpu.memory_space<vmem>>, %arg7: memref<!tpu.dma_semaphore, #tpu.memory_space<semaphore_mem>>, %arg8: memref<!tpu.dma_semaphore, #tpu.memory_space<semaphore_mem>>, %arg9: memref<!tpu.dma_semaphore, #tpu.memory_space<semaphore_mem>>, %arg10: memref<!tpu.dma_semaphore, #tpu.memory_space<semaphore_mem>>, %arg11: memref<!tpu.dma_semaphore, #tpu.memory_space<semaphore_mem>>) attributes {dimension_semantics = [#tpu.dimension_semantics<core_parallel>, #tpu.dimension_semantics<subcore_parallel>], iteration_bounds = array<i64: 2, 16>, scalar_prefetch = 0 : i64, scratch_operands = 7 : i64, tpu.core_type = #tpu.core_type<sc_vector_subcore>, window_params = [{transform_indices = #map}, {transform_indices = #map}, {transform_indices = #map}]} {
    %mul3A = arith.constant 2 : i32
    %mul3A_0 = arith.muli %arg1, %mul3A : i32
    %add3A = arith.addi %mul3A_0, %arg0 : i32
    %mul3A_1 = arith.constant 40 : i32
    %mul3A_2 = arith.muli %add3A, %mul3A_1 : i32
    "tpu.region"() ({
      %run_scoped3A_158 = tpu.sem_alloc : memref<!tpu.dma_semaphore, #tpu.memory_space<semaphore_mem>>
      %dma_start3A_159 = arith.constant 0 : i32
      %dma_start3A_160 = tpu.memref_slice %arg3[%mul3A_2, %dma_start3A_159] : memref<1280x128xi32, #tpu.memory_space<hbm>> -> memref<40x128xi32, #tpu.memory_space<hbm>>
      %dma_start3A_161 = arith.constant 0 : i32
      %dma_start3A_162 = tpu.memref_slice %arg3[%mul3A_2, %dma_start3A_161] : memref<1280x128xi32, #tpu.memory_space<hbm>> -> memref<40x128xi32, #tpu.memory_space<hbm>>
      tpu.enqueue_dma source(%dma_start3A_162 : memref<40x128xi32, #tpu.memory_space<hbm>>) target(%arg5 : memref<40x128xi32, #tpu.memory_space<vmem>>) target_semaphore(%run_scoped3A_158 : memref<!tpu.dma_semaphore, #tpu.memory_space<semaphore_mem>>)
      %dma_wait3A_163 = arith.constant 0 : i32
      %dma_wait3A_164 = tpu.memref_slice %arg3[%mul3A_2, %dma_wait3A_163] : memref<1280x128xi32, #tpu.memory_space<hbm>> -> memref<40x128xi32, #tpu.memory_space<hbm>>
      %dma_wait3A_165 = arith.constant 0 : i32
      %dma_wait3A_166 = tpu.memref_slice %arg3[%mul3A_2, %dma_wait3A_165] : memref<1280x128xi32, #tpu.memory_space<hbm>> -> memref<40x128xi32, #tpu.memory_space<hbm>>
      tpu.wait_dma2 semaphore(%run_scoped3A_158 : memref<!tpu.dma_semaphore, #tpu.memory_space<semaphore_mem>>) src(%dma_wait3A_166 : memref<40x128xi32, #tpu.memory_space<hbm>>) dst(%arg5 : memref<40x128xi32, #tpu.memory_space<vmem>>)
      tpu.yield
    }) : () -> ()
    %dma_start3A = arith.constant 0 : i32
    %dma_start3A_3 = arith.constant 0 : i32
    %dma_start3A_4 = arith.constant 0 : i32
    %dma_start3A_5 = arith.constant 0 : i32
    %dma_start3A_6 = tpu.memref_slice %arg6[%dma_start3A_3, %dma_start3A_4, %dma_start3A_5] : memref<5x128x128xf32, #tpu.memory_space<vmem>> -> memref<1x128x128xf32, #tpu.memory_space<vmem>>
    %dma_start3A_7 = tpu.memref_squeeze %dma_start3A_6 : memref<1x128x128xf32, #tpu.memory_space<vmem>> -> memref<128x128xf32, #tpu.memory_space<vmem>>
    %dma_start3A_8 = arith.constant 0 : i32
    %dma_start3A_9 = tpu.memref_slice %arg5[%dma_start3A, %dma_start3A_8] : memref<40x128xi32, #tpu.memory_space<vmem>> -> memref<1x128xi32, #tpu.memory_space<vmem>>
    %dma_start3A_10 = tpu.memref_squeeze %dma_start3A_9 : memref<1x128xi32, #tpu.memory_space<vmem>> -> memref<128xi32, #tpu.memory_space<vmem>>
    %dma_start3A_11 = arith.constant 0 : i32
    %dma_start3A_12 = arith.constant 0 : i32
    %dma_start3A_13 = tpu.memref_slice %arg2[%dma_start3A_11, %dma_start3A_12] : memref<10000x128xf32, #tpu.memory_space<hbm>> -> memref<10000x128xf32, #tpu.memory_space<hbm>>
    tpu.enqueue_indirect_dma source(%dma_start3A_13 : memref<10000x128xf32, #tpu.memory_space<hbm>>) target(%dma_start3A_7 : memref<128x128xf32, #tpu.memory_space<vmem>>) offsets(%dma_start3A_10 : memref<128xi32, #tpu.memory_space<vmem>>) semaphore(%arg7 : memref<!tpu.dma_semaphore, #tpu.memory_space<semaphore_mem>>)
    %dma_start3A_14 = arith.constant 1 : i32
    %dma_start3A_15 = arith.constant 1 : i32
    %dma_start3A_16 = arith.constant 0 : i32
    %dma_start3A_17 = arith.constant 0 : i32
    %dma_start3A_18 = tpu.memref_slice %arg6[%dma_start3A_15, %dma_start3A_16, %dma_start3A_17] : memref<5x128x128xf32, #tpu.memory_space<vmem>> -> memref<1x128x128xf32, #tpu.memory_space<vmem>>
    %dma_start3A_19 = tpu.memref_squeeze %dma_start3A_18 : memref<1x128x128xf32, #tpu.memory_space<vmem>> -> memref<128x128xf32, #tpu.memory_space<vmem>>
    %dma_start3A_20 = arith.constant 0 : i32
    %dma_start3A_21 = tpu.memref_slice %arg5[%dma_start3A_14, %dma_start3A_20] : memref<40x128xi32, #tpu.memory_space<vmem>> -> memref<1x128xi32, #tpu.memory_space<vmem>>
    %dma_start3A_22 = tpu.memref_squeeze %dma_start3A_21 : memref<1x128xi32, #tpu.memory_space<vmem>> -> memref<128xi32, #tpu.memory_space<vmem>>
    %dma_start3A_23 = arith.constant 0 : i32
    %dma_start3A_24 = arith.constant 0 : i32
    %dma_start3A_25 = tpu.memref_slice %arg2[%dma_start3A_23, %dma_start3A_24] : memref<10000x128xf32, #tpu.memory_space<hbm>> -> memref<10000x128xf32, #tpu.memory_space<hbm>>
    tpu.enqueue_indirect_dma source(%dma_start3A_25 : memref<10000x128xf32, #tpu.memory_space<hbm>>) target(%dma_start3A_19 : memref<128x128xf32, #tpu.memory_space<vmem>>) offsets(%dma_start3A_22 : memref<128xi32, #tpu.memory_space<vmem>>) semaphore(%arg8 : memref<!tpu.dma_semaphore, #tpu.memory_space<semaphore_mem>>)
    %dma_start3A_26 = arith.constant 2 : i32
    %dma_start3A_27 = arith.constant 2 : i32
    %dma_start3A_28 = arith.constant 0 : i32
    %dma_start3A_29 = arith.constant 0 : i32
    %dma_start3A_30 = tpu.memref_slice %arg6[%dma_start3A_27, %dma_start3A_28, %dma_start3A_29] : memref<5x128x128xf32, #tpu.memory_space<vmem>> -> memref<1x128x128xf32, #tpu.memory_space<vmem>>
    %dma_start3A_31 = tpu.memref_squeeze %dma_start3A_30 : memref<1x128x128xf32, #tpu.memory_space<vmem>> -> memref<128x128xf32, #tpu.memory_space<vmem>>
    %dma_start3A_32 = arith.constant 0 : i32
    %dma_start3A_33 = tpu.memref_slice %arg5[%dma_start3A_26, %dma_start3A_32] : memref<40x128xi32, #tpu.memory_space<vmem>> -> memref<1x128xi32, #tpu.memory_space<vmem>>
    %dma_start3A_34 = tpu.memref_squeeze %dma_start3A_33 : memref<1x128xi32, #tpu.memory_space<vmem>> -> memref<128xi32, #tpu.memory_space<vmem>>
    %dma_start3A_35 = arith.constant 0 : i32
    %dma_start3A_36 = arith.constant 0 : i32
    %dma_start3A_37 = tpu.memref_slice %arg2[%dma_start3A_35, %dma_start3A_36] : memref<10000x128xf32, #tpu.memory_space<hbm>> -> memref<10000x128xf32, #tpu.memory_space<hbm>>
    tpu.enqueue_indirect_dma source(%dma_start3A_37 : memref<10000x128xf32, #tpu.memory_space<hbm>>) target(%dma_start3A_31 : memref<128x128xf32, #tpu.memory_space<vmem>>) offsets(%dma_start3A_34 : memref<128xi32, #tpu.memory_space<vmem>>) semaphore(%arg9 : memref<!tpu.dma_semaphore, #tpu.memory_space<semaphore_mem>>)
    %dma_start3A_38 = arith.constant 3 : i32
    %dma_start3A_39 = arith.constant 3 : i32
    %dma_start3A_40 = arith.constant 0 : i32
    %dma_start3A_41 = arith.constant 0 : i32
    %dma_start3A_42 = tpu.memref_slice %arg6[%dma_start3A_39, %dma_start3A_40, %dma_start3A_41] : memref<5x128x128xf32, #tpu.memory_space<vmem>> -> memref<1x128x128xf32, #tpu.memory_space<vmem>>
    %dma_start3A_43 = tpu.memref_squeeze %dma_start3A_42 : memref<1x128x128xf32, #tpu.memory_space<vmem>> -> memref<128x128xf32, #tpu.memory_space<vmem>>
    %dma_start3A_44 = arith.constant 0 : i32
    %dma_start3A_45 = tpu.memref_slice %arg5[%dma_start3A_38, %dma_start3A_44] : memref<40x128xi32, #tpu.memory_space<vmem>> -> memref<1x128xi32, #tpu.memory_space<vmem>>
    %dma_start3A_46 = tpu.memref_squeeze %dma_start3A_45 : memref<1x128xi32, #tpu.memory_space<vmem>> -> memref<128xi32, #tpu.memory_space<vmem>>
    %dma_start3A_47 = arith.constant 0 : i32
    %dma_start3A_48 = arith.constant 0 : i32
    %dma_start3A_49 = tpu.memref_slice %arg2[%dma_start3A_47, %dma_start3A_48] : memref<10000x128xf32, #tpu.memory_space<hbm>> -> memref<10000x128xf32, #tpu.memory_space<hbm>>
    tpu.enqueue_indirect_dma source(%dma_start3A_49 : memref<10000x128xf32, #tpu.memory_space<hbm>>) target(%dma_start3A_43 : memref<128x128xf32, #tpu.memory_space<vmem>>) offsets(%dma_start3A_46 : memref<128xi32, #tpu.memory_space<vmem>>) semaphore(%arg10 : memref<!tpu.dma_semaphore, #tpu.memory_space<semaphore_mem>>)
    %dma_start3A_50 = arith.constant 4 : i32
    %dma_start3A_51 = arith.constant 4 : i32
    %dma_start3A_52 = arith.constant 0 : i32
    %dma_start3A_53 = arith.constant 0 : i32
    %dma_start3A_54 = tpu.memref_slice %arg6[%dma_start3A_51, %dma_start3A_52, %dma_start3A_53] : memref<5x128x128xf32, #tpu.memory_space<vmem>> -> memref<1x128x128xf32, #tpu.memory_space<vmem>>
    %dma_start3A_55 = tpu.memref_squeeze %dma_start3A_54 : memref<1x128x128xf32, #tpu.memory_space<vmem>> -> memref<128x128xf32, #tpu.memory_space<vmem>>
    %dma_start3A_56 = arith.constant 0 : i32
    %dma_start3A_57 = tpu.memref_slice %arg5[%dma_start3A_50, %dma_start3A_56] : memref<40x128xi32, #tpu.memory_space<vmem>> -> memref<1x128xi32, #tpu.memory_space<vmem>>
    %dma_start3A_58 = tpu.memref_squeeze %dma_start3A_57 : memref<1x128xi32, #tpu.memory_space<vmem>> -> memref<128xi32, #tpu.memory_space<vmem>>
    %dma_start3A_59 = arith.constant 0 : i32
    %dma_start3A_60 = arith.constant 0 : i32
    %dma_start3A_61 = tpu.memref_slice %arg2[%dma_start3A_59, %dma_start3A_60] : memref<10000x128xf32, #tpu.memory_space<hbm>> -> memref<10000x128xf32, #tpu.memory_space<hbm>>
    tpu.enqueue_indirect_dma source(%dma_start3A_61 : memref<10000x128xf32, #tpu.memory_space<hbm>>) target(%dma_start3A_55 : memref<128x128xf32, #tpu.memory_space<vmem>>) offsets(%dma_start3A_58 : memref<128xi32, #tpu.memory_space<vmem>>) semaphore(%arg11 : memref<!tpu.dma_semaphore, #tpu.memory_space<semaphore_mem>>)
    %scan3A = arith.constant 0 : i32
    %scan3A_62 = arith.constant 7 : i32
    %scan3A_63 = arith.addi %scan3A, %scan3A_62 : i32
    %scan3A_64 = arith.constant 1 : i32
    scf.for %scan3A_158 = %scan3A to %scan3A_63 step %scan3A_64  : i32 {
      %mul3A_159 = arith.constant 5 : i32
      %mul3A_160 = arith.muli %scan3A_158, %mul3A_159 : i32
      %add3A_161 = arith.constant 0 : i32
      %add3A_162 = arith.addi %mul3A_160, %add3A_161 : i32
      %dma_wait3A_163 = arith.constant 0 : i32
      %dma_wait3A_164 = arith.constant 0 : i32
      %dma_wait3A_165 = arith.constant 0 : i32
      %dma_wait3A_166 = tpu.memref_slice %arg6[%dma_wait3A_163, %dma_wait3A_164, %dma_wait3A_165] : memref<5x128x128xf32, #tpu.memory_space<vmem>> -> memref<1x128x128xf32, #tpu.memory_space<vmem>>
      %dma_wait3A_167 = tpu.memref_squeeze %dma_wait3A_166 : memref<1x128x128xf32, #tpu.memory_space<vmem>> -> memref<128x128xf32, #tpu.memory_space<vmem>>
      %dma_wait3A_168 = arith.constant 0 : i32
      %dma_wait3A_169 = tpu.memref_slice %arg5[%add3A_162, %dma_wait3A_168] : memref<40x128xi32, #tpu.memory_space<vmem>> -> memref<1x128xi32, #tpu.memory_space<vmem>>
      %dma_wait3A_170 = tpu.memref_squeeze %dma_wait3A_169 : memref<1x128xi32, #tpu.memory_space<vmem>> -> memref<128xi32, #tpu.memory_space<vmem>>
      %dma_wait3A_171 = arith.constant 0 : i32
      %dma_wait3A_172 = arith.constant 0 : i32
      %dma_wait3A_173 = tpu.memref_slice %arg2[%dma_wait3A_171, %dma_wait3A_172] : memref<10000x128xf32, #tpu.memory_space<hbm>> -> memref<10000x128xf32, #tpu.memory_space<hbm>>
      tpu.wait_indirect_dma semaphore(%arg7 : memref<!tpu.dma_semaphore, #tpu.memory_space<semaphore_mem>>) src(%dma_wait3A_173 : memref<10000x128xf32, #tpu.memory_space<hbm>>) dst(%dma_wait3A_167 : memref<128x128xf32, #tpu.memory_space<vmem>>)
      %mul3A_174 = arith.constant 5000 : i32
      %mul3A_175 = arith.muli %add3A, %mul3A_174 : i32
      %mul3A_176 = arith.constant 128 : i32
      %mul3A_177 = arith.muli %add3A_162, %mul3A_176 : i32
      %min3A_178 = arith.constant 4872 : i32
      %min3A_179 = arith.minsi %mul3A_177, %min3A_178 : i32
      %add3A_180 = arith.addi %mul3A_175, %min3A_179 : i32
      %run_scoped3A_181 = arith.constant 0 : i32
      "tpu.region"() ({
        %run_scoped3A_331 = tpu.sem_alloc : memref<!tpu.dma_semaphore, #tpu.memory_space<semaphore_mem>>
        %dma_start3A_332 = arith.constant 0 : i32
        %dma_start3A_333 = arith.constant 0 : i32
        %dma_start3A_334 = tpu.memref_slice %arg6[%run_scoped3A_181, %dma_start3A_332, %dma_start3A_333] : memref<5x128x128xf32, #tpu.memory_space<vmem>> -> memref<1x128x128xf32, #tpu.memory_space<vmem>>
        %dma_start3A_335 = tpu.memref_squeeze %dma_start3A_334 : memref<1x128x128xf32, #tpu.memory_space<vmem>> -> memref<128x128xf32, #tpu.memory_space<vmem>>
        %dma_start3A_336 = arith.constant 0 : i32
        %dma_start3A_337 = tpu.memref_slice %arg4[%add3A_180, %dma_start3A_336] : memref<160000x128xf32, #tpu.memory_space<hbm>> -> memref<128x128xf32, #tpu.memory_space<hbm>>
        %dma_start3A_338 = arith.constant 0 : i32
        %dma_start3A_339 = tpu.memref_slice %arg4[%add3A_180, %dma_start3A_338] : memref<160000x128xf32, #tpu.memory_space<hbm>> -> memref<128x128xf32, #tpu.memory_space<hbm>>
        %dma_start3A_340 = arith.constant 0 : i32
        %dma_start3A_341 = arith.constant 0 : i32
        %dma_start3A_342 = tpu.memref_slice %arg6[%run_scoped3A_181, %dma_start3A_340, %dma_start3A_341] : memref<5x128x128xf32, #tpu.memory_space<vmem>> -> memref<1x128x128xf32, #tpu.memory_space<vmem>>
        %dma_start3A_343 = tpu.memref_squeeze %dma_start3A_342 : memref<1x128x128xf32, #tpu.memory_space<vmem>> -> memref<128x128xf32, #tpu.memory_space<vmem>>
        tpu.enqueue_dma source(%dma_start3A_343 : memref<128x128xf32, #tpu.memory_space<vmem>>) target(%dma_start3A_339 : memref<128x128xf32, #tpu.memory_space<hbm>>) target_semaphore(%run_scoped3A_331 : memref<!tpu.dma_semaphore, #tpu.memory_space<semaphore_mem>>)
        %dma_wait3A_344 = arith.constant 0 : i32
        %dma_wait3A_345 = arith.constant 0 : i32
        %dma_wait3A_346 = tpu.memref_slice %arg6[%run_scoped3A_181, %dma_wait3A_344, %dma_wait3A_345] : memref<5x128x128xf32, #tpu.memory_space<vmem>> -> memref<1x128x128xf32, #tpu.memory_space<vmem>>
        %dma_wait3A_347 = tpu.memref_squeeze %dma_wait3A_346 : memref<1x128x128xf32, #tpu.memory_space<vmem>> -> memref<128x128xf32, #tpu.memory_space<vmem>>
        %dma_wait3A_348 = arith.constant 0 : i32
        %dma_wait3A_349 = tpu.memref_slice %arg4[%add3A_180, %dma_wait3A_348] : memref<160000x128xf32, #tpu.memory_space<hbm>> -> memref<128x128xf32, #tpu.memory_space<hbm>>
        %dma_wait3A_350 = arith.constant 0 : i32
        %dma_wait3A_351 = tpu.memref_slice %arg4[%add3A_180, %dma_wait3A_350] : memref<160000x128xf32, #tpu.memory_space<hbm>> -> memref<128x128xf32, #tpu.memory_space<hbm>>
        %dma_wait3A_352 = arith.constant 0 : i32
        %dma_wait3A_353 = arith.constant 0 : i32
        %dma_wait3A_354 = tpu.memref_slice %arg6[%run_scoped3A_181, %dma_wait3A_352, %dma_wait3A_353] : memref<5x128x128xf32, #tpu.memory_space<vmem>> -> memref<1x128x128xf32, #tpu.memory_space<vmem>>
        %dma_wait3A_355 = tpu.memref_squeeze %dma_wait3A_354 : memref<1x128x128xf32, #tpu.memory_space<vmem>> -> memref<128x128xf32, #tpu.memory_space<vmem>>
        tpu.wait_dma2 semaphore(%run_scoped3A_331 : memref<!tpu.dma_semaphore, #tpu.memory_space<semaphore_mem>>) src(%dma_wait3A_355 : memref<128x128xf32, #tpu.memory_space<vmem>>) dst(%dma_wait3A_351 : memref<128x128xf32, #tpu.memory_space<hbm>>)
        tpu.yield
      }) : () -> ()
      %add3A_182 = arith.constant 5 : i32
      %add3A_183 = arith.addi %add3A_162, %add3A_182 : i32
      %dma_start3A_184 = arith.constant 0 : i32
      %dma_start3A_185 = arith.constant 0 : i32
      %dma_start3A_186 = arith.constant 0 : i32
      %dma_start3A_187 = tpu.memref_slice %arg6[%dma_start3A_184, %dma_start3A_185, %dma_start3A_186] : memref<5x128x128xf32, #tpu.memory_space<vmem>> -> memref<1x128x128xf32, #tpu.memory_space<vmem>>
      %dma_start3A_188 = tpu.memref_squeeze %dma_start3A_187 : memref<1x128x128xf32, #tpu.memory_space<vmem>> -> memref<128x128xf32, #tpu.memory_space<vmem>>
      %dma_start3A_189 = arith.constant 0 : i32
      %dma_start3A_190 = tpu.memref_slice %arg5[%add3A_183, %dma_start3A_189] : memref<40x128xi32, #tpu.memory_space<vmem>> -> memref<1x128xi32, #tpu.memory_space<vmem>>
      %dma_start3A_191 = tpu.memref_squeeze %dma_start3A_190 : memref<1x128xi32, #tpu.memory_space<vmem>> -> memref<128xi32, #tpu.memory_space<vmem>>
      %dma_start3A_192 = arith.constant 0 : i32
      %dma_start3A_193 = arith.constant 0 : i32
      %dma_start3A_194 = tpu.memref_slice %arg2[%dma_start3A_192, %dma_start3A_193] : memref<10000x128xf32, #tpu.memory_space<hbm>> -> memref<10000x128xf32, #tpu.memory_space<hbm>>
      tpu.enqueue_indirect_dma source(%dma_start3A_194 : memref<10000x128xf32, #tpu.memory_space<hbm>>) target(%dma_start3A_188 : memref<128x128xf32, #tpu.memory_space<vmem>>) offsets(%dma_start3A_191 : memref<128xi32, #tpu.memory_space<vmem>>) semaphore(%arg7 : memref<!tpu.dma_semaphore, #tpu.memory_space<semaphore_mem>>)
      %add3A_195 = arith.constant 1 : i32
      %add3A_196 = arith.addi %mul3A_160, %add3A_195 : i32
      %dma_wait3A_197 = arith.constant 1 : i32
      %dma_wait3A_198 = arith.constant 0 : i32
      %dma_wait3A_199 = arith.constant 0 : i32
      %dma_wait3A_200 = tpu.memref_slice %arg6[%dma_wait3A_197, %dma_wait3A_198, %dma_wait3A_199] : memref<5x128x128xf32, #tpu.memory_space<vmem>> -> memref<1x128x128xf32, #tpu.memory_space<vmem>>
      %dma_wait3A_201 = tpu.memref_squeeze %dma_wait3A_200 : memref<1x128x128xf32, #tpu.memory_space<vmem>> -> memref<128x128xf32, #tpu.memory_space<vmem>>
      %dma_wait3A_202 = arith.constant 0 : i32
      %dma_wait3A_203 = tpu.memref_slice %arg5[%add3A_196, %dma_wait3A_202] : memref<40x128xi32, #tpu.memory_space<vmem>> -> memref<1x128xi32, #tpu.memory_space<vmem>>
      %dma_wait3A_204 = tpu.memref_squeeze %dma_wait3A_203 : memref<1x128xi32, #tpu.memory_space<vmem>> -> memref<128xi32, #tpu.memory_space<vmem>>
      %dma_wait3A_205 = arith.constant 0 : i32
      %dma_wait3A_206 = arith.constant 0 : i32
      %dma_wait3A_207 = tpu.memref_slice %arg2[%dma_wait3A_205, %dma_wait3A_206] : memref<10000x128xf32, #tpu.memory_space<hbm>> -> memref<10000x128xf32, #tpu.memory_space<hbm>>
      tpu.wait_indirect_dma semaphore(%arg8 : memref<!tpu.dma_semaphore, #tpu.memory_space<semaphore_mem>>) src(%dma_wait3A_207 : memref<10000x128xf32, #tpu.memory_space<hbm>>) dst(%dma_wait3A_201 : memref<128x128xf32, #tpu.memory_space<vmem>>)
      %mul3A_208 = arith.constant 5000 : i32
      %mul3A_209 = arith.muli %add3A, %mul3A_208 : i32
      %mul3A_210 = arith.constant 128 : i32
      %mul3A_211 = arith.muli %add3A_196, %mul3A_210 : i32
      %min3A_212 = arith.constant 4872 : i32
      %min3A_213 = arith.minsi %mul3A_211, %min3A_212 : i32
      %add3A_214 = arith.addi %mul3A_209, %min3A_213 : i32
      %run_scoped3A_215 = arith.constant 1 : i32
      "tpu.region"() ({
        %run_scoped3A_331 = tpu.sem_alloc : memref<!tpu.dma_semaphore, #tpu.memory_space<semaphore_mem>>
        %dma_start3A_332 = arith.constant 0 : i32
        %dma_start3A_333 = arith.constant 0 : i32
        %dma_start3A_334 = tpu.memref_slice %arg6[%run_scoped3A_215, %dma_start3A_332, %dma_start3A_333] : memref<5x128x128xf32, #tpu.memory_space<vmem>> -> memref<1x128x128xf32, #tpu.memory_space<vmem>>
        %dma_start3A_335 = tpu.memref_squeeze %dma_start3A_334 : memref<1x128x128xf32, #tpu.memory_space<vmem>> -> memref<128x128xf32, #tpu.memory_space<vmem>>
        %dma_start3A_336 = arith.constant 0 : i32
        %dma_start3A_337 = tpu.memref_slice %arg4[%add3A_214, %dma_start3A_336] : memref<160000x128xf32, #tpu.memory_space<hbm>> -> memref<128x128xf32, #tpu.memory_space<hbm>>
        %dma_start3A_338 = arith.constant 0 : i32
        %dma_start3A_339 = tpu.memref_slice %arg4[%add3A_214, %dma_start3A_338] : memref<160000x128xf32, #tpu.memory_space<hbm>> -> memref<128x128xf32, #tpu.memory_space<hbm>>
        %dma_start3A_340 = arith.constant 0 : i32
        %dma_start3A_341 = arith.constant 0 : i32
        %dma_start3A_342 = tpu.memref_slice %arg6[%run_scoped3A_215, %dma_start3A_340, %dma_start3A_341] : memref<5x128x128xf32, #tpu.memory_space<vmem>> -> memref<1x128x128xf32, #tpu.memory_space<vmem>>
        %dma_start3A_343 = tpu.memref_squeeze %dma_start3A_342 : memref<1x128x128xf32, #tpu.memory_space<vmem>> -> memref<128x128xf32, #tpu.memory_space<vmem>>
        tpu.enqueue_dma source(%dma_start3A_343 : memref<128x128xf32, #tpu.memory_space<vmem>>) target(%dma_start3A_339 : memref<128x128xf32, #tpu.memory_space<hbm>>) target_semaphore(%run_scoped3A_331 : memref<!tpu.dma_semaphore, #tpu.memory_space<semaphore_mem>>)
        %dma_wait3A_344 = arith.constant 0 : i32
        %dma_wait3A_345 = arith.constant 0 : i32
        %dma_wait3A_346 = tpu.memref_slice %arg6[%run_scoped3A_215, %dma_wait3A_344, %dma_wait3A_345] : memref<5x128x128xf32, #tpu.memory_space<vmem>> -> memref<1x128x128xf32, #tpu.memory_space<vmem>>
        %dma_wait3A_347 = tpu.memref_squeeze %dma_wait3A_346 : memref<1x128x128xf32, #tpu.memory_space<vmem>> -> memref<128x128xf32, #tpu.memory_space<vmem>>
        %dma_wait3A_348 = arith.constant 0 : i32
        %dma_wait3A_349 = tpu.memref_slice %arg4[%add3A_214, %dma_wait3A_348] : memref<160000x128xf32, #tpu.memory_space<hbm>> -> memref<128x128xf32, #tpu.memory_space<hbm>>
        %dma_wait3A_350 = arith.constant 0 : i32
        %dma_wait3A_351 = tpu.memref_slice %arg4[%add3A_214, %dma_wait3A_350] : memref<160000x128xf32, #tpu.memory_space<hbm>> -> memref<128x128xf32, #tpu.memory_space<hbm>>
        %dma_wait3A_352 = arith.constant 0 : i32
        %dma_wait3A_353 = arith.constant 0 : i32
        %dma_wait3A_354 = tpu.memref_slice %arg6[%run_scoped3A_215, %dma_wait3A_352, %dma_wait3A_353] : memref<5x128x128xf32, #tpu.memory_space<vmem>> -> memref<1x128x128xf32, #tpu.memory_space<vmem>>
        %dma_wait3A_355 = tpu.memref_squeeze %dma_wait3A_354 : memref<1x128x128xf32, #tpu.memory_space<vmem>> -> memref<128x128xf32, #tpu.memory_space<vmem>>
        tpu.wait_dma2 semaphore(%run_scoped3A_331 : memref<!tpu.dma_semaphore, #tpu.memory_space<semaphore_mem>>) src(%dma_wait3A_355 : memref<128x128xf32, #tpu.memory_space<vmem>>) dst(%dma_wait3A_351 : memref<128x128xf32, #tpu.memory_space<hbm>>)
        tpu.yield
      }) : () -> ()
      %add3A_216 = arith.constant 5 : i32
      %add3A_217 = arith.addi %add3A_196, %add3A_216 : i32
      %dma_start3A_218 = arith.constant 1 : i32
      %dma_start3A_219 = arith.constant 0 : i32
      %dma_start3A_220 = arith.constant 0 : i32
      %dma_start3A_221 = tpu.memref_slice %arg6[%dma_start3A_218, %dma_start3A_219, %dma_start3A_220] : memref<5x128x128xf32, #tpu.memory_space<vmem>> -> memref<1x128x128xf32, #tpu.memory_space<vmem>>
      %dma_start3A_222 = tpu.memref_squeeze %dma_start3A_221 : memref<1x128x128xf32, #tpu.memory_space<vmem>> -> memref<128x128xf32, #tpu.memory_space<vmem>>
      %dma_start3A_223 = arith.constant 0 : i32
      %dma_start3A_224 = tpu.memref_slice %arg5[%add3A_217, %dma_start3A_223] : memref<40x128xi32, #tpu.memory_space<vmem>> -> memref<1x128xi32, #tpu.memory_space<vmem>>
      %dma_start3A_225 = tpu.memref_squeeze %dma_start3A_224 : memref<1x128xi32, #tpu.memory_space<vmem>> -> memref<128xi32, #tpu.memory_space<vmem>>
      %dma_start3A_226 = arith.constant 0 : i32
      %dma_start3A_227 = arith.constant 0 : i32
      %dma_start3A_228 = tpu.memref_slice %arg2[%dma_start3A_226, %dma_start3A_227] : memref<10000x128xf32, #tpu.memory_space<hbm>> -> memref<10000x128xf32, #tpu.memory_space<hbm>>
      tpu.enqueue_indirect_dma source(%dma_start3A_228 : memref<10000x128xf32, #tpu.memory_space<hbm>>) target(%dma_start3A_222 : memref<128x128xf32, #tpu.memory_space<vmem>>) offsets(%dma_start3A_225 : memref<128xi32, #tpu.memory_space<vmem>>) semaphore(%arg8 : memref<!tpu.dma_semaphore, #tpu.memory_space<semaphore_mem>>)
      %add3A_229 = arith.constant 2 : i32
      %add3A_230 = arith.addi %mul3A_160, %add3A_229 : i32
      %dma_wait3A_231 = arith.constant 2 : i32
      %dma_wait3A_232 = arith.constant 0 : i32
      %dma_wait3A_233 = arith.constant 0 : i32
      %dma_wait3A_234 = tpu.memref_slice %arg6[%dma_wait3A_231, %dma_wait3A_232, %dma_wait3A_233] : memref<5x128x128xf32, #tpu.memory_space<vmem>> -> memref<1x128x128xf32, #tpu.memory_space<vmem>>
      %dma_wait3A_235 = tpu.memref_squeeze %dma_wait3A_234 : memref<1x128x128xf32, #tpu.memory_space<vmem>> -> memref<128x128xf32, #tpu.memory_space<vmem>>
      %dma_wait3A_236 = arith.constant 0 : i32
      %dma_wait3A_237 = tpu.memref_slice %arg5[%add3A_230, %dma_wait3A_236] : memref<40x128xi32, #tpu.memory_space<vmem>> -> memref<1x128xi32, #tpu.memory_space<vmem>>
      %dma_wait3A_238 = tpu.memref_squeeze %dma_wait3A_237 : memref<1x128xi32, #tpu.memory_space<vmem>> -> memref<128xi32, #tpu.memory_space<vmem>>
      %dma_wait3A_239 = arith.constant 0 : i32
      %dma_wait3A_240 = arith.constant 0 : i32
      %dma_wait3A_241 = tpu.memref_slice %arg2[%dma_wait3A_239, %dma_wait3A_240] : memref<10000x128xf32, #tpu.memory_space<hbm>> -> memref<10000x128xf32, #tpu.memory_space<hbm>>
      tpu.wait_indirect_dma semaphore(%arg9 : memref<!tpu.dma_semaphore, #tpu.memory_space<semaphore_mem>>) src(%dma_wait3A_241 : memref<10000x128xf32, #tpu.memory_space<hbm>>) dst(%dma_wait3A_235 : memref<128x128xf32, #tpu.memory_space<vmem>>)
      %mul3A_242 = arith.constant 5000 : i32
      %mul3A_243 = arith.muli %add3A, %mul3A_242 : i32
      %mul3A_244 = arith.constant 128 : i32
      %mul3A_245 = arith.muli %add3A_230, %mul3A_244 : i32
      %min3A_246 = arith.constant 4872 : i32
      %min3A_247 = arith.minsi %mul3A_245, %min3A_246 : i32
      %add3A_248 = arith.addi %mul3A_243, %min3A_247 : i32
      %run_scoped3A_249 = arith.constant 2 : i32
      "tpu.region"() ({
        %run_scoped3A_331 = tpu.sem_alloc : memref<!tpu.dma_semaphore, #tpu.memory_space<semaphore_mem>>
        %dma_start3A_332 = arith.constant 0 : i32
        %dma_start3A_333 = arith.constant 0 : i32
        %dma_start3A_334 = tpu.memref_slice %arg6[%run_scoped3A_249, %dma_start3A_332, %dma_start3A_333] : memref<5x128x128xf32, #tpu.memory_space<vmem>> -> memref<1x128x128xf32, #tpu.memory_space<vmem>>
        %dma_start3A_335 = tpu.memref_squeeze %dma_start3A_334 : memref<1x128x128xf32, #tpu.memory_space<vmem>> -> memref<128x128xf32, #tpu.memory_space<vmem>>
        %dma_start3A_336 = arith.constant 0 : i32
        %dma_start3A_337 = tpu.memref_slice %arg4[%add3A_248, %dma_start3A_336] : memref<160000x128xf32, #tpu.memory_space<hbm>> -> memref<128x128xf32, #tpu.memory_space<hbm>>
        %dma_start3A_338 = arith.constant 0 : i32
        %dma_start3A_339 = tpu.memref_slice %arg4[%add3A_248, %dma_start3A_338] : memref<160000x128xf32, #tpu.memory_space<hbm>> -> memref<128x128xf32, #tpu.memory_space<hbm>>
        %dma_start3A_340 = arith.constant 0 : i32
        %dma_start3A_341 = arith.constant 0 : i32
        %dma_start3A_342 = tpu.memref_slice %arg6[%run_scoped3A_249, %dma_start3A_340, %dma_start3A_341] : memref<5x128x128xf32, #tpu.memory_space<vmem>> -> memref<1x128x128xf32, #tpu.memory_space<vmem>>
        %dma_start3A_343 = tpu.memref_squeeze %dma_start3A_342 : memref<1x128x128xf32, #tpu.memory_space<vmem>> -> memref<128x128xf32, #tpu.memory_space<vmem>>
        tpu.enqueue_dma source(%dma_start3A_343 : memref<128x128xf32, #tpu.memory_space<vmem>>) target(%dma_start3A_339 : memref<128x128xf32, #tpu.memory_space<hbm>>) target_semaphore(%run_scoped3A_331 : memref<!tpu.dma_semaphore, #tpu.memory_space<semaphore_mem>>)
        %dma_wait3A_344 = arith.constant 0 : i32
        %dma_wait3A_345 = arith.constant 0 : i32
        %dma_wait3A_346 = tpu.memref_slice %arg6[%run_scoped3A_249, %dma_wait3A_344, %dma_wait3A_345] : memref<5x128x128xf32, #tpu.memory_space<vmem>> -> memref<1x128x128xf32, #tpu.memory_space<vmem>>
        %dma_wait3A_347 = tpu.memref_squeeze %dma_wait3A_346 : memref<1x128x128xf32, #tpu.memory_space<vmem>> -> memref<128x128xf32, #tpu.memory_space<vmem>>
        %dma_wait3A_348 = arith.constant 0 : i32
        %dma_wait3A_349 = tpu.memref_slice %arg4[%add3A_248, %dma_wait3A_348] : memref<160000x128xf32, #tpu.memory_space<hbm>> -> memref<128x128xf32, #tpu.memory_space<hbm>>
        %dma_wait3A_350 = arith.constant 0 : i32
        %dma_wait3A_351 = tpu.memref_slice %arg4[%add3A_248, %dma_wait3A_350] : memref<160000x128xf32, #tpu.memory_space<hbm>> -> memref<128x128xf32, #tpu.memory_space<hbm>>
        %dma_wait3A_352 = arith.constant 0 : i32
        %dma_wait3A_353 = arith.constant 0 : i32
        %dma_wait3A_354 = tpu.memref_slice %arg6[%run_scoped3A_249, %dma_wait3A_352, %dma_wait3A_353] : memref<5x128x128xf32, #tpu.memory_space<vmem>> -> memref<1x128x128xf32, #tpu.memory_space<vmem>>
        %dma_wait3A_355 = tpu.memref_squeeze %dma_wait3A_354 : memref<1x128x128xf32, #tpu.memory_space<vmem>> -> memref<128x128xf32, #tpu.memory_space<vmem>>
        tpu.wait_dma2 semaphore(%run_scoped3A_331 : memref<!tpu.dma_semaphore, #tpu.memory_space<semaphore_mem>>) src(%dma_wait3A_355 : memref<128x128xf32, #tpu.memory_space<vmem>>) dst(%dma_wait3A_351 : memref<128x128xf32, #tpu.memory_space<hbm>>)
        tpu.yield
      }) : () -> ()
      %add3A_250 = arith.constant 5 : i32
      %add3A_251 = arith.addi %add3A_230, %add3A_250 : i32
      %dma_start3A_252 = arith.constant 2 : i32
      %dma_start3A_253 = arith.constant 0 : i32
      %dma_start3A_254 = arith.constant 0 : i32
      %dma_start3A_255 = tpu.memref_slice %arg6[%dma_start3A_252, %dma_start3A_253, %dma_start3A_254] : memref<5x128x128xf32, #tpu.memory_space<vmem>> -> memref<1x128x128xf32, #tpu.memory_space<vmem>>
      %dma_start3A_256 = tpu.memref_squeeze %dma_start3A_255 : memref<1x128x128xf32, #tpu.memory_space<vmem>> -> memref<128x128xf32, #tpu.memory_space<vmem>>
      %dma_start3A_257 = arith.constant 0 : i32
      %dma_start3A_258 = tpu.memref_slice %arg5[%add3A_251, %dma_start3A_257] : memref<40x128xi32, #tpu.memory_space<vmem>> -> memref<1x128xi32, #tpu.memory_space<vmem>>
      %dma_start3A_259 = tpu.memref_squeeze %dma_start3A_258 : memref<1x128xi32, #tpu.memory_space<vmem>> -> memref<128xi32, #tpu.memory_space<vmem>>
      %dma_start3A_260 = arith.constant 0 : i32
      %dma_start3A_261 = arith.constant 0 : i32
      %dma_start3A_262 = tpu.memref_slice %arg2[%dma_start3A_260, %dma_start3A_261] : memref<10000x128xf32, #tpu.memory_space<hbm>> -> memref<10000x128xf32, #tpu.memory_space<hbm>>
      tpu.enqueue_indirect_dma source(%dma_start3A_262 : memref<10000x128xf32, #tpu.memory_space<hbm>>) target(%dma_start3A_256 : memref<128x128xf32, #tpu.memory_space<vmem>>) offsets(%dma_start3A_259 : memref<128xi32, #tpu.memory_space<vmem>>) semaphore(%arg9 : memref<!tpu.dma_semaphore, #tpu.memory_space<semaphore_mem>>)
      %add3A_263 = arith.constant 3 : i32
      %add3A_264 = arith.addi %mul3A_160, %add3A_263 : i32
      %dma_wait3A_265 = arith.constant 3 : i32
      %dma_wait3A_266 = arith.constant 0 : i32
      %dma_wait3A_267 = arith.constant 0 : i32
      %dma_wait3A_268 = tpu.memref_slice %arg6[%dma_wait3A_265, %dma_wait3A_266, %dma_wait3A_267] : memref<5x128x128xf32, #tpu.memory_space<vmem>> -> memref<1x128x128xf32, #tpu.memory_space<vmem>>
      %dma_wait3A_269 = tpu.memref_squeeze %dma_wait3A_268 : memref<1x128x128xf32, #tpu.memory_space<vmem>> -> memref<128x128xf32, #tpu.memory_space<vmem>>
      %dma_wait3A_270 = arith.constant 0 : i32
      %dma_wait3A_271 = tpu.memref_slice %arg5[%add3A_264, %dma_wait3A_270] : memref<40x128xi32, #tpu.memory_space<vmem>> -> memref<1x128xi32, #tpu.memory_space<vmem>>
      %dma_wait3A_272 = tpu.memref_squeeze %dma_wait3A_271 : memref<1x128xi32, #tpu.memory_space<vmem>> -> memref<128xi32, #tpu.memory_space<vmem>>
      %dma_wait3A_273 = arith.constant 0 : i32
      %dma_wait3A_274 = arith.constant 0 : i32
      %dma_wait3A_275 = tpu.memref_slice %arg2[%dma_wait3A_273, %dma_wait3A_274] : memref<10000x128xf32, #tpu.memory_space<hbm>> -> memref<10000x128xf32, #tpu.memory_space<hbm>>
      tpu.wait_indirect_dma semaphore(%arg10 : memref<!tpu.dma_semaphore, #tpu.memory_space<semaphore_mem>>) src(%dma_wait3A_275 : memref<10000x128xf32, #tpu.memory_space<hbm>>) dst(%dma_wait3A_269 : memref<128x128xf32, #tpu.memory_space<vmem>>)
      %mul3A_276 = arith.constant 5000 : i32
      %mul3A_277 = arith.muli %add3A, %mul3A_276 : i32
      %mul3A_278 = arith.constant 128 : i32
      %mul3A_279 = arith.muli %add3A_264, %mul3A_278 : i32
      %min3A_280 = arith.constant 4872 : i32
      %min3A_281 = arith.minsi %mul3A_279, %min3A_280 : i32
      %add3A_282 = arith.addi %mul3A_277, %min3A_281 : i32
      %run_scoped3A_283 = arith.constant 3 : i32
      "tpu.region"() ({
        %run_scoped3A_331 = tpu.sem_alloc : memref<!tpu.dma_semaphore, #tpu.memory_space<semaphore_mem>>
        %dma_start3A_332 = arith.constant 0 : i32
        %dma_start3A_333 = arith.constant 0 : i32
        %dma_start3A_334 = tpu.memref_slice %arg6[%run_scoped3A_283, %dma_start3A_332, %dma_start3A_333] : memref<5x128x128xf32, #tpu.memory_space<vmem>> -> memref<1x128x128xf32, #tpu.memory_space<vmem>>
        %dma_start3A_335 = tpu.memref_squeeze %dma_start3A_334 : memref<1x128x128xf32, #tpu.memory_space<vmem>> -> memref<128x128xf32, #tpu.memory_space<vmem>>
        %dma_start3A_336 = arith.constant 0 : i32
        %dma_start3A_337 = tpu.memref_slice %arg4[%add3A_282, %dma_start3A_336] : memref<160000x128xf32, #tpu.memory_space<hbm>> -> memref<128x128xf32, #tpu.memory_space<hbm>>
        %dma_start3A_338 = arith.constant 0 : i32
        %dma_start3A_339 = tpu.memref_slice %arg4[%add3A_282, %dma_start3A_338] : memref<160000x128xf32, #tpu.memory_space<hbm>> -> memref<128x128xf32, #tpu.memory_space<hbm>>
        %dma_start3A_340 = arith.constant 0 : i32
        %dma_start3A_341 = arith.constant 0 : i32
        %dma_start3A_342 = tpu.memref_slice %arg6[%run_scoped3A_283, %dma_start3A_340, %dma_start3A_341] : memref<5x128x128xf32, #tpu.memory_space<vmem>> -> memref<1x128x128xf32, #tpu.memory_space<vmem>>
        %dma_start3A_343 = tpu.memref_squeeze %dma_start3A_342 : memref<1x128x128xf32, #tpu.memory_space<vmem>> -> memref<128x128xf32, #tpu.memory_space<vmem>>
        tpu.enqueue_dma source(%dma_start3A_343 : memref<128x128xf32, #tpu.memory_space<vmem>>) target(%dma_start3A_339 : memref<128x128xf32, #tpu.memory_space<hbm>>) target_semaphore(%run_scoped3A_331 : memref<!tpu.dma_semaphore, #tpu.memory_space<semaphore_mem>>)
        %dma_wait3A_344 = arith.constant 0 : i32
        %dma_wait3A_345 = arith.constant 0 : i32
        %dma_wait3A_346 = tpu.memref_slice %arg6[%run_scoped3A_283, %dma_wait3A_344, %dma_wait3A_345] : memref<5x128x128xf32, #tpu.memory_space<vmem>> -> memref<1x128x128xf32, #tpu.memory_space<vmem>>
        %dma_wait3A_347 = tpu.memref_squeeze %dma_wait3A_346 : memref<1x128x128xf32, #tpu.memory_space<vmem>> -> memref<128x128xf32, #tpu.memory_space<vmem>>
        %dma_wait3A_348 = arith.constant 0 : i32
        %dma_wait3A_349 = tpu.memref_slice %arg4[%add3A_282, %dma_wait3A_348] : memref<160000x128xf32, #tpu.memory_space<hbm>> -> memref<128x128xf32, #tpu.memory_space<hbm>>
        %dma_wait3A_350 = arith.constant 0 : i32
        %dma_wait3A_351 = tpu.memref_slice %arg4[%add3A_282, %dma_wait3A_350] : memref<160000x128xf32, #tpu.memory_space<hbm>> -> memref<128x128xf32, #tpu.memory_space<hbm>>
        %dma_wait3A_352 = arith.constant 0 : i32
        %dma_wait3A_353 = arith.constant 0 : i32
        %dma_wait3A_354 = tpu.memref_slice %arg6[%run_scoped3A_283, %dma_wait3A_352, %dma_wait3A_353] : memref<5x128x128xf32, #tpu.memory_space<vmem>> -> memref<1x128x128xf32, #tpu.memory_space<vmem>>
        %dma_wait3A_355 = tpu.memref_squeeze %dma_wait3A_354 : memref<1x128x128xf32, #tpu.memory_space<vmem>> -> memref<128x128xf32, #tpu.memory_space<vmem>>
        tpu.wait_dma2 semaphore(%run_scoped3A_331 : memref<!tpu.dma_semaphore, #tpu.memory_space<semaphore_mem>>) src(%dma_wait3A_355 : memref<128x128xf32, #tpu.memory_space<vmem>>) dst(%dma_wait3A_351 : memref<128x128xf32, #tpu.memory_space<hbm>>)
        tpu.yield
      }) : () -> ()
      %add3A_284 = arith.constant 5 : i32
      %add3A_285 = arith.addi %add3A_264, %add3A_284 : i32
      %dma_start3A_286 = arith.constant 3 : i32
      %dma_start3A_287 = arith.constant 0 : i32
      %dma_start3A_288 = arith.constant 0 : i32
      %dma_start3A_289 = tpu.memref_slice %arg6[%dma_start3A_286, %dma_start3A_287, %dma_start3A_288] : memref<5x128x128xf32, #tpu.memory_space<vmem>> -> memref<1x128x128xf32, #tpu.memory_space<vmem>>
      %dma_start3A_290 = tpu.memref_squeeze %dma_start3A_289 : memref<1x128x128xf32, #tpu.memory_space<vmem>> -> memref<128x128xf32, #tpu.memory_space<vmem>>
      %dma_start3A_291 = arith.constant 0 : i32
      %dma_start3A_292 = tpu.memref_slice %arg5[%add3A_285, %dma_start3A_291] : memref<40x128xi32, #tpu.memory_space<vmem>> -> memref<1x128xi32, #tpu.memory_space<vmem>>
      %dma_start3A_293 = tpu.memref_squeeze %dma_start3A_292 : memref<1x128xi32, #tpu.memory_space<vmem>> -> memref<128xi32, #tpu.memory_space<vmem>>
      %dma_start3A_294 = arith.constant 0 : i32
      %dma_start3A_295 = arith.constant 0 : i32
      %dma_start3A_296 = tpu.memref_slice %arg2[%dma_start3A_294, %dma_start3A_295] : memref<10000x128xf32, #tpu.memory_space<hbm>> -> memref<10000x128xf32, #tpu.memory_space<hbm>>
      tpu.enqueue_indirect_dma source(%dma_start3A_296 : memref<10000x128xf32, #tpu.memory_space<hbm>>) target(%dma_start3A_290 : memref<128x128xf32, #tpu.memory_space<vmem>>) offsets(%dma_start3A_293 : memref<128xi32, #tpu.memory_space<vmem>>) semaphore(%arg10 : memref<!tpu.dma_semaphore, #tpu.memory_space<semaphore_mem>>)
      %add3A_297 = arith.constant 4 : i32
      %add3A_298 = arith.addi %mul3A_160, %add3A_297 : i32
      %dma_wait3A_299 = arith.constant 4 : i32
      %dma_wait3A_300 = arith.constant 0 : i32
      %dma_wait3A_301 = arith.constant 0 : i32
      %dma_wait3A_302 = tpu.memref_slice %arg6[%dma_wait3A_299, %dma_wait3A_300, %dma_wait3A_301] : memref<5x128x128xf32, #tpu.memory_space<vmem>> -> memref<1x128x128xf32, #tpu.memory_space<vmem>>
      %dma_wait3A_303 = tpu.memref_squeeze %dma_wait3A_302 : memref<1x128x128xf32, #tpu.memory_space<vmem>> -> memref<128x128xf32, #tpu.memory_space<vmem>>
      %dma_wait3A_304 = arith.constant 0 : i32
      %dma_wait3A_305 = tpu.memref_slice %arg5[%add3A_298, %dma_wait3A_304] : memref<40x128xi32, #tpu.memory_space<vmem>> -> memref<1x128xi32, #tpu.memory_space<vmem>>
      %dma_wait3A_306 = tpu.memref_squeeze %dma_wait3A_305 : memref<1x128xi32, #tpu.memory_space<vmem>> -> memref<128xi32, #tpu.memory_space<vmem>>
      %dma_wait3A_307 = arith.constant 0 : i32
      %dma_wait3A_308 = arith.constant 0 : i32
      %dma_wait3A_309 = tpu.memref_slice %arg2[%dma_wait3A_307, %dma_wait3A_308] : memref<10000x128xf32, #tpu.memory_space<hbm>> -> memref<10000x128xf32, #tpu.memory_space<hbm>>
      tpu.wait_indirect_dma semaphore(%arg11 : memref<!tpu.dma_semaphore, #tpu.memory_space<semaphore_mem>>) src(%dma_wait3A_309 : memref<10000x128xf32, #tpu.memory_space<hbm>>) dst(%dma_wait3A_303 : memref<128x128xf32, #tpu.memory_space<vmem>>)
      %mul3A_310 = arith.constant 5000 : i32
      %mul3A_311 = arith.muli %add3A, %mul3A_310 : i32
      %mul3A_312 = arith.constant 128 : i32
      %mul3A_313 = arith.muli %add3A_298, %mul3A_312 : i32
      %min3A_314 = arith.constant 4872 : i32
      %min3A_315 = arith.minsi %mul3A_313, %min3A_314 : i32
      %add3A_316 = arith.addi %mul3A_311, %min3A_315 : i32
      %run_scoped3A_317 = arith.constant 4 : i32
      "tpu.region"() ({
        %run_scoped3A_331 = tpu.sem_alloc : memref<!tpu.dma_semaphore, #tpu.memory_space<semaphore_mem>>
        %dma_start3A_332 = arith.constant 0 : i32
        %dma_start3A_333 = arith.constant 0 : i32
        %dma_start3A_334 = tpu.memref_slice %arg6[%run_scoped3A_317, %dma_start3A_332, %dma_start3A_333] : memref<5x128x128xf32, #tpu.memory_space<vmem>> -> memref<1x128x128xf32, #tpu.memory_space<vmem>>
        %dma_start3A_335 = tpu.memref_squeeze %dma_start3A_334 : memref<1x128x128xf32, #tpu.memory_space<vmem>> -> memref<128x128xf32, #tpu.memory_space<vmem>>
        %dma_start3A_336 = arith.constant 0 : i32
        %dma_start3A_337 = tpu.memref_slice %arg4[%add3A_316, %dma_start3A_336] : memref<160000x128xf32, #tpu.memory_space<hbm>> -> memref<128x128xf32, #tpu.memory_space<hbm>>
        %dma_start3A_338 = arith.constant 0 : i32
        %dma_start3A_339 = tpu.memref_slice %arg4[%add3A_316, %dma_start3A_338] : memref<160000x128xf32, #tpu.memory_space<hbm>> -> memref<128x128xf32, #tpu.memory_space<hbm>>
        %dma_start3A_340 = arith.constant 0 : i32
        %dma_start3A_341 = arith.constant 0 : i32
        %dma_start3A_342 = tpu.memref_slice %arg6[%run_scoped3A_317, %dma_start3A_340, %dma_start3A_341] : memref<5x128x128xf32, #tpu.memory_space<vmem>> -> memref<1x128x128xf32, #tpu.memory_space<vmem>>
        %dma_start3A_343 = tpu.memref_squeeze %dma_start3A_342 : memref<1x128x128xf32, #tpu.memory_space<vmem>> -> memref<128x128xf32, #tpu.memory_space<vmem>>
        tpu.enqueue_dma source(%dma_start3A_343 : memref<128x128xf32, #tpu.memory_space<vmem>>) target(%dma_start3A_339 : memref<128x128xf32, #tpu.memory_space<hbm>>) target_semaphore(%run_scoped3A_331 : memref<!tpu.dma_semaphore, #tpu.memory_space<semaphore_mem>>)
        %dma_wait3A_344 = arith.constant 0 : i32
        %dma_wait3A_345 = arith.constant 0 : i32
        %dma_wait3A_346 = tpu.memref_slice %arg6[%run_scoped3A_317, %dma_wait3A_344, %dma_wait3A_345] : memref<5x128x128xf32, #tpu.memory_space<vmem>> -> memref<1x128x128xf32, #tpu.memory_space<vmem>>
        %dma_wait3A_347 = tpu.memref_squeeze %dma_wait3A_346 : memref<1x128x128xf32, #tpu.memory_space<vmem>> -> memref<128x128xf32, #tpu.memory_space<vmem>>
        %dma_wait3A_348 = arith.constant 0 : i32
        %dma_wait3A_349 = tpu.memref_slice %arg4[%add3A_316, %dma_wait3A_348] : memref<160000x128xf32, #tpu.memory_space<hbm>> -> memref<128x128xf32, #tpu.memory_space<hbm>>
        %dma_wait3A_350 = arith.constant 0 : i32
        %dma_wait3A_351 = tpu.memref_slice %arg4[%add3A_316, %dma_wait3A_350] : memref<160000x128xf32, #tpu.memory_space<hbm>> -> memref<128x128xf32, #tpu.memory_space<hbm>>
        %dma_wait3A_352 = arith.constant 0 : i32
        %dma_wait3A_353 = arith.constant 0 : i32
        %dma_wait3A_354 = tpu.memref_slice %arg6[%run_scoped3A_317, %dma_wait3A_352, %dma_wait3A_353] : memref<5x128x128xf32, #tpu.memory_space<vmem>> -> memref<1x128x128xf32, #tpu.memory_space<vmem>>
        %dma_wait3A_355 = tpu.memref_squeeze %dma_wait3A_354 : memref<1x128x128xf32, #tpu.memory_space<vmem>> -> memref<128x128xf32, #tpu.memory_space<vmem>>
        tpu.wait_dma2 semaphore(%run_scoped3A_331 : memref<!tpu.dma_semaphore, #tpu.memory_space<semaphore_mem>>) src(%dma_wait3A_355 : memref<128x128xf32, #tpu.memory_space<vmem>>) dst(%dma_wait3A_351 : memref<128x128xf32, #tpu.memory_space<hbm>>)
        tpu.yield
      }) : () -> ()
      %add3A_318 = arith.constant 5 : i32
      %add3A_319 = arith.addi %add3A_298, %add3A_318 : i32
      %dma_start3A_320 = arith.constant 4 : i32
      %dma_start3A_321 = arith.constant 0 : i32
      %dma_start3A_322 = arith.constant 0 : i32
      %dma_start3A_323 = tpu.memref_slice %arg6[%dma_start3A_320, %dma_start3A_321, %dma_start3A_322] : memref<5x128x128xf32, #tpu.memory_space<vmem>> -> memref<1x128x128xf32, #tpu.memory_space<vmem>>
      %dma_start3A_324 = tpu.memref_squeeze %dma_start3A_323 : memref<1x128x128xf32, #tpu.memory_space<vmem>> -> memref<128x128xf32, #tpu.memory_space<vmem>>
      %dma_start3A_325 = arith.constant 0 : i32
      %dma_start3A_326 = tpu.memref_slice %arg5[%add3A_319, %dma_start3A_325] : memref<40x128xi32, #tpu.memory_space<vmem>> -> memref<1x128xi32, #tpu.memory_space<vmem>>
      %dma_start3A_327 = tpu.memref_squeeze %dma_start3A_326 : memref<1x128xi32, #tpu.memory_space<vmem>> -> memref<128xi32, #tpu.memory_space<vmem>>
      %dma_start3A_328 = arith.constant 0 : i32
      %dma_start3A_329 = arith.constant 0 : i32
      %dma_start3A_330 = tpu.memref_slice %arg2[%dma_start3A_328, %dma_start3A_329] : memref<10000x128xf32, #tpu.memory_space<hbm>> -> memref<10000x128xf32, #tpu.memory_space<hbm>>
      tpu.enqueue_indirect_dma source(%dma_start3A_330 : memref<10000x128xf32, #tpu.memory_space<hbm>>) target(%dma_start3A_324 : memref<128x128xf32, #tpu.memory_space<vmem>>) offsets(%dma_start3A_327 : memref<128xi32, #tpu.memory_space<vmem>>) semaphore(%arg11 : memref<!tpu.dma_semaphore, #tpu.memory_space<semaphore_mem>>)
    }
    %scan3A_65 = arith.constant 7 : i32
    %dma_wait3A = arith.constant 35 : i32
    %dma_wait3A_66 = arith.constant 0 : i32
    %dma_wait3A_67 = arith.constant 0 : i32
    %dma_wait3A_68 = arith.constant 0 : i32
    %dma_wait3A_69 = tpu.memref_slice %arg6[%dma_wait3A_66, %dma_wait3A_67, %dma_wait3A_68] : memref<5x128x128xf32, #tpu.memory_space<vmem>> -> memref<1x128x128xf32, #tpu.memory_space<vmem>>
    %dma_wait3A_70 = tpu.memref_squeeze %dma_wait3A_69 : memref<1x128x128xf32, #tpu.memory_space<vmem>> -> memref<128x128xf32, #tpu.memory_space<vmem>>
    %dma_wait3A_71 = arith.constant 0 : i32
    %dma_wait3A_72 = tpu.memref_slice %arg5[%dma_wait3A, %dma_wait3A_71] : memref<40x128xi32, #tpu.memory_space<vmem>> -> memref<1x128xi32, #tpu.memory_space<vmem>>
    %dma_wait3A_73 = tpu.memref_squeeze %dma_wait3A_72 : memref<1x128xi32, #tpu.memory_space<vmem>> -> memref<128xi32, #tpu.memory_space<vmem>>
    %dma_wait3A_74 = arith.constant 0 : i32
    %dma_wait3A_75 = arith.constant 0 : i32
    %dma_wait3A_76 = tpu.memref_slice %arg2[%dma_wait3A_74, %dma_wait3A_75] : memref<10000x128xf32, #tpu.memory_space<hbm>> -> memref<10000x128xf32, #tpu.memory_space<hbm>>
    tpu.wait_indirect_dma semaphore(%arg7 : memref<!tpu.dma_semaphore, #tpu.memory_space<semaphore_mem>>) src(%dma_wait3A_76 : memref<10000x128xf32, #tpu.memory_space<hbm>>) dst(%dma_wait3A_70 : memref<128x128xf32, #tpu.memory_space<vmem>>)
    %mul3A_77 = arith.constant 5000 : i32
    %mul3A_78 = arith.muli %add3A, %mul3A_77 : i32
    %min3A = arith.constant 4480 : i32
    %min3A_79 = arith.constant 4872 : i32
    %min3A_80 = arith.minsi %min3A, %min3A_79 : i32
    %add3A_81 = arith.addi %mul3A_78, %min3A_80 : i32
    %run_scoped3A = arith.constant 0 : i32
    "tpu.region"() ({
      %run_scoped3A_158 = tpu.sem_alloc : memref<!tpu.dma_semaphore, #tpu.memory_space<semaphore_mem>>
      %dma_start3A_159 = arith.constant 0 : i32
      %dma_start3A_160 = arith.constant 0 : i32
      %dma_start3A_161 = tpu.memref_slice %arg6[%run_scoped3A, %dma_start3A_159, %dma_start3A_160] : memref<5x128x128xf32, #tpu.memory_space<vmem>> -> memref<1x128x128xf32, #tpu.memory_space<vmem>>
      %dma_start3A_162 = tpu.memref_squeeze %dma_start3A_161 : memref<1x128x128xf32, #tpu.memory_space<vmem>> -> memref<128x128xf32, #tpu.memory_space<vmem>>
      %dma_start3A_163 = arith.constant 0 : i32
      %dma_start3A_164 = tpu.memref_slice %arg4[%add3A_81, %dma_start3A_163] : memref<160000x128xf32, #tpu.memory_space<hbm>> -> memref<128x128xf32, #tpu.memory_space<hbm>>
      %dma_start3A_165 = arith.constant 0 : i32
      %dma_start3A_166 = tpu.memref_slice %arg4[%add3A_81, %dma_start3A_165] : memref<160000x128xf32, #tpu.memory_space<hbm>> -> memref<128x128xf32, #tpu.memory_space<hbm>>
      %dma_start3A_167 = arith.constant 0 : i32
      %dma_start3A_168 = arith.constant 0 : i32
      %dma_start3A_169 = tpu.memref_slice %arg6[%run_scoped3A, %dma_start3A_167, %dma_start3A_168] : memref<5x128x128xf32, #tpu.memory_space<vmem>> -> memref<1x128x128xf32, #tpu.memory_space<vmem>>
      %dma_start3A_170 = tpu.memref_squeeze %dma_start3A_169 : memref<1x128x128xf32, #tpu.memory_space<vmem>> -> memref<128x128xf32, #tpu.memory_space<vmem>>
      tpu.enqueue_dma source(%dma_start3A_170 : memref<128x128xf32, #tpu.memory_space<vmem>>) target(%dma_start3A_166 : memref<128x128xf32, #tpu.memory_space<hbm>>) target_semaphore(%run_scoped3A_158 : memref<!tpu.dma_semaphore, #tpu.memory_space<semaphore_mem>>)
      %dma_wait3A_171 = arith.constant 0 : i32
      %dma_wait3A_172 = arith.constant 0 : i32
      %dma_wait3A_173 = tpu.memref_slice %arg6[%run_scoped3A, %dma_wait3A_171, %dma_wait3A_172] : memref<5x128x128xf32, #tpu.memory_space<vmem>> -> memref<1x128x128xf32, #tpu.memory_space<vmem>>
      %dma_wait3A_174 = tpu.memref_squeeze %dma_wait3A_173 : memref<1x128x128xf32, #tpu.memory_space<vmem>> -> memref<128x128xf32, #tpu.memory_space<vmem>>
      %dma_wait3A_175 = arith.constant 0 : i32
      %dma_wait3A_176 = tpu.memref_slice %arg4[%add3A_81, %dma_wait3A_175] : memref<160000x128xf32, #tpu.memory_space<hbm>> -> memref<128x128xf32, #tpu.memory_space<hbm>>
      %dma_wait3A_177 = arith.constant 0 : i32
      %dma_wait3A_178 = tpu.memref_slice %arg4[%add3A_81, %dma_wait3A_177] : memref<160000x128xf32, #tpu.memory_space<hbm>> -> memref<128x128xf32, #tpu.memory_space<hbm>>
      %dma_wait3A_179 = arith.constant 0 : i32
      %dma_wait3A_180 = arith.constant 0 : i32
      %dma_wait3A_181 = tpu.memref_slice %arg6[%run_scoped3A, %dma_wait3A_179, %dma_wait3A_180] : memref<5x128x128xf32, #tpu.memory_space<vmem>> -> memref<1x128x128xf32, #tpu.memory_space<vmem>>
      %dma_wait3A_182 = tpu.memref_squeeze %dma_wait3A_181 : memref<1x128x128xf32, #tpu.memory_space<vmem>> -> memref<128x128xf32, #tpu.memory_space<vmem>>
      tpu.wait_dma2 semaphore(%run_scoped3A_158 : memref<!tpu.dma_semaphore, #tpu.memory_space<semaphore_mem>>) src(%dma_wait3A_182 : memref<128x128xf32, #tpu.memory_space<vmem>>) dst(%dma_wait3A_178 : memref<128x128xf32, #tpu.memory_space<hbm>>)
      tpu.yield
    }) : () -> ()
    %dma_wait3A_82 = arith.constant 36 : i32
    %dma_wait3A_83 = arith.constant 1 : i32
    %dma_wait3A_84 = arith.constant 0 : i32
    %dma_wait3A_85 = arith.constant 0 : i32
    %dma_wait3A_86 = tpu.memref_slice %arg6[%dma_wait3A_83, %dma_wait3A_84, %dma_wait3A_85] : memref<5x128x128xf32, #tpu.memory_space<vmem>> -> memref<1x128x128xf32, #tpu.memory_space<vmem>>
    %dma_wait3A_87 = tpu.memref_squeeze %dma_wait3A_86 : memref<1x128x128xf32, #tpu.memory_space<vmem>> -> memref<128x128xf32, #tpu.memory_space<vmem>>
    %dma_wait3A_88 = arith.constant 0 : i32
    %dma_wait3A_89 = tpu.memref_slice %arg5[%dma_wait3A_82, %dma_wait3A_88] : memref<40x128xi32, #tpu.memory_space<vmem>> -> memref<1x128xi32, #tpu.memory_space<vmem>>
    %dma_wait3A_90 = tpu.memref_squeeze %dma_wait3A_89 : memref<1x128xi32, #tpu.memory_space<vmem>> -> memref<128xi32, #tpu.memory_space<vmem>>
    %dma_wait3A_91 = arith.constant 0 : i32
    %dma_wait3A_92 = arith.constant 0 : i32
    %dma_wait3A_93 = tpu.memref_slice %arg2[%dma_wait3A_91, %dma_wait3A_92] : memref<10000x128xf32, #tpu.memory_space<hbm>> -> memref<10000x128xf32, #tpu.memory_space<hbm>>
    tpu.wait_indirect_dma semaphore(%arg8 : memref<!tpu.dma_semaphore, #tpu.memory_space<semaphore_mem>>) src(%dma_wait3A_93 : memref<10000x128xf32, #tpu.memory_space<hbm>>) dst(%dma_wait3A_87 : memref<128x128xf32, #tpu.memory_space<vmem>>)
    %mul3A_94 = arith.constant 5000 : i32
    %mul3A_95 = arith.muli %add3A, %mul3A_94 : i32
    %min3A_96 = arith.constant 4608 : i32
    %min3A_97 = arith.constant 4872 : i32
    %min3A_98 = arith.minsi %min3A_96, %min3A_97 : i32
    %add3A_99 = arith.addi %mul3A_95, %min3A_98 : i32
    %run_scoped3A_100 = arith.constant 1 : i32
    "tpu.region"() ({
      %run_scoped3A_158 = tpu.sem_alloc : memref<!tpu.dma_semaphore, #tpu.memory_space<semaphore_mem>>
      %dma_start3A_159 = arith.constant 0 : i32
      %dma_start3A_160 = arith.constant 0 : i32
      %dma_start3A_161 = tpu.memref_slice %arg6[%run_scoped3A_100, %dma_start3A_159, %dma_start3A_160] : memref<5x128x128xf32, #tpu.memory_space<vmem>> -> memref<1x128x128xf32, #tpu.memory_space<vmem>>
      %dma_start3A_162 = tpu.memref_squeeze %dma_start3A_161 : memref<1x128x128xf32, #tpu.memory_space<vmem>> -> memref<128x128xf32, #tpu.memory_space<vmem>>
      %dma_start3A_163 = arith.constant 0 : i32
      %dma_start3A_164 = tpu.memref_slice %arg4[%add3A_99, %dma_start3A_163] : memref<160000x128xf32, #tpu.memory_space<hbm>> -> memref<128x128xf32, #tpu.memory_space<hbm>>
      %dma_start3A_165 = arith.constant 0 : i32
      %dma_start3A_166 = tpu.memref_slice %arg4[%add3A_99, %dma_start3A_165] : memref<160000x128xf32, #tpu.memory_space<hbm>> -> memref<128x128xf32, #tpu.memory_space<hbm>>
      %dma_start3A_167 = arith.constant 0 : i32
      %dma_start3A_168 = arith.constant 0 : i32
      %dma_start3A_169 = tpu.memref_slice %arg6[%run_scoped3A_100, %dma_start3A_167, %dma_start3A_168] : memref<5x128x128xf32, #tpu.memory_space<vmem>> -> memref<1x128x128xf32, #tpu.memory_space<vmem>>
      %dma_start3A_170 = tpu.memref_squeeze %dma_start3A_169 : memref<1x128x128xf32, #tpu.memory_space<vmem>> -> memref<128x128xf32, #tpu.memory_space<vmem>>
      tpu.enqueue_dma source(%dma_start3A_170 : memref<128x128xf32, #tpu.memory_space<vmem>>) target(%dma_start3A_166 : memref<128x128xf32, #tpu.memory_space<hbm>>) target_semaphore(%run_scoped3A_158 : memref<!tpu.dma_semaphore, #tpu.memory_space<semaphore_mem>>)
      %dma_wait3A_171 = arith.constant 0 : i32
      %dma_wait3A_172 = arith.constant 0 : i32
      %dma_wait3A_173 = tpu.memref_slice %arg6[%run_scoped3A_100, %dma_wait3A_171, %dma_wait3A_172] : memref<5x128x128xf32, #tpu.memory_space<vmem>> -> memref<1x128x128xf32, #tpu.memory_space<vmem>>
      %dma_wait3A_174 = tpu.memref_squeeze %dma_wait3A_173 : memref<1x128x128xf32, #tpu.memory_space<vmem>> -> memref<128x128xf32, #tpu.memory_space<vmem>>
      %dma_wait3A_175 = arith.constant 0 : i32
      %dma_wait3A_176 = tpu.memref_slice %arg4[%add3A_99, %dma_wait3A_175] : memref<160000x128xf32, #tpu.memory_space<hbm>> -> memref<128x128xf32, #tpu.memory_space<hbm>>
      %dma_wait3A_177 = arith.constant 0 : i32
      %dma_wait3A_178 = tpu.memref_slice %arg4[%add3A_99, %dma_wait3A_177] : memref<160000x128xf32, #tpu.memory_space<hbm>> -> memref<128x128xf32, #tpu.memory_space<hbm>>
      %dma_wait3A_179 = arith.constant 0 : i32
      %dma_wait3A_180 = arith.constant 0 : i32
      %dma_wait3A_181 = tpu.memref_slice %arg6[%run_scoped3A_100, %dma_wait3A_179, %dma_wait3A_180] : memref<5x128x128xf32, #tpu.memory_space<vmem>> -> memref<1x128x128xf32, #tpu.memory_space<vmem>>
      %dma_wait3A_182 = tpu.memref_squeeze %dma_wait3A_181 : memref<1x128x128xf32, #tpu.memory_space<vmem>> -> memref<128x128xf32, #tpu.memory_space<vmem>>
      tpu.wait_dma2 semaphore(%run_scoped3A_158 : memref<!tpu.dma_semaphore, #tpu.memory_space<semaphore_mem>>) src(%dma_wait3A_182 : memref<128x128xf32, #tpu.memory_space<vmem>>) dst(%dma_wait3A_178 : memref<128x128xf32, #tpu.memory_space<hbm>>)
      tpu.yield
    }) : () -> ()
    %dma_wait3A_101 = arith.constant 37 : i32
    %dma_wait3A_102 = arith.constant 2 : i32
    %dma_wait3A_103 = arith.constant 0 : i32
    %dma_wait3A_104 = arith.constant 0 : i32
    %dma_wait3A_105 = tpu.memref_slice %arg6[%dma_wait3A_102, %dma_wait3A_103, %dma_wait3A_104] : memref<5x128x128xf32, #tpu.memory_space<vmem>> -> memref<1x128x128xf32, #tpu.memory_space<vmem>>
    %dma_wait3A_106 = tpu.memref_squeeze %dma_wait3A_105 : memref<1x128x128xf32, #tpu.memory_space<vmem>> -> memref<128x128xf32, #tpu.memory_space<vmem>>
    %dma_wait3A_107 = arith.constant 0 : i32
    %dma_wait3A_108 = tpu.memref_slice %arg5[%dma_wait3A_101, %dma_wait3A_107] : memref<40x128xi32, #tpu.memory_space<vmem>> -> memref<1x128xi32, #tpu.memory_space<vmem>>
    %dma_wait3A_109 = tpu.memref_squeeze %dma_wait3A_108 : memref<1x128xi32, #tpu.memory_space<vmem>> -> memref<128xi32, #tpu.memory_space<vmem>>
    %dma_wait3A_110 = arith.constant 0 : i32
    %dma_wait3A_111 = arith.constant 0 : i32
    %dma_wait3A_112 = tpu.memref_slice %arg2[%dma_wait3A_110, %dma_wait3A_111] : memref<10000x128xf32, #tpu.memory_space<hbm>> -> memref<10000x128xf32, #tpu.memory_space<hbm>>
    tpu.wait_indirect_dma semaphore(%arg9 : memref<!tpu.dma_semaphore, #tpu.memory_space<semaphore_mem>>) src(%dma_wait3A_112 : memref<10000x128xf32, #tpu.memory_space<hbm>>) dst(%dma_wait3A_106 : memref<128x128xf32, #tpu.memory_space<vmem>>)
    %mul3A_113 = arith.constant 5000 : i32
    %mul3A_114 = arith.muli %add3A, %mul3A_113 : i32
    %min3A_115 = arith.constant 4736 : i32
    %min3A_116 = arith.constant 4872 : i32
    %min3A_117 = arith.minsi %min3A_115, %min3A_116 : i32
    %add3A_118 = arith.addi %mul3A_114, %min3A_117 : i32
    %run_scoped3A_119 = arith.constant 2 : i32
    "tpu.region"() ({
      %run_scoped3A_158 = tpu.sem_alloc : memref<!tpu.dma_semaphore, #tpu.memory_space<semaphore_mem>>
      %dma_start3A_159 = arith.constant 0 : i32
      %dma_start3A_160 = arith.constant 0 : i32
      %dma_start3A_161 = tpu.memref_slice %arg6[%run_scoped3A_119, %dma_start3A_159, %dma_start3A_160] : memref<5x128x128xf32, #tpu.memory_space<vmem>> -> memref<1x128x128xf32, #tpu.memory_space<vmem>>
      %dma_start3A_162 = tpu.memref_squeeze %dma_start3A_161 : memref<1x128x128xf32, #tpu.memory_space<vmem>> -> memref<128x128xf32, #tpu.memory_space<vmem>>
      %dma_start3A_163 = arith.constant 0 : i32
      %dma_start3A_164 = tpu.memref_slice %arg4[%add3A_118, %dma_start3A_163] : memref<160000x128xf32, #tpu.memory_space<hbm>> -> memref<128x128xf32, #tpu.memory_space<hbm>>
      %dma_start3A_165 = arith.constant 0 : i32
      %dma_start3A_166 = tpu.memref_slice %arg4[%add3A_118, %dma_start3A_165] : memref<160000x128xf32, #tpu.memory_space<hbm>> -> memref<128x128xf32, #tpu.memory_space<hbm>>
      %dma_start3A_167 = arith.constant 0 : i32
      %dma_start3A_168 = arith.constant 0 : i32
      %dma_start3A_169 = tpu.memref_slice %arg6[%run_scoped3A_119, %dma_start3A_167, %dma_start3A_168] : memref<5x128x128xf32, #tpu.memory_space<vmem>> -> memref<1x128x128xf32, #tpu.memory_space<vmem>>
      %dma_start3A_170 = tpu.memref_squeeze %dma_start3A_169 : memref<1x128x128xf32, #tpu.memory_space<vmem>> -> memref<128x128xf32, #tpu.memory_space<vmem>>
      tpu.enqueue_dma source(%dma_start3A_170 : memref<128x128xf32, #tpu.memory_space<vmem>>) target(%dma_start3A_166 : memref<128x128xf32, #tpu.memory_space<hbm>>) target_semaphore(%run_scoped3A_158 : memref<!tpu.dma_semaphore, #tpu.memory_space<semaphore_mem>>)
      %dma_wait3A_171 = arith.constant 0 : i32
      %dma_wait3A_172 = arith.constant 0 : i32
      %dma_wait3A_173 = tpu.memref_slice %arg6[%run_scoped3A_119, %dma_wait3A_171, %dma_wait3A_172] : memref<5x128x128xf32, #tpu.memory_space<vmem>> -> memref<1x128x128xf32, #tpu.memory_space<vmem>>
      %dma_wait3A_174 = tpu.memref_squeeze %dma_wait3A_173 : memref<1x128x128xf32, #tpu.memory_space<vmem>> -> memref<128x128xf32, #tpu.memory_space<vmem>>
      %dma_wait3A_175 = arith.constant 0 : i32
      %dma_wait3A_176 = tpu.memref_slice %arg4[%add3A_118, %dma_wait3A_175] : memref<160000x128xf32, #tpu.memory_space<hbm>> -> memref<128x128xf32, #tpu.memory_space<hbm>>
      %dma_wait3A_177 = arith.constant 0 : i32
      %dma_wait3A_178 = tpu.memref_slice %arg4[%add3A_118, %dma_wait3A_177] : memref<160000x128xf32, #tpu.memory_space<hbm>> -> memref<128x128xf32, #tpu.memory_space<hbm>>
      %dma_wait3A_179 = arith.constant 0 : i32
      %dma_wait3A_180 = arith.constant 0 : i32
      %dma_wait3A_181 = tpu.memref_slice %arg6[%run_scoped3A_119, %dma_wait3A_179, %dma_wait3A_180] : memref<5x128x128xf32, #tpu.memory_space<vmem>> -> memref<1x128x128xf32, #tpu.memory_space<vmem>>
      %dma_wait3A_182 = tpu.memref_squeeze %dma_wait3A_181 : memref<1x128x128xf32, #tpu.memory_space<vmem>> -> memref<128x128xf32, #tpu.memory_space<vmem>>
      tpu.wait_dma2 semaphore(%run_scoped3A_158 : memref<!tpu.dma_semaphore, #tpu.memory_space<semaphore_mem>>) src(%dma_wait3A_182 : memref<128x128xf32, #tpu.memory_space<vmem>>) dst(%dma_wait3A_178 : memref<128x128xf32, #tpu.memory_space<hbm>>)
      tpu.yield
    }) : () -> ()
    %dma_wait3A_120 = arith.constant 38 : i32
    %dma_wait3A_121 = arith.constant 3 : i32
    %dma_wait3A_122 = arith.constant 0 : i32
    %dma_wait3A_123 = arith.constant 0 : i32
    %dma_wait3A_124 = tpu.memref_slice %arg6[%dma_wait3A_121, %dma_wait3A_122, %dma_wait3A_123] : memref<5x128x128xf32, #tpu.memory_space<vmem>> -> memref<1x128x128xf32, #tpu.memory_space<vmem>>
    %dma_wait3A_125 = tpu.memref_squeeze %dma_wait3A_124 : memref<1x128x128xf32, #tpu.memory_space<vmem>> -> memref<128x128xf32, #tpu.memory_space<vmem>>
    %dma_wait3A_126 = arith.constant 0 : i32
    %dma_wait3A_127 = tpu.memref_slice %arg5[%dma_wait3A_120, %dma_wait3A_126] : memref<40x128xi32, #tpu.memory_space<vmem>> -> memref<1x128xi32, #tpu.memory_space<vmem>>
    %dma_wait3A_128 = tpu.memref_squeeze %dma_wait3A_127 : memref<1x128xi32, #tpu.memory_space<vmem>> -> memref<128xi32, #tpu.memory_space<vmem>>
    %dma_wait3A_129 = arith.constant 0 : i32
    %dma_wait3A_130 = arith.constant 0 : i32
    %dma_wait3A_131 = tpu.memref_slice %arg2[%dma_wait3A_129, %dma_wait3A_130] : memref<10000x128xf32, #tpu.memory_space<hbm>> -> memref<10000x128xf32, #tpu.memory_space<hbm>>
    tpu.wait_indirect_dma semaphore(%arg10 : memref<!tpu.dma_semaphore, #tpu.memory_space<semaphore_mem>>) src(%dma_wait3A_131 : memref<10000x128xf32, #tpu.memory_space<hbm>>) dst(%dma_wait3A_125 : memref<128x128xf32, #tpu.memory_space<vmem>>)
    %mul3A_132 = arith.constant 5000 : i32
    %mul3A_133 = arith.muli %add3A, %mul3A_132 : i32
    %min3A_134 = arith.constant 4864 : i32
    %min3A_135 = arith.constant 4872 : i32
    %min3A_136 = arith.minsi %min3A_134, %min3A_135 : i32
    %add3A_137 = arith.addi %mul3A_133, %min3A_136 : i32
    %run_scoped3A_138 = arith.constant 3 : i32
    "tpu.region"() ({
      %run_scoped3A_158 = tpu.sem_alloc : memref<!tpu.dma_semaphore, #tpu.memory_space<semaphore_mem>>
      %dma_start3A_159 = arith.constant 0 : i32
      %dma_start3A_160 = arith.constant 0 : i32
      %dma_start3A_161 = tpu.memref_slice %arg6[%run_scoped3A_138, %dma_start3A_159, %dma_start3A_160] : memref<5x128x128xf32, #tpu.memory_space<vmem>> -> memref<1x128x128xf32, #tpu.memory_space<vmem>>
      %dma_start3A_162 = tpu.memref_squeeze %dma_start3A_161 : memref<1x128x128xf32, #tpu.memory_space<vmem>> -> memref<128x128xf32, #tpu.memory_space<vmem>>
      %dma_start3A_163 = arith.constant 0 : i32
      %dma_start3A_164 = tpu.memref_slice %arg4[%add3A_137, %dma_start3A_163] : memref<160000x128xf32, #tpu.memory_space<hbm>> -> memref<128x128xf32, #tpu.memory_space<hbm>>
      %dma_start3A_165 = arith.constant 0 : i32
      %dma_start3A_166 = tpu.memref_slice %arg4[%add3A_137, %dma_start3A_165] : memref<160000x128xf32, #tpu.memory_space<hbm>> -> memref<128x128xf32, #tpu.memory_space<hbm>>
      %dma_start3A_167 = arith.constant 0 : i32
      %dma_start3A_168 = arith.constant 0 : i32
      %dma_start3A_169 = tpu.memref_slice %arg6[%run_scoped3A_138, %dma_start3A_167, %dma_start3A_168] : memref<5x128x128xf32, #tpu.memory_space<vmem>> -> memref<1x128x128xf32, #tpu.memory_space<vmem>>
      %dma_start3A_170 = tpu.memref_squeeze %dma_start3A_169 : memref<1x128x128xf32, #tpu.memory_space<vmem>> -> memref<128x128xf32, #tpu.memory_space<vmem>>
      tpu.enqueue_dma source(%dma_start3A_170 : memref<128x128xf32, #tpu.memory_space<vmem>>) target(%dma_start3A_166 : memref<128x128xf32, #tpu.memory_space<hbm>>) target_semaphore(%run_scoped3A_158 : memref<!tpu.dma_semaphore, #tpu.memory_space<semaphore_mem>>)
      %dma_wait3A_171 = arith.constant 0 : i32
      %dma_wait3A_172 = arith.constant 0 : i32
      %dma_wait3A_173 = tpu.memref_slice %arg6[%run_scoped3A_138, %dma_wait3A_171, %dma_wait3A_172] : memref<5x128x128xf32, #tpu.memory_space<vmem>> -> memref<1x128x128xf32, #tpu.memory_space<vmem>>
      %dma_wait3A_174 = tpu.memref_squeeze %dma_wait3A_173 : memref<1x128x128xf32, #tpu.memory_space<vmem>> -> memref<128x128xf32, #tpu.memory_space<vmem>>
      %dma_wait3A_175 = arith.constant 0 : i32
      %dma_wait3A_176 = tpu.memref_slice %arg4[%add3A_137, %dma_wait3A_175] : memref<160000x128xf32, #tpu.memory_space<hbm>> -> memref<128x128xf32, #tpu.memory_space<hbm>>
      %dma_wait3A_177 = arith.constant 0 : i32
      %dma_wait3A_178 = tpu.memref_slice %arg4[%add3A_137, %dma_wait3A_177] : memref<160000x128xf32, #tpu.memory_space<hbm>> -> memref<128x128xf32, #tpu.memory_space<hbm>>
      %dma_wait3A_179 = arith.constant 0 : i32
      %dma_wait3A_180 = arith.constant 0 : i32
      %dma_wait3A_181 = tpu.memref_slice %arg6[%run_scoped3A_138, %dma_wait3A_179, %dma_wait3A_180] : memref<5x128x128xf32, #tpu.memory_space<vmem>> -> memref<1x128x128xf32, #tpu.memory_space<vmem>>
      %dma_wait3A_182 = tpu.memref_squeeze %dma_wait3A_181 : memref<1x128x128xf32, #tpu.memory_space<vmem>> -> memref<128x128xf32, #tpu.memory_space<vmem>>
      tpu.wait_dma2 semaphore(%run_scoped3A_158 : memref<!tpu.dma_semaphore, #tpu.memory_space<semaphore_mem>>) src(%dma_wait3A_182 : memref<128x128xf32, #tpu.memory_space<vmem>>) dst(%dma_wait3A_178 : memref<128x128xf32, #tpu.memory_space<hbm>>)
      tpu.yield
    }) : () -> ()
    %dma_wait3A_139 = arith.constant 39 : i32
    %dma_wait3A_140 = arith.constant 4 : i32
    %dma_wait3A_141 = arith.constant 0 : i32
    %dma_wait3A_142 = arith.constant 0 : i32
    %dma_wait3A_143 = tpu.memref_slice %arg6[%dma_wait3A_140, %dma_wait3A_141, %dma_wait3A_142] : memref<5x128x128xf32, #tpu.memory_space<vmem>> -> memref<1x128x128xf32, #tpu.memory_space<vmem>>
    %dma_wait3A_144 = tpu.memref_squeeze %dma_wait3A_143 : memref<1x128x128xf32, #tpu.memory_space<vmem>> -> memref<128x128xf32, #tpu.memory_space<vmem>>
    %dma_wait3A_145 = arith.constant 0 : i32
    %dma_wait3A_146 = tpu.memref_slice %arg5[%dma_wait3A_139, %dma_wait3A_145] : memref<40x128xi32, #tpu.memory_space<vmem>> -> memref<1x128xi32, #tpu.memory_space<vmem>>
    %dma_wait3A_147 = tpu.memref_squeeze %dma_wait3A_146 : memref<1x128xi32, #tpu.memory_space<vmem>> -> memref<128xi32, #tpu.memory_space<vmem>>
    %dma_wait3A_148 = arith.constant 0 : i32
    %dma_wait3A_149 = arith.constant 0 : i32
    %dma_wait3A_150 = tpu.memref_slice %arg2[%dma_wait3A_148, %dma_wait3A_149] : memref<10000x128xf32, #tpu.memory_space<hbm>> -> memref<10000x128xf32, #tpu.memory_space<hbm>>
    tpu.wait_indirect_dma semaphore(%arg11 : memref<!tpu.dma_semaphore, #tpu.memory_space<semaphore_mem>>) src(%dma_wait3A_150 : memref<10000x128xf32, #tpu.memory_space<hbm>>) dst(%dma_wait3A_144 : memref<128x128xf32, #tpu.memory_space<vmem>>)
    %mul3A_151 = arith.constant 5000 : i32
    %mul3A_152 = arith.muli %add3A, %mul3A_151 : i32
    %min3A_153 = arith.constant 4992 : i32
    %min3A_154 = arith.constant 4872 : i32
    %min3A_155 = arith.minsi %min3A_153, %min3A_154 : i32
    %add3A_156 = arith.addi %mul3A_152, %min3A_155 : i32
    %run_scoped3A_157 = arith.constant 4 : i32
    "tpu.region"() ({
      %run_scoped3A_158 = tpu.sem_alloc : memref<!tpu.dma_semaphore, #tpu.memory_space<semaphore_mem>>
      %dma_start3A_159 = arith.constant 0 : i32
      %dma_start3A_160 = arith.constant 0 : i32
      %dma_start3A_161 = tpu.memref_slice %arg6[%run_scoped3A_157, %dma_start3A_159, %dma_start3A_160] : memref<5x128x128xf32, #tpu.memory_space<vmem>> -> memref<1x128x128xf32, #tpu.memory_space<vmem>>
      %dma_start3A_162 = tpu.memref_squeeze %dma_start3A_161 : memref<1x128x128xf32, #tpu.memory_space<vmem>> -> memref<128x128xf32, #tpu.memory_space<vmem>>
      %dma_start3A_163 = arith.constant 0 : i32
      %dma_start3A_164 = tpu.memref_slice %arg4[%add3A_156, %dma_start3A_163] : memref<160000x128xf32, #tpu.memory_space<hbm>> -> memref<128x128xf32, #tpu.memory_space<hbm>>
      %dma_start3A_165 = arith.constant 0 : i32
      %dma_start3A_166 = tpu.memref_slice %arg4[%add3A_156, %dma_start3A_165] : memref<160000x128xf32, #tpu.memory_space<hbm>> -> memref<128x128xf32, #tpu.memory_space<hbm>>
      %dma_start3A_167 = arith.constant 0 : i32
      %dma_start3A_168 = arith.constant 0 : i32
      %dma_start3A_169 = tpu.memref_slice %arg6[%run_scoped3A_157, %dma_start3A_167, %dma_start3A_168] : memref<5x128x128xf32, #tpu.memory_space<vmem>> -> memref<1x128x128xf32, #tpu.memory_space<vmem>>
      %dma_start3A_170 = tpu.memref_squeeze %dma_start3A_169 : memref<1x128x128xf32, #tpu.memory_space<vmem>> -> memref<128x128xf32, #tpu.memory_space<vmem>>
      tpu.enqueue_dma source(%dma_start3A_170 : memref<128x128xf32, #tpu.memory_space<vmem>>) target(%dma_start3A_166 : memref<128x128xf32, #tpu.memory_space<hbm>>) target_semaphore(%run_scoped3A_158 : memref<!tpu.dma_semaphore, #tpu.memory_space<semaphore_mem>>)
      %dma_wait3A_171 = arith.constant 0 : i32
      %dma_wait3A_172 = arith.constant 0 : i32
      %dma_wait3A_173 = tpu.memref_slice %arg6[%run_scoped3A_157, %dma_wait3A_171, %dma_wait3A_172] : memref<5x128x128xf32, #tpu.memory_space<vmem>> -> memref<1x128x128xf32, #tpu.memory_space<vmem>>
      %dma_wait3A_174 = tpu.memref_squeeze %dma_wait3A_173 : memref<1x128x128xf32, #tpu.memory_space<vmem>> -> memref<128x128xf32, #tpu.memory_space<vmem>>
      %dma_wait3A_175 = arith.constant 0 : i32
      %dma_wait3A_176 = tpu.memref_slice %arg4[%add3A_156, %dma_wait3A_175] : memref<160000x128xf32, #tpu.memory_space<hbm>> -> memref<128x128xf32, #tpu.memory_space<hbm>>
      %dma_wait3A_177 = arith.constant 0 : i32
      %dma_wait3A_178 = tpu.memref_slice %arg4[%add3A_156, %dma_wait3A_177] : memref<160000x128xf32, #tpu.memory_space<hbm>> -> memref<128x128xf32, #tpu.memory_space<hbm>>
      %dma_wait3A_179 = arith.constant 0 : i32
      %dma_wait3A_180 = arith.constant 0 : i32
      %dma_wait3A_181 = tpu.memref_slice %arg6[%run_scoped3A_157, %dma_wait3A_179, %dma_wait3A_180] : memref<5x128x128xf32, #tpu.memory_space<vmem>> -> memref<1x128x128xf32, #tpu.memory_space<vmem>>
      %dma_wait3A_182 = tpu.memref_squeeze %dma_wait3A_181 : memref<1x128x128xf32, #tpu.memory_space<vmem>> -> memref<128x128xf32, #tpu.memory_space<vmem>>
      tpu.wait_dma2 semaphore(%run_scoped3A_158 : memref<!tpu.dma_semaphore, #tpu.memory_space<semaphore_mem>>) src(%dma_wait3A_182 : memref<128x128xf32, #tpu.memory_space<vmem>>) dst(%dma_wait3A_178 : memref<128x128xf32, #tpu.memory_space<hbm>>)
      tpu.yield
    }) : () -> ()
    return
  }
}

#map = affine_map<(d0, d1) -> (0, 0)>
module attributes {stable_mosaic.version = 14 : i64} {
  func.func @k(%arg0: i32, %arg1: i32, %arg2: memref<10000x128xf32, #tpu.memory_space<hbm>>, %arg3: memref<1280x128xi32, #tpu.memory_space<hbm>>, %arg4: memref<160000x128xf32, #tpu.memory_space<hbm>>, %arg5: memref<40x128xi32, #tpu.memory_space<vmem>>, %arg6: memref<5x128x128xf32, #tpu.memory_space<vmem>>, %arg7: memref<!tpu.dma_semaphore, #tpu.memory_space<semaphore_mem>>, %arg8: memref<!tpu.dma_semaphore, #tpu.memory_space<semaphore_mem>>, %arg9: memref<!tpu.dma_semaphore, #tpu.memory_space<semaphore_mem>>, %arg10: memref<!tpu.dma_semaphore, #tpu.memory_space<semaphore_mem>>, %arg11: memref<!tpu.dma_semaphore, #tpu.memory_space<semaphore_mem>>) attributes {dimension_semantics = [#tpu.dimension_semantics<core_parallel>, #tpu.dimension_semantics<subcore_parallel>], iteration_bounds = array<i64: 2, 16>, scalar_prefetch = 0 : i64, scratch_operands = 7 : i64, tpu.core_type = #tpu.core_type<sc_vector_subcore>, window_params = [{transform_indices = #map}, {transform_indices = #map}, {transform_indices = #map}]} {
    %mul3A = arith.constant 2 : i32
    %mul3A_0 = arith.muli %arg1, %mul3A : i32
    %add3A = arith.addi %mul3A_0, %arg0 : i32
    %mul3A_1 = arith.constant 40 : i32
    %mul3A_2 = arith.muli %add3A, %mul3A_1 : i32
    "tpu.region"() ({
      %run_scoped3A_158 = tpu.sem_alloc : memref<!tpu.dma_semaphore, #tpu.memory_space<semaphore_mem>>
      %dma_start3A_159 = arith.constant 0 : i32
      %dma_start3A_160 = tpu.memref_slice %arg3[%mul3A_2, %dma_start3A_159] : memref<1280x128xi32, #tpu.memory_space<hbm>> -> memref<40x128xi32, #tpu.memory_space<hbm>>
      %dma_start3A_161 = arith.constant 0 : i32
      %dma_start3A_162 = tpu.memref_slice %arg3[%mul3A_2, %dma_start3A_161] : memref<1280x128xi32, #tpu.memory_space<hbm>> -> memref<40x128xi32, #tpu.memory_space<hbm>>
      tpu.enqueue_dma source(%dma_start3A_162 : memref<40x128xi32, #tpu.memory_space<hbm>>) target(%arg5 : memref<40x128xi32, #tpu.memory_space<vmem>>) target_semaphore(%run_scoped3A_158 : memref<!tpu.dma_semaphore, #tpu.memory_space<semaphore_mem>>)
      %dma_wait3A_163 = arith.constant 0 : i32
      %dma_wait3A_164 = tpu.memref_slice %arg3[%mul3A_2, %dma_wait3A_163] : memref<1280x128xi32, #tpu.memory_space<hbm>> -> memref<40x128xi32, #tpu.memory_space<hbm>>
      %dma_wait3A_165 = arith.constant 0 : i32
      %dma_wait3A_166 = tpu.memref_slice %arg3[%mul3A_2, %dma_wait3A_165] : memref<1280x128xi32, #tpu.memory_space<hbm>> -> memref<40x128xi32, #tpu.memory_space<hbm>>
      tpu.wait_dma2 semaphore(%run_scoped3A_158 : memref<!tpu.dma_semaphore, #tpu.memory_space<semaphore_mem>>) src(%dma_wait3A_166 : memref<40x128xi32, #tpu.memory_space<hbm>>) dst(%arg5 : memref<40x128xi32, #tpu.memory_space<vmem>>)
      tpu.yield
    }) : () -> ()
    %dma_start3A = arith.constant 0 : i32
    %dma_start3A_3 = arith.constant 0 : i32
    %dma_start3A_4 = arith.constant 0 : i32
    %dma_start3A_5 = arith.constant 0 : i32
    %dma_start3A_6 = tpu.memref_slice %arg6[%dma_start3A_3, %dma_start3A_4, %dma_start3A_5] : memref<5x128x128xf32, #tpu.memory_space<vmem>> -> memref<1x128x128xf32, #tpu.memory_space<vmem>>
    %dma_start3A_7 = tpu.memref_squeeze %dma_start3A_6 : memref<1x128x128xf32, #tpu.memory_space<vmem>> -> memref<128x128xf32, #tpu.memory_space<vmem>>
    %dma_start3A_8 = arith.constant 0 : i32
    %dma_start3A_9 = tpu.memref_slice %arg5[%dma_start3A, %dma_start3A_8] : memref<40x128xi32, #tpu.memory_space<vmem>> -> memref<1x128xi32, #tpu.memory_space<vmem>>
    %dma_start3A_10 = tpu.memref_squeeze %dma_start3A_9 : memref<1x128xi32, #tpu.memory_space<vmem>> -> memref<128xi32, #tpu.memory_space<vmem>>
    %dma_start3A_11 = arith.constant 0 : i32
    %dma_start3A_12 = arith.constant 0 : i32
    %dma_start3A_13 = tpu.memref_slice %arg2[%dma_start3A_11, %dma_start3A_12] : memref<10000x128xf32, #tpu.memory_space<hbm>> -> memref<10000x128xf32, #tpu.memory_space<hbm>>
    tpu.enqueue_indirect_dma source(%dma_start3A_13 : memref<10000x128xf32, #tpu.memory_space<hbm>>) target(%dma_start3A_7 : memref<128x128xf32, #tpu.memory_space<vmem>>) offsets(%dma_start3A_10 : memref<128xi32, #tpu.memory_space<vmem>>) semaphore(%arg7 : memref<!tpu.dma_semaphore, #tpu.memory_space<semaphore_mem>>)
    %dma_start3A_14 = arith.constant 1 : i32
    %dma_start3A_15 = arith.constant 1 : i32
    %dma_start3A_16 = arith.constant 0 : i32
    %dma_start3A_17 = arith.constant 0 : i32
    %dma_start3A_18 = tpu.memref_slice %arg6[%dma_start3A_15, %dma_start3A_16, %dma_start3A_17] : memref<5x128x128xf32, #tpu.memory_space<vmem>> -> memref<1x128x128xf32, #tpu.memory_space<vmem>>
    %dma_start3A_19 = tpu.memref_squeeze %dma_start3A_18 : memref<1x128x128xf32, #tpu.memory_space<vmem>> -> memref<128x128xf32, #tpu.memory_space<vmem>>
    %dma_start3A_20 = arith.constant 0 : i32
    %dma_start3A_21 = tpu.memref_slice %arg5[%dma_start3A_14, %dma_start3A_20] : memref<40x128xi32, #tpu.memory_space<vmem>> -> memref<1x128xi32, #tpu.memory_space<vmem>>
    %dma_start3A_22 = tpu.memref_squeeze %dma_start3A_21 : memref<1x128xi32, #tpu.memory_space<vmem>> -> memref<128xi32, #tpu.memory_space<vmem>>
    %dma_start3A_23 = arith.constant 0 : i32
    %dma_start3A_24 = arith.constant 0 : i32
    %dma_start3A_25 = tpu.memref_slice %arg2[%dma_start3A_23, %dma_start3A_24] : memref<10000x128xf32, #tpu.memory_space<hbm>> -> memref<10000x128xf32, #tpu.memory_space<hbm>>
    tpu.enqueue_indirect_dma source(%dma_start3A_25 : memref<10000x128xf32, #tpu.memory_space<hbm>>) target(%dma_start3A_19 : memref<128x128xf32, #tpu.memory_space<vmem>>) offsets(%dma_start3A_22 : memref<128xi32, #tpu.memory_space<vmem>>) semaphore(%arg8 : memref<!tpu.dma_semaphore, #tpu.memory_space<semaphore_mem>>)
    %dma_start3A_26 = arith.constant 2 : i32
    %dma_start3A_27 = arith.constant 2 : i32
    %dma_start3A_28 = arith.constant 0 : i32
    %dma_start3A_29 = arith.constant 0 : i32
    %dma_start3A_30 = tpu.memref_slice %arg6[%dma_start3A_27, %dma_start3A_28, %dma_start3A_29] : memref<5x128x128xf32, #tpu.memory_space<vmem>> -> memref<1x128x128xf32, #tpu.memory_space<vmem>>
    %dma_start3A_31 = tpu.memref_squeeze %dma_start3A_30 : memref<1x128x128xf32, #tpu.memory_space<vmem>> -> memref<128x128xf32, #tpu.memory_space<vmem>>
    %dma_start3A_32 = arith.constant 0 : i32
    %dma_start3A_33 = tpu.memref_slice %arg5[%dma_start3A_26, %dma_start3A_32] : memref<40x128xi32, #tpu.memory_space<vmem>> -> memref<1x128xi32, #tpu.memory_space<vmem>>
    %dma_start3A_34 = tpu.memref_squeeze %dma_start3A_33 : memref<1x128xi32, #tpu.memory_space<vmem>> -> memref<128xi32, #tpu.memory_space<vmem>>
    %dma_start3A_35 = arith.constant 0 : i32
    %dma_start3A_36 = arith.constant 0 : i32
    %dma_start3A_37 = tpu.memref_slice %arg2[%dma_start3A_35, %dma_start3A_36] : memref<10000x128xf32, #tpu.memory_space<hbm>> -> memref<10000x128xf32, #tpu.memory_space<hbm>>
    tpu.enqueue_indirect_dma source(%dma_start3A_37 : memref<10000x128xf32, #tpu.memory_space<hbm>>) target(%dma_start3A_31 : memref<128x128xf32, #tpu.memory_space<vmem>>) offsets(%dma_start3A_34 : memref<128xi32, #tpu.memory_space<vmem>>) semaphore(%arg9 : memref<!tpu.dma_semaphore, #tpu.memory_space<semaphore_mem>>)
    %dma_start3A_38 = arith.constant 3 : i32
    %dma_start3A_39 = arith.constant 3 : i32
    %dma_start3A_40 = arith.constant 0 : i32
    %dma_start3A_41 = arith.constant 0 : i32
    %dma_start3A_42 = tpu.memref_slice %arg6[%dma_start3A_39, %dma_start3A_40, %dma_start3A_41] : memref<5x128x128xf32, #tpu.memory_space<vmem>> -> memref<1x128x128xf32, #tpu.memory_space<vmem>>
    %dma_start3A_43 = tpu.memref_squeeze %dma_start3A_42 : memref<1x128x128xf32, #tpu.memory_space<vmem>> -> memref<128x128xf32, #tpu.memory_space<vmem>>
    %dma_start3A_44 = arith.constant 0 : i32
    %dma_start3A_45 = tpu.memref_slice %arg5[%dma_start3A_38, %dma_start3A_44] : memref<40x128xi32, #tpu.memory_space<vmem>> -> memref<1x128xi32, #tpu.memory_space<vmem>>
    %dma_start3A_46 = tpu.memref_squeeze %dma_start3A_45 : memref<1x128xi32, #tpu.memory_space<vmem>> -> memref<128xi32, #tpu.memory_space<vmem>>
    %dma_start3A_47 = arith.constant 0 : i32
    %dma_start3A_48 = arith.constant 0 : i32
    %dma_start3A_49 = tpu.memref_slice %arg2[%dma_start3A_47, %dma_start3A_48] : memref<10000x128xf32, #tpu.memory_space<hbm>> -> memref<10000x128xf32, #tpu.memory_space<hbm>>
    tpu.enqueue_indirect_dma source(%dma_start3A_49 : memref<10000x128xf32, #tpu.memory_space<hbm>>) target(%dma_start3A_43 : memref<128x128xf32, #tpu.memory_space<vmem>>) offsets(%dma_start3A_46 : memref<128xi32, #tpu.memory_space<vmem>>) semaphore(%arg10 : memref<!tpu.dma_semaphore, #tpu.memory_space<semaphore_mem>>)
    %dma_start3A_50 = arith.constant 4 : i32
    %dma_start3A_51 = arith.constant 4 : i32
    %dma_start3A_52 = arith.constant 0 : i32
    %dma_start3A_53 = arith.constant 0 : i32
    %dma_start3A_54 = tpu.memref_slice %arg6[%dma_start3A_51, %dma_start3A_52, %dma_start3A_53] : memref<5x128x128xf32, #tpu.memory_space<vmem>> -> memref<1x128x128xf32, #tpu.memory_space<vmem>>
    %dma_start3A_55 = tpu.memref_squeeze %dma_start3A_54 : memref<1x128x128xf32, #tpu.memory_space<vmem>> -> memref<128x128xf32, #tpu.memory_space<vmem>>
    %dma_start3A_56 = arith.constant 0 : i32
    %dma_start3A_57 = tpu.memref_slice %arg5[%dma_start3A_50, %dma_start3A_56] : memref<40x128xi32, #tpu.memory_space<vmem>> -> memref<1x128xi32, #tpu.memory_space<vmem>>
    %dma_start3A_58 = tpu.memref_squeeze %dma_start3A_57 : memref<1x128xi32, #tpu.memory_space<vmem>> -> memref<128xi32, #tpu.memory_space<vmem>>
    %dma_start3A_59 = arith.constant 0 : i32
    %dma_start3A_60 = arith.constant 0 : i32
    %dma_start3A_61 = tpu.memref_slice %arg2[%dma_start3A_59, %dma_start3A_60] : memref<10000x128xf32, #tpu.memory_space<hbm>> -> memref<10000x128xf32, #tpu.memory_space<hbm>>
    tpu.enqueue_indirect_dma source(%dma_start3A_61 : memref<10000x128xf32, #tpu.memory_space<hbm>>) target(%dma_start3A_55 : memref<128x128xf32, #tpu.memory_space<vmem>>) offsets(%dma_start3A_58 : memref<128xi32, #tpu.memory_space<vmem>>) semaphore(%arg11 : memref<!tpu.dma_semaphore, #tpu.memory_space<semaphore_mem>>)
    %scan3A = arith.constant 0 : i32
    %scan3A_62 = arith.constant 7 : i32
    %scan3A_63 = arith.addi %scan3A, %scan3A_62 : i32
    %scan3A_64 = arith.constant 1 : i32
    scf.for %scan3A_158 = %scan3A to %scan3A_63 step %scan3A_64  : i32 {
      %mul3A_159 = arith.constant 5 : i32
      %mul3A_160 = arith.muli %scan3A_158, %mul3A_159 : i32
      %add3A_161 = arith.constant 0 : i32
      %add3A_162 = arith.addi %mul3A_160, %add3A_161 : i32
      %dma_wait3A_163 = arith.constant 0 : i32
      %dma_wait3A_164 = arith.constant 0 : i32
      %dma_wait3A_165 = arith.constant 0 : i32
      %dma_wait3A_166 = tpu.memref_slice %arg6[%dma_wait3A_163, %dma_wait3A_164, %dma_wait3A_165] : memref<5x128x128xf32, #tpu.memory_space<vmem>> -> memref<1x128x128xf32, #tpu.memory_space<vmem>>
      %dma_wait3A_167 = tpu.memref_squeeze %dma_wait3A_166 : memref<1x128x128xf32, #tpu.memory_space<vmem>> -> memref<128x128xf32, #tpu.memory_space<vmem>>
      %dma_wait3A_168 = arith.constant 0 : i32
      %dma_wait3A_169 = tpu.memref_slice %arg5[%add3A_162, %dma_wait3A_168] : memref<40x128xi32, #tpu.memory_space<vmem>> -> memref<1x128xi32, #tpu.memory_space<vmem>>
      %dma_wait3A_170 = tpu.memref_squeeze %dma_wait3A_169 : memref<1x128xi32, #tpu.memory_space<vmem>> -> memref<128xi32, #tpu.memory_space<vmem>>
      %dma_wait3A_171 = arith.constant 0 : i32
      %dma_wait3A_172 = arith.constant 0 : i32
      %dma_wait3A_173 = tpu.memref_slice %arg2[%dma_wait3A_171, %dma_wait3A_172] : memref<10000x128xf32, #tpu.memory_space<hbm>> -> memref<10000x128xf32, #tpu.memory_space<hbm>>
      tpu.wait_indirect_dma semaphore(%arg7 : memref<!tpu.dma_semaphore, #tpu.memory_space<semaphore_mem>>) src(%dma_wait3A_173 : memref<10000x128xf32, #tpu.memory_space<hbm>>) dst(%dma_wait3A_167 : memref<128x128xf32, #tpu.memory_space<vmem>>)
      %mul3A_174 = arith.constant 5000 : i32
      %mul3A_175 = arith.muli %add3A, %mul3A_174 : i32
      %mul3A_176 = arith.constant 128 : i32
      %mul3A_177 = arith.muli %add3A_162, %mul3A_176 : i32
      %min3A_178 = arith.constant 4872 : i32
      %min3A_179 = arith.minsi %mul3A_177, %min3A_178 : i32
      %add3A_180 = arith.addi %mul3A_175, %min3A_179 : i32
      %run_scoped3A_181 = arith.constant 0 : i32
      "tpu.region"() ({
        %run_scoped3A_331 = tpu.sem_alloc : memref<!tpu.dma_semaphore, #tpu.memory_space<semaphore_mem>>
        %dma_start3A_332 = arith.constant 0 : i32
        %dma_start3A_333 = arith.constant 0 : i32
        %dma_start3A_334 = tpu.memref_slice %arg6[%run_scoped3A_181, %dma_start3A_332, %dma_start3A_333] : memref<5x128x128xf32, #tpu.memory_space<vmem>> -> memref<1x128x128xf32, #tpu.memory_space<vmem>>
        %dma_start3A_335 = tpu.memref_squeeze %dma_start3A_334 : memref<1x128x128xf32, #tpu.memory_space<vmem>> -> memref<128x128xf32, #tpu.memory_space<vmem>>
        %dma_start3A_336 = arith.constant 0 : i32
        %dma_start3A_337 = tpu.memref_slice %arg4[%add3A_180, %dma_start3A_336] : memref<160000x128xf32, #tpu.memory_space<hbm>> -> memref<128x128xf32, #tpu.memory_space<hbm>>
        %dma_start3A_338 = arith.constant 0 : i32
        %dma_start3A_339 = tpu.memref_slice %arg4[%add3A_180, %dma_start3A_338] : memref<160000x128xf32, #tpu.memory_space<hbm>> -> memref<128x128xf32, #tpu.memory_space<hbm>>
        %dma_start3A_340 = arith.constant 0 : i32
        %dma_start3A_341 = arith.constant 0 : i32
        %dma_start3A_342 = tpu.memref_slice %arg6[%run_scoped3A_181, %dma_start3A_340, %dma_start3A_341] : memref<5x128x128xf32, #tpu.memory_space<vmem>> -> memref<1x128x128xf32, #tpu.memory_space<vmem>>
        %dma_start3A_343 = tpu.memref_squeeze %dma_start3A_342 : memref<1x128x128xf32, #tpu.memory_space<vmem>> -> memref<128x128xf32, #tpu.memory_space<vmem>>
        tpu.enqueue_dma source(%dma_start3A_343 : memref<128x128xf32, #tpu.memory_space<vmem>>) target(%dma_start3A_339 : memref<128x128xf32, #tpu.memory_space<hbm>>) target_semaphore(%run_scoped3A_331 : memref<!tpu.dma_semaphore, #tpu.memory_space<semaphore_mem>>)
        %dma_wait3A_344 = arith.constant 0 : i32
        %dma_wait3A_345 = arith.constant 0 : i32
        %dma_wait3A_346 = tpu.memref_slice %arg6[%run_scoped3A_181, %dma_wait3A_344, %dma_wait3A_345] : memref<5x128x128xf32, #tpu.memory_space<vmem>> -> memref<1x128x128xf32, #tpu.memory_space<vmem>>
        %dma_wait3A_347 = tpu.memref_squeeze %dma_wait3A_346 : memref<1x128x128xf32, #tpu.memory_space<vmem>> -> memref<128x128xf32, #tpu.memory_space<vmem>>
        %dma_wait3A_348 = arith.constant 0 : i32
        %dma_wait3A_349 = tpu.memref_slice %arg4[%add3A_180, %dma_wait3A_348] : memref<160000x128xf32, #tpu.memory_space<hbm>> -> memref<128x128xf32, #tpu.memory_space<hbm>>
        %dma_wait3A_350 = arith.constant 0 : i32
        %dma_wait3A_351 = tpu.memref_slice %arg4[%add3A_180, %dma_wait3A_350] : memref<160000x128xf32, #tpu.memory_space<hbm>> -> memref<128x128xf32, #tpu.memory_space<hbm>>
        %dma_wait3A_352 = arith.constant 0 : i32
        %dma_wait3A_353 = arith.constant 0 : i32
        %dma_wait3A_354 = tpu.memref_slice %arg6[%run_scoped3A_181, %dma_wait3A_352, %dma_wait3A_353] : memref<5x128x128xf32, #tpu.memory_space<vmem>> -> memref<1x128x128xf32, #tpu.memory_space<vmem>>
        %dma_wait3A_355 = tpu.memref_squeeze %dma_wait3A_354 : memref<1x128x128xf32, #tpu.memory_space<vmem>> -> memref<128x128xf32, #tpu.memory_space<vmem>>
        tpu.wait_dma2 semaphore(%run_scoped3A_331 : memref<!tpu.dma_semaphore, #tpu.memory_space<semaphore_mem>>) src(%dma_wait3A_355 : memref<128x128xf32, #tpu.memory_space<vmem>>) dst(%dma_wait3A_351 : memref<128x128xf32, #tpu.memory_space<hbm>>)
        tpu.yield
      }) : () -> ()
      %add3A_182 = arith.constant 5 : i32
      %add3A_183 = arith.addi %add3A_162, %add3A_182 : i32
      %dma_start3A_184 = arith.constant 0 : i32
      %dma_start3A_185 = arith.constant 0 : i32
      %dma_start3A_186 = arith.constant 0 : i32
      %dma_start3A_187 = tpu.memref_slice %arg6[%dma_start3A_184, %dma_start3A_185, %dma_start3A_186] : memref<5x128x128xf32, #tpu.memory_space<vmem>> -> memref<1x128x128xf32, #tpu.memory_space<vmem>>
      %dma_start3A_188 = tpu.memref_squeeze %dma_start3A_187 : memref<1x128x128xf32, #tpu.memory_space<vmem>> -> memref<128x128xf32, #tpu.memory_space<vmem>>
      %dma_start3A_189 = arith.constant 0 : i32
      %dma_start3A_190 = tpu.memref_slice %arg5[%add3A_183, %dma_start3A_189] : memref<40x128xi32, #tpu.memory_space<vmem>> -> memref<1x128xi32, #tpu.memory_space<vmem>>
      %dma_start3A_191 = tpu.memref_squeeze %dma_start3A_190 : memref<1x128xi32, #tpu.memory_space<vmem>> -> memref<128xi32, #tpu.memory_space<vmem>>
      %dma_start3A_192 = arith.constant 0 : i32
      %dma_start3A_193 = arith.constant 0 : i32
      %dma_start3A_194 = tpu.memref_slice %arg2[%dma_start3A_192, %dma_start3A_193] : memref<10000x128xf32, #tpu.memory_space<hbm>> -> memref<10000x128xf32, #tpu.memory_space<hbm>>
      tpu.enqueue_indirect_dma source(%dma_start3A_194 : memref<10000x128xf32, #tpu.memory_space<hbm>>) target(%dma_start3A_188 : memref<128x128xf32, #tpu.memory_space<vmem>>) offsets(%dma_start3A_191 : memref<128xi32, #tpu.memory_space<vmem>>) semaphore(%arg7 : memref<!tpu.dma_semaphore, #tpu.memory_space<semaphore_mem>>)
      %add3A_195 = arith.constant 1 : i32
      %add3A_196 = arith.addi %mul3A_160, %add3A_195 : i32
      %dma_wait3A_197 = arith.constant 1 : i32
      %dma_wait3A_198 = arith.constant 0 : i32
      %dma_wait3A_199 = arith.constant 0 : i32
      %dma_wait3A_200 = tpu.memref_slice %arg6[%dma_wait3A_197, %dma_wait3A_198, %dma_wait3A_199] : memref<5x128x128xf32, #tpu.memory_space<vmem>> -> memref<1x128x128xf32, #tpu.memory_space<vmem>>
      %dma_wait3A_201 = tpu.memref_squeeze %dma_wait3A_200 : memref<1x128x128xf32, #tpu.memory_space<vmem>> -> memref<128x128xf32, #tpu.memory_space<vmem>>
      %dma_wait3A_202 = arith.constant 0 : i32
      %dma_wait3A_203 = tpu.memref_slice %arg5[%add3A_196, %dma_wait3A_202] : memref<40x128xi32, #tpu.memory_space<vmem>> -> memref<1x128xi32, #tpu.memory_space<vmem>>
      %dma_wait3A_204 = tpu.memref_squeeze %dma_wait3A_203 : memref<1x128xi32, #tpu.memory_space<vmem>> -> memref<128xi32, #tpu.memory_space<vmem>>
      %dma_wait3A_205 = arith.constant 0 : i32
      %dma_wait3A_206 = arith.constant 0 : i32
      %dma_wait3A_207 = tpu.memref_slice %arg2[%dma_wait3A_205, %dma_wait3A_206] : memref<10000x128xf32, #tpu.memory_space<hbm>> -> memref<10000x128xf32, #tpu.memory_space<hbm>>
      tpu.wait_indirect_dma semaphore(%arg8 : memref<!tpu.dma_semaphore, #tpu.memory_space<semaphore_mem>>) src(%dma_wait3A_207 : memref<10000x128xf32, #tpu.memory_space<hbm>>) dst(%dma_wait3A_201 : memref<128x128xf32, #tpu.memory_space<vmem>>)
      %mul3A_208 = arith.constant 5000 : i32
      %mul3A_209 = arith.muli %add3A, %mul3A_208 : i32
      %mul3A_210 = arith.constant 128 : i32
      %mul3A_211 = arith.muli %add3A_196, %mul3A_210 : i32
      %min3A_212 = arith.constant 4872 : i32
      %min3A_213 = arith.minsi %mul3A_211, %min3A_212 : i32
      %add3A_214 = arith.addi %mul3A_209, %min3A_213 : i32
      %run_scoped3A_215 = arith.constant 1 : i32
      "tpu.region"() ({
        %run_scoped3A_331 = tpu.sem_alloc : memref<!tpu.dma_semaphore, #tpu.memory_space<semaphore_mem>>
        %dma_start3A_332 = arith.constant 0 : i32
        %dma_start3A_333 = arith.constant 0 : i32
        %dma_start3A_334 = tpu.memref_slice %arg6[%run_scoped3A_215, %dma_start3A_332, %dma_start3A_333] : memref<5x128x128xf32, #tpu.memory_space<vmem>> -> memref<1x128x128xf32, #tpu.memory_space<vmem>>
        %dma_start3A_335 = tpu.memref_squeeze %dma_start3A_334 : memref<1x128x128xf32, #tpu.memory_space<vmem>> -> memref<128x128xf32, #tpu.memory_space<vmem>>
        %dma_start3A_336 = arith.constant 0 : i32
        %dma_start3A_337 = tpu.memref_slice %arg4[%add3A_214, %dma_start3A_336] : memref<160000x128xf32, #tpu.memory_space<hbm>> -> memref<128x128xf32, #tpu.memory_space<hbm>>
        %dma_start3A_338 = arith.constant 0 : i32
        %dma_start3A_339 = tpu.memref_slice %arg4[%add3A_214, %dma_start3A_338] : memref<160000x128xf32, #tpu.memory_space<hbm>> -> memref<128x128xf32, #tpu.memory_space<hbm>>
        %dma_start3A_340 = arith.constant 0 : i32
        %dma_start3A_341 = arith.constant 0 : i32
        %dma_start3A_342 = tpu.memref_slice %arg6[%run_scoped3A_215, %dma_start3A_340, %dma_start3A_341] : memref<5x128x128xf32, #tpu.memory_space<vmem>> -> memref<1x128x128xf32, #tpu.memory_space<vmem>>
        %dma_start3A_343 = tpu.memref_squeeze %dma_start3A_342 : memref<1x128x128xf32, #tpu.memory_space<vmem>> -> memref<128x128xf32, #tpu.memory_space<vmem>>
        tpu.enqueue_dma source(%dma_start3A_343 : memref<128x128xf32, #tpu.memory_space<vmem>>) target(%dma_start3A_339 : memref<128x128xf32, #tpu.memory_space<hbm>>) target_semaphore(%run_scoped3A_331 : memref<!tpu.dma_semaphore, #tpu.memory_space<semaphore_mem>>)
        %dma_wait3A_344 = arith.constant 0 : i32
        %dma_wait3A_345 = arith.constant 0 : i32
        %dma_wait3A_346 = tpu.memref_slice %arg6[%run_scoped3A_215, %dma_wait3A_344, %dma_wait3A_345] : memref<5x128x128xf32, #tpu.memory_space<vmem>> -> memref<1x128x128xf32, #tpu.memory_space<vmem>>
        %dma_wait3A_347 = tpu.memref_squeeze %dma_wait3A_346 : memref<1x128x128xf32, #tpu.memory_space<vmem>> -> memref<128x128xf32, #tpu.memory_space<vmem>>
        %dma_wait3A_348 = arith.constant 0 : i32
        %dma_wait3A_349 = tpu.memref_slice %arg4[%add3A_214, %dma_wait3A_348] : memref<160000x128xf32, #tpu.memory_space<hbm>> -> memref<128x128xf32, #tpu.memory_space<hbm>>
        %dma_wait3A_350 = arith.constant 0 : i32
        %dma_wait3A_351 = tpu.memref_slice %arg4[%add3A_214, %dma_wait3A_350] : memref<160000x128xf32, #tpu.memory_space<hbm>> -> memref<128x128xf32, #tpu.memory_space<hbm>>
        %dma_wait3A_352 = arith.constant 0 : i32
        %dma_wait3A_353 = arith.constant 0 : i32
        %dma_wait3A_354 = tpu.memref_slice %arg6[%run_scoped3A_215, %dma_wait3A_352, %dma_wait3A_353] : memref<5x128x128xf32, #tpu.memory_space<vmem>> -> memref<1x128x128xf32, #tpu.memory_space<vmem>>
        %dma_wait3A_355 = tpu.memref_squeeze %dma_wait3A_354 : memref<1x128x128xf32, #tpu.memory_space<vmem>> -> memref<128x128xf32, #tpu.memory_space<vmem>>
        tpu.wait_dma2 semaphore(%run_scoped3A_331 : memref<!tpu.dma_semaphore, #tpu.memory_space<semaphore_mem>>) src(%dma_wait3A_355 : memref<128x128xf32, #tpu.memory_space<vmem>>) dst(%dma_wait3A_351 : memref<128x128xf32, #tpu.memory_space<hbm>>)
        tpu.yield
      }) : () -> ()
      %add3A_216 = arith.constant 5 : i32
      %add3A_217 = arith.addi %add3A_196, %add3A_216 : i32
      %dma_start3A_218 = arith.constant 1 : i32
      %dma_start3A_219 = arith.constant 0 : i32
      %dma_start3A_220 = arith.constant 0 : i32
      %dma_start3A_221 = tpu.memref_slice %arg6[%dma_start3A_218, %dma_start3A_219, %dma_start3A_220] : memref<5x128x128xf32, #tpu.memory_space<vmem>> -> memref<1x128x128xf32, #tpu.memory_space<vmem>>
      %dma_start3A_222 = tpu.memref_squeeze %dma_start3A_221 : memref<1x128x128xf32, #tpu.memory_space<vmem>> -> memref<128x128xf32, #tpu.memory_space<vmem>>
      %dma_start3A_223 = arith.constant 0 : i32
      %dma_start3A_224 = tpu.memref_slice %arg5[%add3A_217, %dma_start3A_223] : memref<40x128xi32, #tpu.memory_space<vmem>> -> memref<1x128xi32, #tpu.memory_space<vmem>>
      %dma_start3A_225 = tpu.memref_squeeze %dma_start3A_224 : memref<1x128xi32, #tpu.memory_space<vmem>> -> memref<128xi32, #tpu.memory_space<vmem>>
      %dma_start3A_226 = arith.constant 0 : i32
      %dma_start3A_227 = arith.constant 0 : i32
      %dma_start3A_228 = tpu.memref_slice %arg2[%dma_start3A_226, %dma_start3A_227] : memref<10000x128xf32, #tpu.memory_space<hbm>> -> memref<10000x128xf32, #tpu.memory_space<hbm>>
      tpu.enqueue_indirect_dma source(%dma_start3A_228 : memref<10000x128xf32, #tpu.memory_space<hbm>>) target(%dma_start3A_222 : memref<128x128xf32, #tpu.memory_space<vmem>>) offsets(%dma_start3A_225 : memref<128xi32, #tpu.memory_space<vmem>>) semaphore(%arg8 : memref<!tpu.dma_semaphore, #tpu.memory_space<semaphore_mem>>)
      %add3A_229 = arith.constant 2 : i32
      %add3A_230 = arith.addi %mul3A_160, %add3A_229 : i32
      %dma_wait3A_231 = arith.constant 2 : i32
      %dma_wait3A_232 = arith.constant 0 : i32
      %dma_wait3A_233 = arith.constant 0 : i32
      %dma_wait3A_234 = tpu.memref_slice %arg6[%dma_wait3A_231, %dma_wait3A_232, %dma_wait3A_233] : memref<5x128x128xf32, #tpu.memory_space<vmem>> -> memref<1x128x128xf32, #tpu.memory_space<vmem>>
      %dma_wait3A_235 = tpu.memref_squeeze %dma_wait3A_234 : memref<1x128x128xf32, #tpu.memory_space<vmem>> -> memref<128x128xf32, #tpu.memory_space<vmem>>
      %dma_wait3A_236 = arith.constant 0 : i32
      %dma_wait3A_237 = tpu.memref_slice %arg5[%add3A_230, %dma_wait3A_236] : memref<40x128xi32, #tpu.memory_space<vmem>> -> memref<1x128xi32, #tpu.memory_space<vmem>>
      %dma_wait3A_238 = tpu.memref_squeeze %dma_wait3A_237 : memref<1x128xi32, #tpu.memory_space<vmem>> -> memref<128xi32, #tpu.memory_space<vmem>>
      %dma_wait3A_239 = arith.constant 0 : i32
      %dma_wait3A_240 = arith.constant 0 : i32
      %dma_wait3A_241 = tpu.memref_slice %arg2[%dma_wait3A_239, %dma_wait3A_240] : memref<10000x128xf32, #tpu.memory_space<hbm>> -> memref<10000x128xf32, #tpu.memory_space<hbm>>
      tpu.wait_indirect_dma semaphore(%arg9 : memref<!tpu.dma_semaphore, #tpu.memory_space<semaphore_mem>>) src(%dma_wait3A_241 : memref<10000x128xf32, #tpu.memory_space<hbm>>) dst(%dma_wait3A_235 : memref<128x128xf32, #tpu.memory_space<vmem>>)
      %mul3A_242 = arith.constant 5000 : i32
      %mul3A_243 = arith.muli %add3A, %mul3A_242 : i32
      %mul3A_244 = arith.constant 128 : i32
      %mul3A_245 = arith.muli %add3A_230, %mul3A_244 : i32
      %min3A_246 = arith.constant 4872 : i32
      %min3A_247 = arith.minsi %mul3A_245, %min3A_246 : i32
      %add3A_248 = arith.addi %mul3A_243, %min3A_247 : i32
      %run_scoped3A_249 = arith.constant 2 : i32
      "tpu.region"() ({
        %run_scoped3A_331 = tpu.sem_alloc : memref<!tpu.dma_semaphore, #tpu.memory_space<semaphore_mem>>
        %dma_start3A_332 = arith.constant 0 : i32
        %dma_start3A_333 = arith.constant 0 : i32
        %dma_start3A_334 = tpu.memref_slice %arg6[%run_scoped3A_249, %dma_start3A_332, %dma_start3A_333] : memref<5x128x128xf32, #tpu.memory_space<vmem>> -> memref<1x128x128xf32, #tpu.memory_space<vmem>>
        %dma_start3A_335 = tpu.memref_squeeze %dma_start3A_334 : memref<1x128x128xf32, #tpu.memory_space<vmem>> -> memref<128x128xf32, #tpu.memory_space<vmem>>
        %dma_start3A_336 = arith.constant 0 : i32
        %dma_start3A_337 = tpu.memref_slice %arg4[%add3A_248, %dma_start3A_336] : memref<160000x128xf32, #tpu.memory_space<hbm>> -> memref<128x128xf32, #tpu.memory_space<hbm>>
        %dma_start3A_338 = arith.constant 0 : i32
        %dma_start3A_339 = tpu.memref_slice %arg4[%add3A_248, %dma_start3A_338] : memref<160000x128xf32, #tpu.memory_space<hbm>> -> memref<128x128xf32, #tpu.memory_space<hbm>>
        %dma_start3A_340 = arith.constant 0 : i32
        %dma_start3A_341 = arith.constant 0 : i32
        %dma_start3A_342 = tpu.memref_slice %arg6[%run_scoped3A_249, %dma_start3A_340, %dma_start3A_341] : memref<5x128x128xf32, #tpu.memory_space<vmem>> -> memref<1x128x128xf32, #tpu.memory_space<vmem>>
        %dma_start3A_343 = tpu.memref_squeeze %dma_start3A_342 : memref<1x128x128xf32, #tpu.memory_space<vmem>> -> memref<128x128xf32, #tpu.memory_space<vmem>>
        tpu.enqueue_dma source(%dma_start3A_343 : memref<128x128xf32, #tpu.memory_space<vmem>>) target(%dma_start3A_339 : memref<128x128xf32, #tpu.memory_space<hbm>>) target_semaphore(%run_scoped3A_331 : memref<!tpu.dma_semaphore, #tpu.memory_space<semaphore_mem>>)
        %dma_wait3A_344 = arith.constant 0 : i32
        %dma_wait3A_345 = arith.constant 0 : i32
        %dma_wait3A_346 = tpu.memref_slice %arg6[%run_scoped3A_249, %dma_wait3A_344, %dma_wait3A_345] : memref<5x128x128xf32, #tpu.memory_space<vmem>> -> memref<1x128x128xf32, #tpu.memory_space<vmem>>
        %dma_wait3A_347 = tpu.memref_squeeze %dma_wait3A_346 : memref<1x128x128xf32, #tpu.memory_space<vmem>> -> memref<128x128xf32, #tpu.memory_space<vmem>>
        %dma_wait3A_348 = arith.constant 0 : i32
        %dma_wait3A_349 = tpu.memref_slice %arg4[%add3A_248, %dma_wait3A_348] : memref<160000x128xf32, #tpu.memory_space<hbm>> -> memref<128x128xf32, #tpu.memory_space<hbm>>
        %dma_wait3A_350 = arith.constant 0 : i32
        %dma_wait3A_351 = tpu.memref_slice %arg4[%add3A_248, %dma_wait3A_350] : memref<160000x128xf32, #tpu.memory_space<hbm>> -> memref<128x128xf32, #tpu.memory_space<hbm>>
        %dma_wait3A_352 = arith.constant 0 : i32
        %dma_wait3A_353 = arith.constant 0 : i32
        %dma_wait3A_354 = tpu.memref_slice %arg6[%run_scoped3A_249, %dma_wait3A_352, %dma_wait3A_353] : memref<5x128x128xf32, #tpu.memory_space<vmem>> -> memref<1x128x128xf32, #tpu.memory_space<vmem>>
        %dma_wait3A_355 = tpu.memref_squeeze %dma_wait3A_354 : memref<1x128x128xf32, #tpu.memory_space<vmem>> -> memref<128x128xf32, #tpu.memory_space<vmem>>
        tpu.wait_dma2 semaphore(%run_scoped3A_331 : memref<!tpu.dma_semaphore, #tpu.memory_space<semaphore_mem>>) src(%dma_wait3A_355 : memref<128x128xf32, #tpu.memory_space<vmem>>) dst(%dma_wait3A_351 : memref<128x128xf32, #tpu.memory_space<hbm>>)
        tpu.yield
      }) : () -> ()
      %add3A_250 = arith.constant 5 : i32
      %add3A_251 = arith.addi %add3A_230, %add3A_250 : i32
      %dma_start3A_252 = arith.constant 2 : i32
      %dma_start3A_253 = arith.constant 0 : i32
      %dma_start3A_254 = arith.constant 0 : i32
      %dma_start3A_255 = tpu.memref_slice %arg6[%dma_start3A_252, %dma_start3A_253, %dma_start3A_254] : memref<5x128x128xf32, #tpu.memory_space<vmem>> -> memref<1x128x128xf32, #tpu.memory_space<vmem>>
      %dma_start3A_256 = tpu.memref_squeeze %dma_start3A_255 : memref<1x128x128xf32, #tpu.memory_space<vmem>> -> memref<128x128xf32, #tpu.memory_space<vmem>>
      %dma_start3A_257 = arith.constant 0 : i32
      %dma_start3A_258 = tpu.memref_slice %arg5[%add3A_251, %dma_start3A_257] : memref<40x128xi32, #tpu.memory_space<vmem>> -> memref<1x128xi32, #tpu.memory_space<vmem>>
      %dma_start3A_259 = tpu.memref_squeeze %dma_start3A_258 : memref<1x128xi32, #tpu.memory_space<vmem>> -> memref<128xi32, #tpu.memory_space<vmem>>
      %dma_start3A_260 = arith.constant 0 : i32
      %dma_start3A_261 = arith.constant 0 : i32
      %dma_start3A_262 = tpu.memref_slice %arg2[%dma_start3A_260, %dma_start3A_261] : memref<10000x128xf32, #tpu.memory_space<hbm>> -> memref<10000x128xf32, #tpu.memory_space<hbm>>
      tpu.enqueue_indirect_dma source(%dma_start3A_262 : memref<10000x128xf32, #tpu.memory_space<hbm>>) target(%dma_start3A_256 : memref<128x128xf32, #tpu.memory_space<vmem>>) offsets(%dma_start3A_259 : memref<128xi32, #tpu.memory_space<vmem>>) semaphore(%arg9 : memref<!tpu.dma_semaphore, #tpu.memory_space<semaphore_mem>>)
      %add3A_263 = arith.constant 3 : i32
      %add3A_264 = arith.addi %mul3A_160, %add3A_263 : i32
      %dma_wait3A_265 = arith.constant 3 : i32
      %dma_wait3A_266 = arith.constant 0 : i32
      %dma_wait3A_267 = arith.constant 0 : i32
      %dma_wait3A_268 = tpu.memref_slice %arg6[%dma_wait3A_265, %dma_wait3A_266, %dma_wait3A_267] : memref<5x128x128xf32, #tpu.memory_space<vmem>> -> memref<1x128x128xf32, #tpu.memory_space<vmem>>
      %dma_wait3A_269 = tpu.memref_squeeze %dma_wait3A_268 : memref<1x128x128xf32, #tpu.memory_space<vmem>> -> memref<128x128xf32, #tpu.memory_space<vmem>>
      %dma_wait3A_270 = arith.constant 0 : i32
      %dma_wait3A_271 = tpu.memref_slice %arg5[%add3A_264, %dma_wait3A_270] : memref<40x128xi32, #tpu.memory_space<vmem>> -> memref<1x128xi32, #tpu.memory_space<vmem>>
      %dma_wait3A_272 = tpu.memref_squeeze %dma_wait3A_271 : memref<1x128xi32, #tpu.memory_space<vmem>> -> memref<128xi32, #tpu.memory_space<vmem>>
      %dma_wait3A_273 = arith.constant 0 : i32
      %dma_wait3A_274 = arith.constant 0 : i32
      %dma_wait3A_275 = tpu.memref_slice %arg2[%dma_wait3A_273, %dma_wait3A_274] : memref<10000x128xf32, #tpu.memory_space<hbm>> -> memref<10000x128xf32, #tpu.memory_space<hbm>>
      tpu.wait_indirect_dma semaphore(%arg10 : memref<!tpu.dma_semaphore, #tpu.memory_space<semaphore_mem>>) src(%dma_wait3A_275 : memref<10000x128xf32, #tpu.memory_space<hbm>>) dst(%dma_wait3A_269 : memref<128x128xf32, #tpu.memory_space<vmem>>)
      %mul3A_276 = arith.constant 5000 : i32
      %mul3A_277 = arith.muli %add3A, %mul3A_276 : i32
      %mul3A_278 = arith.constant 128 : i32
      %mul3A_279 = arith.muli %add3A_264, %mul3A_278 : i32
      %min3A_280 = arith.constant 4872 : i32
      %min3A_281 = arith.minsi %mul3A_279, %min3A_280 : i32
      %add3A_282 = arith.addi %mul3A_277, %min3A_281 : i32
      %run_scoped3A_283 = arith.constant 3 : i32
      "tpu.region"() ({
        %run_scoped3A_331 = tpu.sem_alloc : memref<!tpu.dma_semaphore, #tpu.memory_space<semaphore_mem>>
        %dma_start3A_332 = arith.constant 0 : i32
        %dma_start3A_333 = arith.constant 0 : i32
        %dma_start3A_334 = tpu.memref_slice %arg6[%run_scoped3A_283, %dma_start3A_332, %dma_start3A_333] : memref<5x128x128xf32, #tpu.memory_space<vmem>> -> memref<1x128x128xf32, #tpu.memory_space<vmem>>
        %dma_start3A_335 = tpu.memref_squeeze %dma_start3A_334 : memref<1x128x128xf32, #tpu.memory_space<vmem>> -> memref<128x128xf32, #tpu.memory_space<vmem>>
        %dma_start3A_336 = arith.constant 0 : i32
        %dma_start3A_337 = tpu.memref_slice %arg4[%add3A_282, %dma_start3A_336] : memref<160000x128xf32, #tpu.memory_space<hbm>> -> memref<128x128xf32, #tpu.memory_space<hbm>>
        %dma_start3A_338 = arith.constant 0 : i32
        %dma_start3A_339 = tpu.memref_slice %arg4[%add3A_282, %dma_start3A_338] : memref<160000x128xf32, #tpu.memory_space<hbm>> -> memref<128x128xf32, #tpu.memory_space<hbm>>
        %dma_start3A_340 = arith.constant 0 : i32
        %dma_start3A_341 = arith.constant 0 : i32
        %dma_start3A_342 = tpu.memref_slice %arg6[%run_scoped3A_283, %dma_start3A_340, %dma_start3A_341] : memref<5x128x128xf32, #tpu.memory_space<vmem>> -> memref<1x128x128xf32, #tpu.memory_space<vmem>>
        %dma_start3A_343 = tpu.memref_squeeze %dma_start3A_342 : memref<1x128x128xf32, #tpu.memory_space<vmem>> -> memref<128x128xf32, #tpu.memory_space<vmem>>
        tpu.enqueue_dma source(%dma_start3A_343 : memref<128x128xf32, #tpu.memory_space<vmem>>) target(%dma_start3A_339 : memref<128x128xf32, #tpu.memory_space<hbm>>) target_semaphore(%run_scoped3A_331 : memref<!tpu.dma_semaphore, #tpu.memory_space<semaphore_mem>>)
        %dma_wait3A_344 = arith.constant 0 : i32
        %dma_wait3A_345 = arith.constant 0 : i32
        %dma_wait3A_346 = tpu.memref_slice %arg6[%run_scoped3A_283, %dma_wait3A_344, %dma_wait3A_345] : memref<5x128x128xf32, #tpu.memory_space<vmem>> -> memref<1x128x128xf32, #tpu.memory_space<vmem>>
        %dma_wait3A_347 = tpu.memref_squeeze %dma_wait3A_346 : memref<1x128x128xf32, #tpu.memory_space<vmem>> -> memref<128x128xf32, #tpu.memory_space<vmem>>
        %dma_wait3A_348 = arith.constant 0 : i32
        %dma_wait3A_349 = tpu.memref_slice %arg4[%add3A_282, %dma_wait3A_348] : memref<160000x128xf32, #tpu.memory_space<hbm>> -> memref<128x128xf32, #tpu.memory_space<hbm>>
        %dma_wait3A_350 = arith.constant 0 : i32
        %dma_wait3A_351 = tpu.memref_slice %arg4[%add3A_282, %dma_wait3A_350] : memref<160000x128xf32, #tpu.memory_space<hbm>> -> memref<128x128xf32, #tpu.memory_space<hbm>>
        %dma_wait3A_352 = arith.constant 0 : i32
        %dma_wait3A_353 = arith.constant 0 : i32
        %dma_wait3A_354 = tpu.memref_slice %arg6[%run_scoped3A_283, %dma_wait3A_352, %dma_wait3A_353] : memref<5x128x128xf32, #tpu.memory_space<vmem>> -> memref<1x128x128xf32, #tpu.memory_space<vmem>>
        %dma_wait3A_355 = tpu.memref_squeeze %dma_wait3A_354 : memref<1x128x128xf32, #tpu.memory_space<vmem>> -> memref<128x128xf32, #tpu.memory_space<vmem>>
        tpu.wait_dma2 semaphore(%run_scoped3A_331 : memref<!tpu.dma_semaphore, #tpu.memory_space<semaphore_mem>>) src(%dma_wait3A_355 : memref<128x128xf32, #tpu.memory_space<vmem>>) dst(%dma_wait3A_351 : memref<128x128xf32, #tpu.memory_space<hbm>>)
        tpu.yield
      }) : () -> ()
      %add3A_284 = arith.constant 5 : i32
      %add3A_285 = arith.addi %add3A_264, %add3A_284 : i32
      %dma_start3A_286 = arith.constant 3 : i32
      %dma_start3A_287 = arith.constant 0 : i32
      %dma_start3A_288 = arith.constant 0 : i32
      %dma_start3A_289 = tpu.memref_slice %arg6[%dma_start3A_286, %dma_start3A_287, %dma_start3A_288] : memref<5x128x128xf32, #tpu.memory_space<vmem>> -> memref<1x128x128xf32, #tpu.memory_space<vmem>>
      %dma_start3A_290 = tpu.memref_squeeze %dma_start3A_289 : memref<1x128x128xf32, #tpu.memory_space<vmem>> -> memref<128x128xf32, #tpu.memory_space<vmem>>
      %dma_start3A_291 = arith.constant 0 : i32
      %dma_start3A_292 = tpu.memref_slice %arg5[%add3A_285, %dma_start3A_291] : memref<40x128xi32, #tpu.memory_space<vmem>> -> memref<1x128xi32, #tpu.memory_space<vmem>>
      %dma_start3A_293 = tpu.memref_squeeze %dma_start3A_292 : memref<1x128xi32, #tpu.memory_space<vmem>> -> memref<128xi32, #tpu.memory_space<vmem>>
      %dma_start3A_294 = arith.constant 0 : i32
      %dma_start3A_295 = arith.constant 0 : i32
      %dma_start3A_296 = tpu.memref_slice %arg2[%dma_start3A_294, %dma_start3A_295] : memref<10000x128xf32, #tpu.memory_space<hbm>> -> memref<10000x128xf32, #tpu.memory_space<hbm>>
      tpu.enqueue_indirect_dma source(%dma_start3A_296 : memref<10000x128xf32, #tpu.memory_space<hbm>>) target(%dma_start3A_290 : memref<128x128xf32, #tpu.memory_space<vmem>>) offsets(%dma_start3A_293 : memref<128xi32, #tpu.memory_space<vmem>>) semaphore(%arg10 : memref<!tpu.dma_semaphore, #tpu.memory_space<semaphore_mem>>)
      %add3A_297 = arith.constant 4 : i32
      %add3A_298 = arith.addi %mul3A_160, %add3A_297 : i32
      %dma_wait3A_299 = arith.constant 4 : i32
      %dma_wait3A_300 = arith.constant 0 : i32
      %dma_wait3A_301 = arith.constant 0 : i32
      %dma_wait3A_302 = tpu.memref_slice %arg6[%dma_wait3A_299, %dma_wait3A_300, %dma_wait3A_301] : memref<5x128x128xf32, #tpu.memory_space<vmem>> -> memref<1x128x128xf32, #tpu.memory_space<vmem>>
      %dma_wait3A_303 = tpu.memref_squeeze %dma_wait3A_302 : memref<1x128x128xf32, #tpu.memory_space<vmem>> -> memref<128x128xf32, #tpu.memory_space<vmem>>
      %dma_wait3A_304 = arith.constant 0 : i32
      %dma_wait3A_305 = tpu.memref_slice %arg5[%add3A_298, %dma_wait3A_304] : memref<40x128xi32, #tpu.memory_space<vmem>> -> memref<1x128xi32, #tpu.memory_space<vmem>>
      %dma_wait3A_306 = tpu.memref_squeeze %dma_wait3A_305 : memref<1x128xi32, #tpu.memory_space<vmem>> -> memref<128xi32, #tpu.memory_space<vmem>>
      %dma_wait3A_307 = arith.constant 0 : i32
      %dma_wait3A_308 = arith.constant 0 : i32
      %dma_wait3A_309 = tpu.memref_slice %arg2[%dma_wait3A_307, %dma_wait3A_308] : memref<10000x128xf32, #tpu.memory_space<hbm>> -> memref<10000x128xf32, #tpu.memory_space<hbm>>
      tpu.wait_indirect_dma semaphore(%arg11 : memref<!tpu.dma_semaphore, #tpu.memory_space<semaphore_mem>>) src(%dma_wait3A_309 : memref<10000x128xf32, #tpu.memory_space<hbm>>) dst(%dma_wait3A_303 : memref<128x128xf32, #tpu.memory_space<vmem>>)
      %mul3A_310 = arith.constant 5000 : i32
      %mul3A_311 = arith.muli %add3A, %mul3A_310 : i32
      %mul3A_312 = arith.constant 128 : i32
      %mul3A_313 = arith.muli %add3A_298, %mul3A_312 : i32
      %min3A_314 = arith.constant 4872 : i32
      %min3A_315 = arith.minsi %mul3A_313, %min3A_314 : i32
      %add3A_316 = arith.addi %mul3A_311, %min3A_315 : i32
      %run_scoped3A_317 = arith.constant 4 : i32
      "tpu.region"() ({
        %run_scoped3A_331 = tpu.sem_alloc : memref<!tpu.dma_semaphore, #tpu.memory_space<semaphore_mem>>
        %dma_start3A_332 = arith.constant 0 : i32
        %dma_start3A_333 = arith.constant 0 : i32
        %dma_start3A_334 = tpu.memref_slice %arg6[%run_scoped3A_317, %dma_start3A_332, %dma_start3A_333] : memref<5x128x128xf32, #tpu.memory_space<vmem>> -> memref<1x128x128xf32, #tpu.memory_space<vmem>>
        %dma_start3A_335 = tpu.memref_squeeze %dma_start3A_334 : memref<1x128x128xf32, #tpu.memory_space<vmem>> -> memref<128x128xf32, #tpu.memory_space<vmem>>
        %dma_start3A_336 = arith.constant 0 : i32
        %dma_start3A_337 = tpu.memref_slice %arg4[%add3A_316, %dma_start3A_336] : memref<160000x128xf32, #tpu.memory_space<hbm>> -> memref<128x128xf32, #tpu.memory_space<hbm>>
        %dma_start3A_338 = arith.constant 0 : i32
        %dma_start3A_339 = tpu.memref_slice %arg4[%add3A_316, %dma_start3A_338] : memref<160000x128xf32, #tpu.memory_space<hbm>> -> memref<128x128xf32, #tpu.memory_space<hbm>>
        %dma_start3A_340 = arith.constant 0 : i32
        %dma_start3A_341 = arith.constant 0 : i32
        %dma_start3A_342 = tpu.memref_slice %arg6[%run_scoped3A_317, %dma_start3A_340, %dma_start3A_341] : memref<5x128x128xf32, #tpu.memory_space<vmem>> -> memref<1x128x128xf32, #tpu.memory_space<vmem>>
        %dma_start3A_343 = tpu.memref_squeeze %dma_start3A_342 : memref<1x128x128xf32, #tpu.memory_space<vmem>> -> memref<128x128xf32, #tpu.memory_space<vmem>>
        tpu.enqueue_dma source(%dma_start3A_343 : memref<128x128xf32, #tpu.memory_space<vmem>>) target(%dma_start3A_339 : memref<128x128xf32, #tpu.memory_space<hbm>>) target_semaphore(%run_scoped3A_331 : memref<!tpu.dma_semaphore, #tpu.memory_space<semaphore_mem>>)
        %dma_wait3A_344 = arith.constant 0 : i32
        %dma_wait3A_345 = arith.constant 0 : i32
        %dma_wait3A_346 = tpu.memref_slice %arg6[%run_scoped3A_317, %dma_wait3A_344, %dma_wait3A_345] : memref<5x128x128xf32, #tpu.memory_space<vmem>> -> memref<1x128x128xf32, #tpu.memory_space<vmem>>
        %dma_wait3A_347 = tpu.memref_squeeze %dma_wait3A_346 : memref<1x128x128xf32, #tpu.memory_space<vmem>> -> memref<128x128xf32, #tpu.memory_space<vmem>>
        %dma_wait3A_348 = arith.constant 0 : i32
        %dma_wait3A_349 = tpu.memref_slice %arg4[%add3A_316, %dma_wait3A_348] : memref<160000x128xf32, #tpu.memory_space<hbm>> -> memref<128x128xf32, #tpu.memory_space<hbm>>
        %dma_wait3A_350 = arith.constant 0 : i32
        %dma_wait3A_351 = tpu.memref_slice %arg4[%add3A_316, %dma_wait3A_350] : memref<160000x128xf32, #tpu.memory_space<hbm>> -> memref<128x128xf32, #tpu.memory_space<hbm>>
        %dma_wait3A_352 = arith.constant 0 : i32
        %dma_wait3A_353 = arith.constant 0 : i32
        %dma_wait3A_354 = tpu.memref_slice %arg6[%run_scoped3A_317, %dma_wait3A_352, %dma_wait3A_353] : memref<5x128x128xf32, #tpu.memory_space<vmem>> -> memref<1x128x128xf32, #tpu.memory_space<vmem>>
        %dma_wait3A_355 = tpu.memref_squeeze %dma_wait3A_354 : memref<1x128x128xf32, #tpu.memory_space<vmem>> -> memref<128x128xf32, #tpu.memory_space<vmem>>
        tpu.wait_dma2 semaphore(%run_scoped3A_331 : memref<!tpu.dma_semaphore, #tpu.memory_space<semaphore_mem>>) src(%dma_wait3A_355 : memref<128x128xf32, #tpu.memory_space<vmem>>) dst(%dma_wait3A_351 : memref<128x128xf32, #tpu.memory_space<hbm>>)
        tpu.yield
      }) : () -> ()
      %add3A_318 = arith.constant 5 : i32
      %add3A_319 = arith.addi %add3A_298, %add3A_318 : i32
      %dma_start3A_320 = arith.constant 4 : i32
      %dma_start3A_321 = arith.constant 0 : i32
      %dma_start3A_322 = arith.constant 0 : i32
      %dma_start3A_323 = tpu.memref_slice %arg6[%dma_start3A_320, %dma_start3A_321, %dma_start3A_322] : memref<5x128x128xf32, #tpu.memory_space<vmem>> -> memref<1x128x128xf32, #tpu.memory_space<vmem>>
      %dma_start3A_324 = tpu.memref_squeeze %dma_start3A_323 : memref<1x128x128xf32, #tpu.memory_space<vmem>> -> memref<128x128xf32, #tpu.memory_space<vmem>>
      %dma_start3A_325 = arith.constant 0 : i32
      %dma_start3A_326 = tpu.memref_slice %arg5[%add3A_319, %dma_start3A_325] : memref<40x128xi32, #tpu.memory_space<vmem>> -> memref<1x128xi32, #tpu.memory_space<vmem>>
      %dma_start3A_327 = tpu.memref_squeeze %dma_start3A_326 : memref<1x128xi32, #tpu.memory_space<vmem>> -> memref<128xi32, #tpu.memory_space<vmem>>
      %dma_start3A_328 = arith.constant 0 : i32
      %dma_start3A_329 = arith.constant 0 : i32
      %dma_start3A_330 = tpu.memref_slice %arg2[%dma_start3A_328, %dma_start3A_329] : memref<10000x128xf32, #tpu.memory_space<hbm>> -> memref<10000x128xf32, #tpu.memory_space<hbm>>
      tpu.enqueue_indirect_dma source(%dma_start3A_330 : memref<10000x128xf32, #tpu.memory_space<hbm>>) target(%dma_start3A_324 : memref<128x128xf32, #tpu.memory_space<vmem>>) offsets(%dma_start3A_327 : memref<128xi32, #tpu.memory_space<vmem>>) semaphore(%arg11 : memref<!tpu.dma_semaphore, #tpu.memory_space<semaphore_mem>>)
    }
    %scan3A_65 = arith.constant 7 : i32
    %dma_wait3A = arith.constant 35 : i32
    %dma_wait3A_66 = arith.constant 0 : i32
    %dma_wait3A_67 = arith.constant 0 : i32
    %dma_wait3A_68 = arith.constant 0 : i32
    %dma_wait3A_69 = tpu.memref_slice %arg6[%dma_wait3A_66, %dma_wait3A_67, %dma_wait3A_68] : memref<5x128x128xf32, #tpu.memory_space<vmem>> -> memref<1x128x128xf32, #tpu.memory_space<vmem>>
    %dma_wait3A_70 = tpu.memref_squeeze %dma_wait3A_69 : memref<1x128x128xf32, #tpu.memory_space<vmem>> -> memref<128x128xf32, #tpu.memory_space<vmem>>
    %dma_wait3A_71 = arith.constant 0 : i32
    %dma_wait3A_72 = tpu.memref_slice %arg5[%dma_wait3A, %dma_wait3A_71] : memref<40x128xi32, #tpu.memory_space<vmem>> -> memref<1x128xi32, #tpu.memory_space<vmem>>
    %dma_wait3A_73 = tpu.memref_squeeze %dma_wait3A_72 : memref<1x128xi32, #tpu.memory_space<vmem>> -> memref<128xi32, #tpu.memory_space<vmem>>
    %dma_wait3A_74 = arith.constant 0 : i32
    %dma_wait3A_75 = arith.constant 0 : i32
    %dma_wait3A_76 = tpu.memref_slice %arg2[%dma_wait3A_74, %dma_wait3A_75] : memref<10000x128xf32, #tpu.memory_space<hbm>> -> memref<10000x128xf32, #tpu.memory_space<hbm>>
    tpu.wait_indirect_dma semaphore(%arg7 : memref<!tpu.dma_semaphore, #tpu.memory_space<semaphore_mem>>) src(%dma_wait3A_76 : memref<10000x128xf32, #tpu.memory_space<hbm>>) dst(%dma_wait3A_70 : memref<128x128xf32, #tpu.memory_space<vmem>>)
    %mul3A_77 = arith.constant 5000 : i32
    %mul3A_78 = arith.muli %add3A, %mul3A_77 : i32
    %min3A = arith.constant 4480 : i32
    %min3A_79 = arith.constant 4872 : i32
    %min3A_80 = arith.minsi %min3A, %min3A_79 : i32
    %add3A_81 = arith.addi %mul3A_78, %min3A_80 : i32
    %run_scoped3A = arith.constant 0 : i32
    "tpu.region"() ({
      %run_scoped3A_158 = tpu.sem_alloc : memref<!tpu.dma_semaphore, #tpu.memory_space<semaphore_mem>>
      %dma_start3A_159 = arith.constant 0 : i32
      %dma_start3A_160 = arith.constant 0 : i32
      %dma_start3A_161 = tpu.memref_slice %arg6[%run_scoped3A, %dma_start3A_159, %dma_start3A_160] : memref<5x128x128xf32, #tpu.memory_space<vmem>> -> memref<1x128x128xf32, #tpu.memory_space<vmem>>
      %dma_start3A_162 = tpu.memref_squeeze %dma_start3A_161 : memref<1x128x128xf32, #tpu.memory_space<vmem>> -> memref<128x128xf32, #tpu.memory_space<vmem>>
      %dma_start3A_163 = arith.constant 0 : i32
      %dma_start3A_164 = tpu.memref_slice %arg4[%add3A_81, %dma_start3A_163] : memref<160000x128xf32, #tpu.memory_space<hbm>> -> memref<128x128xf32, #tpu.memory_space<hbm>>
      %dma_start3A_165 = arith.constant 0 : i32
      %dma_start3A_166 = tpu.memref_slice %arg4[%add3A_81, %dma_start3A_165] : memref<160000x128xf32, #tpu.memory_space<hbm>> -> memref<128x128xf32, #tpu.memory_space<hbm>>
      %dma_start3A_167 = arith.constant 0 : i32
      %dma_start3A_168 = arith.constant 0 : i32
      %dma_start3A_169 = tpu.memref_slice %arg6[%run_scoped3A, %dma_start3A_167, %dma_start3A_168] : memref<5x128x128xf32, #tpu.memory_space<vmem>> -> memref<1x128x128xf32, #tpu.memory_space<vmem>>
      %dma_start3A_170 = tpu.memref_squeeze %dma_start3A_169 : memref<1x128x128xf32, #tpu.memory_space<vmem>> -> memref<128x128xf32, #tpu.memory_space<vmem>>
      tpu.enqueue_dma source(%dma_start3A_170 : memref<128x128xf32, #tpu.memory_space<vmem>>) target(%dma_start3A_166 : memref<128x128xf32, #tpu.memory_space<hbm>>) target_semaphore(%run_scoped3A_158 : memref<!tpu.dma_semaphore, #tpu.memory_space<semaphore_mem>>)
      %dma_wait3A_171 = arith.constant 0 : i32
      %dma_wait3A_172 = arith.constant 0 : i32
      %dma_wait3A_173 = tpu.memref_slice %arg6[%run_scoped3A, %dma_wait3A_171, %dma_wait3A_172] : memref<5x128x128xf32, #tpu.memory_space<vmem>> -> memref<1x128x128xf32, #tpu.memory_space<vmem>>
      %dma_wait3A_174 = tpu.memref_squeeze %dma_wait3A_173 : memref<1x128x128xf32, #tpu.memory_space<vmem>> -> memref<128x128xf32, #tpu.memory_space<vmem>>
      %dma_wait3A_175 = arith.constant 0 : i32
      %dma_wait3A_176 = tpu.memref_slice %arg4[%add3A_81, %dma_wait3A_175] : memref<160000x128xf32, #tpu.memory_space<hbm>> -> memref<128x128xf32, #tpu.memory_space<hbm>>
      %dma_wait3A_177 = arith.constant 0 : i32
      %dma_wait3A_178 = tpu.memref_slice %arg4[%add3A_81, %dma_wait3A_177] : memref<160000x128xf32, #tpu.memory_space<hbm>> -> memref<128x128xf32, #tpu.memory_space<hbm>>
      %dma_wait3A_179 = arith.constant 0 : i32
      %dma_wait3A_180 = arith.constant 0 : i32
      %dma_wait3A_181 = tpu.memref_slice %arg6[%run_scoped3A, %dma_wait3A_179, %dma_wait3A_180] : memref<5x128x128xf32, #tpu.memory_space<vmem>> -> memref<1x128x128xf32, #tpu.memory_space<vmem>>
      %dma_wait3A_182 = tpu.memref_squeeze %dma_wait3A_181 : memref<1x128x128xf32, #tpu.memory_space<vmem>> -> memref<128x128xf32, #tpu.memory_space<vmem>>
      tpu.wait_dma2 semaphore(%run_scoped3A_158 : memref<!tpu.dma_semaphore, #tpu.memory_space<semaphore_mem>>) src(%dma_wait3A_182 : memref<128x128xf32, #tpu.memory_space<vmem>>) dst(%dma_wait3A_178 : memref<128x128xf32, #tpu.memory_space<hbm>>)
      tpu.yield
    }) : () -> ()
    %dma_wait3A_82 = arith.constant 36 : i32
    %dma_wait3A_83 = arith.constant 1 : i32
    %dma_wait3A_84 = arith.constant 0 : i32
    %dma_wait3A_85 = arith.constant 0 : i32
    %dma_wait3A_86 = tpu.memref_slice %arg6[%dma_wait3A_83, %dma_wait3A_84, %dma_wait3A_85] : memref<5x128x128xf32, #tpu.memory_space<vmem>> -> memref<1x128x128xf32, #tpu.memory_space<vmem>>
    %dma_wait3A_87 = tpu.memref_squeeze %dma_wait3A_86 : memref<1x128x128xf32, #tpu.memory_space<vmem>> -> memref<128x128xf32, #tpu.memory_space<vmem>>
    %dma_wait3A_88 = arith.constant 0 : i32
    %dma_wait3A_89 = tpu.memref_slice %arg5[%dma_wait3A_82, %dma_wait3A_88] : memref<40x128xi32, #tpu.memory_space<vmem>> -> memref<1x128xi32, #tpu.memory_space<vmem>>
    %dma_wait3A_90 = tpu.memref_squeeze %dma_wait3A_89 : memref<1x128xi32, #tpu.memory_space<vmem>> -> memref<128xi32, #tpu.memory_space<vmem>>
    %dma_wait3A_91 = arith.constant 0 : i32
    %dma_wait3A_92 = arith.constant 0 : i32
    %dma_wait3A_93 = tpu.memref_slice %arg2[%dma_wait3A_91, %dma_wait3A_92] : memref<10000x128xf32, #tpu.memory_space<hbm>> -> memref<10000x128xf32, #tpu.memory_space<hbm>>
    tpu.wait_indirect_dma semaphore(%arg8 : memref<!tpu.dma_semaphore, #tpu.memory_space<semaphore_mem>>) src(%dma_wait3A_93 : memref<10000x128xf32, #tpu.memory_space<hbm>>) dst(%dma_wait3A_87 : memref<128x128xf32, #tpu.memory_space<vmem>>)
    %mul3A_94 = arith.constant 5000 : i32
    %mul3A_95 = arith.muli %add3A, %mul3A_94 : i32
    %min3A_96 = arith.constant 4608 : i32
    %min3A_97 = arith.constant 4872 : i32
    %min3A_98 = arith.minsi %min3A_96, %min3A_97 : i32
    %add3A_99 = arith.addi %mul3A_95, %min3A_98 : i32
    %run_scoped3A_100 = arith.constant 1 : i32
    "tpu.region"() ({
      %run_scoped3A_158 = tpu.sem_alloc : memref<!tpu.dma_semaphore, #tpu.memory_space<semaphore_mem>>
      %dma_start3A_159 = arith.constant 0 : i32
      %dma_start3A_160 = arith.constant 0 : i32
      %dma_start3A_161 = tpu.memref_slice %arg6[%run_scoped3A_100, %dma_start3A_159, %dma_start3A_160] : memref<5x128x128xf32, #tpu.memory_space<vmem>> -> memref<1x128x128xf32, #tpu.memory_space<vmem>>
      %dma_start3A_162 = tpu.memref_squeeze %dma_start3A_161 : memref<1x128x128xf32, #tpu.memory_space<vmem>> -> memref<128x128xf32, #tpu.memory_space<vmem>>
      %dma_start3A_163 = arith.constant 0 : i32
      %dma_start3A_164 = tpu.memref_slice %arg4[%add3A_99, %dma_start3A_163] : memref<160000x128xf32, #tpu.memory_space<hbm>> -> memref<128x128xf32, #tpu.memory_space<hbm>>
      %dma_start3A_165 = arith.constant 0 : i32
      %dma_start3A_166 = tpu.memref_slice %arg4[%add3A_99, %dma_start3A_165] : memref<160000x128xf32, #tpu.memory_space<hbm>> -> memref<128x128xf32, #tpu.memory_space<hbm>>
      %dma_start3A_167 = arith.constant 0 : i32
      %dma_start3A_168 = arith.constant 0 : i32
      %dma_start3A_169 = tpu.memref_slice %arg6[%run_scoped3A_100, %dma_start3A_167, %dma_start3A_168] : memref<5x128x128xf32, #tpu.memory_space<vmem>> -> memref<1x128x128xf32, #tpu.memory_space<vmem>>
      %dma_start3A_170 = tpu.memref_squeeze %dma_start3A_169 : memref<1x128x128xf32, #tpu.memory_space<vmem>> -> memref<128x128xf32, #tpu.memory_space<vmem>>
      tpu.enqueue_dma source(%dma_start3A_170 : memref<128x128xf32, #tpu.memory_space<vmem>>) target(%dma_start3A_166 : memref<128x128xf32, #tpu.memory_space<hbm>>) target_semaphore(%run_scoped3A_158 : memref<!tpu.dma_semaphore, #tpu.memory_space<semaphore_mem>>)
      %dma_wait3A_171 = arith.constant 0 : i32
      %dma_wait3A_172 = arith.constant 0 : i32
      %dma_wait3A_173 = tpu.memref_slice %arg6[%run_scoped3A_100, %dma_wait3A_171, %dma_wait3A_172] : memref<5x128x128xf32, #tpu.memory_space<vmem>> -> memref<1x128x128xf32, #tpu.memory_space<vmem>>
      %dma_wait3A_174 = tpu.memref_squeeze %dma_wait3A_173 : memref<1x128x128xf32, #tpu.memory_space<vmem>> -> memref<128x128xf32, #tpu.memory_space<vmem>>
      %dma_wait3A_175 = arith.constant 0 : i32
      %dma_wait3A_176 = tpu.memref_slice %arg4[%add3A_99, %dma_wait3A_175] : memref<160000x128xf32, #tpu.memory_space<hbm>> -> memref<128x128xf32, #tpu.memory_space<hbm>>
      %dma_wait3A_177 = arith.constant 0 : i32
      %dma_wait3A_178 = tpu.memref_slice %arg4[%add3A_99, %dma_wait3A_177] : memref<160000x128xf32, #tpu.memory_space<hbm>> -> memref<128x128xf32, #tpu.memory_space<hbm>>
      %dma_wait3A_179 = arith.constant 0 : i32
      %dma_wait3A_180 = arith.constant 0 : i32
      %dma_wait3A_181 = tpu.memref_slice %arg6[%run_scoped3A_100, %dma_wait3A_179, %dma_wait3A_180] : memref<5x128x128xf32, #tpu.memory_space<vmem>> -> memref<1x128x128xf32, #tpu.memory_space<vmem>>
      %dma_wait3A_182 = tpu.memref_squeeze %dma_wait3A_181 : memref<1x128x128xf32, #tpu.memory_space<vmem>> -> memref<128x128xf32, #tpu.memory_space<vmem>>
      tpu.wait_dma2 semaphore(%run_scoped3A_158 : memref<!tpu.dma_semaphore, #tpu.memory_space<semaphore_mem>>) src(%dma_wait3A_182 : memref<128x128xf32, #tpu.memory_space<vmem>>) dst(%dma_wait3A_178 : memref<128x128xf32, #tpu.memory_space<hbm>>)
      tpu.yield
    }) : () -> ()
    %dma_wait3A_101 = arith.constant 37 : i32
    %dma_wait3A_102 = arith.constant 2 : i32
    %dma_wait3A_103 = arith.constant 0 : i32
    %dma_wait3A_104 = arith.constant 0 : i32
    %dma_wait3A_105 = tpu.memref_slice %arg6[%dma_wait3A_102, %dma_wait3A_103, %dma_wait3A_104] : memref<5x128x128xf32, #tpu.memory_space<vmem>> -> memref<1x128x128xf32, #tpu.memory_space<vmem>>
    %dma_wait3A_106 = tpu.memref_squeeze %dma_wait3A_105 : memref<1x128x128xf32, #tpu.memory_space<vmem>> -> memref<128x128xf32, #tpu.memory_space<vmem>>
    %dma_wait3A_107 = arith.constant 0 : i32
    %dma_wait3A_108 = tpu.memref_slice %arg5[%dma_wait3A_101, %dma_wait3A_107] : memref<40x128xi32, #tpu.memory_space<vmem>> -> memref<1x128xi32, #tpu.memory_space<vmem>>
    %dma_wait3A_109 = tpu.memref_squeeze %dma_wait3A_108 : memref<1x128xi32, #tpu.memory_space<vmem>> -> memref<128xi32, #tpu.memory_space<vmem>>
    %dma_wait3A_110 = arith.constant 0 : i32
    %dma_wait3A_111 = arith.constant 0 : i32
    %dma_wait3A_112 = tpu.memref_slice %arg2[%dma_wait3A_110, %dma_wait3A_111] : memref<10000x128xf32, #tpu.memory_space<hbm>> -> memref<10000x128xf32, #tpu.memory_space<hbm>>
    tpu.wait_indirect_dma semaphore(%arg9 : memref<!tpu.dma_semaphore, #tpu.memory_space<semaphore_mem>>) src(%dma_wait3A_112 : memref<10000x128xf32, #tpu.memory_space<hbm>>) dst(%dma_wait3A_106 : memref<128x128xf32, #tpu.memory_space<vmem>>)
    %mul3A_113 = arith.constant 5000 : i32
    %mul3A_114 = arith.muli %add3A, %mul3A_113 : i32
    %min3A_115 = arith.constant 4736 : i32
    %min3A_116 = arith.constant 4872 : i32
    %min3A_117 = arith.minsi %min3A_115, %min3A_116 : i32
    %add3A_118 = arith.addi %mul3A_114, %min3A_117 : i32
    %run_scoped3A_119 = arith.constant 2 : i32
    "tpu.region"() ({
      %run_scoped3A_158 = tpu.sem_alloc : memref<!tpu.dma_semaphore, #tpu.memory_space<semaphore_mem>>
      %dma_start3A_159 = arith.constant 0 : i32
      %dma_start3A_160 = arith.constant 0 : i32
      %dma_start3A_161 = tpu.memref_slice %arg6[%run_scoped3A_119, %dma_start3A_159, %dma_start3A_160] : memref<5x128x128xf32, #tpu.memory_space<vmem>> -> memref<1x128x128xf32, #tpu.memory_space<vmem>>
      %dma_start3A_162 = tpu.memref_squeeze %dma_start3A_161 : memref<1x128x128xf32, #tpu.memory_space<vmem>> -> memref<128x128xf32, #tpu.memory_space<vmem>>
      %dma_start3A_163 = arith.constant 0 : i32
      %dma_start3A_164 = tpu.memref_slice %arg4[%add3A_118, %dma_start3A_163] : memref<160000x128xf32, #tpu.memory_space<hbm>> -> memref<128x128xf32, #tpu.memory_space<hbm>>
      %dma_start3A_165 = arith.constant 0 : i32
      %dma_start3A_166 = tpu.memref_slice %arg4[%add3A_118, %dma_start3A_165] : memref<160000x128xf32, #tpu.memory_space<hbm>> -> memref<128x128xf32, #tpu.memory_space<hbm>>
      %dma_start3A_167 = arith.constant 0 : i32
      %dma_start3A_168 = arith.constant 0 : i32
      %dma_start3A_169 = tpu.memref_slice %arg6[%run_scoped3A_119, %dma_start3A_167, %dma_start3A_168] : memref<5x128x128xf32, #tpu.memory_space<vmem>> -> memref<1x128x128xf32, #tpu.memory_space<vmem>>
      %dma_start3A_170 = tpu.memref_squeeze %dma_start3A_169 : memref<1x128x128xf32, #tpu.memory_space<vmem>> -> memref<128x128xf32, #tpu.memory_space<vmem>>
      tpu.enqueue_dma source(%dma_start3A_170 : memref<128x128xf32, #tpu.memory_space<vmem>>) target(%dma_start3A_166 : memref<128x128xf32, #tpu.memory_space<hbm>>) target_semaphore(%run_scoped3A_158 : memref<!tpu.dma_semaphore, #tpu.memory_space<semaphore_mem>>)
      %dma_wait3A_171 = arith.constant 0 : i32
      %dma_wait3A_172 = arith.constant 0 : i32
      %dma_wait3A_173 = tpu.memref_slice %arg6[%run_scoped3A_119, %dma_wait3A_171, %dma_wait3A_172] : memref<5x128x128xf32, #tpu.memory_space<vmem>> -> memref<1x128x128xf32, #tpu.memory_space<vmem>>
      %dma_wait3A_174 = tpu.memref_squeeze %dma_wait3A_173 : memref<1x128x128xf32, #tpu.memory_space<vmem>> -> memref<128x128xf32, #tpu.memory_space<vmem>>
      %dma_wait3A_175 = arith.constant 0 : i32
      %dma_wait3A_176 = tpu.memref_slice %arg4[%add3A_118, %dma_wait3A_175] : memref<160000x128xf32, #tpu.memory_space<hbm>> -> memref<128x128xf32, #tpu.memory_space<hbm>>
      %dma_wait3A_177 = arith.constant 0 : i32
      %dma_wait3A_178 = tpu.memref_slice %arg4[%add3A_118, %dma_wait3A_177] : memref<160000x128xf32, #tpu.memory_space<hbm>> -> memref<128x128xf32, #tpu.memory_space<hbm>>
      %dma_wait3A_179 = arith.constant 0 : i32
      %dma_wait3A_180 = arith.constant 0 : i32
      %dma_wait3A_181 = tpu.memref_slice %arg6[%run_scoped3A_119, %dma_wait3A_179, %dma_wait3A_180] : memref<5x128x128xf32, #tpu.memory_space<vmem>> -> memref<1x128x128xf32, #tpu.memory_space<vmem>>
      %dma_wait3A_182 = tpu.memref_squeeze %dma_wait3A_181 : memref<1x128x128xf32, #tpu.memory_space<vmem>> -> memref<128x128xf32, #tpu.memory_space<vmem>>
      tpu.wait_dma2 semaphore(%run_scoped3A_158 : memref<!tpu.dma_semaphore, #tpu.memory_space<semaphore_mem>>) src(%dma_wait3A_182 : memref<128x128xf32, #tpu.memory_space<vmem>>) dst(%dma_wait3A_178 : memref<128x128xf32, #tpu.memory_space<hbm>>)
      tpu.yield
    }) : () -> ()
    %dma_wait3A_120 = arith.constant 38 : i32
    %dma_wait3A_121 = arith.constant 3 : i32
    %dma_wait3A_122 = arith.constant 0 : i32
    %dma_wait3A_123 = arith.constant 0 : i32
    %dma_wait3A_124 = tpu.memref_slice %arg6[%dma_wait3A_121, %dma_wait3A_122, %dma_wait3A_123] : memref<5x128x128xf32, #tpu.memory_space<vmem>> -> memref<1x128x128xf32, #tpu.memory_space<vmem>>
    %dma_wait3A_125 = tpu.memref_squeeze %dma_wait3A_124 : memref<1x128x128xf32, #tpu.memory_space<vmem>> -> memref<128x128xf32, #tpu.memory_space<vmem>>
    %dma_wait3A_126 = arith.constant 0 : i32
    %dma_wait3A_127 = tpu.memref_slice %arg5[%dma_wait3A_120, %dma_wait3A_126] : memref<40x128xi32, #tpu.memory_space<vmem>> -> memref<1x128xi32, #tpu.memory_space<vmem>>
    %dma_wait3A_128 = tpu.memref_squeeze %dma_wait3A_127 : memref<1x128xi32, #tpu.memory_space<vmem>> -> memref<128xi32, #tpu.memory_space<vmem>>
    %dma_wait3A_129 = arith.constant 0 : i32
    %dma_wait3A_130 = arith.constant 0 : i32
    %dma_wait3A_131 = tpu.memref_slice %arg2[%dma_wait3A_129, %dma_wait3A_130] : memref<10000x128xf32, #tpu.memory_space<hbm>> -> memref<10000x128xf32, #tpu.memory_space<hbm>>
    tpu.wait_indirect_dma semaphore(%arg10 : memref<!tpu.dma_semaphore, #tpu.memory_space<semaphore_mem>>) src(%dma_wait3A_131 : memref<10000x128xf32, #tpu.memory_space<hbm>>) dst(%dma_wait3A_125 : memref<128x128xf32, #tpu.memory_space<vmem>>)
    %mul3A_132 = arith.constant 5000 : i32
    %mul3A_133 = arith.muli %add3A, %mul3A_132 : i32
    %min3A_134 = arith.constant 4864 : i32
    %min3A_135 = arith.constant 4872 : i32
    %min3A_136 = arith.minsi %min3A_134, %min3A_135 : i32
    %add3A_137 = arith.addi %mul3A_133, %min3A_136 : i32
    %run_scoped3A_138 = arith.constant 3 : i32
    "tpu.region"() ({
      %run_scoped3A_158 = tpu.sem_alloc : memref<!tpu.dma_semaphore, #tpu.memory_space<semaphore_mem>>
      %dma_start3A_159 = arith.constant 0 : i32
      %dma_start3A_160 = arith.constant 0 : i32
      %dma_start3A_161 = tpu.memref_slice %arg6[%run_scoped3A_138, %dma_start3A_159, %dma_start3A_160] : memref<5x128x128xf32, #tpu.memory_space<vmem>> -> memref<1x128x128xf32, #tpu.memory_space<vmem>>
      %dma_start3A_162 = tpu.memref_squeeze %dma_start3A_161 : memref<1x128x128xf32, #tpu.memory_space<vmem>> -> memref<128x128xf32, #tpu.memory_space<vmem>>
      %dma_start3A_163 = arith.constant 0 : i32
      %dma_start3A_164 = tpu.memref_slice %arg4[%add3A_137, %dma_start3A_163] : memref<160000x128xf32, #tpu.memory_space<hbm>> -> memref<128x128xf32, #tpu.memory_space<hbm>>
      %dma_start3A_165 = arith.constant 0 : i32
      %dma_start3A_166 = tpu.memref_slice %arg4[%add3A_137, %dma_start3A_165] : memref<160000x128xf32, #tpu.memory_space<hbm>> -> memref<128x128xf32, #tpu.memory_space<hbm>>
      %dma_start3A_167 = arith.constant 0 : i32
      %dma_start3A_168 = arith.constant 0 : i32
      %dma_start3A_169 = tpu.memref_slice %arg6[%run_scoped3A_138, %dma_start3A_167, %dma_start3A_168] : memref<5x128x128xf32, #tpu.memory_space<vmem>> -> memref<1x128x128xf32, #tpu.memory_space<vmem>>
      %dma_start3A_170 = tpu.memref_squeeze %dma_start3A_169 : memref<1x128x128xf32, #tpu.memory_space<vmem>> -> memref<128x128xf32, #tpu.memory_space<vmem>>
      tpu.enqueue_dma source(%dma_start3A_170 : memref<128x128xf32, #tpu.memory_space<vmem>>) target(%dma_start3A_166 : memref<128x128xf32, #tpu.memory_space<hbm>>) target_semaphore(%run_scoped3A_158 : memref<!tpu.dma_semaphore, #tpu.memory_space<semaphore_mem>>)
      %dma_wait3A_171 = arith.constant 0 : i32
      %dma_wait3A_172 = arith.constant 0 : i32
      %dma_wait3A_173 = tpu.memref_slice %arg6[%run_scoped3A_138, %dma_wait3A_171, %dma_wait3A_172] : memref<5x128x128xf32, #tpu.memory_space<vmem>> -> memref<1x128x128xf32, #tpu.memory_space<vmem>>
      %dma_wait3A_174 = tpu.memref_squeeze %dma_wait3A_173 : memref<1x128x128xf32, #tpu.memory_space<vmem>> -> memref<128x128xf32, #tpu.memory_space<vmem>>
      %dma_wait3A_175 = arith.constant 0 : i32
      %dma_wait3A_176 = tpu.memref_slice %arg4[%add3A_137, %dma_wait3A_175] : memref<160000x128xf32, #tpu.memory_space<hbm>> -> memref<128x128xf32, #tpu.memory_space<hbm>>
      %dma_wait3A_177 = arith.constant 0 : i32
      %dma_wait3A_178 = tpu.memref_slice %arg4[%add3A_137, %dma_wait3A_177] : memref<160000x128xf32, #tpu.memory_space<hbm>> -> memref<128x128xf32, #tpu.memory_space<hbm>>
      %dma_wait3A_179 = arith.constant 0 : i32
      %dma_wait3A_180 = arith.constant 0 : i32
      %dma_wait3A_181 = tpu.memref_slice %arg6[%run_scoped3A_138, %dma_wait3A_179, %dma_wait3A_180] : memref<5x128x128xf32, #tpu.memory_space<vmem>> -> memref<1x128x128xf32, #tpu.memory_space<vmem>>
      %dma_wait3A_182 = tpu.memref_squeeze %dma_wait3A_181 : memref<1x128x128xf32, #tpu.memory_space<vmem>> -> memref<128x128xf32, #tpu.memory_space<vmem>>
      tpu.wait_dma2 semaphore(%run_scoped3A_158 : memref<!tpu.dma_semaphore, #tpu.memory_space<semaphore_mem>>) src(%dma_wait3A_182 : memref<128x128xf32, #tpu.memory_space<vmem>>) dst(%dma_wait3A_178 : memref<128x128xf32, #tpu.memory_space<hbm>>)
      tpu.yield
    }) : () -> ()
    %dma_wait3A_139 = arith.constant 39 : i32
    %dma_wait3A_140 = arith.constant 4 : i32
    %dma_wait3A_141 = arith.constant 0 : i32
    %dma_wait3A_142 = arith.constant 0 : i32
    %dma_wait3A_143 = tpu.memref_slice %arg6[%dma_wait3A_140, %dma_wait3A_141, %dma_wait3A_142] : memref<5x128x128xf32, #tpu.memory_space<vmem>> -> memref<1x128x128xf32, #tpu.memory_space<vmem>>
    %dma_wait3A_144 = tpu.memref_squeeze %dma_wait3A_143 : memref<1x128x128xf32, #tpu.memory_space<vmem>> -> memref<128x128xf32, #tpu.memory_space<vmem>>
    %dma_wait3A_145 = arith.constant 0 : i32
    %dma_wait3A_146 = tpu.memref_slice %arg5[%dma_wait3A_139, %dma_wait3A_145] : memref<40x128xi32, #tpu.memory_space<vmem>> -> memref<1x128xi32, #tpu.memory_space<vmem>>
    %dma_wait3A_147 = tpu.memref_squeeze %dma_wait3A_146 : memref<1x128xi32, #tpu.memory_space<vmem>> -> memref<128xi32, #tpu.memory_space<vmem>>
    %dma_wait3A_148 = arith.constant 0 : i32
    %dma_wait3A_149 = arith.constant 0 : i32
    %dma_wait3A_150 = tpu.memref_slice %arg2[%dma_wait3A_148, %dma_wait3A_149] : memref<10000x128xf32, #tpu.memory_space<hbm>> -> memref<10000x128xf32, #tpu.memory_space<hbm>>
    tpu.wait_indirect_dma semaphore(%arg11 : memref<!tpu.dma_semaphore, #tpu.memory_space<semaphore_mem>>) src(%dma_wait3A_150 : memref<10000x128xf32, #tpu.memory_space<hbm>>) dst(%dma_wait3A_144 : memref<128x128xf32, #tpu.memory_space<vmem>>)
    %mul3A_151 = arith.constant 5000 : i32
    %mul3A_152 = arith.muli %add3A, %mul3A_151 : i32
    %min3A_153 = arith.constant 4992 : i32
    %min3A_154 = arith.constant 4872 : i32
    %min3A_155 = arith.minsi %min3A_153, %min3A_154 : i32
    %add3A_156 = arith.addi %mul3A_152, %min3A_155 : i32
    %run_scoped3A_157 = arith.constant 4 : i32
    "tpu.region"() ({
      %run_scoped3A_158 = tpu.sem_alloc : memref<!tpu.dma_semaphore, #tpu.memory_space<semaphore_mem>>
      %dma_start3A_159 = arith.constant 0 : i32
      %dma_start3A_160 = arith.constant 0 : i32
      %dma_start3A_161 = tpu.memref_slice %arg6[%run_scoped3A_157, %dma_start3A_159, %dma_start3A_160] : memref<5x128x128xf32, #tpu.memory_space<vmem>> -> memref<1x128x128xf32, #tpu.memory_space<vmem>>
      %dma_start3A_162 = tpu.memref_squeeze %dma_start3A_161 : memref<1x128x128xf32, #tpu.memory_space<vmem>> -> memref<128x128xf32, #tpu.memory_space<vmem>>
      %dma_start3A_163 = arith.constant 0 : i32
      %dma_start3A_164 = tpu.memref_slice %arg4[%add3A_156, %dma_start3A_163] : memref<160000x128xf32, #tpu.memory_space<hbm>> -> memref<128x128xf32, #tpu.memory_space<hbm>>
      %dma_start3A_165 = arith.constant 0 : i32
      %dma_start3A_166 = tpu.memref_slice %arg4[%add3A_156, %dma_start3A_165] : memref<160000x128xf32, #tpu.memory_space<hbm>> -> memref<128x128xf32, #tpu.memory_space<hbm>>
      %dma_start3A_167 = arith.constant 0 : i32
      %dma_start3A_168 = arith.constant 0 : i32
      %dma_start3A_169 = tpu.memref_slice %arg6[%run_scoped3A_157, %dma_start3A_167, %dma_start3A_168] : memref<5x128x128xf32, #tpu.memory_space<vmem>> -> memref<1x128x128xf32, #tpu.memory_space<vmem>>
      %dma_start3A_170 = tpu.memref_squeeze %dma_start3A_169 : memref<1x128x128xf32, #tpu.memory_space<vmem>> -> memref<128x128xf32, #tpu.memory_space<vmem>>
      tpu.enqueue_dma source(%dma_start3A_170 : memref<128x128xf32, #tpu.memory_space<vmem>>) target(%dma_start3A_166 : memref<128x128xf32, #tpu.memory_space<hbm>>) target_semaphore(%run_scoped3A_158 : memref<!tpu.dma_semaphore, #tpu.memory_space<semaphore_mem>>)
      %dma_wait3A_171 = arith.constant 0 : i32
      %dma_wait3A_172 = arith.constant 0 : i32
      %dma_wait3A_173 = tpu.memref_slice %arg6[%run_scoped3A_157, %dma_wait3A_171, %dma_wait3A_172] : memref<5x128x128xf32, #tpu.memory_space<vmem>> -> memref<1x128x128xf32, #tpu.memory_space<vmem>>
      %dma_wait3A_174 = tpu.memref_squeeze %dma_wait3A_173 : memref<1x128x128xf32, #tpu.memory_space<vmem>> -> memref<128x128xf32, #tpu.memory_space<vmem>>
      %dma_wait3A_175 = arith.constant 0 : i32
      %dma_wait3A_176 = tpu.memref_slice %arg4[%add3A_156, %dma_wait3A_175] : memref<160000x128xf32, #tpu.memory_space<hbm>> -> memref<128x128xf32, #tpu.memory_space<hbm>>
      %dma_wait3A_177 = arith.constant 0 : i32
      %dma_wait3A_178 = tpu.memref_slice %arg4[%add3A_156, %dma_wait3A_177] : memref<160000x128xf32, #tpu.memory_space<hbm>> -> memref<128x128xf32, #tpu.memory_space<hbm>>
      %dma_wait3A_179 = arith.constant 0 : i32
      %dma_wait3A_180 = arith.constant 0 : i32
      %dma_wait3A_181 = tpu.memref_slice %arg6[%run_scoped3A_157, %dma_wait3A_179, %dma_wait3A_180] : memref<5x128x128xf32, #tpu.memory_space<vmem>> -> memref<1x128x128xf32, #tpu.memory_space<vmem>>
      %dma_wait3A_182 = tpu.memref_squeeze %dma_wait3A_181 : memref<1x128x128xf32, #tpu.memory_space<vmem>> -> memref<128x128xf32, #tpu.memory_space<vmem>>
      tpu.wait_dma2 semaphore(%run_scoped3A_158 : memref<!tpu.dma_semaphore, #tpu.memory_space<semaphore_mem>>) src(%dma_wait3A_182 : memref<128x128xf32, #tpu.memory_space<vmem>>) dst(%dma_wait3A_178 : memref<128x128xf32, #tpu.memory_space<hbm>>)
      tpu.yield
    }) : () -> ()
    return
  }
}

#map = affine_map<(d0, d1) -> (0, 0)>
module attributes {stable_mosaic.version = 14 : i64} {
  func.func @k(%arg0: i32, %arg1: i32, %arg2: memref<10000x128xf32, #tpu.memory_space<hbm>>, %arg3: memref<1280x128xi32, #tpu.memory_space<hbm>>, %arg4: memref<160000x128xf32, #tpu.memory_space<hbm>>, %arg5: memref<40x128xi32, #tpu.memory_space<vmem>>, %arg6: memref<5x128x128xf32, #tpu.memory_space<vmem>>, %arg7: memref<!tpu.dma_semaphore, #tpu.memory_space<semaphore_mem>>, %arg8: memref<!tpu.dma_semaphore, #tpu.memory_space<semaphore_mem>>, %arg9: memref<!tpu.dma_semaphore, #tpu.memory_space<semaphore_mem>>, %arg10: memref<!tpu.dma_semaphore, #tpu.memory_space<semaphore_mem>>, %arg11: memref<!tpu.dma_semaphore, #tpu.memory_space<semaphore_mem>>) attributes {dimension_semantics = [#tpu.dimension_semantics<core_parallel>, #tpu.dimension_semantics<subcore_parallel>], iteration_bounds = array<i64: 2, 16>, scalar_prefetch = 0 : i64, scratch_operands = 7 : i64, tpu.core_type = #tpu.core_type<sc_vector_subcore>, window_params = [{transform_indices = #map}, {transform_indices = #map}, {transform_indices = #map}]} {
    %mul3A = arith.constant 2 : i32
    %mul3A_0 = arith.muli %arg1, %mul3A : i32
    %add3A = arith.addi %mul3A_0, %arg0 : i32
    %mul3A_1 = arith.constant 40 : i32
    %mul3A_2 = arith.muli %add3A, %mul3A_1 : i32
    "tpu.region"() ({
      %run_scoped3A_158 = tpu.sem_alloc : memref<!tpu.dma_semaphore, #tpu.memory_space<semaphore_mem>>
      %dma_start3A_159 = arith.constant 0 : i32
      %dma_start3A_160 = tpu.memref_slice %arg3[%mul3A_2, %dma_start3A_159] : memref<1280x128xi32, #tpu.memory_space<hbm>> -> memref<40x128xi32, #tpu.memory_space<hbm>>
      %dma_start3A_161 = arith.constant 0 : i32
      %dma_start3A_162 = tpu.memref_slice %arg3[%mul3A_2, %dma_start3A_161] : memref<1280x128xi32, #tpu.memory_space<hbm>> -> memref<40x128xi32, #tpu.memory_space<hbm>>
      tpu.enqueue_dma source(%dma_start3A_162 : memref<40x128xi32, #tpu.memory_space<hbm>>) target(%arg5 : memref<40x128xi32, #tpu.memory_space<vmem>>) target_semaphore(%run_scoped3A_158 : memref<!tpu.dma_semaphore, #tpu.memory_space<semaphore_mem>>)
      %dma_wait3A_163 = arith.constant 0 : i32
      %dma_wait3A_164 = tpu.memref_slice %arg3[%mul3A_2, %dma_wait3A_163] : memref<1280x128xi32, #tpu.memory_space<hbm>> -> memref<40x128xi32, #tpu.memory_space<hbm>>
      %dma_wait3A_165 = arith.constant 0 : i32
      %dma_wait3A_166 = tpu.memref_slice %arg3[%mul3A_2, %dma_wait3A_165] : memref<1280x128xi32, #tpu.memory_space<hbm>> -> memref<40x128xi32, #tpu.memory_space<hbm>>
      tpu.wait_dma2 semaphore(%run_scoped3A_158 : memref<!tpu.dma_semaphore, #tpu.memory_space<semaphore_mem>>) src(%dma_wait3A_166 : memref<40x128xi32, #tpu.memory_space<hbm>>) dst(%arg5 : memref<40x128xi32, #tpu.memory_space<vmem>>)
      tpu.yield
    }) : () -> ()
    %dma_start3A = arith.constant 0 : i32
    %dma_start3A_3 = arith.constant 0 : i32
    %dma_start3A_4 = arith.constant 0 : i32
    %dma_start3A_5 = arith.constant 0 : i32
    %dma_start3A_6 = tpu.memref_slice %arg6[%dma_start3A_3, %dma_start3A_4, %dma_start3A_5] : memref<5x128x128xf32, #tpu.memory_space<vmem>> -> memref<1x128x128xf32, #tpu.memory_space<vmem>>
    %dma_start3A_7 = tpu.memref_squeeze %dma_start3A_6 : memref<1x128x128xf32, #tpu.memory_space<vmem>> -> memref<128x128xf32, #tpu.memory_space<vmem>>
    %dma_start3A_8 = arith.constant 0 : i32
    %dma_start3A_9 = tpu.memref_slice %arg5[%dma_start3A, %dma_start3A_8] : memref<40x128xi32, #tpu.memory_space<vmem>> -> memref<1x128xi32, #tpu.memory_space<vmem>>
    %dma_start3A_10 = tpu.memref_squeeze %dma_start3A_9 : memref<1x128xi32, #tpu.memory_space<vmem>> -> memref<128xi32, #tpu.memory_space<vmem>>
    %dma_start3A_11 = arith.constant 0 : i32
    %dma_start3A_12 = arith.constant 0 : i32
    %dma_start3A_13 = tpu.memref_slice %arg2[%dma_start3A_11, %dma_start3A_12] : memref<10000x128xf32, #tpu.memory_space<hbm>> -> memref<10000x128xf32, #tpu.memory_space<hbm>>
    tpu.enqueue_indirect_dma source(%dma_start3A_13 : memref<10000x128xf32, #tpu.memory_space<hbm>>) target(%dma_start3A_7 : memref<128x128xf32, #tpu.memory_space<vmem>>) offsets(%dma_start3A_10 : memref<128xi32, #tpu.memory_space<vmem>>) semaphore(%arg7 : memref<!tpu.dma_semaphore, #tpu.memory_space<semaphore_mem>>)
    %dma_start3A_14 = arith.constant 1 : i32
    %dma_start3A_15 = arith.constant 1 : i32
    %dma_start3A_16 = arith.constant 0 : i32
    %dma_start3A_17 = arith.constant 0 : i32
    %dma_start3A_18 = tpu.memref_slice %arg6[%dma_start3A_15, %dma_start3A_16, %dma_start3A_17] : memref<5x128x128xf32, #tpu.memory_space<vmem>> -> memref<1x128x128xf32, #tpu.memory_space<vmem>>
    %dma_start3A_19 = tpu.memref_squeeze %dma_start3A_18 : memref<1x128x128xf32, #tpu.memory_space<vmem>> -> memref<128x128xf32, #tpu.memory_space<vmem>>
    %dma_start3A_20 = arith.constant 0 : i32
    %dma_start3A_21 = tpu.memref_slice %arg5[%dma_start3A_14, %dma_start3A_20] : memref<40x128xi32, #tpu.memory_space<vmem>> -> memref<1x128xi32, #tpu.memory_space<vmem>>
    %dma_start3A_22 = tpu.memref_squeeze %dma_start3A_21 : memref<1x128xi32, #tpu.memory_space<vmem>> -> memref<128xi32, #tpu.memory_space<vmem>>
    %dma_start3A_23 = arith.constant 0 : i32
    %dma_start3A_24 = arith.constant 0 : i32
    %dma_start3A_25 = tpu.memref_slice %arg2[%dma_start3A_23, %dma_start3A_24] : memref<10000x128xf32, #tpu.memory_space<hbm>> -> memref<10000x128xf32, #tpu.memory_space<hbm>>
    tpu.enqueue_indirect_dma source(%dma_start3A_25 : memref<10000x128xf32, #tpu.memory_space<hbm>>) target(%dma_start3A_19 : memref<128x128xf32, #tpu.memory_space<vmem>>) offsets(%dma_start3A_22 : memref<128xi32, #tpu.memory_space<vmem>>) semaphore(%arg8 : memref<!tpu.dma_semaphore, #tpu.memory_space<semaphore_mem>>)
    %dma_start3A_26 = arith.constant 2 : i32
    %dma_start3A_27 = arith.constant 2 : i32
    %dma_start3A_28 = arith.constant 0 : i32
    %dma_start3A_29 = arith.constant 0 : i32
    %dma_start3A_30 = tpu.memref_slice %arg6[%dma_start3A_27, %dma_start3A_28, %dma_start3A_29] : memref<5x128x128xf32, #tpu.memory_space<vmem>> -> memref<1x128x128xf32, #tpu.memory_space<vmem>>
    %dma_start3A_31 = tpu.memref_squeeze %dma_start3A_30 : memref<1x128x128xf32, #tpu.memory_space<vmem>> -> memref<128x128xf32, #tpu.memory_space<vmem>>
    %dma_start3A_32 = arith.constant 0 : i32
    %dma_start3A_33 = tpu.memref_slice %arg5[%dma_start3A_26, %dma_start3A_32] : memref<40x128xi32, #tpu.memory_space<vmem>> -> memref<1x128xi32, #tpu.memory_space<vmem>>
    %dma_start3A_34 = tpu.memref_squeeze %dma_start3A_33 : memref<1x128xi32, #tpu.memory_space<vmem>> -> memref<128xi32, #tpu.memory_space<vmem>>
    %dma_start3A_35 = arith.constant 0 : i32
    %dma_start3A_36 = arith.constant 0 : i32
    %dma_start3A_37 = tpu.memref_slice %arg2[%dma_start3A_35, %dma_start3A_36] : memref<10000x128xf32, #tpu.memory_space<hbm>> -> memref<10000x128xf32, #tpu.memory_space<hbm>>
    tpu.enqueue_indirect_dma source(%dma_start3A_37 : memref<10000x128xf32, #tpu.memory_space<hbm>>) target(%dma_start3A_31 : memref<128x128xf32, #tpu.memory_space<vmem>>) offsets(%dma_start3A_34 : memref<128xi32, #tpu.memory_space<vmem>>) semaphore(%arg9 : memref<!tpu.dma_semaphore, #tpu.memory_space<semaphore_mem>>)
    %dma_start3A_38 = arith.constant 3 : i32
    %dma_start3A_39 = arith.constant 3 : i32
    %dma_start3A_40 = arith.constant 0 : i32
    %dma_start3A_41 = arith.constant 0 : i32
    %dma_start3A_42 = tpu.memref_slice %arg6[%dma_start3A_39, %dma_start3A_40, %dma_start3A_41] : memref<5x128x128xf32, #tpu.memory_space<vmem>> -> memref<1x128x128xf32, #tpu.memory_space<vmem>>
    %dma_start3A_43 = tpu.memref_squeeze %dma_start3A_42 : memref<1x128x128xf32, #tpu.memory_space<vmem>> -> memref<128x128xf32, #tpu.memory_space<vmem>>
    %dma_start3A_44 = arith.constant 0 : i32
    %dma_start3A_45 = tpu.memref_slice %arg5[%dma_start3A_38, %dma_start3A_44] : memref<40x128xi32, #tpu.memory_space<vmem>> -> memref<1x128xi32, #tpu.memory_space<vmem>>
    %dma_start3A_46 = tpu.memref_squeeze %dma_start3A_45 : memref<1x128xi32, #tpu.memory_space<vmem>> -> memref<128xi32, #tpu.memory_space<vmem>>
    %dma_start3A_47 = arith.constant 0 : i32
    %dma_start3A_48 = arith.constant 0 : i32
    %dma_start3A_49 = tpu.memref_slice %arg2[%dma_start3A_47, %dma_start3A_48] : memref<10000x128xf32, #tpu.memory_space<hbm>> -> memref<10000x128xf32, #tpu.memory_space<hbm>>
    tpu.enqueue_indirect_dma source(%dma_start3A_49 : memref<10000x128xf32, #tpu.memory_space<hbm>>) target(%dma_start3A_43 : memref<128x128xf32, #tpu.memory_space<vmem>>) offsets(%dma_start3A_46 : memref<128xi32, #tpu.memory_space<vmem>>) semaphore(%arg10 : memref<!tpu.dma_semaphore, #tpu.memory_space<semaphore_mem>>)
    %dma_start3A_50 = arith.constant 4 : i32
    %dma_start3A_51 = arith.constant 4 : i32
    %dma_start3A_52 = arith.constant 0 : i32
    %dma_start3A_53 = arith.constant 0 : i32
    %dma_start3A_54 = tpu.memref_slice %arg6[%dma_start3A_51, %dma_start3A_52, %dma_start3A_53] : memref<5x128x128xf32, #tpu.memory_space<vmem>> -> memref<1x128x128xf32, #tpu.memory_space<vmem>>
    %dma_start3A_55 = tpu.memref_squeeze %dma_start3A_54 : memref<1x128x128xf32, #tpu.memory_space<vmem>> -> memref<128x128xf32, #tpu.memory_space<vmem>>
    %dma_start3A_56 = arith.constant 0 : i32
    %dma_start3A_57 = tpu.memref_slice %arg5[%dma_start3A_50, %dma_start3A_56] : memref<40x128xi32, #tpu.memory_space<vmem>> -> memref<1x128xi32, #tpu.memory_space<vmem>>
    %dma_start3A_58 = tpu.memref_squeeze %dma_start3A_57 : memref<1x128xi32, #tpu.memory_space<vmem>> -> memref<128xi32, #tpu.memory_space<vmem>>
    %dma_start3A_59 = arith.constant 0 : i32
    %dma_start3A_60 = arith.constant 0 : i32
    %dma_start3A_61 = tpu.memref_slice %arg2[%dma_start3A_59, %dma_start3A_60] : memref<10000x128xf32, #tpu.memory_space<hbm>> -> memref<10000x128xf32, #tpu.memory_space<hbm>>
    tpu.enqueue_indirect_dma source(%dma_start3A_61 : memref<10000x128xf32, #tpu.memory_space<hbm>>) target(%dma_start3A_55 : memref<128x128xf32, #tpu.memory_space<vmem>>) offsets(%dma_start3A_58 : memref<128xi32, #tpu.memory_space<vmem>>) semaphore(%arg11 : memref<!tpu.dma_semaphore, #tpu.memory_space<semaphore_mem>>)
    %scan3A = arith.constant 0 : i32
    %scan3A_62 = arith.constant 7 : i32
    %scan3A_63 = arith.addi %scan3A, %scan3A_62 : i32
    %scan3A_64 = arith.constant 1 : i32
    scf.for %scan3A_158 = %scan3A to %scan3A_63 step %scan3A_64  : i32 {
      %mul3A_159 = arith.constant 5 : i32
      %mul3A_160 = arith.muli %scan3A_158, %mul3A_159 : i32
      %add3A_161 = arith.constant 0 : i32
      %add3A_162 = arith.addi %mul3A_160, %add3A_161 : i32
      %dma_wait3A_163 = arith.constant 0 : i32
      %dma_wait3A_164 = arith.constant 0 : i32
      %dma_wait3A_165 = arith.constant 0 : i32
      %dma_wait3A_166 = tpu.memref_slice %arg6[%dma_wait3A_163, %dma_wait3A_164, %dma_wait3A_165] : memref<5x128x128xf32, #tpu.memory_space<vmem>> -> memref<1x128x128xf32, #tpu.memory_space<vmem>>
      %dma_wait3A_167 = tpu.memref_squeeze %dma_wait3A_166 : memref<1x128x128xf32, #tpu.memory_space<vmem>> -> memref<128x128xf32, #tpu.memory_space<vmem>>
      %dma_wait3A_168 = arith.constant 0 : i32
      %dma_wait3A_169 = tpu.memref_slice %arg5[%add3A_162, %dma_wait3A_168] : memref<40x128xi32, #tpu.memory_space<vmem>> -> memref<1x128xi32, #tpu.memory_space<vmem>>
      %dma_wait3A_170 = tpu.memref_squeeze %dma_wait3A_169 : memref<1x128xi32, #tpu.memory_space<vmem>> -> memref<128xi32, #tpu.memory_space<vmem>>
      %dma_wait3A_171 = arith.constant 0 : i32
      %dma_wait3A_172 = arith.constant 0 : i32
      %dma_wait3A_173 = tpu.memref_slice %arg2[%dma_wait3A_171, %dma_wait3A_172] : memref<10000x128xf32, #tpu.memory_space<hbm>> -> memref<10000x128xf32, #tpu.memory_space<hbm>>
      tpu.wait_indirect_dma semaphore(%arg7 : memref<!tpu.dma_semaphore, #tpu.memory_space<semaphore_mem>>) src(%dma_wait3A_173 : memref<10000x128xf32, #tpu.memory_space<hbm>>) dst(%dma_wait3A_167 : memref<128x128xf32, #tpu.memory_space<vmem>>)
      %mul3A_174 = arith.constant 5000 : i32
      %mul3A_175 = arith.muli %add3A, %mul3A_174 : i32
      %mul3A_176 = arith.constant 128 : i32
      %mul3A_177 = arith.muli %add3A_162, %mul3A_176 : i32
      %min3A_178 = arith.constant 4872 : i32
      %min3A_179 = arith.minsi %mul3A_177, %min3A_178 : i32
      %add3A_180 = arith.addi %mul3A_175, %min3A_179 : i32
      %run_scoped3A_181 = arith.constant 0 : i32
      "tpu.region"() ({
        %run_scoped3A_331 = tpu.sem_alloc : memref<!tpu.dma_semaphore, #tpu.memory_space<semaphore_mem>>
        %dma_start3A_332 = arith.constant 0 : i32
        %dma_start3A_333 = arith.constant 0 : i32
        %dma_start3A_334 = tpu.memref_slice %arg6[%run_scoped3A_181, %dma_start3A_332, %dma_start3A_333] : memref<5x128x128xf32, #tpu.memory_space<vmem>> -> memref<1x128x128xf32, #tpu.memory_space<vmem>>
        %dma_start3A_335 = tpu.memref_squeeze %dma_start3A_334 : memref<1x128x128xf32, #tpu.memory_space<vmem>> -> memref<128x128xf32, #tpu.memory_space<vmem>>
        %dma_start3A_336 = arith.constant 0 : i32
        %dma_start3A_337 = tpu.memref_slice %arg4[%add3A_180, %dma_start3A_336] : memref<160000x128xf32, #tpu.memory_space<hbm>> -> memref<128x128xf32, #tpu.memory_space<hbm>>
        %dma_start3A_338 = arith.constant 0 : i32
        %dma_start3A_339 = tpu.memref_slice %arg4[%add3A_180, %dma_start3A_338] : memref<160000x128xf32, #tpu.memory_space<hbm>> -> memref<128x128xf32, #tpu.memory_space<hbm>>
        %dma_start3A_340 = arith.constant 0 : i32
        %dma_start3A_341 = arith.constant 0 : i32
        %dma_start3A_342 = tpu.memref_slice %arg6[%run_scoped3A_181, %dma_start3A_340, %dma_start3A_341] : memref<5x128x128xf32, #tpu.memory_space<vmem>> -> memref<1x128x128xf32, #tpu.memory_space<vmem>>
        %dma_start3A_343 = tpu.memref_squeeze %dma_start3A_342 : memref<1x128x128xf32, #tpu.memory_space<vmem>> -> memref<128x128xf32, #tpu.memory_space<vmem>>
        tpu.enqueue_dma source(%dma_start3A_343 : memref<128x128xf32, #tpu.memory_space<vmem>>) target(%dma_start3A_339 : memref<128x128xf32, #tpu.memory_space<hbm>>) target_semaphore(%run_scoped3A_331 : memref<!tpu.dma_semaphore, #tpu.memory_space<semaphore_mem>>)
        %dma_wait3A_344 = arith.constant 0 : i32
        %dma_wait3A_345 = arith.constant 0 : i32
        %dma_wait3A_346 = tpu.memref_slice %arg6[%run_scoped3A_181, %dma_wait3A_344, %dma_wait3A_345] : memref<5x128x128xf32, #tpu.memory_space<vmem>> -> memref<1x128x128xf32, #tpu.memory_space<vmem>>
        %dma_wait3A_347 = tpu.memref_squeeze %dma_wait3A_346 : memref<1x128x128xf32, #tpu.memory_space<vmem>> -> memref<128x128xf32, #tpu.memory_space<vmem>>
        %dma_wait3A_348 = arith.constant 0 : i32
        %dma_wait3A_349 = tpu.memref_slice %arg4[%add3A_180, %dma_wait3A_348] : memref<160000x128xf32, #tpu.memory_space<hbm>> -> memref<128x128xf32, #tpu.memory_space<hbm>>
        %dma_wait3A_350 = arith.constant 0 : i32
        %dma_wait3A_351 = tpu.memref_slice %arg4[%add3A_180, %dma_wait3A_350] : memref<160000x128xf32, #tpu.memory_space<hbm>> -> memref<128x128xf32, #tpu.memory_space<hbm>>
        %dma_wait3A_352 = arith.constant 0 : i32
        %dma_wait3A_353 = arith.constant 0 : i32
        %dma_wait3A_354 = tpu.memref_slice %arg6[%run_scoped3A_181, %dma_wait3A_352, %dma_wait3A_353] : memref<5x128x128xf32, #tpu.memory_space<vmem>> -> memref<1x128x128xf32, #tpu.memory_space<vmem>>
        %dma_wait3A_355 = tpu.memref_squeeze %dma_wait3A_354 : memref<1x128x128xf32, #tpu.memory_space<vmem>> -> memref<128x128xf32, #tpu.memory_space<vmem>>
        tpu.wait_dma2 semaphore(%run_scoped3A_331 : memref<!tpu.dma_semaphore, #tpu.memory_space<semaphore_mem>>) src(%dma_wait3A_355 : memref<128x128xf32, #tpu.memory_space<vmem>>) dst(%dma_wait3A_351 : memref<128x128xf32, #tpu.memory_space<hbm>>)
        tpu.yield
      }) : () -> ()
      %add3A_182 = arith.constant 5 : i32
      %add3A_183 = arith.addi %add3A_162, %add3A_182 : i32
      %dma_start3A_184 = arith.constant 0 : i32
      %dma_start3A_185 = arith.constant 0 : i32
      %dma_start3A_186 = arith.constant 0 : i32
      %dma_start3A_187 = tpu.memref_slice %arg6[%dma_start3A_184, %dma_start3A_185, %dma_start3A_186] : memref<5x128x128xf32, #tpu.memory_space<vmem>> -> memref<1x128x128xf32, #tpu.memory_space<vmem>>
      %dma_start3A_188 = tpu.memref_squeeze %dma_start3A_187 : memref<1x128x128xf32, #tpu.memory_space<vmem>> -> memref<128x128xf32, #tpu.memory_space<vmem>>
      %dma_start3A_189 = arith.constant 0 : i32
      %dma_start3A_190 = tpu.memref_slice %arg5[%add3A_183, %dma_start3A_189] : memref<40x128xi32, #tpu.memory_space<vmem>> -> memref<1x128xi32, #tpu.memory_space<vmem>>
      %dma_start3A_191 = tpu.memref_squeeze %dma_start3A_190 : memref<1x128xi32, #tpu.memory_space<vmem>> -> memref<128xi32, #tpu.memory_space<vmem>>
      %dma_start3A_192 = arith.constant 0 : i32
      %dma_start3A_193 = arith.constant 0 : i32
      %dma_start3A_194 = tpu.memref_slice %arg2[%dma_start3A_192, %dma_start3A_193] : memref<10000x128xf32, #tpu.memory_space<hbm>> -> memref<10000x128xf32, #tpu.memory_space<hbm>>
      tpu.enqueue_indirect_dma source(%dma_start3A_194 : memref<10000x128xf32, #tpu.memory_space<hbm>>) target(%dma_start3A_188 : memref<128x128xf32, #tpu.memory_space<vmem>>) offsets(%dma_start3A_191 : memref<128xi32, #tpu.memory_space<vmem>>) semaphore(%arg7 : memref<!tpu.dma_semaphore, #tpu.memory_space<semaphore_mem>>)
      %add3A_195 = arith.constant 1 : i32
      %add3A_196 = arith.addi %mul3A_160, %add3A_195 : i32
      %dma_wait3A_197 = arith.constant 1 : i32
      %dma_wait3A_198 = arith.constant 0 : i32
      %dma_wait3A_199 = arith.constant 0 : i32
      %dma_wait3A_200 = tpu.memref_slice %arg6[%dma_wait3A_197, %dma_wait3A_198, %dma_wait3A_199] : memref<5x128x128xf32, #tpu.memory_space<vmem>> -> memref<1x128x128xf32, #tpu.memory_space<vmem>>
      %dma_wait3A_201 = tpu.memref_squeeze %dma_wait3A_200 : memref<1x128x128xf32, #tpu.memory_space<vmem>> -> memref<128x128xf32, #tpu.memory_space<vmem>>
      %dma_wait3A_202 = arith.constant 0 : i32
      %dma_wait3A_203 = tpu.memref_slice %arg5[%add3A_196, %dma_wait3A_202] : memref<40x128xi32, #tpu.memory_space<vmem>> -> memref<1x128xi32, #tpu.memory_space<vmem>>
      %dma_wait3A_204 = tpu.memref_squeeze %dma_wait3A_203 : memref<1x128xi32, #tpu.memory_space<vmem>> -> memref<128xi32, #tpu.memory_space<vmem>>
      %dma_wait3A_205 = arith.constant 0 : i32
      %dma_wait3A_206 = arith.constant 0 : i32
      %dma_wait3A_207 = tpu.memref_slice %arg2[%dma_wait3A_205, %dma_wait3A_206] : memref<10000x128xf32, #tpu.memory_space<hbm>> -> memref<10000x128xf32, #tpu.memory_space<hbm>>
      tpu.wait_indirect_dma semaphore(%arg8 : memref<!tpu.dma_semaphore, #tpu.memory_space<semaphore_mem>>) src(%dma_wait3A_207 : memref<10000x128xf32, #tpu.memory_space<hbm>>) dst(%dma_wait3A_201 : memref<128x128xf32, #tpu.memory_space<vmem>>)
      %mul3A_208 = arith.constant 5000 : i32
      %mul3A_209 = arith.muli %add3A, %mul3A_208 : i32
      %mul3A_210 = arith.constant 128 : i32
      %mul3A_211 = arith.muli %add3A_196, %mul3A_210 : i32
      %min3A_212 = arith.constant 4872 : i32
      %min3A_213 = arith.minsi %mul3A_211, %min3A_212 : i32
      %add3A_214 = arith.addi %mul3A_209, %min3A_213 : i32
      %run_scoped3A_215 = arith.constant 1 : i32
      "tpu.region"() ({
        %run_scoped3A_331 = tpu.sem_alloc : memref<!tpu.dma_semaphore, #tpu.memory_space<semaphore_mem>>
        %dma_start3A_332 = arith.constant 0 : i32
        %dma_start3A_333 = arith.constant 0 : i32
        %dma_start3A_334 = tpu.memref_slice %arg6[%run_scoped3A_215, %dma_start3A_332, %dma_start3A_333] : memref<5x128x128xf32, #tpu.memory_space<vmem>> -> memref<1x128x128xf32, #tpu.memory_space<vmem>>
        %dma_start3A_335 = tpu.memref_squeeze %dma_start3A_334 : memref<1x128x128xf32, #tpu.memory_space<vmem>> -> memref<128x128xf32, #tpu.memory_space<vmem>>
        %dma_start3A_336 = arith.constant 0 : i32
        %dma_start3A_337 = tpu.memref_slice %arg4[%add3A_214, %dma_start3A_336] : memref<160000x128xf32, #tpu.memory_space<hbm>> -> memref<128x128xf32, #tpu.memory_space<hbm>>
        %dma_start3A_338 = arith.constant 0 : i32
        %dma_start3A_339 = tpu.memref_slice %arg4[%add3A_214, %dma_start3A_338] : memref<160000x128xf32, #tpu.memory_space<hbm>> -> memref<128x128xf32, #tpu.memory_space<hbm>>
        %dma_start3A_340 = arith.constant 0 : i32
        %dma_start3A_341 = arith.constant 0 : i32
        %dma_start3A_342 = tpu.memref_slice %arg6[%run_scoped3A_215, %dma_start3A_340, %dma_start3A_341] : memref<5x128x128xf32, #tpu.memory_space<vmem>> -> memref<1x128x128xf32, #tpu.memory_space<vmem>>
        %dma_start3A_343 = tpu.memref_squeeze %dma_start3A_342 : memref<1x128x128xf32, #tpu.memory_space<vmem>> -> memref<128x128xf32, #tpu.memory_space<vmem>>
        tpu.enqueue_dma source(%dma_start3A_343 : memref<128x128xf32, #tpu.memory_space<vmem>>) target(%dma_start3A_339 : memref<128x128xf32, #tpu.memory_space<hbm>>) target_semaphore(%run_scoped3A_331 : memref<!tpu.dma_semaphore, #tpu.memory_space<semaphore_mem>>)
        %dma_wait3A_344 = arith.constant 0 : i32
        %dma_wait3A_345 = arith.constant 0 : i32
        %dma_wait3A_346 = tpu.memref_slice %arg6[%run_scoped3A_215, %dma_wait3A_344, %dma_wait3A_345] : memref<5x128x128xf32, #tpu.memory_space<vmem>> -> memref<1x128x128xf32, #tpu.memory_space<vmem>>
        %dma_wait3A_347 = tpu.memref_squeeze %dma_wait3A_346 : memref<1x128x128xf32, #tpu.memory_space<vmem>> -> memref<128x128xf32, #tpu.memory_space<vmem>>
        %dma_wait3A_348 = arith.constant 0 : i32
        %dma_wait3A_349 = tpu.memref_slice %arg4[%add3A_214, %dma_wait3A_348] : memref<160000x128xf32, #tpu.memory_space<hbm>> -> memref<128x128xf32, #tpu.memory_space<hbm>>
        %dma_wait3A_350 = arith.constant 0 : i32
        %dma_wait3A_351 = tpu.memref_slice %arg4[%add3A_214, %dma_wait3A_350] : memref<160000x128xf32, #tpu.memory_space<hbm>> -> memref<128x128xf32, #tpu.memory_space<hbm>>
        %dma_wait3A_352 = arith.constant 0 : i32
        %dma_wait3A_353 = arith.constant 0 : i32
        %dma_wait3A_354 = tpu.memref_slice %arg6[%run_scoped3A_215, %dma_wait3A_352, %dma_wait3A_353] : memref<5x128x128xf32, #tpu.memory_space<vmem>> -> memref<1x128x128xf32, #tpu.memory_space<vmem>>
        %dma_wait3A_355 = tpu.memref_squeeze %dma_wait3A_354 : memref<1x128x128xf32, #tpu.memory_space<vmem>> -> memref<128x128xf32, #tpu.memory_space<vmem>>
        tpu.wait_dma2 semaphore(%run_scoped3A_331 : memref<!tpu.dma_semaphore, #tpu.memory_space<semaphore_mem>>) src(%dma_wait3A_355 : memref<128x128xf32, #tpu.memory_space<vmem>>) dst(%dma_wait3A_351 : memref<128x128xf32, #tpu.memory_space<hbm>>)
        tpu.yield
      }) : () -> ()
      %add3A_216 = arith.constant 5 : i32
      %add3A_217 = arith.addi %add3A_196, %add3A_216 : i32
      %dma_start3A_218 = arith.constant 1 : i32
      %dma_start3A_219 = arith.constant 0 : i32
      %dma_start3A_220 = arith.constant 0 : i32
      %dma_start3A_221 = tpu.memref_slice %arg6[%dma_start3A_218, %dma_start3A_219, %dma_start3A_220] : memref<5x128x128xf32, #tpu.memory_space<vmem>> -> memref<1x128x128xf32, #tpu.memory_space<vmem>>
      %dma_start3A_222 = tpu.memref_squeeze %dma_start3A_221 : memref<1x128x128xf32, #tpu.memory_space<vmem>> -> memref<128x128xf32, #tpu.memory_space<vmem>>
      %dma_start3A_223 = arith.constant 0 : i32
      %dma_start3A_224 = tpu.memref_slice %arg5[%add3A_217, %dma_start3A_223] : memref<40x128xi32, #tpu.memory_space<vmem>> -> memref<1x128xi32, #tpu.memory_space<vmem>>
      %dma_start3A_225 = tpu.memref_squeeze %dma_start3A_224 : memref<1x128xi32, #tpu.memory_space<vmem>> -> memref<128xi32, #tpu.memory_space<vmem>>
      %dma_start3A_226 = arith.constant 0 : i32
      %dma_start3A_227 = arith.constant 0 : i32
      %dma_start3A_228 = tpu.memref_slice %arg2[%dma_start3A_226, %dma_start3A_227] : memref<10000x128xf32, #tpu.memory_space<hbm>> -> memref<10000x128xf32, #tpu.memory_space<hbm>>
      tpu.enqueue_indirect_dma source(%dma_start3A_228 : memref<10000x128xf32, #tpu.memory_space<hbm>>) target(%dma_start3A_222 : memref<128x128xf32, #tpu.memory_space<vmem>>) offsets(%dma_start3A_225 : memref<128xi32, #tpu.memory_space<vmem>>) semaphore(%arg8 : memref<!tpu.dma_semaphore, #tpu.memory_space<semaphore_mem>>)
      %add3A_229 = arith.constant 2 : i32
      %add3A_230 = arith.addi %mul3A_160, %add3A_229 : i32
      %dma_wait3A_231 = arith.constant 2 : i32
      %dma_wait3A_232 = arith.constant 0 : i32
      %dma_wait3A_233 = arith.constant 0 : i32
      %dma_wait3A_234 = tpu.memref_slice %arg6[%dma_wait3A_231, %dma_wait3A_232, %dma_wait3A_233] : memref<5x128x128xf32, #tpu.memory_space<vmem>> -> memref<1x128x128xf32, #tpu.memory_space<vmem>>
      %dma_wait3A_235 = tpu.memref_squeeze %dma_wait3A_234 : memref<1x128x128xf32, #tpu.memory_space<vmem>> -> memref<128x128xf32, #tpu.memory_space<vmem>>
      %dma_wait3A_236 = arith.constant 0 : i32
      %dma_wait3A_237 = tpu.memref_slice %arg5[%add3A_230, %dma_wait3A_236] : memref<40x128xi32, #tpu.memory_space<vmem>> -> memref<1x128xi32, #tpu.memory_space<vmem>>
      %dma_wait3A_238 = tpu.memref_squeeze %dma_wait3A_237 : memref<1x128xi32, #tpu.memory_space<vmem>> -> memref<128xi32, #tpu.memory_space<vmem>>
      %dma_wait3A_239 = arith.constant 0 : i32
      %dma_wait3A_240 = arith.constant 0 : i32
      %dma_wait3A_241 = tpu.memref_slice %arg2[%dma_wait3A_239, %dma_wait3A_240] : memref<10000x128xf32, #tpu.memory_space<hbm>> -> memref<10000x128xf32, #tpu.memory_space<hbm>>
      tpu.wait_indirect_dma semaphore(%arg9 : memref<!tpu.dma_semaphore, #tpu.memory_space<semaphore_mem>>) src(%dma_wait3A_241 : memref<10000x128xf32, #tpu.memory_space<hbm>>) dst(%dma_wait3A_235 : memref<128x128xf32, #tpu.memory_space<vmem>>)
      %mul3A_242 = arith.constant 5000 : i32
      %mul3A_243 = arith.muli %add3A, %mul3A_242 : i32
      %mul3A_244 = arith.constant 128 : i32
      %mul3A_245 = arith.muli %add3A_230, %mul3A_244 : i32
      %min3A_246 = arith.constant 4872 : i32
      %min3A_247 = arith.minsi %mul3A_245, %min3A_246 : i32
      %add3A_248 = arith.addi %mul3A_243, %min3A_247 : i32
      %run_scoped3A_249 = arith.constant 2 : i32
      "tpu.region"() ({
        %run_scoped3A_331 = tpu.sem_alloc : memref<!tpu.dma_semaphore, #tpu.memory_space<semaphore_mem>>
        %dma_start3A_332 = arith.constant 0 : i32
        %dma_start3A_333 = arith.constant 0 : i32
        %dma_start3A_334 = tpu.memref_slice %arg6[%run_scoped3A_249, %dma_start3A_332, %dma_start3A_333] : memref<5x128x128xf32, #tpu.memory_space<vmem>> -> memref<1x128x128xf32, #tpu.memory_space<vmem>>
        %dma_start3A_335 = tpu.memref_squeeze %dma_start3A_334 : memref<1x128x128xf32, #tpu.memory_space<vmem>> -> memref<128x128xf32, #tpu.memory_space<vmem>>
        %dma_start3A_336 = arith.constant 0 : i32
        %dma_start3A_337 = tpu.memref_slice %arg4[%add3A_248, %dma_start3A_336] : memref<160000x128xf32, #tpu.memory_space<hbm>> -> memref<128x128xf32, #tpu.memory_space<hbm>>
        %dma_start3A_338 = arith.constant 0 : i32
        %dma_start3A_339 = tpu.memref_slice %arg4[%add3A_248, %dma_start3A_338] : memref<160000x128xf32, #tpu.memory_space<hbm>> -> memref<128x128xf32, #tpu.memory_space<hbm>>
        %dma_start3A_340 = arith.constant 0 : i32
        %dma_start3A_341 = arith.constant 0 : i32
        %dma_start3A_342 = tpu.memref_slice %arg6[%run_scoped3A_249, %dma_start3A_340, %dma_start3A_341] : memref<5x128x128xf32, #tpu.memory_space<vmem>> -> memref<1x128x128xf32, #tpu.memory_space<vmem>>
        %dma_start3A_343 = tpu.memref_squeeze %dma_start3A_342 : memref<1x128x128xf32, #tpu.memory_space<vmem>> -> memref<128x128xf32, #tpu.memory_space<vmem>>
        tpu.enqueue_dma source(%dma_start3A_343 : memref<128x128xf32, #tpu.memory_space<vmem>>) target(%dma_start3A_339 : memref<128x128xf32, #tpu.memory_space<hbm>>) target_semaphore(%run_scoped3A_331 : memref<!tpu.dma_semaphore, #tpu.memory_space<semaphore_mem>>)
        %dma_wait3A_344 = arith.constant 0 : i32
        %dma_wait3A_345 = arith.constant 0 : i32
        %dma_wait3A_346 = tpu.memref_slice %arg6[%run_scoped3A_249, %dma_wait3A_344, %dma_wait3A_345] : memref<5x128x128xf32, #tpu.memory_space<vmem>> -> memref<1x128x128xf32, #tpu.memory_space<vmem>>
        %dma_wait3A_347 = tpu.memref_squeeze %dma_wait3A_346 : memref<1x128x128xf32, #tpu.memory_space<vmem>> -> memref<128x128xf32, #tpu.memory_space<vmem>>
        %dma_wait3A_348 = arith.constant 0 : i32
        %dma_wait3A_349 = tpu.memref_slice %arg4[%add3A_248, %dma_wait3A_348] : memref<160000x128xf32, #tpu.memory_space<hbm>> -> memref<128x128xf32, #tpu.memory_space<hbm>>
        %dma_wait3A_350 = arith.constant 0 : i32
        %dma_wait3A_351 = tpu.memref_slice %arg4[%add3A_248, %dma_wait3A_350] : memref<160000x128xf32, #tpu.memory_space<hbm>> -> memref<128x128xf32, #tpu.memory_space<hbm>>
        %dma_wait3A_352 = arith.constant 0 : i32
        %dma_wait3A_353 = arith.constant 0 : i32
        %dma_wait3A_354 = tpu.memref_slice %arg6[%run_scoped3A_249, %dma_wait3A_352, %dma_wait3A_353] : memref<5x128x128xf32, #tpu.memory_space<vmem>> -> memref<1x128x128xf32, #tpu.memory_space<vmem>>
        %dma_wait3A_355 = tpu.memref_squeeze %dma_wait3A_354 : memref<1x128x128xf32, #tpu.memory_space<vmem>> -> memref<128x128xf32, #tpu.memory_space<vmem>>
        tpu.wait_dma2 semaphore(%run_scoped3A_331 : memref<!tpu.dma_semaphore, #tpu.memory_space<semaphore_mem>>) src(%dma_wait3A_355 : memref<128x128xf32, #tpu.memory_space<vmem>>) dst(%dma_wait3A_351 : memref<128x128xf32, #tpu.memory_space<hbm>>)
        tpu.yield
      }) : () -> ()
      %add3A_250 = arith.constant 5 : i32
      %add3A_251 = arith.addi %add3A_230, %add3A_250 : i32
      %dma_start3A_252 = arith.constant 2 : i32
      %dma_start3A_253 = arith.constant 0 : i32
      %dma_start3A_254 = arith.constant 0 : i32
      %dma_start3A_255 = tpu.memref_slice %arg6[%dma_start3A_252, %dma_start3A_253, %dma_start3A_254] : memref<5x128x128xf32, #tpu.memory_space<vmem>> -> memref<1x128x128xf32, #tpu.memory_space<vmem>>
      %dma_start3A_256 = tpu.memref_squeeze %dma_start3A_255 : memref<1x128x128xf32, #tpu.memory_space<vmem>> -> memref<128x128xf32, #tpu.memory_space<vmem>>
      %dma_start3A_257 = arith.constant 0 : i32
      %dma_start3A_258 = tpu.memref_slice %arg5[%add3A_251, %dma_start3A_257] : memref<40x128xi32, #tpu.memory_space<vmem>> -> memref<1x128xi32, #tpu.memory_space<vmem>>
      %dma_start3A_259 = tpu.memref_squeeze %dma_start3A_258 : memref<1x128xi32, #tpu.memory_space<vmem>> -> memref<128xi32, #tpu.memory_space<vmem>>
      %dma_start3A_260 = arith.constant 0 : i32
      %dma_start3A_261 = arith.constant 0 : i32
      %dma_start3A_262 = tpu.memref_slice %arg2[%dma_start3A_260, %dma_start3A_261] : memref<10000x128xf32, #tpu.memory_space<hbm>> -> memref<10000x128xf32, #tpu.memory_space<hbm>>
      tpu.enqueue_indirect_dma source(%dma_start3A_262 : memref<10000x128xf32, #tpu.memory_space<hbm>>) target(%dma_start3A_256 : memref<128x128xf32, #tpu.memory_space<vmem>>) offsets(%dma_start3A_259 : memref<128xi32, #tpu.memory_space<vmem>>) semaphore(%arg9 : memref<!tpu.dma_semaphore, #tpu.memory_space<semaphore_mem>>)
      %add3A_263 = arith.constant 3 : i32
      %add3A_264 = arith.addi %mul3A_160, %add3A_263 : i32
      %dma_wait3A_265 = arith.constant 3 : i32
      %dma_wait3A_266 = arith.constant 0 : i32
      %dma_wait3A_267 = arith.constant 0 : i32
      %dma_wait3A_268 = tpu.memref_slice %arg6[%dma_wait3A_265, %dma_wait3A_266, %dma_wait3A_267] : memref<5x128x128xf32, #tpu.memory_space<vmem>> -> memref<1x128x128xf32, #tpu.memory_space<vmem>>
      %dma_wait3A_269 = tpu.memref_squeeze %dma_wait3A_268 : memref<1x128x128xf32, #tpu.memory_space<vmem>> -> memref<128x128xf32, #tpu.memory_space<vmem>>
      %dma_wait3A_270 = arith.constant 0 : i32
      %dma_wait3A_271 = tpu.memref_slice %arg5[%add3A_264, %dma_wait3A_270] : memref<40x128xi32, #tpu.memory_space<vmem>> -> memref<1x128xi32, #tpu.memory_space<vmem>>
      %dma_wait3A_272 = tpu.memref_squeeze %dma_wait3A_271 : memref<1x128xi32, #tpu.memory_space<vmem>> -> memref<128xi32, #tpu.memory_space<vmem>>
      %dma_wait3A_273 = arith.constant 0 : i32
      %dma_wait3A_274 = arith.constant 0 : i32
      %dma_wait3A_275 = tpu.memref_slice %arg2[%dma_wait3A_273, %dma_wait3A_274] : memref<10000x128xf32, #tpu.memory_space<hbm>> -> memref<10000x128xf32, #tpu.memory_space<hbm>>
      tpu.wait_indirect_dma semaphore(%arg10 : memref<!tpu.dma_semaphore, #tpu.memory_space<semaphore_mem>>) src(%dma_wait3A_275 : memref<10000x128xf32, #tpu.memory_space<hbm>>) dst(%dma_wait3A_269 : memref<128x128xf32, #tpu.memory_space<vmem>>)
      %mul3A_276 = arith.constant 5000 : i32
      %mul3A_277 = arith.muli %add3A, %mul3A_276 : i32
      %mul3A_278 = arith.constant 128 : i32
      %mul3A_279 = arith.muli %add3A_264, %mul3A_278 : i32
      %min3A_280 = arith.constant 4872 : i32
      %min3A_281 = arith.minsi %mul3A_279, %min3A_280 : i32
      %add3A_282 = arith.addi %mul3A_277, %min3A_281 : i32
      %run_scoped3A_283 = arith.constant 3 : i32
      "tpu.region"() ({
        %run_scoped3A_331 = tpu.sem_alloc : memref<!tpu.dma_semaphore, #tpu.memory_space<semaphore_mem>>
        %dma_start3A_332 = arith.constant 0 : i32
        %dma_start3A_333 = arith.constant 0 : i32
        %dma_start3A_334 = tpu.memref_slice %arg6[%run_scoped3A_283, %dma_start3A_332, %dma_start3A_333] : memref<5x128x128xf32, #tpu.memory_space<vmem>> -> memref<1x128x128xf32, #tpu.memory_space<vmem>>
        %dma_start3A_335 = tpu.memref_squeeze %dma_start3A_334 : memref<1x128x128xf32, #tpu.memory_space<vmem>> -> memref<128x128xf32, #tpu.memory_space<vmem>>
        %dma_start3A_336 = arith.constant 0 : i32
        %dma_start3A_337 = tpu.memref_slice %arg4[%add3A_282, %dma_start3A_336] : memref<160000x128xf32, #tpu.memory_space<hbm>> -> memref<128x128xf32, #tpu.memory_space<hbm>>
        %dma_start3A_338 = arith.constant 0 : i32
        %dma_start3A_339 = tpu.memref_slice %arg4[%add3A_282, %dma_start3A_338] : memref<160000x128xf32, #tpu.memory_space<hbm>> -> memref<128x128xf32, #tpu.memory_space<hbm>>
        %dma_start3A_340 = arith.constant 0 : i32
        %dma_start3A_341 = arith.constant 0 : i32
        %dma_start3A_342 = tpu.memref_slice %arg6[%run_scoped3A_283, %dma_start3A_340, %dma_start3A_341] : memref<5x128x128xf32, #tpu.memory_space<vmem>> -> memref<1x128x128xf32, #tpu.memory_space<vmem>>
        %dma_start3A_343 = tpu.memref_squeeze %dma_start3A_342 : memref<1x128x128xf32, #tpu.memory_space<vmem>> -> memref<128x128xf32, #tpu.memory_space<vmem>>
        tpu.enqueue_dma source(%dma_start3A_343 : memref<128x128xf32, #tpu.memory_space<vmem>>) target(%dma_start3A_339 : memref<128x128xf32, #tpu.memory_space<hbm>>) target_semaphore(%run_scoped3A_331 : memref<!tpu.dma_semaphore, #tpu.memory_space<semaphore_mem>>)
        %dma_wait3A_344 = arith.constant 0 : i32
        %dma_wait3A_345 = arith.constant 0 : i32
        %dma_wait3A_346 = tpu.memref_slice %arg6[%run_scoped3A_283, %dma_wait3A_344, %dma_wait3A_345] : memref<5x128x128xf32, #tpu.memory_space<vmem>> -> memref<1x128x128xf32, #tpu.memory_space<vmem>>
        %dma_wait3A_347 = tpu.memref_squeeze %dma_wait3A_346 : memref<1x128x128xf32, #tpu.memory_space<vmem>> -> memref<128x128xf32, #tpu.memory_space<vmem>>
        %dma_wait3A_348 = arith.constant 0 : i32
        %dma_wait3A_349 = tpu.memref_slice %arg4[%add3A_282, %dma_wait3A_348] : memref<160000x128xf32, #tpu.memory_space<hbm>> -> memref<128x128xf32, #tpu.memory_space<hbm>>
        %dma_wait3A_350 = arith.constant 0 : i32
        %dma_wait3A_351 = tpu.memref_slice %arg4[%add3A_282, %dma_wait3A_350] : memref<160000x128xf32, #tpu.memory_space<hbm>> -> memref<128x128xf32, #tpu.memory_space<hbm>>
        %dma_wait3A_352 = arith.constant 0 : i32
        %dma_wait3A_353 = arith.constant 0 : i32
        %dma_wait3A_354 = tpu.memref_slice %arg6[%run_scoped3A_283, %dma_wait3A_352, %dma_wait3A_353] : memref<5x128x128xf32, #tpu.memory_space<vmem>> -> memref<1x128x128xf32, #tpu.memory_space<vmem>>
        %dma_wait3A_355 = tpu.memref_squeeze %dma_wait3A_354 : memref<1x128x128xf32, #tpu.memory_space<vmem>> -> memref<128x128xf32, #tpu.memory_space<vmem>>
        tpu.wait_dma2 semaphore(%run_scoped3A_331 : memref<!tpu.dma_semaphore, #tpu.memory_space<semaphore_mem>>) src(%dma_wait3A_355 : memref<128x128xf32, #tpu.memory_space<vmem>>) dst(%dma_wait3A_351 : memref<128x128xf32, #tpu.memory_space<hbm>>)
        tpu.yield
      }) : () -> ()
      %add3A_284 = arith.constant 5 : i32
      %add3A_285 = arith.addi %add3A_264, %add3A_284 : i32
      %dma_start3A_286 = arith.constant 3 : i32
      %dma_start3A_287 = arith.constant 0 : i32
      %dma_start3A_288 = arith.constant 0 : i32
      %dma_start3A_289 = tpu.memref_slice %arg6[%dma_start3A_286, %dma_start3A_287, %dma_start3A_288] : memref<5x128x128xf32, #tpu.memory_space<vmem>> -> memref<1x128x128xf32, #tpu.memory_space<vmem>>
      %dma_start3A_290 = tpu.memref_squeeze %dma_start3A_289 : memref<1x128x128xf32, #tpu.memory_space<vmem>> -> memref<128x128xf32, #tpu.memory_space<vmem>>
      %dma_start3A_291 = arith.constant 0 : i32
      %dma_start3A_292 = tpu.memref_slice %arg5[%add3A_285, %dma_start3A_291] : memref<40x128xi32, #tpu.memory_space<vmem>> -> memref<1x128xi32, #tpu.memory_space<vmem>>
      %dma_start3A_293 = tpu.memref_squeeze %dma_start3A_292 : memref<1x128xi32, #tpu.memory_space<vmem>> -> memref<128xi32, #tpu.memory_space<vmem>>
      %dma_start3A_294 = arith.constant 0 : i32
      %dma_start3A_295 = arith.constant 0 : i32
      %dma_start3A_296 = tpu.memref_slice %arg2[%dma_start3A_294, %dma_start3A_295] : memref<10000x128xf32, #tpu.memory_space<hbm>> -> memref<10000x128xf32, #tpu.memory_space<hbm>>
      tpu.enqueue_indirect_dma source(%dma_start3A_296 : memref<10000x128xf32, #tpu.memory_space<hbm>>) target(%dma_start3A_290 : memref<128x128xf32, #tpu.memory_space<vmem>>) offsets(%dma_start3A_293 : memref<128xi32, #tpu.memory_space<vmem>>) semaphore(%arg10 : memref<!tpu.dma_semaphore, #tpu.memory_space<semaphore_mem>>)
      %add3A_297 = arith.constant 4 : i32
      %add3A_298 = arith.addi %mul3A_160, %add3A_297 : i32
      %dma_wait3A_299 = arith.constant 4 : i32
      %dma_wait3A_300 = arith.constant 0 : i32
      %dma_wait3A_301 = arith.constant 0 : i32
      %dma_wait3A_302 = tpu.memref_slice %arg6[%dma_wait3A_299, %dma_wait3A_300, %dma_wait3A_301] : memref<5x128x128xf32, #tpu.memory_space<vmem>> -> memref<1x128x128xf32, #tpu.memory_space<vmem>>
      %dma_wait3A_303 = tpu.memref_squeeze %dma_wait3A_302 : memref<1x128x128xf32, #tpu.memory_space<vmem>> -> memref<128x128xf32, #tpu.memory_space<vmem>>
      %dma_wait3A_304 = arith.constant 0 : i32
      %dma_wait3A_305 = tpu.memref_slice %arg5[%add3A_298, %dma_wait3A_304] : memref<40x128xi32, #tpu.memory_space<vmem>> -> memref<1x128xi32, #tpu.memory_space<vmem>>
      %dma_wait3A_306 = tpu.memref_squeeze %dma_wait3A_305 : memref<1x128xi32, #tpu.memory_space<vmem>> -> memref<128xi32, #tpu.memory_space<vmem>>
      %dma_wait3A_307 = arith.constant 0 : i32
      %dma_wait3A_308 = arith.constant 0 : i32
      %dma_wait3A_309 = tpu.memref_slice %arg2[%dma_wait3A_307, %dma_wait3A_308] : memref<10000x128xf32, #tpu.memory_space<hbm>> -> memref<10000x128xf32, #tpu.memory_space<hbm>>
      tpu.wait_indirect_dma semaphore(%arg11 : memref<!tpu.dma_semaphore, #tpu.memory_space<semaphore_mem>>) src(%dma_wait3A_309 : memref<10000x128xf32, #tpu.memory_space<hbm>>) dst(%dma_wait3A_303 : memref<128x128xf32, #tpu.memory_space<vmem>>)
      %mul3A_310 = arith.constant 5000 : i32
      %mul3A_311 = arith.muli %add3A, %mul3A_310 : i32
      %mul3A_312 = arith.constant 128 : i32
      %mul3A_313 = arith.muli %add3A_298, %mul3A_312 : i32
      %min3A_314 = arith.constant 4872 : i32
      %min3A_315 = arith.minsi %mul3A_313, %min3A_314 : i32
      %add3A_316 = arith.addi %mul3A_311, %min3A_315 : i32
      %run_scoped3A_317 = arith.constant 4 : i32
      "tpu.region"() ({
        %run_scoped3A_331 = tpu.sem_alloc : memref<!tpu.dma_semaphore, #tpu.memory_space<semaphore_mem>>
        %dma_start3A_332 = arith.constant 0 : i32
        %dma_start3A_333 = arith.constant 0 : i32
        %dma_start3A_334 = tpu.memref_slice %arg6[%run_scoped3A_317, %dma_start3A_332, %dma_start3A_333] : memref<5x128x128xf32, #tpu.memory_space<vmem>> -> memref<1x128x128xf32, #tpu.memory_space<vmem>>
        %dma_start3A_335 = tpu.memref_squeeze %dma_start3A_334 : memref<1x128x128xf32, #tpu.memory_space<vmem>> -> memref<128x128xf32, #tpu.memory_space<vmem>>
        %dma_start3A_336 = arith.constant 0 : i32
        %dma_start3A_337 = tpu.memref_slice %arg4[%add3A_316, %dma_start3A_336] : memref<160000x128xf32, #tpu.memory_space<hbm>> -> memref<128x128xf32, #tpu.memory_space<hbm>>
        %dma_start3A_338 = arith.constant 0 : i32
        %dma_start3A_339 = tpu.memref_slice %arg4[%add3A_316, %dma_start3A_338] : memref<160000x128xf32, #tpu.memory_space<hbm>> -> memref<128x128xf32, #tpu.memory_space<hbm>>
        %dma_start3A_340 = arith.constant 0 : i32
        %dma_start3A_341 = arith.constant 0 : i32
        %dma_start3A_342 = tpu.memref_slice %arg6[%run_scoped3A_317, %dma_start3A_340, %dma_start3A_341] : memref<5x128x128xf32, #tpu.memory_space<vmem>> -> memref<1x128x128xf32, #tpu.memory_space<vmem>>
        %dma_start3A_343 = tpu.memref_squeeze %dma_start3A_342 : memref<1x128x128xf32, #tpu.memory_space<vmem>> -> memref<128x128xf32, #tpu.memory_space<vmem>>
        tpu.enqueue_dma source(%dma_start3A_343 : memref<128x128xf32, #tpu.memory_space<vmem>>) target(%dma_start3A_339 : memref<128x128xf32, #tpu.memory_space<hbm>>) target_semaphore(%run_scoped3A_331 : memref<!tpu.dma_semaphore, #tpu.memory_space<semaphore_mem>>)
        %dma_wait3A_344 = arith.constant 0 : i32
        %dma_wait3A_345 = arith.constant 0 : i32
        %dma_wait3A_346 = tpu.memref_slice %arg6[%run_scoped3A_317, %dma_wait3A_344, %dma_wait3A_345] : memref<5x128x128xf32, #tpu.memory_space<vmem>> -> memref<1x128x128xf32, #tpu.memory_space<vmem>>
        %dma_wait3A_347 = tpu.memref_squeeze %dma_wait3A_346 : memref<1x128x128xf32, #tpu.memory_space<vmem>> -> memref<128x128xf32, #tpu.memory_space<vmem>>
        %dma_wait3A_348 = arith.constant 0 : i32
        %dma_wait3A_349 = tpu.memref_slice %arg4[%add3A_316, %dma_wait3A_348] : memref<160000x128xf32, #tpu.memory_space<hbm>> -> memref<128x128xf32, #tpu.memory_space<hbm>>
        %dma_wait3A_350 = arith.constant 0 : i32
        %dma_wait3A_351 = tpu.memref_slice %arg4[%add3A_316, %dma_wait3A_350] : memref<160000x128xf32, #tpu.memory_space<hbm>> -> memref<128x128xf32, #tpu.memory_space<hbm>>
        %dma_wait3A_352 = arith.constant 0 : i32
        %dma_wait3A_353 = arith.constant 0 : i32
        %dma_wait3A_354 = tpu.memref_slice %arg6[%run_scoped3A_317, %dma_wait3A_352, %dma_wait3A_353] : memref<5x128x128xf32, #tpu.memory_space<vmem>> -> memref<1x128x128xf32, #tpu.memory_space<vmem>>
        %dma_wait3A_355 = tpu.memref_squeeze %dma_wait3A_354 : memref<1x128x128xf32, #tpu.memory_space<vmem>> -> memref<128x128xf32, #tpu.memory_space<vmem>>
        tpu.wait_dma2 semaphore(%run_scoped3A_331 : memref<!tpu.dma_semaphore, #tpu.memory_space<semaphore_mem>>) src(%dma_wait3A_355 : memref<128x128xf32, #tpu.memory_space<vmem>>) dst(%dma_wait3A_351 : memref<128x128xf32, #tpu.memory_space<hbm>>)
        tpu.yield
      }) : () -> ()
      %add3A_318 = arith.constant 5 : i32
      %add3A_319 = arith.addi %add3A_298, %add3A_318 : i32
      %dma_start3A_320 = arith.constant 4 : i32
      %dma_start3A_321 = arith.constant 0 : i32
      %dma_start3A_322 = arith.constant 0 : i32
      %dma_start3A_323 = tpu.memref_slice %arg6[%dma_start3A_320, %dma_start3A_321, %dma_start3A_322] : memref<5x128x128xf32, #tpu.memory_space<vmem>> -> memref<1x128x128xf32, #tpu.memory_space<vmem>>
      %dma_start3A_324 = tpu.memref_squeeze %dma_start3A_323 : memref<1x128x128xf32, #tpu.memory_space<vmem>> -> memref<128x128xf32, #tpu.memory_space<vmem>>
      %dma_start3A_325 = arith.constant 0 : i32
      %dma_start3A_326 = tpu.memref_slice %arg5[%add3A_319, %dma_start3A_325] : memref<40x128xi32, #tpu.memory_space<vmem>> -> memref<1x128xi32, #tpu.memory_space<vmem>>
      %dma_start3A_327 = tpu.memref_squeeze %dma_start3A_326 : memref<1x128xi32, #tpu.memory_space<vmem>> -> memref<128xi32, #tpu.memory_space<vmem>>
      %dma_start3A_328 = arith.constant 0 : i32
      %dma_start3A_329 = arith.constant 0 : i32
      %dma_start3A_330 = tpu.memref_slice %arg2[%dma_start3A_328, %dma_start3A_329] : memref<10000x128xf32, #tpu.memory_space<hbm>> -> memref<10000x128xf32, #tpu.memory_space<hbm>>
      tpu.enqueue_indirect_dma source(%dma_start3A_330 : memref<10000x128xf32, #tpu.memory_space<hbm>>) target(%dma_start3A_324 : memref<128x128xf32, #tpu.memory_space<vmem>>) offsets(%dma_start3A_327 : memref<128xi32, #tpu.memory_space<vmem>>) semaphore(%arg11 : memref<!tpu.dma_semaphore, #tpu.memory_space<semaphore_mem>>)
    }
    %scan3A_65 = arith.constant 7 : i32
    %dma_wait3A = arith.constant 35 : i32
    %dma_wait3A_66 = arith.constant 0 : i32
    %dma_wait3A_67 = arith.constant 0 : i32
    %dma_wait3A_68 = arith.constant 0 : i32
    %dma_wait3A_69 = tpu.memref_slice %arg6[%dma_wait3A_66, %dma_wait3A_67, %dma_wait3A_68] : memref<5x128x128xf32, #tpu.memory_space<vmem>> -> memref<1x128x128xf32, #tpu.memory_space<vmem>>
    %dma_wait3A_70 = tpu.memref_squeeze %dma_wait3A_69 : memref<1x128x128xf32, #tpu.memory_space<vmem>> -> memref<128x128xf32, #tpu.memory_space<vmem>>
    %dma_wait3A_71 = arith.constant 0 : i32
    %dma_wait3A_72 = tpu.memref_slice %arg5[%dma_wait3A, %dma_wait3A_71] : memref<40x128xi32, #tpu.memory_space<vmem>> -> memref<1x128xi32, #tpu.memory_space<vmem>>
    %dma_wait3A_73 = tpu.memref_squeeze %dma_wait3A_72 : memref<1x128xi32, #tpu.memory_space<vmem>> -> memref<128xi32, #tpu.memory_space<vmem>>
    %dma_wait3A_74 = arith.constant 0 : i32
    %dma_wait3A_75 = arith.constant 0 : i32
    %dma_wait3A_76 = tpu.memref_slice %arg2[%dma_wait3A_74, %dma_wait3A_75] : memref<10000x128xf32, #tpu.memory_space<hbm>> -> memref<10000x128xf32, #tpu.memory_space<hbm>>
    tpu.wait_indirect_dma semaphore(%arg7 : memref<!tpu.dma_semaphore, #tpu.memory_space<semaphore_mem>>) src(%dma_wait3A_76 : memref<10000x128xf32, #tpu.memory_space<hbm>>) dst(%dma_wait3A_70 : memref<128x128xf32, #tpu.memory_space<vmem>>)
    %mul3A_77 = arith.constant 5000 : i32
    %mul3A_78 = arith.muli %add3A, %mul3A_77 : i32
    %min3A = arith.constant 4480 : i32
    %min3A_79 = arith.constant 4872 : i32
    %min3A_80 = arith.minsi %min3A, %min3A_79 : i32
    %add3A_81 = arith.addi %mul3A_78, %min3A_80 : i32
    %run_scoped3A = arith.constant 0 : i32
    "tpu.region"() ({
      %run_scoped3A_158 = tpu.sem_alloc : memref<!tpu.dma_semaphore, #tpu.memory_space<semaphore_mem>>
      %dma_start3A_159 = arith.constant 0 : i32
      %dma_start3A_160 = arith.constant 0 : i32
      %dma_start3A_161 = tpu.memref_slice %arg6[%run_scoped3A, %dma_start3A_159, %dma_start3A_160] : memref<5x128x128xf32, #tpu.memory_space<vmem>> -> memref<1x128x128xf32, #tpu.memory_space<vmem>>
      %dma_start3A_162 = tpu.memref_squeeze %dma_start3A_161 : memref<1x128x128xf32, #tpu.memory_space<vmem>> -> memref<128x128xf32, #tpu.memory_space<vmem>>
      %dma_start3A_163 = arith.constant 0 : i32
      %dma_start3A_164 = tpu.memref_slice %arg4[%add3A_81, %dma_start3A_163] : memref<160000x128xf32, #tpu.memory_space<hbm>> -> memref<128x128xf32, #tpu.memory_space<hbm>>
      %dma_start3A_165 = arith.constant 0 : i32
      %dma_start3A_166 = tpu.memref_slice %arg4[%add3A_81, %dma_start3A_165] : memref<160000x128xf32, #tpu.memory_space<hbm>> -> memref<128x128xf32, #tpu.memory_space<hbm>>
      %dma_start3A_167 = arith.constant 0 : i32
      %dma_start3A_168 = arith.constant 0 : i32
      %dma_start3A_169 = tpu.memref_slice %arg6[%run_scoped3A, %dma_start3A_167, %dma_start3A_168] : memref<5x128x128xf32, #tpu.memory_space<vmem>> -> memref<1x128x128xf32, #tpu.memory_space<vmem>>
      %dma_start3A_170 = tpu.memref_squeeze %dma_start3A_169 : memref<1x128x128xf32, #tpu.memory_space<vmem>> -> memref<128x128xf32, #tpu.memory_space<vmem>>
      tpu.enqueue_dma source(%dma_start3A_170 : memref<128x128xf32, #tpu.memory_space<vmem>>) target(%dma_start3A_166 : memref<128x128xf32, #tpu.memory_space<hbm>>) target_semaphore(%run_scoped3A_158 : memref<!tpu.dma_semaphore, #tpu.memory_space<semaphore_mem>>)
      %dma_wait3A_171 = arith.constant 0 : i32
      %dma_wait3A_172 = arith.constant 0 : i32
      %dma_wait3A_173 = tpu.memref_slice %arg6[%run_scoped3A, %dma_wait3A_171, %dma_wait3A_172] : memref<5x128x128xf32, #tpu.memory_space<vmem>> -> memref<1x128x128xf32, #tpu.memory_space<vmem>>
      %dma_wait3A_174 = tpu.memref_squeeze %dma_wait3A_173 : memref<1x128x128xf32, #tpu.memory_space<vmem>> -> memref<128x128xf32, #tpu.memory_space<vmem>>
      %dma_wait3A_175 = arith.constant 0 : i32
      %dma_wait3A_176 = tpu.memref_slice %arg4[%add3A_81, %dma_wait3A_175] : memref<160000x128xf32, #tpu.memory_space<hbm>> -> memref<128x128xf32, #tpu.memory_space<hbm>>
      %dma_wait3A_177 = arith.constant 0 : i32
      %dma_wait3A_178 = tpu.memref_slice %arg4[%add3A_81, %dma_wait3A_177] : memref<160000x128xf32, #tpu.memory_space<hbm>> -> memref<128x128xf32, #tpu.memory_space<hbm>>
      %dma_wait3A_179 = arith.constant 0 : i32
      %dma_wait3A_180 = arith.constant 0 : i32
      %dma_wait3A_181 = tpu.memref_slice %arg6[%run_scoped3A, %dma_wait3A_179, %dma_wait3A_180] : memref<5x128x128xf32, #tpu.memory_space<vmem>> -> memref<1x128x128xf32, #tpu.memory_space<vmem>>
      %dma_wait3A_182 = tpu.memref_squeeze %dma_wait3A_181 : memref<1x128x128xf32, #tpu.memory_space<vmem>> -> memref<128x128xf32, #tpu.memory_space<vmem>>
      tpu.wait_dma2 semaphore(%run_scoped3A_158 : memref<!tpu.dma_semaphore, #tpu.memory_space<semaphore_mem>>) src(%dma_wait3A_182 : memref<128x128xf32, #tpu.memory_space<vmem>>) dst(%dma_wait3A_178 : memref<128x128xf32, #tpu.memory_space<hbm>>)
      tpu.yield
    }) : () -> ()
    %dma_wait3A_82 = arith.constant 36 : i32
    %dma_wait3A_83 = arith.constant 1 : i32
    %dma_wait3A_84 = arith.constant 0 : i32
    %dma_wait3A_85 = arith.constant 0 : i32
    %dma_wait3A_86 = tpu.memref_slice %arg6[%dma_wait3A_83, %dma_wait3A_84, %dma_wait3A_85] : memref<5x128x128xf32, #tpu.memory_space<vmem>> -> memref<1x128x128xf32, #tpu.memory_space<vmem>>
    %dma_wait3A_87 = tpu.memref_squeeze %dma_wait3A_86 : memref<1x128x128xf32, #tpu.memory_space<vmem>> -> memref<128x128xf32, #tpu.memory_space<vmem>>
    %dma_wait3A_88 = arith.constant 0 : i32
    %dma_wait3A_89 = tpu.memref_slice %arg5[%dma_wait3A_82, %dma_wait3A_88] : memref<40x128xi32, #tpu.memory_space<vmem>> -> memref<1x128xi32, #tpu.memory_space<vmem>>
    %dma_wait3A_90 = tpu.memref_squeeze %dma_wait3A_89 : memref<1x128xi32, #tpu.memory_space<vmem>> -> memref<128xi32, #tpu.memory_space<vmem>>
    %dma_wait3A_91 = arith.constant 0 : i32
    %dma_wait3A_92 = arith.constant 0 : i32
    %dma_wait3A_93 = tpu.memref_slice %arg2[%dma_wait3A_91, %dma_wait3A_92] : memref<10000x128xf32, #tpu.memory_space<hbm>> -> memref<10000x128xf32, #tpu.memory_space<hbm>>
    tpu.wait_indirect_dma semaphore(%arg8 : memref<!tpu.dma_semaphore, #tpu.memory_space<semaphore_mem>>) src(%dma_wait3A_93 : memref<10000x128xf32, #tpu.memory_space<hbm>>) dst(%dma_wait3A_87 : memref<128x128xf32, #tpu.memory_space<vmem>>)
    %mul3A_94 = arith.constant 5000 : i32
    %mul3A_95 = arith.muli %add3A, %mul3A_94 : i32
    %min3A_96 = arith.constant 4608 : i32
    %min3A_97 = arith.constant 4872 : i32
    %min3A_98 = arith.minsi %min3A_96, %min3A_97 : i32
    %add3A_99 = arith.addi %mul3A_95, %min3A_98 : i32
    %run_scoped3A_100 = arith.constant 1 : i32
    "tpu.region"() ({
      %run_scoped3A_158 = tpu.sem_alloc : memref<!tpu.dma_semaphore, #tpu.memory_space<semaphore_mem>>
      %dma_start3A_159 = arith.constant 0 : i32
      %dma_start3A_160 = arith.constant 0 : i32
      %dma_start3A_161 = tpu.memref_slice %arg6[%run_scoped3A_100, %dma_start3A_159, %dma_start3A_160] : memref<5x128x128xf32, #tpu.memory_space<vmem>> -> memref<1x128x128xf32, #tpu.memory_space<vmem>>
      %dma_start3A_162 = tpu.memref_squeeze %dma_start3A_161 : memref<1x128x128xf32, #tpu.memory_space<vmem>> -> memref<128x128xf32, #tpu.memory_space<vmem>>
      %dma_start3A_163 = arith.constant 0 : i32
      %dma_start3A_164 = tpu.memref_slice %arg4[%add3A_99, %dma_start3A_163] : memref<160000x128xf32, #tpu.memory_space<hbm>> -> memref<128x128xf32, #tpu.memory_space<hbm>>
      %dma_start3A_165 = arith.constant 0 : i32
      %dma_start3A_166 = tpu.memref_slice %arg4[%add3A_99, %dma_start3A_165] : memref<160000x128xf32, #tpu.memory_space<hbm>> -> memref<128x128xf32, #tpu.memory_space<hbm>>
      %dma_start3A_167 = arith.constant 0 : i32
      %dma_start3A_168 = arith.constant 0 : i32
      %dma_start3A_169 = tpu.memref_slice %arg6[%run_scoped3A_100, %dma_start3A_167, %dma_start3A_168] : memref<5x128x128xf32, #tpu.memory_space<vmem>> -> memref<1x128x128xf32, #tpu.memory_space<vmem>>
      %dma_start3A_170 = tpu.memref_squeeze %dma_start3A_169 : memref<1x128x128xf32, #tpu.memory_space<vmem>> -> memref<128x128xf32, #tpu.memory_space<vmem>>
      tpu.enqueue_dma source(%dma_start3A_170 : memref<128x128xf32, #tpu.memory_space<vmem>>) target(%dma_start3A_166 : memref<128x128xf32, #tpu.memory_space<hbm>>) target_semaphore(%run_scoped3A_158 : memref<!tpu.dma_semaphore, #tpu.memory_space<semaphore_mem>>)
      %dma_wait3A_171 = arith.constant 0 : i32
      %dma_wait3A_172 = arith.constant 0 : i32
      %dma_wait3A_173 = tpu.memref_slice %arg6[%run_scoped3A_100, %dma_wait3A_171, %dma_wait3A_172] : memref<5x128x128xf32, #tpu.memory_space<vmem>> -> memref<1x128x128xf32, #tpu.memory_space<vmem>>
      %dma_wait3A_174 = tpu.memref_squeeze %dma_wait3A_173 : memref<1x128x128xf32, #tpu.memory_space<vmem>> -> memref<128x128xf32, #tpu.memory_space<vmem>>
      %dma_wait3A_175 = arith.constant 0 : i32
      %dma_wait3A_176 = tpu.memref_slice %arg4[%add3A_99, %dma_wait3A_175] : memref<160000x128xf32, #tpu.memory_space<hbm>> -> memref<128x128xf32, #tpu.memory_space<hbm>>
      %dma_wait3A_177 = arith.constant 0 : i32
      %dma_wait3A_178 = tpu.memref_slice %arg4[%add3A_99, %dma_wait3A_177] : memref<160000x128xf32, #tpu.memory_space<hbm>> -> memref<128x128xf32, #tpu.memory_space<hbm>>
      %dma_wait3A_179 = arith.constant 0 : i32
      %dma_wait3A_180 = arith.constant 0 : i32
      %dma_wait3A_181 = tpu.memref_slice %arg6[%run_scoped3A_100, %dma_wait3A_179, %dma_wait3A_180] : memref<5x128x128xf32, #tpu.memory_space<vmem>> -> memref<1x128x128xf32, #tpu.memory_space<vmem>>
      %dma_wait3A_182 = tpu.memref_squeeze %dma_wait3A_181 : memref<1x128x128xf32, #tpu.memory_space<vmem>> -> memref<128x128xf32, #tpu.memory_space<vmem>>
      tpu.wait_dma2 semaphore(%run_scoped3A_158 : memref<!tpu.dma_semaphore, #tpu.memory_space<semaphore_mem>>) src(%dma_wait3A_182 : memref<128x128xf32, #tpu.memory_space<vmem>>) dst(%dma_wait3A_178 : memref<128x128xf32, #tpu.memory_space<hbm>>)
      tpu.yield
    }) : () -> ()
    %dma_wait3A_101 = arith.constant 37 : i32
    %dma_wait3A_102 = arith.constant 2 : i32
    %dma_wait3A_103 = arith.constant 0 : i32
    %dma_wait3A_104 = arith.constant 0 : i32
    %dma_wait3A_105 = tpu.memref_slice %arg6[%dma_wait3A_102, %dma_wait3A_103, %dma_wait3A_104] : memref<5x128x128xf32, #tpu.memory_space<vmem>> -> memref<1x128x128xf32, #tpu.memory_space<vmem>>
    %dma_wait3A_106 = tpu.memref_squeeze %dma_wait3A_105 : memref<1x128x128xf32, #tpu.memory_space<vmem>> -> memref<128x128xf32, #tpu.memory_space<vmem>>
    %dma_wait3A_107 = arith.constant 0 : i32
    %dma_wait3A_108 = tpu.memref_slice %arg5[%dma_wait3A_101, %dma_wait3A_107] : memref<40x128xi32, #tpu.memory_space<vmem>> -> memref<1x128xi32, #tpu.memory_space<vmem>>
    %dma_wait3A_109 = tpu.memref_squeeze %dma_wait3A_108 : memref<1x128xi32, #tpu.memory_space<vmem>> -> memref<128xi32, #tpu.memory_space<vmem>>
    %dma_wait3A_110 = arith.constant 0 : i32
    %dma_wait3A_111 = arith.constant 0 : i32
    %dma_wait3A_112 = tpu.memref_slice %arg2[%dma_wait3A_110, %dma_wait3A_111] : memref<10000x128xf32, #tpu.memory_space<hbm>> -> memref<10000x128xf32, #tpu.memory_space<hbm>>
    tpu.wait_indirect_dma semaphore(%arg9 : memref<!tpu.dma_semaphore, #tpu.memory_space<semaphore_mem>>) src(%dma_wait3A_112 : memref<10000x128xf32, #tpu.memory_space<hbm>>) dst(%dma_wait3A_106 : memref<128x128xf32, #tpu.memory_space<vmem>>)
    %mul3A_113 = arith.constant 5000 : i32
    %mul3A_114 = arith.muli %add3A, %mul3A_113 : i32
    %min3A_115 = arith.constant 4736 : i32
    %min3A_116 = arith.constant 4872 : i32
    %min3A_117 = arith.minsi %min3A_115, %min3A_116 : i32
    %add3A_118 = arith.addi %mul3A_114, %min3A_117 : i32
    %run_scoped3A_119 = arith.constant 2 : i32
    "tpu.region"() ({
      %run_scoped3A_158 = tpu.sem_alloc : memref<!tpu.dma_semaphore, #tpu.memory_space<semaphore_mem>>
      %dma_start3A_159 = arith.constant 0 : i32
      %dma_start3A_160 = arith.constant 0 : i32
      %dma_start3A_161 = tpu.memref_slice %arg6[%run_scoped3A_119, %dma_start3A_159, %dma_start3A_160] : memref<5x128x128xf32, #tpu.memory_space<vmem>> -> memref<1x128x128xf32, #tpu.memory_space<vmem>>
      %dma_start3A_162 = tpu.memref_squeeze %dma_start3A_161 : memref<1x128x128xf32, #tpu.memory_space<vmem>> -> memref<128x128xf32, #tpu.memory_space<vmem>>
      %dma_start3A_163 = arith.constant 0 : i32
      %dma_start3A_164 = tpu.memref_slice %arg4[%add3A_118, %dma_start3A_163] : memref<160000x128xf32, #tpu.memory_space<hbm>> -> memref<128x128xf32, #tpu.memory_space<hbm>>
      %dma_start3A_165 = arith.constant 0 : i32
      %dma_start3A_166 = tpu.memref_slice %arg4[%add3A_118, %dma_start3A_165] : memref<160000x128xf32, #tpu.memory_space<hbm>> -> memref<128x128xf32, #tpu.memory_space<hbm>>
      %dma_start3A_167 = arith.constant 0 : i32
      %dma_start3A_168 = arith.constant 0 : i32
      %dma_start3A_169 = tpu.memref_slice %arg6[%run_scoped3A_119, %dma_start3A_167, %dma_start3A_168] : memref<5x128x128xf32, #tpu.memory_space<vmem>> -> memref<1x128x128xf32, #tpu.memory_space<vmem>>
      %dma_start3A_170 = tpu.memref_squeeze %dma_start3A_169 : memref<1x128x128xf32, #tpu.memory_space<vmem>> -> memref<128x128xf32, #tpu.memory_space<vmem>>
      tpu.enqueue_dma source(%dma_start3A_170 : memref<128x128xf32, #tpu.memory_space<vmem>>) target(%dma_start3A_166 : memref<128x128xf32, #tpu.memory_space<hbm>>) target_semaphore(%run_scoped3A_158 : memref<!tpu.dma_semaphore, #tpu.memory_space<semaphore_mem>>)
      %dma_wait3A_171 = arith.constant 0 : i32
      %dma_wait3A_172 = arith.constant 0 : i32
      %dma_wait3A_173 = tpu.memref_slice %arg6[%run_scoped3A_119, %dma_wait3A_171, %dma_wait3A_172] : memref<5x128x128xf32, #tpu.memory_space<vmem>> -> memref<1x128x128xf32, #tpu.memory_space<vmem>>
      %dma_wait3A_174 = tpu.memref_squeeze %dma_wait3A_173 : memref<1x128x128xf32, #tpu.memory_space<vmem>> -> memref<128x128xf32, #tpu.memory_space<vmem>>
      %dma_wait3A_175 = arith.constant 0 : i32
      %dma_wait3A_176 = tpu.memref_slice %arg4[%add3A_118, %dma_wait3A_175] : memref<160000x128xf32, #tpu.memory_space<hbm>> -> memref<128x128xf32, #tpu.memory_space<hbm>>
      %dma_wait3A_177 = arith.constant 0 : i32
      %dma_wait3A_178 = tpu.memref_slice %arg4[%add3A_118, %dma_wait3A_177] : memref<160000x128xf32, #tpu.memory_space<hbm>> -> memref<128x128xf32, #tpu.memory_space<hbm>>
      %dma_wait3A_179 = arith.constant 0 : i32
      %dma_wait3A_180 = arith.constant 0 : i32
      %dma_wait3A_181 = tpu.memref_slice %arg6[%run_scoped3A_119, %dma_wait3A_179, %dma_wait3A_180] : memref<5x128x128xf32, #tpu.memory_space<vmem>> -> memref<1x128x128xf32, #tpu.memory_space<vmem>>
      %dma_wait3A_182 = tpu.memref_squeeze %dma_wait3A_181 : memref<1x128x128xf32, #tpu.memory_space<vmem>> -> memref<128x128xf32, #tpu.memory_space<vmem>>
      tpu.wait_dma2 semaphore(%run_scoped3A_158 : memref<!tpu.dma_semaphore, #tpu.memory_space<semaphore_mem>>) src(%dma_wait3A_182 : memref<128x128xf32, #tpu.memory_space<vmem>>) dst(%dma_wait3A_178 : memref<128x128xf32, #tpu.memory_space<hbm>>)
      tpu.yield
    }) : () -> ()
    %dma_wait3A_120 = arith.constant 38 : i32
    %dma_wait3A_121 = arith.constant 3 : i32
    %dma_wait3A_122 = arith.constant 0 : i32
    %dma_wait3A_123 = arith.constant 0 : i32
    %dma_wait3A_124 = tpu.memref_slice %arg6[%dma_wait3A_121, %dma_wait3A_122, %dma_wait3A_123] : memref<5x128x128xf32, #tpu.memory_space<vmem>> -> memref<1x128x128xf32, #tpu.memory_space<vmem>>
    %dma_wait3A_125 = tpu.memref_squeeze %dma_wait3A_124 : memref<1x128x128xf32, #tpu.memory_space<vmem>> -> memref<128x128xf32, #tpu.memory_space<vmem>>
    %dma_wait3A_126 = arith.constant 0 : i32
    %dma_wait3A_127 = tpu.memref_slice %arg5[%dma_wait3A_120, %dma_wait3A_126] : memref<40x128xi32, #tpu.memory_space<vmem>> -> memref<1x128xi32, #tpu.memory_space<vmem>>
    %dma_wait3A_128 = tpu.memref_squeeze %dma_wait3A_127 : memref<1x128xi32, #tpu.memory_space<vmem>> -> memref<128xi32, #tpu.memory_space<vmem>>
    %dma_wait3A_129 = arith.constant 0 : i32
    %dma_wait3A_130 = arith.constant 0 : i32
    %dma_wait3A_131 = tpu.memref_slice %arg2[%dma_wait3A_129, %dma_wait3A_130] : memref<10000x128xf32, #tpu.memory_space<hbm>> -> memref<10000x128xf32, #tpu.memory_space<hbm>>
    tpu.wait_indirect_dma semaphore(%arg10 : memref<!tpu.dma_semaphore, #tpu.memory_space<semaphore_mem>>) src(%dma_wait3A_131 : memref<10000x128xf32, #tpu.memory_space<hbm>>) dst(%dma_wait3A_125 : memref<128x128xf32, #tpu.memory_space<vmem>>)
    %mul3A_132 = arith.constant 5000 : i32
    %mul3A_133 = arith.muli %add3A, %mul3A_132 : i32
    %min3A_134 = arith.constant 4864 : i32
    %min3A_135 = arith.constant 4872 : i32
    %min3A_136 = arith.minsi %min3A_134, %min3A_135 : i32
    %add3A_137 = arith.addi %mul3A_133, %min3A_136 : i32
    %run_scoped3A_138 = arith.constant 3 : i32
    "tpu.region"() ({
      %run_scoped3A_158 = tpu.sem_alloc : memref<!tpu.dma_semaphore, #tpu.memory_space<semaphore_mem>>
      %dma_start3A_159 = arith.constant 0 : i32
      %dma_start3A_160 = arith.constant 0 : i32
      %dma_start3A_161 = tpu.memref_slice %arg6[%run_scoped3A_138, %dma_start3A_159, %dma_start3A_160] : memref<5x128x128xf32, #tpu.memory_space<vmem>> -> memref<1x128x128xf32, #tpu.memory_space<vmem>>
      %dma_start3A_162 = tpu.memref_squeeze %dma_start3A_161 : memref<1x128x128xf32, #tpu.memory_space<vmem>> -> memref<128x128xf32, #tpu.memory_space<vmem>>
      %dma_start3A_163 = arith.constant 0 : i32
      %dma_start3A_164 = tpu.memref_slice %arg4[%add3A_137, %dma_start3A_163] : memref<160000x128xf32, #tpu.memory_space<hbm>> -> memref<128x128xf32, #tpu.memory_space<hbm>>
      %dma_start3A_165 = arith.constant 0 : i32
      %dma_start3A_166 = tpu.memref_slice %arg4[%add3A_137, %dma_start3A_165] : memref<160000x128xf32, #tpu.memory_space<hbm>> -> memref<128x128xf32, #tpu.memory_space<hbm>>
      %dma_start3A_167 = arith.constant 0 : i32
      %dma_start3A_168 = arith.constant 0 : i32
      %dma_start3A_169 = tpu.memref_slice %arg6[%run_scoped3A_138, %dma_start3A_167, %dma_start3A_168] : memref<5x128x128xf32, #tpu.memory_space<vmem>> -> memref<1x128x128xf32, #tpu.memory_space<vmem>>
      %dma_start3A_170 = tpu.memref_squeeze %dma_start3A_169 : memref<1x128x128xf32, #tpu.memory_space<vmem>> -> memref<128x128xf32, #tpu.memory_space<vmem>>
      tpu.enqueue_dma source(%dma_start3A_170 : memref<128x128xf32, #tpu.memory_space<vmem>>) target(%dma_start3A_166 : memref<128x128xf32, #tpu.memory_space<hbm>>) target_semaphore(%run_scoped3A_158 : memref<!tpu.dma_semaphore, #tpu.memory_space<semaphore_mem>>)
      %dma_wait3A_171 = arith.constant 0 : i32
      %dma_wait3A_172 = arith.constant 0 : i32
      %dma_wait3A_173 = tpu.memref_slice %arg6[%run_scoped3A_138, %dma_wait3A_171, %dma_wait3A_172] : memref<5x128x128xf32, #tpu.memory_space<vmem>> -> memref<1x128x128xf32, #tpu.memory_space<vmem>>
      %dma_wait3A_174 = tpu.memref_squeeze %dma_wait3A_173 : memref<1x128x128xf32, #tpu.memory_space<vmem>> -> memref<128x128xf32, #tpu.memory_space<vmem>>
      %dma_wait3A_175 = arith.constant 0 : i32
      %dma_wait3A_176 = tpu.memref_slice %arg4[%add3A_137, %dma_wait3A_175] : memref<160000x128xf32, #tpu.memory_space<hbm>> -> memref<128x128xf32, #tpu.memory_space<hbm>>
      %dma_wait3A_177 = arith.constant 0 : i32
      %dma_wait3A_178 = tpu.memref_slice %arg4[%add3A_137, %dma_wait3A_177] : memref<160000x128xf32, #tpu.memory_space<hbm>> -> memref<128x128xf32, #tpu.memory_space<hbm>>
      %dma_wait3A_179 = arith.constant 0 : i32
      %dma_wait3A_180 = arith.constant 0 : i32
      %dma_wait3A_181 = tpu.memref_slice %arg6[%run_scoped3A_138, %dma_wait3A_179, %dma_wait3A_180] : memref<5x128x128xf32, #tpu.memory_space<vmem>> -> memref<1x128x128xf32, #tpu.memory_space<vmem>>
      %dma_wait3A_182 = tpu.memref_squeeze %dma_wait3A_181 : memref<1x128x128xf32, #tpu.memory_space<vmem>> -> memref<128x128xf32, #tpu.memory_space<vmem>>
      tpu.wait_dma2 semaphore(%run_scoped3A_158 : memref<!tpu.dma_semaphore, #tpu.memory_space<semaphore_mem>>) src(%dma_wait3A_182 : memref<128x128xf32, #tpu.memory_space<vmem>>) dst(%dma_wait3A_178 : memref<128x128xf32, #tpu.memory_space<hbm>>)
      tpu.yield
    }) : () -> ()
    %dma_wait3A_139 = arith.constant 39 : i32
    %dma_wait3A_140 = arith.constant 4 : i32
    %dma_wait3A_141 = arith.constant 0 : i32
    %dma_wait3A_142 = arith.constant 0 : i32
    %dma_wait3A_143 = tpu.memref_slice %arg6[%dma_wait3A_140, %dma_wait3A_141, %dma_wait3A_142] : memref<5x128x128xf32, #tpu.memory_space<vmem>> -> memref<1x128x128xf32, #tpu.memory_space<vmem>>
    %dma_wait3A_144 = tpu.memref_squeeze %dma_wait3A_143 : memref<1x128x128xf32, #tpu.memory_space<vmem>> -> memref<128x128xf32, #tpu.memory_space<vmem>>
    %dma_wait3A_145 = arith.constant 0 : i32
    %dma_wait3A_146 = tpu.memref_slice %arg5[%dma_wait3A_139, %dma_wait3A_145] : memref<40x128xi32, #tpu.memory_space<vmem>> -> memref<1x128xi32, #tpu.memory_space<vmem>>
    %dma_wait3A_147 = tpu.memref_squeeze %dma_wait3A_146 : memref<1x128xi32, #tpu.memory_space<vmem>> -> memref<128xi32, #tpu.memory_space<vmem>>
    %dma_wait3A_148 = arith.constant 0 : i32
    %dma_wait3A_149 = arith.constant 0 : i32
    %dma_wait3A_150 = tpu.memref_slice %arg2[%dma_wait3A_148, %dma_wait3A_149] : memref<10000x128xf32, #tpu.memory_space<hbm>> -> memref<10000x128xf32, #tpu.memory_space<hbm>>
    tpu.wait_indirect_dma semaphore(%arg11 : memref<!tpu.dma_semaphore, #tpu.memory_space<semaphore_mem>>) src(%dma_wait3A_150 : memref<10000x128xf32, #tpu.memory_space<hbm>>) dst(%dma_wait3A_144 : memref<128x128xf32, #tpu.memory_space<vmem>>)
    %mul3A_151 = arith.constant 5000 : i32
    %mul3A_152 = arith.muli %add3A, %mul3A_151 : i32
    %min3A_153 = arith.constant 4992 : i32
    %min3A_154 = arith.constant 4872 : i32
    %min3A_155 = arith.minsi %min3A_153, %min3A_154 : i32
    %add3A_156 = arith.addi %mul3A_152, %min3A_155 : i32
    %run_scoped3A_157 = arith.constant 4 : i32
    "tpu.region"() ({
      %run_scoped3A_158 = tpu.sem_alloc : memref<!tpu.dma_semaphore, #tpu.memory_space<semaphore_mem>>
      %dma_start3A_159 = arith.constant 0 : i32
      %dma_start3A_160 = arith.constant 0 : i32
      %dma_start3A_161 = tpu.memref_slice %arg6[%run_scoped3A_157, %dma_start3A_159, %dma_start3A_160] : memref<5x128x128xf32, #tpu.memory_space<vmem>> -> memref<1x128x128xf32, #tpu.memory_space<vmem>>
      %dma_start3A_162 = tpu.memref_squeeze %dma_start3A_161 : memref<1x128x128xf32, #tpu.memory_space<vmem>> -> memref<128x128xf32, #tpu.memory_space<vmem>>
      %dma_start3A_163 = arith.constant 0 : i32
      %dma_start3A_164 = tpu.memref_slice %arg4[%add3A_156, %dma_start3A_163] : memref<160000x128xf32, #tpu.memory_space<hbm>> -> memref<128x128xf32, #tpu.memory_space<hbm>>
      %dma_start3A_165 = arith.constant 0 : i32
      %dma_start3A_166 = tpu.memref_slice %arg4[%add3A_156, %dma_start3A_165] : memref<160000x128xf32, #tpu.memory_space<hbm>> -> memref<128x128xf32, #tpu.memory_space<hbm>>
      %dma_start3A_167 = arith.constant 0 : i32
      %dma_start3A_168 = arith.constant 0 : i32
      %dma_start3A_169 = tpu.memref_slice %arg6[%run_scoped3A_157, %dma_start3A_167, %dma_start3A_168] : memref<5x128x128xf32, #tpu.memory_space<vmem>> -> memref<1x128x128xf32, #tpu.memory_space<vmem>>
      %dma_start3A_170 = tpu.memref_squeeze %dma_start3A_169 : memref<1x128x128xf32, #tpu.memory_space<vmem>> -> memref<128x128xf32, #tpu.memory_space<vmem>>
      tpu.enqueue_dma source(%dma_start3A_170 : memref<128x128xf32, #tpu.memory_space<vmem>>) target(%dma_start3A_166 : memref<128x128xf32, #tpu.memory_space<hbm>>) target_semaphore(%run_scoped3A_158 : memref<!tpu.dma_semaphore, #tpu.memory_space<semaphore_mem>>)
      %dma_wait3A_171 = arith.constant 0 : i32
      %dma_wait3A_172 = arith.constant 0 : i32
      %dma_wait3A_173 = tpu.memref_slice %arg6[%run_scoped3A_157, %dma_wait3A_171, %dma_wait3A_172] : memref<5x128x128xf32, #tpu.memory_space<vmem>> -> memref<1x128x128xf32, #tpu.memory_space<vmem>>
      %dma_wait3A_174 = tpu.memref_squeeze %dma_wait3A_173 : memref<1x128x128xf32, #tpu.memory_space<vmem>> -> memref<128x128xf32, #tpu.memory_space<vmem>>
      %dma_wait3A_175 = arith.constant 0 : i32
      %dma_wait3A_176 = tpu.memref_slice %arg4[%add3A_156, %dma_wait3A_175] : memref<160000x128xf32, #tpu.memory_space<hbm>> -> memref<128x128xf32, #tpu.memory_space<hbm>>
      %dma_wait3A_177 = arith.constant 0 : i32
      %dma_wait3A_178 = tpu.memref_slice %arg4[%add3A_156, %dma_wait3A_177] : memref<160000x128xf32, #tpu.memory_space<hbm>> -> memref<128x128xf32, #tpu.memory_space<hbm>>
      %dma_wait3A_179 = arith.constant 0 : i32
      %dma_wait3A_180 = arith.constant 0 : i32
      %dma_wait3A_181 = tpu.memref_slice %arg6[%run_scoped3A_157, %dma_wait3A_179, %dma_wait3A_180] : memref<5x128x128xf32, #tpu.memory_space<vmem>> -> memref<1x128x128xf32, #tpu.memory_space<vmem>>
      %dma_wait3A_182 = tpu.memref_squeeze %dma_wait3A_181 : memref<1x128x128xf32, #tpu.memory_space<vmem>> -> memref<128x128xf32, #tpu.memory_space<vmem>>
      tpu.wait_dma2 semaphore(%run_scoped3A_158 : memref<!tpu.dma_semaphore, #tpu.memory_space<semaphore_mem>>) src(%dma_wait3A_182 : memref<128x128xf32, #tpu.memory_space<vmem>>) dst(%dma_wait3A_178 : memref<128x128xf32, #tpu.memory_space<hbm>>)
      tpu.yield
    }) : () -> ()
    return
  }
}

module attributes {stable_mosaic.version = 14 : i64} {
  func.func @_emb_kernel(%arg0: memref<10000x1xi32, #tpu.memory_space<vmem>>, %arg1: memref<128x128xf32, #tpu.memory_space<vmem>>, %arg2: memref<10000x128xf32, #tpu.memory_space<vmem>>) attributes {dimension_semantics = [], scalar_prefetch = 0 : i64, scratch_operands = 0 : i64, tpu.core_type = #tpu.core_type<tc>} {
    %get3A = arith.constant 0 : index
    %get3A_0 = arith.constant 0 : index
    %get3A_1 = vector.load %arg0[%get3A, %get3A_0] : memref<10000x1xi32, #tpu.memory_space<vmem>>, vector<10000x1xi32>
    %iota3A = tpu.iota {dimensions = array<i32: 1>} : vector<1x128xi32>
    %eq3A = vector.broadcast %get3A_1 : vector<10000x1xi32> to vector<10000x128xi32>
    %eq3A_2 = vector.broadcast %iota3A : vector<1x128xi32> to vector<10000x128xi32>
    %eq3A_3 = arith.cmpi eq, %eq3A, %eq3A_2 : vector<10000x128xi32>
    %convert_element_type3A = arith.extui %eq3A_3 : vector<10000x128xi1> to vector<10000x128xi32>
    %convert_element_type3A_4 = arith.sitofp %convert_element_type3A : vector<10000x128xi32> to vector<10000x128xf32>
    %get3A_5 = arith.constant 0 : index
    %get3A_6 = arith.constant 0 : index
    %get3A_7 = vector.load %arg1[%get3A_5, %get3A_6] : memref<128x128xf32, #tpu.memory_space<vmem>>, vector<128x128xf32>
    %dot_general3A = arith.constant dense<0.000000e+00> : vector<10000x128xf32>
    %dot_general3A_8 = tpu.matmul %convert_element_type3A_4, %get3A_7, %dot_general3A {dimension_numbers = #tpu.dot_dimension_numbers<[1], [0], [0], [1], [0, 0, 1, 1], [], []>, precision = #tpu.contract_precision<fp32>, transpose_lhs_hint = false} : vector<10000x128xf32>, vector<128x128xf32>, vector<10000x128xf32> -> vector<10000x128xf32>
    %reduce_sum3A = arith.constant dense<0.000000e+00> : vector<128xf32>
    %reduce_sum3A_9 = vector.multi_reduction <add>, %dot_general3A_8, %reduce_sum3A [0] : vector<10000x128xf32> to vector<128xf32>
    %broadcast_in_dim3A = vector.shape_cast %reduce_sum3A_9 : vector<128xf32> to vector<1x128xf32>
    %div3A = arith.constant 1.000000e+04 : f32
    %div3A_10 = vector.broadcast %div3A : f32 to vector<1x128xf32>
    %div3A_11 = arith.divf %broadcast_in_dim3A, %div3A_10 : vector<1x128xf32>
    %sub3A = vector.broadcast %div3A_11 : vector<1x128xf32> to vector<10000x128xf32>
    %sub3A_12 = arith.subf %dot_general3A_8, %sub3A : vector<10000x128xf32>
    %integer_pow3A = arith.mulf %sub3A_12, %sub3A_12 : vector<10000x128xf32>
    %reduce_sum3A_13 = arith.constant dense<0.000000e+00> : vector<128xf32>
    %reduce_sum3A_14 = vector.multi_reduction <add>, %integer_pow3A, %reduce_sum3A_13 [0] : vector<10000x128xf32> to vector<128xf32>
    %broadcast_in_dim3A_15 = vector.shape_cast %reduce_sum3A_14 : vector<128xf32> to vector<1x128xf32>
    %div3A_16 = arith.constant 1.000000e+04 : f32
    %div3A_17 = vector.broadcast %div3A_16 : f32 to vector<1x128xf32>
    %div3A_18 = arith.divf %broadcast_in_dim3A_15, %div3A_17 : vector<1x128xf32>
    %sub3A_19 = vector.broadcast %div3A_11 : vector<1x128xf32> to vector<10000x128xf32>
    %sub3A_20 = arith.subf %dot_general3A_8, %sub3A_19 : vector<10000x128xf32>
    %add3A = arith.constant 9.99999974E-6 : f32
    %add3A_21 = vector.broadcast %add3A : f32 to vector<1x128xf32>
    %add3A_22 = arith.addf %div3A_18, %add3A_21 : vector<1x128xf32>
    %rsqrt3A = math.rsqrt %add3A_22 : vector<1x128xf32>
    %mul3A = vector.broadcast %rsqrt3A : vector<1x128xf32> to vector<10000x128xf32>
    %mul3A_23 = arith.mulf %sub3A_20, %mul3A : vector<10000x128xf32>
    %swap3A = arith.constant 0 : index
    %swap3A_24 = arith.constant 0 : index
    %swap3A_25 = vector.load %arg2[%swap3A, %swap3A_24] : memref<10000x128xf32, #tpu.memory_space<vmem>>, vector<10000x128xf32>
    tpu.vector_store %arg2[%swap3A, %swap3A_24], %mul3A_23 {strides = array<i32>} : memref<10000x128xf32, #tpu.memory_space<vmem>>, vector<10000x128xf32>,
    return
  }
}

module attributes {stable_mosaic.version = 14 : i64} {
  func.func @_stats1_kernel(%arg0: i32, %arg1: memref<400x128xf32, #tpu.memory_space<vmem>>, %arg2: memref<6400x128xf32, #tpu.memory_space<vmem>>, %arg3: memref<6400x16xf32, #tpu.memory_space<vmem>>, %arg4: memref<128x256xf32, #tpu.memory_space<vmem>>, %arg5: memref<128x256xf32, #tpu.memory_space<vmem>>, %arg6: memref<16x256xf32, #tpu.memory_space<vmem>>, %arg7: memref<1x256xf32, #tpu.memory_space<vmem>>, %arg8: memref<2x256xf32, #tpu.memory_space<vmem>>, %arg9: memref<1x256xf32, #tpu.memory_space<vmem>>, %arg10: memref<1x256xf32, #tpu.memory_space<vmem>>) attributes {dimension_semantics = [#tpu.dimension_semantics<arbitrary>], iteration_bounds = array<i64: 25>, scalar_prefetch = 0 : i64, scratch_operands = 2 : i64, tpu.core_type = #tpu.core_type<tc>, window_params = [{transform_indices = @transform_0, window_bounds = array<i64: 400, 128>}, {transform_indices = @transform_1, window_bounds = array<i64: 6400, 128>}, {transform_indices = @transform_2, window_bounds = array<i64: 6400, 16>}, {pipeline_mode = #tpu.pipeline_mode<synchronous>, transform_indices = @transform_3, window_bounds = array<i64: 128, 256>}, {pipeline_mode = #tpu.pipeline_mode<synchronous>, transform_indices = @transform_4, window_bounds = array<i64: 128, 256>}, {pipeline_mode = #tpu.pipeline_mode<synchronous>, transform_indices = @transform_5, window_bounds = array<i64: 16, 256>}, {pipeline_mode = #tpu.pipeline_mode<synchronous>, transform_indices = @transform_6, window_bounds = array<i64: 1, 256>}, {pipeline_mode = #tpu.pipeline_mode<synchronous>, transform_indices = @transform_7, window_bounds = array<i64: 2, 256>}]} {
    %eq3A = arith.constant 0 : i32
    %eq3A_0 = arith.cmpi eq, %arg0, %eq3A : i32
    %convert_element_type3A = arith.extui %eq3A_0 : i1 to i32
    %cond3A = arith.constant 0 : i32
    %cond3A_1 = arith.cmpi ne, %convert_element_type3A, %cond3A : i32
    scf.if %cond3A_1 {
      %broadcast_in_dim3A_58 = arith.constant 0.000000e+00 : f32
      %broadcast_in_dim3A_59 = vector.broadcast %broadcast_in_dim3A_58 : f32 to vector<1x256xf32>
      %swap3A_60 = arith.constant 0 : index
      %swap3A_61 = arith.constant 0 : index
      %swap3A_62 = vector.load %arg9[%swap3A_60, %swap3A_61] : memref<1x256xf32, #tpu.memory_space<vmem>>, vector<1x256xf32>
      tpu.vector_store %arg9[%swap3A_60, %swap3A_61], %broadcast_in_dim3A_59 {strides = array<i32>} : memref<1x256xf32, #tpu.memory_space<vmem>>, vector<1x256xf32>,
      %broadcast_in_dim3A_63 = arith.constant 0.000000e+00 : f32
      %broadcast_in_dim3A_64 = vector.broadcast %broadcast_in_dim3A_63 : f32 to vector<1x256xf32>
      %swap3A_65 = arith.constant 0 : index
      %swap3A_66 = arith.constant 0 : index
      %swap3A_67 = vector.load %arg10[%swap3A_65, %swap3A_66] : memref<1x256xf32, #tpu.memory_space<vmem>>, vector<1x256xf32>
      tpu.vector_store %arg10[%swap3A_65, %swap3A_66], %broadcast_in_dim3A_64 {strides = array<i32>} : memref<1x256xf32, #tpu.memory_space<vmem>>, vector<1x256xf32>,
    } else {
    }
    %get3A = arith.constant 0 : index
    %get3A_2 = arith.constant 0 : index
    %get3A_3 = vector.load %arg2[%get3A, %get3A_2] : memref<6400x128xf32, #tpu.memory_space<vmem>>, vector<6400x128xf32>
    %get3A_4 = arith.constant 0 : index
    %get3A_5 = arith.constant 0 : index
    %get3A_6 = vector.load %arg5[%get3A_4, %get3A_5] : memref<128x256xf32, #tpu.memory_space<vmem>>, vector<128x256xf32>
    %dot_general3A = arith.constant dense<0.000000e+00> : vector<6400x256xf32>
    %dot_general3A_7 = tpu.matmul %get3A_3, %get3A_6, %dot_general3A {dimension_numbers = #tpu.dot_dimension_numbers<[1], [0], [0], [1], [0, 0, 1, 1], [], []>, transpose_lhs_hint = false} : vector<6400x128xf32>, vector<128x256xf32>, vector<6400x256xf32> -> vector<6400x256xf32>
    %get3A_8 = arith.constant 0 : index
    %get3A_9 = arith.constant 0 : index
    %get3A_10 = vector.load %arg3[%get3A_8, %get3A_9] : memref<6400x16xf32, #tpu.memory_space<vmem>>, vector<6400x16xf32>
    %get3A_11 = arith.constant 0 : index
    %get3A_12 = arith.constant 0 : index
    %get3A_13 = vector.load %arg6[%get3A_11, %get3A_12] : memref<16x256xf32, #tpu.memory_space<vmem>>, vector<16x256xf32>
    %dot_general3A_14 = arith.constant dense<0.000000e+00> : vector<6400x256xf32>
    %dot_general3A_15 = tpu.matmul %get3A_10, %get3A_13, %dot_general3A_14 {dimension_numbers = #tpu.dot_dimension_numbers<[1], [0], [0], [1], [0, 0, 1, 1], [], []>, transpose_lhs_hint = false} : vector<6400x16xf32>, vector<16x256xf32>, vector<6400x256xf32> -> vector<6400x256xf32>
    %add3A = arith.addf %dot_general3A_7, %dot_general3A_15 : vector<6400x256xf32>
    %get3A_16 = arith.constant 0 : index
    %get3A_17 = arith.constant 0 : index
    %get3A_18 = vector.load %arg1[%get3A_16, %get3A_17] : memref<400x128xf32, #tpu.memory_space<vmem>>, vector<400x128xf32>
    %get3A_19 = arith.constant 0 : index
    %get3A_20 = arith.constant 0 : index
    %get3A_21 = vector.load %arg4[%get3A_19, %get3A_20] : memref<128x256xf32, #tpu.memory_space<vmem>>, vector<128x256xf32>
    %dot_general3A_22 = arith.constant dense<0.000000e+00> : vector<400x256xf32>
    %dot_general3A_23 = tpu.matmul %get3A_18, %get3A_21, %dot_general3A_22 {dimension_numbers = #tpu.dot_dimension_numbers<[1], [0], [0], [1], [0, 0, 1, 1], [], []>, transpose_lhs_hint = false} : vector<400x128xf32>, vector<128x256xf32>, vector<400x256xf32> -> vector<400x256xf32>
    %get3A_24 = arith.constant 0 : index
    %get3A_25 = arith.constant 0 : index
    %get3A_26 = vector.load %arg7[%get3A_24, %get3A_25] : memref<1x256xf32, #tpu.memory_space<vmem>>, vector<1x256xf32>
    %add3A_27 = vector.broadcast %get3A_26 : vector<1x256xf32> to vector<400x256xf32>
    %add3A_28 = arith.addf %dot_general3A_23, %add3A_27 : vector<400x256xf32>
    %reshape3A = vector.shape_cast %add3A : vector<6400x256xf32> to vector<400x16x256xf32>
    %broadcast_in_dim3A = vector.shape_cast %add3A_28 : vector<400x256xf32> to vector<400x1x256xf32>
    %add3A_29 = vector.broadcast %broadcast_in_dim3A : vector<400x1x256xf32> to vector<400x16x256xf32>
    %add3A_30 = arith.addf %reshape3A, %add3A_29 : vector<400x16x256xf32>
    %get3A_31 = arith.constant 0 : index
    %get3A_32 = arith.constant 0 : index
    %get3A_33 = vector.load %arg9[%get3A_31, %get3A_32] : memref<1x256xf32, #tpu.memory_space<vmem>>, vector<1x256xf32>
    %reduce_sum3A = arith.constant dense<0.000000e+00> : vector<400x256xf32>
    %reduce_sum3A_34 = vector.multi_reduction <add>, %add3A_30, %reduce_sum3A [1] : vector<400x16x256xf32> to vector<400x256xf32>
    %reduce_sum3A_35 = arith.constant dense<0.000000e+00> : vector<256xf32>
    %reduce_sum3A_36 = vector.multi_reduction <add>, %reduce_sum3A_34, %reduce_sum3A_35 [0] : vector<400x256xf32> to vector<256xf32>
    %broadcast_in_dim3A_37 = vector.shape_cast %reduce_sum3A_36 : vector<256xf32> to vector<1x256xf32>
    %add3A_38 = arith.addf %get3A_33, %broadcast_in_dim3A_37 : vector<1x256xf32>
    %swap3A = arith.constant 0 : index
    %swap3A_39 = arith.constant 0 : index
    %swap3A_40 = vector.load %arg9[%swap3A, %swap3A_39] : memref<1x256xf32, #tpu.memory_space<vmem>>, vector<1x256xf32>
    tpu.vector_store %arg9[%swap3A, %swap3A_39], %add3A_38 {strides = array<i32>} : memref<1x256xf32, #tpu.memory_space<vmem>>, vector<1x256xf32>,
    %get3A_41 = arith.constant 0 : index
    %get3A_42 = arith.constant 0 : index
    %get3A_43 = vector.load %arg10[%get3A_41, %get3A_42] : memref<1x256xf32, #tpu.memory_space<vmem>>, vector<1x256xf32>
    %mul3A = arith.mulf %add3A_30, %add3A_30 : vector<400x16x256xf32>
    %reduce_sum3A_44 = arith.constant dense<0.000000e+00> : vector<400x256xf32>
    %reduce_sum3A_45 = vector.multi_reduction <add>, %mul3A, %reduce_sum3A_44 [1] : vector<400x16x256xf32> to vector<400x256xf32>
    %reduce_sum3A_46 = arith.constant dense<0.000000e+00> : vector<256xf32>
    %reduce_sum3A_47 = vector.multi_reduction <add>, %reduce_sum3A_45, %reduce_sum3A_46 [0] : vector<400x256xf32> to vector<256xf32>
    %broadcast_in_dim3A_48 = vector.shape_cast %reduce_sum3A_47 : vector<256xf32> to vector<1x256xf32>
    %add3A_49 = arith.addf %get3A_43, %broadcast_in_dim3A_48 : vector<1x256xf32>
    %swap3A_50 = arith.constant 0 : index
    %swap3A_51 = arith.constant 0 : index
    %swap3A_52 = vector.load %arg10[%swap3A_50, %swap3A_51] : memref<1x256xf32, #tpu.memory_space<vmem>>, vector<1x256xf32>
    tpu.vector_store %arg10[%swap3A_50, %swap3A_51], %add3A_49 {strides = array<i32>} : memref<1x256xf32, #tpu.memory_space<vmem>>, vector<1x256xf32>,
    %eq3A_53 = arith.constant 24 : i32
    %eq3A_54 = arith.cmpi eq, %arg0, %eq3A_53 : i32
    %convert_element_type3A_55 = arith.extui %eq3A_54 : i1 to i32
    %cond3A_56 = arith.constant 0 : i32
    %cond3A_57 = arith.cmpi ne, %convert_element_type3A_55, %cond3A_56 : i32
    scf.if %cond3A_57 {
      %get3A_58 = arith.constant 0 : index
      %get3A_59 = arith.constant 0 : index
      %get3A_60 = vector.load %arg9[%get3A_58, %get3A_59] : memref<1x256xf32, #tpu.memory_space<vmem>>, vector<1x256xf32>
      %swap3A_61 = arith.constant 0 : index
      %swap3A_62 = arith.constant 0 : index
      %swap3A_63 = vector.load %arg8[%swap3A_61, %swap3A_62] : memref<2x256xf32, #tpu.memory_space<vmem>>, vector<1x256xf32>
      tpu.vector_store %arg8[%swap3A_61, %swap3A_62], %get3A_60 {strides = array<i32>} : memref<2x256xf32, #tpu.memory_space<vmem>>, vector<1x256xf32>,
      %get3A_64 = arith.constant 0 : index
      %get3A_65 = arith.constant 0 : index
      %get3A_66 = vector.load %arg10[%get3A_64, %get3A_65] : memref<1x256xf32, #tpu.memory_space<vmem>>, vector<1x256xf32>
      %swap3A_67 = arith.constant 1 : index
      %swap3A_68 = arith.constant 0 : index
      %swap3A_69 = vector.load %arg8[%swap3A_67, %swap3A_68] : memref<2x256xf32, #tpu.memory_space<vmem>>, vector<1x256xf32>
      tpu.vector_store %arg8[%swap3A_67, %swap3A_68], %get3A_66 {strides = array<i32>} : memref<2x256xf32, #tpu.memory_space<vmem>>, vector<1x256xf32>,
    } else {
    }
    return
  }
  func.func @transform_0(%arg0: i32) -> (i32, i32) {
    %c0_i32 = arith.constant 0 : i32
    %c0_i32_0 = arith.constant 0 : i32
    return %arg0, %c0_i32 : i32, i32
  }
  func.func @transform_1(%arg0: i32) -> (i32, i32) {
    %c0_i32 = arith.constant 0 : i32
    %c0_i32_0 = arith.constant 0 : i32
    return %arg0, %c0_i32 : i32, i32
  }
  func.func @transform_2(%arg0: i32) -> (i32, i32) {
    %c0_i32 = arith.constant 0 : i32
    %c0_i32_0 = arith.constant 0 : i32
    return %arg0, %c0_i32 : i32, i32
  }
  func.func @transform_3(%arg0: i32) -> (i32, i32) {
    %c0_i32 = arith.constant 0 : i32
    %c0_i32_0 = arith.constant 0 : i32
    %c0_i32_1 = arith.constant 0 : i32
    return %c0_i32, %c0_i32_0 : i32, i32
  }
  func.func @transform_4(%arg0: i32) -> (i32, i32) {
    %c0_i32 = arith.constant 0 : i32
    %c0_i32_0 = arith.constant 0 : i32
    %c0_i32_1 = arith.constant 0 : i32
    return %c0_i32, %c0_i32_0 : i32, i32
  }
  func.func @transform_5(%arg0: i32) -> (i32, i32) {
    %c0_i32 = arith.constant 0 : i32
    %c0_i32_0 = arith.constant 0 : i32
    %c0_i32_1 = arith.constant 0 : i32
    return %c0_i32, %c0_i32_0 : i32, i32
  }
  func.func @transform_6(%arg0: i32) -> (i32, i32) {
    %c0_i32 = arith.constant 0 : i32
    %c0_i32_0 = arith.constant 0 : i32
    %c0_i32_1 = arith.constant 0 : i32
    return %c0_i32, %c0_i32_0 : i32, i32
  }
  func.func @transform_7(%arg0: i32) -> (i32, i32) {
    %c0_i32 = arith.constant 0 : i32
    %c0_i32_0 = arith.constant 0 : i32
    %c0_i32_1 = arith.constant 0 : i32
    return %c0_i32, %c0_i32_0 : i32, i32
  }
}

module attributes {stable_mosaic.version = 14 : i64} {
  func.func @_convB_kernel(%arg0: i32, %arg1: memref<400x128xf32, #tpu.memory_space<vmem>>, %arg2: memref<6400x128xf32, #tpu.memory_space<vmem>>, %arg3: memref<6400x16xf32, #tpu.memory_space<vmem>>, %arg4: memref<128x256xf32, #tpu.memory_space<vmem>>, %arg5: memref<128x256xf32, #tpu.memory_space<vmem>>, %arg6: memref<16x256xf32, #tpu.memory_space<vmem>>, %arg7: memref<1x256xf32, #tpu.memory_space<vmem>>, %arg8: memref<2x256xf32, #tpu.memory_space<vmem>>, %arg9: memref<400x128xf32, #tpu.memory_space<vmem>>, %arg10: memref<2x128xf32, #tpu.memory_space<vmem>>, %arg11: memref<1x128xf32, #tpu.memory_space<vmem>>, %arg12: memref<1x128xf32, #tpu.memory_space<vmem>>) attributes {dimension_semantics = [#tpu.dimension_semantics<arbitrary>], iteration_bounds = array<i64: 25>, scalar_prefetch = 0 : i64, scratch_operands = 2 : i64, tpu.core_type = #tpu.core_type<tc>, window_params = [{transform_indices = @transform_0, window_bounds = array<i64: 400, 128>}, {transform_indices = @transform_1, window_bounds = array<i64: 6400, 128>}, {transform_indices = @transform_2, window_bounds = array<i64: 6400, 16>}, {pipeline_mode = #tpu.pipeline_mode<synchronous>, transform_indices = @transform_3, window_bounds = array<i64: 128, 256>}, {pipeline_mode = #tpu.pipeline_mode<synchronous>, transform_indices = @transform_4, window_bounds = array<i64: 128, 256>}, {pipeline_mode = #tpu.pipeline_mode<synchronous>, transform_indices = @transform_5, window_bounds = array<i64: 16, 256>}, {pipeline_mode = #tpu.pipeline_mode<synchronous>, transform_indices = @transform_6, window_bounds = array<i64: 1, 256>}, {pipeline_mode = #tpu.pipeline_mode<synchronous>, transform_indices = @transform_7, window_bounds = array<i64: 2, 256>}, {transform_indices = @transform_8, window_bounds = array<i64: 400, 128>}, {pipeline_mode = #tpu.pipeline_mode<synchronous>, transform_indices = @transform_9, window_bounds = array<i64: 2, 128>}]} {
    %eq3A = arith.constant 0 : i32
    %eq3A_0 = arith.cmpi eq, %arg0, %eq3A : i32
    %convert_element_type3A = arith.extui %eq3A_0 : i1 to i32
    %cond3A = arith.constant 0 : i32
    %cond3A_1 = arith.cmpi ne, %convert_element_type3A, %cond3A : i32
    scf.if %cond3A_1 {
      %broadcast_in_dim3A_96 = arith.constant 0.000000e+00 : f32
      %broadcast_in_dim3A_97 = vector.broadcast %broadcast_in_dim3A_96 : f32 to vector<1x128xf32>
      %swap3A_98 = arith.constant 0 : index
      %swap3A_99 = arith.constant 0 : index
      %swap3A_100 = vector.load %arg11[%swap3A_98, %swap3A_99] : memref<1x128xf32, #tpu.memory_space<vmem>>, vector<1x128xf32>
      tpu.vector_store %arg11[%swap3A_98, %swap3A_99], %broadcast_in_dim3A_97 {strides = array<i32>} : memref<1x128xf32, #tpu.memory_space<vmem>>, vector<1x128xf32>,
      %broadcast_in_dim3A_101 = arith.constant 0.000000e+00 : f32
      %broadcast_in_dim3A_102 = vector.broadcast %broadcast_in_dim3A_101 : f32 to vector<1x128xf32>
      %swap3A_103 = arith.constant 0 : index
      %swap3A_104 = arith.constant 0 : index
      %swap3A_105 = vector.load %arg12[%swap3A_103, %swap3A_104] : memref<1x128xf32, #tpu.memory_space<vmem>>, vector<1x128xf32>
      tpu.vector_store %arg12[%swap3A_103, %swap3A_104], %broadcast_in_dim3A_102 {strides = array<i32>} : memref<1x128xf32, #tpu.memory_space<vmem>>, vector<1x128xf32>,
    } else {
    }
    %get3A = arith.constant 0 : index
    %get3A_2 = arith.constant 0 : index
    %get3A_3 = vector.load %arg8[%get3A, %get3A_2] : memref<2x256xf32, #tpu.memory_space<vmem>>, vector<1x256xf32>
    %div3A = arith.constant 1.600000e+05 : f32
    %div3A_4 = vector.broadcast %div3A : f32 to vector<1x256xf32>
    %div3A_5 = arith.divf %get3A_3, %div3A_4 : vector<1x256xf32>
    %get3A_6 = arith.constant 1 : index
    %get3A_7 = arith.constant 0 : index
    %get3A_8 = vector.load %arg8[%get3A_6, %get3A_7] : memref<2x256xf32, #tpu.memory_space<vmem>>, vector<1x256xf32>
    %div3A_9 = arith.constant 1.600000e+05 : f32
    %div3A_10 = vector.broadcast %div3A_9 : f32 to vector<1x256xf32>
    %div3A_11 = arith.divf %get3A_8, %div3A_10 : vector<1x256xf32>
    %mul3A = arith.mulf %div3A_5, %div3A_5 : vector<1x256xf32>
    %sub3A = arith.subf %div3A_11, %mul3A : vector<1x256xf32>
    %add3A = arith.constant 9.99999974E-6 : f32
    %add3A_12 = vector.broadcast %add3A : f32 to vector<1x256xf32>
    %add3A_13 = arith.addf %sub3A, %add3A_12 : vector<1x256xf32>
    %rsqrt3A = math.rsqrt %add3A_13 : vector<1x256xf32>
    %get3A_14 = arith.constant 0 : index
    %get3A_15 = arith.constant 0 : index
    %get3A_16 = vector.load %arg2[%get3A_14, %get3A_15] : memref<6400x128xf32, #tpu.memory_space<vmem>>, vector<6400x128xf32>
    %get3A_17 = arith.constant 0 : index
    %get3A_18 = arith.constant 0 : index
    %get3A_19 = vector.load %arg5[%get3A_17, %get3A_18] : memref<128x256xf32, #tpu.memory_space<vmem>>, vector<128x256xf32>
    %dot_general3A = arith.constant dense<0.000000e+00> : vector<6400x256xf32>
    %dot_general3A_20 = tpu.matmul %get3A_16, %get3A_19, %dot_general3A {dimension_numbers = #tpu.dot_dimension_numbers<[1], [0], [0], [1], [0, 0, 1, 1], [], []>, transpose_lhs_hint = false} : vector<6400x128xf32>, vector<128x256xf32>, vector<6400x256xf32> -> vector<6400x256xf32>
    %get3A_21 = arith.constant 0 : index
    %get3A_22 = arith.constant 0 : index
    %get3A_23 = vector.load %arg3[%get3A_21, %get3A_22] : memref<6400x16xf32, #tpu.memory_space<vmem>>, vector<6400x16xf32>
    %get3A_24 = arith.constant 0 : index
    %get3A_25 = arith.constant 0 : index
    %get3A_26 = vector.load %arg6[%get3A_24, %get3A_25] : memref<16x256xf32, #tpu.memory_space<vmem>>, vector<16x256xf32>
    %dot_general3A_27 = arith.constant dense<0.000000e+00> : vector<6400x256xf32>
    %dot_general3A_28 = tpu.matmul %get3A_23, %get3A_26, %dot_general3A_27 {dimension_numbers = #tpu.dot_dimension_numbers<[1], [0], [0], [1], [0, 0, 1, 1], [], []>, transpose_lhs_hint = false} : vector<6400x16xf32>, vector<16x256xf32>, vector<6400x256xf32> -> vector<6400x256xf32>
    %add3A_29 = arith.addf %dot_general3A_20, %dot_general3A_28 : vector<6400x256xf32>
    %get3A_30 = arith.constant 0 : index
    %get3A_31 = arith.constant 0 : index
    %get3A_32 = vector.load %arg1[%get3A_30, %get3A_31] : memref<400x128xf32, #tpu.memory_space<vmem>>, vector<400x128xf32>
    %get3A_33 = arith.constant 0 : index
    %get3A_34 = arith.constant 0 : index
    %get3A_35 = vector.load %arg4[%get3A_33, %get3A_34] : memref<128x256xf32, #tpu.memory_space<vmem>>, vector<128x256xf32>
    %dot_general3A_36 = arith.constant dense<0.000000e+00> : vector<400x256xf32>
    %dot_general3A_37 = tpu.matmul %get3A_32, %get3A_35, %dot_general3A_36 {dimension_numbers = #tpu.dot_dimension_numbers<[1], [0], [0], [1], [0, 0, 1, 1], [], []>, transpose_lhs_hint = false} : vector<400x128xf32>, vector<128x256xf32>, vector<400x256xf32> -> vector<400x256xf32>
    %get3A_38 = arith.constant 0 : index
    %get3A_39 = arith.constant 0 : index
    %get3A_40 = vector.load %arg7[%get3A_38, %get3A_39] : memref<1x256xf32, #tpu.memory_space<vmem>>, vector<1x256xf32>
    %add3A_41 = vector.broadcast %get3A_40 : vector<1x256xf32> to vector<400x256xf32>
    %add3A_42 = arith.addf %dot_general3A_37, %add3A_41 : vector<400x256xf32>
    %reshape3A = vector.shape_cast %add3A_29 : vector<6400x256xf32> to vector<400x16x256xf32>
    %broadcast_in_dim3A = vector.shape_cast %add3A_42 : vector<400x256xf32> to vector<400x1x256xf32>
    %add3A_43 = vector.broadcast %broadcast_in_dim3A : vector<400x1x256xf32> to vector<400x16x256xf32>
    %add3A_44 = arith.addf %reshape3A, %add3A_43 : vector<400x16x256xf32>
    %broadcast_in_dim3A_45 = vector.shape_cast %div3A_5 : vector<1x256xf32> to vector<1x1x256xf32>
    %sub3A_46 = vector.broadcast %broadcast_in_dim3A_45 : vector<1x1x256xf32> to vector<400x16x256xf32>
    %sub3A_47 = arith.subf %add3A_44, %sub3A_46 : vector<400x16x256xf32>
    %broadcast_in_dim3A_48 = vector.shape_cast %rsqrt3A : vector<1x256xf32> to vector<1x1x256xf32>
    %mul3A_49 = vector.broadcast %broadcast_in_dim3A_48 : vector<1x1x256xf32> to vector<400x16x256xf32>
    %mul3A_50 = arith.mulf %sub3A_47, %mul3A_49 : vector<400x16x256xf32>
    %slice3A = vector.extract_strided_slice %mul3A_50 {offsets = [0, 0, 0], sizes = [400, 16, 128], strides = [1, 1, 1]} : vector<400x16x256xf32> to vector<400x16x128xf32>
    %mul3A_51 = arith.constant 5.000000e-01 : f32
    %mul3A_52 = vector.broadcast %mul3A_51 : f32 to vector<400x16x128xf32>
    %mul3A_53 = arith.mulf %mul3A_52, %slice3A : vector<400x16x128xf32>
    %tanh3A = math.tanh %mul3A_53 : vector<400x16x128xf32>
    %mul3A_54 = arith.constant 5.000000e-01 : f32
    %mul3A_55 = vector.broadcast %mul3A_54 : f32 to vector<400x16x128xf32>
    %mul3A_56 = arith.mulf %mul3A_55, %tanh3A : vector<400x16x128xf32>
    %add3A_57 = arith.constant 5.000000e-01 : f32
    %add3A_58 = vector.broadcast %add3A_57 : f32 to vector<400x16x128xf32>
    %add3A_59 = arith.addf %mul3A_56, %add3A_58 : vector<400x16x128xf32>
    %slice3A_60 = vector.extract_strided_slice %mul3A_50 {offsets = [0, 0, 128], sizes = [400, 16, 128], strides = [1, 1, 1]} : vector<400x16x256xf32> to vector<400x16x128xf32>
    %max3A = arith.constant 0.000000e+00 : f32
    %max3A_61 = vector.broadcast %max3A : f32 to vector<400x16x128xf32>
    %max3A_62 = arith.maximumf %slice3A_60, %max3A_61 : vector<400x16x128xf32>
    %abs3A = math.absf %slice3A_60 : vector<400x16x128xf32>
    %neg3A = arith.constant 0.000000e+00 : f32
    %neg3A_63 = vector.broadcast %neg3A : f32 to vector<400x16x128xf32>
    %neg3A_64 = arith.subf %neg3A_63, %abs3A : vector<400x16x128xf32>
    %exp3A = math.exp %neg3A_64 : vector<400x16x128xf32>
    %log1p3A = math.log1p %exp3A : vector<400x16x128xf32>
    %add3A_65 = arith.addf %max3A_62, %log1p3A : vector<400x16x128xf32>
    %mul3A_66 = arith.mulf %add3A_59, %add3A_65 : vector<400x16x128xf32>
    %reduce_sum3A = arith.constant dense<0.000000e+00> : vector<400x128xf32>
    %reduce_sum3A_67 = vector.multi_reduction <add>, %mul3A_66, %reduce_sum3A [1] : vector<400x16x128xf32> to vector<400x128xf32>
    %swap3A = arith.constant 0 : index
    %swap3A_68 = arith.constant 0 : index
    %swap3A_69 = vector.load %arg9[%swap3A, %swap3A_68] : memref<400x128xf32, #tpu.memory_space<vmem>>, vector<400x128xf32>
    tpu.vector_store %arg9[%swap3A, %swap3A_68], %reduce_sum3A_67 {strides = array<i32>} : memref<400x128xf32, #tpu.memory_space<vmem>>, vector<400x128xf32>,
    %get3A_70 = arith.constant 0 : index
    %get3A_71 = arith.constant 0 : index
    %get3A_72 = vector.load %arg11[%get3A_70, %get3A_71] : memref<1x128xf32, #tpu.memory_space<vmem>>, vector<1x128xf32>
    %reduce_sum3A_73 = arith.constant dense<0.000000e+00> : vector<128xf32>
    %reduce_sum3A_74 = vector.multi_reduction <add>, %reduce_sum3A_67, %reduce_sum3A_73 [0] : vector<400x128xf32> to vector<128xf32>
    %broadcast_in_dim3A_75 = vector.shape_cast %reduce_sum3A_74 : vector<128xf32> to vector<1x128xf32>
    %add3A_76 = arith.addf %get3A_72, %broadcast_in_dim3A_75 : vector<1x128xf32>
    %swap3A_77 = arith.constant 0 : index
    %swap3A_78 = arith.constant 0 : index
    %swap3A_79 = vector.load %arg11[%swap3A_77, %swap3A_78] : memref<1x128xf32, #tpu.memory_space<vmem>>, vector<1x128xf32>
    tpu.vector_store %arg11[%swap3A_77, %swap3A_78], %add3A_76 {strides = array<i32>} : memref<1x128xf32, #tpu.memory_space<vmem>>, vector<1x128xf32>,
    %get3A_80 = arith.constant 0 : index
    %get3A_81 = arith.constant 0 : index
    %get3A_82 = vector.load %arg12[%get3A_80, %get3A_81] : memref<1x128xf32, #tpu.memory_space<vmem>>, vector<1x128xf32>
    %mul3A_83 = arith.mulf %reduce_sum3A_67, %reduce_sum3A_67 : vector<400x128xf32>
    %reduce_sum3A_84 = arith.constant dense<0.000000e+00> : vector<128xf32>
    %reduce_sum3A_85 = vector.multi_reduction <add>, %mul3A_83, %reduce_sum3A_84 [0] : vector<400x128xf32> to vector<128xf32>
    %broadcast_in_dim3A_86 = vector.shape_cast %reduce_sum3A_85 : vector<128xf32> to vector<1x128xf32>
    %add3A_87 = arith.addf %get3A_82, %broadcast_in_dim3A_86 : vector<1x128xf32>
    %swap3A_88 = arith.constant 0 : index
    %swap3A_89 = arith.constant 0 : index
    %swap3A_90 = vector.load %arg12[%swap3A_88, %swap3A_89] : memref<1x128xf32, #tpu.memory_space<vmem>>, vector<1x128xf32>
    tpu.vector_store %arg12[%swap3A_88, %swap3A_89], %add3A_87 {strides = array<i32>} : memref<1x128xf32, #tpu.memory_space<vmem>>, vector<1x128xf32>,
    %eq3A_91 = arith.constant 24 : i32
    %eq3A_92 = arith.cmpi eq, %arg0, %eq3A_91 : i32
    %convert_element_type3A_93 = arith.extui %eq3A_92 : i1 to i32
    %cond3A_94 = arith.constant 0 : i32
    %cond3A_95 = arith.cmpi ne, %convert_element_type3A_93, %cond3A_94 : i32
    scf.if %cond3A_95 {
      %get3A_96 = arith.constant 0 : index
      %get3A_97 = arith.constant 0 : index
      %get3A_98 = vector.load %arg11[%get3A_96, %get3A_97] : memref<1x128xf32, #tpu.memory_space<vmem>>, vector<1x128xf32>
      %swap3A_99 = arith.constant 0 : index
      %swap3A_100 = arith.constant 0 : index
      %swap3A_101 = vector.load %arg10[%swap3A_99, %swap3A_100] : memref<2x128xf32, #tpu.memory_space<vmem>>, vector<1x128xf32>
      tpu.vector_store %arg10[%swap3A_99, %swap3A_100], %get3A_98 {strides = array<i32>} : memref<2x128xf32, #tpu.memory_space<vmem>>, vector<1x128xf32>,
      %get3A_102 = arith.constant 0 : index
      %get3A_103 = arith.constant 0 : index
      %get3A_104 = vector.load %arg12[%get3A_102, %get3A_103] : memref<1x128xf32, #tpu.memory_space<vmem>>, vector<1x128xf32>
      %swap3A_105 = arith.constant 1 : index
      %swap3A_106 = arith.constant 0 : index
      %swap3A_107 = vector.load %arg10[%swap3A_105, %swap3A_106] : memref<2x128xf32, #tpu.memory_space<vmem>>, vector<1x128xf32>
      tpu.vector_store %arg10[%swap3A_105, %swap3A_106], %get3A_104 {strides = array<i32>} : memref<2x128xf32, #tpu.memory_space<vmem>>, vector<1x128xf32>,
    } else {
    }
    return
  }
  func.func @transform_0(%arg0: i32) -> (i32, i32) {
    %c0_i32 = arith.constant 0 : i32
    %c0_i32_0 = arith.constant 0 : i32
    return %arg0, %c0_i32 : i32, i32
  }
  func.func @transform_1(%arg0: i32) -> (i32, i32) {
    %c0_i32 = arith.constant 0 : i32
    %c0_i32_0 = arith.constant 0 : i32
    return %arg0, %c0_i32 : i32, i32
  }
  func.func @transform_2(%arg0: i32) -> (i32, i32) {
    %c0_i32 = arith.constant 0 : i32
    %c0_i32_0 = arith.constant 0 : i32
    return %arg0, %c0_i32 : i32, i32
  }
  func.func @transform_3(%arg0: i32) -> (i32, i32) {
    %c0_i32 = arith.constant 0 : i32
    %c0_i32_0 = arith.constant 0 : i32
    %c0_i32_1 = arith.constant 0 : i32
    return %c0_i32, %c0_i32_0 : i32, i32
  }
  func.func @transform_4(%arg0: i32) -> (i32, i32) {
    %c0_i32 = arith.constant 0 : i32
    %c0_i32_0 = arith.constant 0 : i32
    %c0_i32_1 = arith.constant 0 : i32
    return %c0_i32, %c0_i32_0 : i32, i32
  }
  func.func @transform_5(%arg0: i32) -> (i32, i32) {
    %c0_i32 = arith.constant 0 : i32
    %c0_i32_0 = arith.constant 0 : i32
    %c0_i32_1 = arith.constant 0 : i32
    return %c0_i32, %c0_i32_0 : i32, i32
  }
  func.func @transform_6(%arg0: i32) -> (i32, i32) {
    %c0_i32 = arith.constant 0 : i32
    %c0_i32_0 = arith.constant 0 : i32
    %c0_i32_1 = arith.constant 0 : i32
    return %c0_i32, %c0_i32_0 : i32, i32
  }
  func.func @transform_7(%arg0: i32) -> (i32, i32) {
    %c0_i32 = arith.constant 0 : i32
    %c0_i32_0 = arith.constant 0 : i32
    %c0_i32_1 = arith.constant 0 : i32
    return %c0_i32, %c0_i32_0 : i32, i32
  }
  func.func @transform_8(%arg0: i32) -> (i32, i32) {
    %c0_i32 = arith.constant 0 : i32
    %c0_i32_0 = arith.constant 0 : i32
    return %arg0, %c0_i32 : i32, i32
  }
  func.func @transform_9(%arg0: i32) -> (i32, i32) {
    %c0_i32 = arith.constant 0 : i32
    %c0_i32_0 = arith.constant 0 : i32
    %c0_i32_1 = arith.constant 0 : i32
    return %c0_i32, %c0_i32_0 : i32, i32
  }
}

module attributes {stable_mosaic.version = 14 : i64} {
  func.func @_update_kernel(%arg0: memref<10000x128xf32, #tpu.memory_space<vmem>>, %arg1: memref<10000x128xf32, #tpu.memory_space<vmem>>, %arg2: memref<2x128xf32, #tpu.memory_space<vmem>>, %arg3: memref<10000x128xf32, #tpu.memory_space<vmem>>) attributes {dimension_semantics = [], scalar_prefetch = 0 : i64, scratch_operands = 0 : i64, tpu.core_type = #tpu.core_type<tc>} {
    %get3A = arith.constant 0 : index
    %get3A_0 = arith.constant 0 : index
    %get3A_1 = vector.load %arg2[%get3A, %get3A_0] : memref<2x128xf32, #tpu.memory_space<vmem>>, vector<1x128xf32>
    %div3A = arith.constant 1.000000e+04 : f32
    %div3A_2 = vector.broadcast %div3A : f32 to vector<1x128xf32>
    %div3A_3 = arith.divf %get3A_1, %div3A_2 : vector<1x128xf32>
    %get3A_4 = arith.constant 1 : index
    %get3A_5 = arith.constant 0 : index
    %get3A_6 = vector.load %arg2[%get3A_4, %get3A_5] : memref<2x128xf32, #tpu.memory_space<vmem>>, vector<1x128xf32>
    %div3A_7 = arith.constant 1.000000e+04 : f32
    %div3A_8 = vector.broadcast %div3A_7 : f32 to vector<1x128xf32>
    %div3A_9 = arith.divf %get3A_6, %div3A_8 : vector<1x128xf32>
    %mul3A = arith.mulf %div3A_3, %div3A_3 : vector<1x128xf32>
    %sub3A = arith.subf %div3A_9, %mul3A : vector<1x128xf32>
    %add3A = arith.constant 9.99999974E-6 : f32
    %add3A_10 = vector.broadcast %add3A : f32 to vector<1x128xf32>
    %add3A_11 = arith.addf %sub3A, %add3A_10 : vector<1x128xf32>
    %rsqrt3A = math.rsqrt %add3A_11 : vector<1x128xf32>
    %get3A_12 = arith.constant 0 : index
    %get3A_13 = arith.constant 0 : index
    %get3A_14 = vector.load %arg0[%get3A_12, %get3A_13] : memref<10000x128xf32, #tpu.memory_space<vmem>>, vector<10000x128xf32>
    %get3A_15 = arith.constant 0 : index
    %get3A_16 = arith.constant 0 : index
    %get3A_17 = vector.load %arg1[%get3A_15, %get3A_16] : memref<10000x128xf32, #tpu.memory_space<vmem>>, vector<10000x128xf32>
    %sub3A_18 = vector.broadcast %div3A_3 : vector<1x128xf32> to vector<10000x128xf32>
    %sub3A_19 = arith.subf %get3A_17, %sub3A_18 : vector<10000x128xf32>
    %mul3A_20 = vector.broadcast %rsqrt3A : vector<1x128xf32> to vector<10000x128xf32>
    %mul3A_21 = arith.mulf %sub3A_19, %mul3A_20 : vector<10000x128xf32>
    %add3A_22 = arith.addf %get3A_14, %mul3A_21 : vector<10000x128xf32>
    %max3A = arith.constant 0.000000e+00 : f32
    %max3A_23 = vector.broadcast %max3A : f32 to vector<10000x128xf32>
    %max3A_24 = arith.maximumf %add3A_22, %max3A_23 : vector<10000x128xf32>
    %abs3A = math.absf %add3A_22 : vector<10000x128xf32>
    %neg3A = arith.constant 0.000000e+00 : f32
    %neg3A_25 = vector.broadcast %neg3A : f32 to vector<10000x128xf32>
    %neg3A_26 = arith.subf %neg3A_25, %abs3A : vector<10000x128xf32>
    %exp3A = math.exp %neg3A_26 : vector<10000x128xf32>
    %log1p3A = math.log1p %exp3A : vector<10000x128xf32>
    %add3A_27 = arith.addf %max3A_24, %log1p3A : vector<10000x128xf32>
    %swap3A = arith.constant 0 : index
    %swap3A_28 = arith.constant 0 : index
    %swap3A_29 = vector.load %arg3[%swap3A, %swap3A_28] : memref<10000x128xf32, #tpu.memory_space<vmem>>, vector<10000x128xf32>
    tpu.vector_store %arg3[%swap3A, %swap3A_28], %add3A_27 {strides = array<i32>} : memref<10000x128xf32, #tpu.memory_space<vmem>>, vector<10000x128xf32>,
    return
  }
}

module attributes {stable_mosaic.version = 14 : i64} {
  func.func @_head_kernel(%arg0: memref<10000x128xf32, #tpu.memory_space<vmem>>, %arg1: memref<100x8xf32, #tpu.memory_space<vmem>>, %arg2: memref<8x32xf32, #tpu.memory_space<vmem>>, %arg3: memref<1x32xf32, #tpu.memory_space<vmem>>, %arg4: memref<160x128xf32, #tpu.memory_space<vmem>>, %arg5: memref<1x128xf32, #tpu.memory_space<vmem>>, %arg6: memref<128x1xf32, #tpu.memory_space<vmem>>, %arg7: memref<1x1xf32, #tpu.memory_space<vmem>>, %arg8: memref<100x1xf32, #tpu.memory_space<vmem>>, %arg9: memref<100x128xf32, #tpu.memory_space<vmem>>) attributes {dimension_semantics = [], scalar_prefetch = 0 : i64, scratch_operands = 0 : i64, tpu.core_type = #tpu.core_type<tc>} {
    %iota3A = tpu.iota {dimensions = array<i32: 0>} : vector<100x10000xi32>
    %iota3A_0 = tpu.iota {dimensions = array<i32: 1>} : vector<100x10000xi32>
    %jit3A = arith.constant 100 : i32
    %div3A = vector.broadcast %jit3A : i32 to vector<100x10000xi32>
    %div3A_1 = arith.divsi %iota3A_0, %div3A : vector<100x10000xi32>
    %sign3A = arith.constant 0 : i32
    %sign3A_2 = vector.broadcast %sign3A : i32 to vector<100x10000xi32>
    %sign3A_3 = arith.cmpi sgt, %iota3A_0, %sign3A_2 : vector<100x10000xi32>
    %sign3A_4 = arith.extui %sign3A_3 : vector<100x10000xi1> to vector<100x10000xi32>
    %sign3A_5 = arith.constant 0 : i32
    %sign3A_6 = vector.broadcast %sign3A_5 : i32 to vector<100x10000xi32>
    %sign3A_7 = arith.cmpi slt, %iota3A_0, %sign3A_6 : vector<100x10000xi32>
    %sign3A_8 = arith.extui %sign3A_7 : vector<100x10000xi1> to vector<100x10000xi32>
    %sign3A_9 = arith.subi %sign3A_4, %sign3A_8 : vector<100x10000xi32>
    %sign3A_10 = arith.constant 0 : i32
    %sign3A_11 = arith.cmpi sgt, %jit3A, %sign3A_10 : i32
    %sign3A_12 = arith.extui %sign3A_11 : i1 to i32
    %sign3A_13 = arith.constant 0 : i32
    %sign3A_14 = arith.cmpi slt, %jit3A, %sign3A_13 : i32
    %sign3A_15 = arith.extui %sign3A_14 : i1 to i32
    %sign3A_16 = arith.subi %sign3A_12, %sign3A_15 : i32
    %ne3A = vector.broadcast %sign3A_16 : i32 to vector<100x10000xi32>
    %ne3A_17 = arith.cmpi ne, %sign3A_9, %ne3A : vector<100x10000xi32>
    %rem3A = vector.broadcast %jit3A : i32 to vector<100x10000xi32>
    %rem3A_18 = arith.remsi %iota3A_0, %rem3A : vector<100x10000xi32>
    %ne3A_19 = arith.constant 0 : i32
    %ne3A_20 = vector.broadcast %ne3A_19 : i32 to vector<100x10000xi32>
    %ne3A_21 = arith.cmpi ne, %rem3A_18, %ne3A_20 : vector<100x10000xi32>
    %and3A = arith.andi %ne3A_17, %ne3A_21 : vector<100x10000xi1>
    %sub3A = arith.constant 1 : i32
    %sub3A_22 = vector.broadcast %sub3A : i32 to vector<100x10000xi32>
    %sub3A_23 = arith.subi %div3A_1, %sub3A_22 : vector<100x10000xi32>
    %select_n3A = arith.select %and3A, %sub3A_23, %div3A_1 : vector<100x10000xi1>, vector<100x10000xi32>
    %eq3A = arith.cmpi eq, %iota3A, %select_n3A : vector<100x10000xi32>
    %convert_element_type3A = arith.extui %eq3A : vector<100x10000xi1> to vector<100x10000xi32>
    %convert_element_type3A_24 = arith.sitofp %convert_element_type3A : vector<100x10000xi32> to vector<100x10000xf32>
    %get3A = arith.constant 0 : index
    %get3A_25 = arith.constant 0 : index
    %get3A_26 = vector.load %arg0[%get3A, %get3A_25] : memref<10000x128xf32, #tpu.memory_space<vmem>>, vector<10000x128xf32>
    %dot_general3A = arith.constant dense<0.000000e+00> : vector<100x128xf32>
    %dot_general3A_27 = tpu.matmul %convert_element_type3A_24, %get3A_26, %dot_general3A {dimension_numbers = #tpu.dot_dimension_numbers<[1], [0], [0], [1], [0, 0, 1, 1], [], []>, precision = #tpu.contract_precision<fp32>, transpose_lhs_hint = false} : vector<100x10000xf32>, vector<10000x128xf32>, vector<100x128xf32> -> vector<100x128xf32>
    %mul3A = arith.constant 0.00999999977 : f32
    %mul3A_28 = vector.broadcast %mul3A : f32 to vector<100x128xf32>
    %mul3A_29 = arith.mulf %dot_general3A_27, %mul3A_28 : vector<100x128xf32>
    %get3A_30 = arith.constant 0 : index
    %get3A_31 = arith.constant 0 : index
    %get3A_32 = vector.load %arg1[%get3A_30, %get3A_31] : memref<100x8xf32, #tpu.memory_space<vmem>>, vector<100x8xf32>
    %get3A_33 = arith.constant 0 : index
    %get3A_34 = arith.constant 0 : index
    %get3A_35 = vector.load %arg2[%get3A_33, %get3A_34] : memref<8x32xf32, #tpu.memory_space<vmem>>, vector<8x32xf32>
    %dot_general3A_36 = arith.constant dense<0.000000e+00> : vector<100x32xf32>
    %dot_general3A_37 = tpu.matmul %get3A_32, %get3A_35, %dot_general3A_36 {dimension_numbers = #tpu.dot_dimension_numbers<[1], [0], [0], [1], [0, 0, 1, 1], [], []>, transpose_lhs_hint = false} : vector<100x8xf32>, vector<8x32xf32>, vector<100x32xf32> -> vector<100x32xf32>
    %get3A_38 = arith.constant 0 : index
    %get3A_39 = arith.constant 0 : index
    %get3A_40 = vector.load %arg3[%get3A_38, %get3A_39] : memref<1x32xf32, #tpu.memory_space<vmem>>, vector<1x32xf32>
    %add3A = vector.broadcast %get3A_40 : vector<1x32xf32> to vector<100x32xf32>
    %add3A_41 = arith.addf %dot_general3A_37, %add3A : vector<100x32xf32>
    %broadcast_in_dim3A = arith.constant 1.000000e+00 : f32
    %broadcast_in_dim3A_42 = vector.broadcast %broadcast_in_dim3A : f32 to vector<1x100xf32>
    %dot_general3A_43 = arith.constant dense<0.000000e+00> : vector<1x32xf32>
    %dot_general3A_44 = tpu.matmul %broadcast_in_dim3A_42, %add3A_41, %dot_general3A_43 {dimension_numbers = #tpu.dot_dimension_numbers<[1], [0], [0], [1], [0, 0, 1, 1], [], []>, precision = #tpu.contract_precision<fp32>, transpose_lhs_hint = false} : vector<1x100xf32>, vector<100x32xf32>, vector<1x32xf32> -> vector<1x32xf32>
    %mul3A_45 = arith.constant 0.00999999977 : f32
    %mul3A_46 = vector.broadcast %mul3A_45 : f32 to vector<1x32xf32>
    %mul3A_47 = arith.mulf %dot_general3A_44, %mul3A_46 : vector<1x32xf32>
    %sub3A_48 = vector.broadcast %mul3A_47 : vector<1x32xf32> to vector<100x32xf32>
    %sub3A_49 = arith.subf %add3A_41, %sub3A_48 : vector<100x32xf32>
    %integer_pow3A = arith.mulf %sub3A_49, %sub3A_49 : vector<100x32xf32>
    %broadcast_in_dim3A_50 = arith.constant 1.000000e+00 : f32
    %broadcast_in_dim3A_51 = vector.broadcast %broadcast_in_dim3A_50 : f32 to vector<1x100xf32>
    %dot_general3A_52 = arith.constant dense<0.000000e+00> : vector<1x32xf32>
    %dot_general3A_53 = tpu.matmul %broadcast_in_dim3A_51, %integer_pow3A, %dot_general3A_52 {dimension_numbers = #tpu.dot_dimension_numbers<[1], [0], [0], [1], [0, 0, 1, 1], [], []>, precision = #tpu.contract_precision<fp32>, transpose_lhs_hint = false} : vector<1x100xf32>, vector<100x32xf32>, vector<1x32xf32> -> vector<1x32xf32>
    %mul3A_54 = arith.constant 0.00999999977 : f32
    %mul3A_55 = vector.broadcast %mul3A_54 : f32 to vector<1x32xf32>
    %mul3A_56 = arith.mulf %dot_general3A_53, %mul3A_55 : vector<1x32xf32>
    %sub3A_57 = vector.broadcast %mul3A_47 : vector<1x32xf32> to vector<100x32xf32>
    %sub3A_58 = arith.subf %add3A_41, %sub3A_57 : vector<100x32xf32>
    %add3A_59 = arith.constant 9.99999974E-6 : f32
    %add3A_60 = vector.broadcast %add3A_59 : f32 to vector<1x32xf32>
    %add3A_61 = arith.addf %mul3A_56, %add3A_60 : vector<1x32xf32>
    %rsqrt3A = math.rsqrt %add3A_61 : vector<1x32xf32>
    %mul3A_62 = vector.broadcast %rsqrt3A : vector<1x32xf32> to vector<100x32xf32>
    %mul3A_63 = arith.mulf %sub3A_58, %mul3A_62 : vector<100x32xf32>
    %max3A = arith.constant 0.000000e+00 : f32
    %max3A_64 = vector.broadcast %max3A : f32 to vector<100x32xf32>
    %max3A_65 = arith.maximumf %mul3A_63, %max3A_64 : vector<100x32xf32>
    %abs3A = math.absf %mul3A_63 : vector<100x32xf32>
    %neg3A = arith.constant 0.000000e+00 : f32
    %neg3A_66 = vector.broadcast %neg3A : f32 to vector<100x32xf32>
    %neg3A_67 = arith.subf %neg3A_66, %abs3A : vector<100x32xf32>
    %exp3A = math.exp %neg3A_67 : vector<100x32xf32>
    %log1p3A = math.log1p %exp3A : vector<100x32xf32>
    %add3A_68 = arith.addf %max3A_65, %log1p3A : vector<100x32xf32>
    %concatenate3A = tpu.concatenate %mul3A_29, %add3A_68 in 1 : vector<100x128xf32>, vector<100x32xf32> -> vector<100x160xf32>
    %get3A_69 = arith.constant 0 : index
    %get3A_70 = arith.constant 0 : index
    %get3A_71 = vector.load %arg4[%get3A_69, %get3A_70] : memref<160x128xf32, #tpu.memory_space<vmem>>, vector<160x128xf32>
    %dot_general3A_72 = arith.constant dense<0.000000e+00> : vector<100x128xf32>
    %dot_general3A_73 = tpu.matmul %concatenate3A, %get3A_71, %dot_general3A_72 {dimension_numbers = #tpu.dot_dimension_numbers<[1], [0], [0], [1], [0, 0, 1, 1], [], []>, transpose_lhs_hint = false} : vector<100x160xf32>, vector<160x128xf32>, vector<100x128xf32> -> vector<100x128xf32>
    %get3A_74 = arith.constant 0 : index
    %get3A_75 = arith.constant 0 : index
    %get3A_76 = vector.load %arg5[%get3A_74, %get3A_75] : memref<1x128xf32, #tpu.memory_space<vmem>>, vector<1x128xf32>
    %add3A_77 = vector.broadcast %get3A_76 : vector<1x128xf32> to vector<100x128xf32>
    %add3A_78 = arith.addf %dot_general3A_73, %add3A_77 : vector<100x128xf32>
    %max3A_79 = arith.constant 0.000000e+00 : f32
    %max3A_80 = vector.broadcast %max3A_79 : f32 to vector<100x128xf32>
    %max3A_81 = arith.maximumf %add3A_78, %max3A_80 : vector<100x128xf32>
    %abs3A_82 = math.absf %add3A_78 : vector<100x128xf32>
    %neg3A_83 = arith.constant 0.000000e+00 : f32
    %neg3A_84 = vector.broadcast %neg3A_83 : f32 to vector<100x128xf32>
    %neg3A_85 = arith.subf %neg3A_84, %abs3A_82 : vector<100x128xf32>
    %exp3A_86 = math.exp %neg3A_85 : vector<100x128xf32>
    %log1p3A_87 = math.log1p %exp3A_86 : vector<100x128xf32>
    %add3A_88 = arith.addf %max3A_81, %log1p3A_87 : vector<100x128xf32>
    %broadcast_in_dim3A_89 = arith.constant 1.000000e+00 : f32
    %broadcast_in_dim3A_90 = vector.broadcast %broadcast_in_dim3A_89 : f32 to vector<1x100xf32>
    %dot_general3A_91 = arith.constant dense<0.000000e+00> : vector<1x128xf32>
    %dot_general3A_92 = tpu.matmul %broadcast_in_dim3A_90, %add3A_88, %dot_general3A_91 {dimension_numbers = #tpu.dot_dimension_numbers<[1], [0], [0], [1], [0, 0, 1, 1], [], []>, precision = #tpu.contract_precision<fp32>, transpose_lhs_hint = false} : vector<1x100xf32>, vector<100x128xf32>, vector<1x128xf32> -> vector<1x128xf32>
    %mul3A_93 = arith.constant 0.00999999977 : f32
    %mul3A_94 = vector.broadcast %mul3A_93 : f32 to vector<1x128xf32>
    %mul3A_95 = arith.mulf %dot_general3A_92, %mul3A_94 : vector<1x128xf32>
    %sub3A_96 = vector.broadcast %mul3A_95 : vector<1x128xf32> to vector<100x128xf32>
    %sub3A_97 = arith.subf %add3A_88, %sub3A_96 : vector<100x128xf32>
    %integer_pow3A_98 = arith.mulf %sub3A_97, %sub3A_97 : vector<100x128xf32>
    %broadcast_in_dim3A_99 = arith.constant 1.000000e+00 : f32
    %broadcast_in_dim3A_100 = vector.broadcast %broadcast_in_dim3A_99 : f32 to vector<1x100xf32>
    %dot_general3A_101 = arith.constant dense<0.000000e+00> : vector<1x128xf32>
    %dot_general3A_102 = tpu.matmul %broadcast_in_dim3A_100, %integer_pow3A_98, %dot_general3A_101 {dimension_numbers = #tpu.dot_dimension_numbers<[1], [0], [0], [1], [0, 0, 1, 1], [], []>, precision = #tpu.contract_precision<fp32>, transpose_lhs_hint = false} : vector<1x100xf32>, vector<100x128xf32>, vector<1x128xf32> -> vector<1x128xf32>
    %mul3A_103 = arith.constant 0.00999999977 : f32
    %mul3A_104 = vector.broadcast %mul3A_103 : f32 to vector<1x128xf32>
    %mul3A_105 = arith.mulf %dot_general3A_102, %mul3A_104 : vector<1x128xf32>
    %sub3A_106 = vector.broadcast %mul3A_95 : vector<1x128xf32> to vector<100x128xf32>
    %sub3A_107 = arith.subf %add3A_88, %sub3A_106 : vector<100x128xf32>
    %add3A_108 = arith.constant 9.99999974E-6 : f32
    %add3A_109 = vector.broadcast %add3A_108 : f32 to vector<1x128xf32>
    %add3A_110 = arith.addf %mul3A_105, %add3A_109 : vector<1x128xf32>
    %rsqrt3A_111 = math.rsqrt %add3A_110 : vector<1x128xf32>
    %mul3A_112 = vector.broadcast %rsqrt3A_111 : vector<1x128xf32> to vector<100x128xf32>
    %mul3A_113 = arith.mulf %sub3A_107, %mul3A_112 : vector<100x128xf32>
    %add3A_114 = arith.addf %mul3A_113, %mul3A_113 : vector<100x128xf32>
    %reduce_sum3A = arith.constant dense<0.000000e+00> : vector<100xf32>
    %reduce_sum3A_115 = vector.multi_reduction <add>, %add3A_114, %reduce_sum3A [1] : vector<100x128xf32> to vector<100xf32>
    %broadcast_in_dim3A_116 = vector.shape_cast %reduce_sum3A_115 : vector<100xf32> to vector<100x1xf32>
    %div3A_117 = arith.constant 1.280000e+02 : f32
    %div3A_118 = vector.broadcast %div3A_117 : f32 to vector<100x1xf32>
    %div3A_119 = arith.divf %broadcast_in_dim3A_116, %div3A_118 : vector<100x1xf32>
    %sub3A_120 = vector.broadcast %div3A_119 : vector<100x1xf32> to vector<100x128xf32>
    %sub3A_121 = arith.subf %add3A_114, %sub3A_120 : vector<100x128xf32>
    %integer_pow3A_122 = arith.mulf %sub3A_121, %sub3A_121 : vector<100x128xf32>
    %reduce_sum3A_123 = arith.constant dense<0.000000e+00> : vector<100xf32>
    %reduce_sum3A_124 = vector.multi_reduction <add>, %integer_pow3A_122, %reduce_sum3A_123 [1] : vector<100x128xf32> to vector<100xf32>
    %broadcast_in_dim3A_125 = vector.shape_cast %reduce_sum3A_124 : vector<100xf32> to vector<100x1xf32>
    %div3A_126 = arith.constant 1.280000e+02 : f32
    %div3A_127 = vector.broadcast %div3A_126 : f32 to vector<100x1xf32>
    %div3A_128 = arith.divf %broadcast_in_dim3A_125, %div3A_127 : vector<100x1xf32>
    %sub3A_129 = vector.broadcast %div3A_119 : vector<100x1xf32> to vector<100x128xf32>
    %sub3A_130 = arith.subf %add3A_114, %sub3A_129 : vector<100x128xf32>
    %add3A_131 = arith.constant 9.99999974E-6 : f32
    %add3A_132 = vector.broadcast %add3A_131 : f32 to vector<100x1xf32>
    %add3A_133 = arith.addf %div3A_128, %add3A_132 : vector<100x1xf32>
    %rsqrt3A_134 = math.rsqrt %add3A_133 : vector<100x1xf32>
    %mul3A_135 = vector.broadcast %rsqrt3A_134 : vector<100x1xf32> to vector<100x128xf32>
    %mul3A_136 = arith.mulf %sub3A_130, %mul3A_135 : vector<100x128xf32>
    %swap3A = arith.constant 0 : index
    %swap3A_137 = arith.constant 0 : index
    %swap3A_138 = vector.load %arg9[%swap3A, %swap3A_137] : memref<100x128xf32, #tpu.memory_space<vmem>>, vector<100x128xf32>
    tpu.vector_store %arg9[%swap3A, %swap3A_137], %mul3A_136 {strides = array<i32>} : memref<100x128xf32, #tpu.memory_space<vmem>>, vector<100x128xf32>,
    %get3A_139 = arith.constant 0 : index
    %get3A_140 = arith.constant 0 : index
    %get3A_141 = vector.load %arg6[%get3A_139, %get3A_140] : memref<128x1xf32, #tpu.memory_space<vmem>>, vector<128x1xf32>
    %dot_general3A_142 = arith.constant dense<0.000000e+00> : vector<100x1xf32>
    %dot_general3A_143 = tpu.matmul %mul3A_136, %get3A_141, %dot_general3A_142 {dimension_numbers = #tpu.dot_dimension_numbers<[1], [0], [0], [1], [0, 0, 1, 1], [], []>, transpose_lhs_hint = false} : vector<100x128xf32>, vector<128x1xf32>, vector<100x1xf32> -> vector<100x1xf32>
    %get3A_144 = arith.constant 0 : index
    %get3A_145 = arith.constant 0 : index
    %get3A_146 = vector.load %arg7[%get3A_144, %get3A_145] : memref<1x1xf32, #tpu.memory_space<vmem>>, vector<1x1xf32>
    %add3A_147 = vector.broadcast %get3A_146 : vector<1x1xf32> to vector<100x1xf32>
    %add3A_148 = arith.addf %dot_general3A_143, %add3A_147 : vector<100x1xf32>
    %swap3A_149 = arith.constant 0 : index
    %swap3A_150 = arith.constant 0 : index
    %swap3A_151 = vector.load %arg8[%swap3A_149, %swap3A_150] : memref<100x1xf32, #tpu.memory_space<vmem>>, vector<100x1xf32>
    tpu.vector_store %arg8[%swap3A_149, %swap3A_150], %add3A_148 {strides = array<i32>} : memref<100x1xf32, #tpu.memory_space<vmem>>, vector<100x1xf32>,
    return
  }
}

</mosaic_0001>

<sc_bundles>
// kernel: gather_offload_async_start
scs
__scs_entry_jumppad:
0x0: {  	(pc) =	sbr.rel $0x88, $3  }
0x1: {  	(tag) =	ssettag $0x0;
	lr =	simm.s32 $0x1  }
0x2: {  	[smem:$0x3F90] =	sst lr;
	_ =	strace $0xD0000000  }
0x3: {  	_ = 	snop  }
0x4: {  	_ = 	snop  }
0x5: {  	_ = 	snop  }
0x6: {  	_ = 	snop  }
0x7: {  	_ = 	snop  }
__scs_overlays_trampoline_lowered:
0x8: {  	[smem:$0x3F9F] =	sst s0  }
0x9: {  	[smem:$0x3FA0] =	sst s1  }
0xa: {  	[smem:$0x3FA1] =	sst s2  }
0xb: {  	[smem:$0x3FA2] =	sst s3  }
0xc: {  	[smem:$0x3FA3] =	sst s4  }
0xd: {  	[smem:$0x3FA4] =	sst s5  }
0xe: {  	[smem:$0x3FA5] =	sst s6  }
0xf: {  	[smem:$0x3FA6] =	sst s7  }
0x10: {  	[smem:$0x3FA7] =	sst s8  }
0x11: {  	[smem:$0x3FA8] =	sst s9;
	s0 =	simm.s32 @!p0 $0x0  }
0x12: {  	s1 =	sld [smem:$0x3F8E];
	s0 =	simm.s32 @p0 $0x1  }
0x13: {  	[smem:$0x3FA9] =	sst s0;
	s0 =	simm.s32 @!p1 $0x0  }
0x14: {  	s2 =	sld [smem:$0x3F8D];
	s0 =	simm.s32 @p1 $0x1  }
0x15: {  	[smem:$0x3FAA] =	sst s0;
	s0 =	simm.s32 @!p2 $0x0  }
0x16: {  	s3 =	sld [smem:$0x3FDB];
	s0 =	simm.s32 @p2 $0x1  }
0x17: {  	s4 =	simm.s32 $0x1BF5;
	[smem:$0x3FAC] =	sst s0  }
0x18: {  	s0 =	sld [smem:$0x3F8F];
	_ =	swait.ge [sflag:s4], $0x0  }
0x19: {  	s7 =	sld [smem:$0x3F90]  }
0x1a: {  	s8 =	sadd.s32 $0xFFFFE003, lr  }
0x1b: {  	s9 =	sadd.s32 $0xFFFFFEF7, lr;
	s5 =	simm.s32 $0xFFFFFFFF;
	p2 =	slt.u32 s8, $0xFFFFF086  }
0x1c: {  	p1 =	slt.u32 s9, $0xF7A;
	s5 =	simm.s32 @!p2 $0x0  }
0x1d: {  	s5 =	simm.s32 @p1 $0x1;
	p0 =	seq.s32 s7, s2  }
0x1e: {  	s7 =	smul.u32 @!p0 $0xF7A, s2;
	p2 =	seq.s32 @!p0 s5, $0x0  }
0x1f: {  	s9 =	smul.u32 $0xF7A, s1;
	s8 =	simm.s32 @!p0 $0x1BF5;
	p2 =	por !p2, p0  }
0x20: {  	[sflag:s8] =	ssyncset.s32 @!p0 $0xFFFFF086;
	s6 =	sadd.s32 @!p0 s3, s7;
	s7 =	simm.s32 @!p0 $0x108  }
0x21: {  	s3 =	sadd.s32 s3, s9;
	s6 =	sadd.s32 @!p0 $0x88, s6;
	s7 =	simm.s32 @p2 $0x1082  }
0x22: {  	[simem:s7], [sflag:s8] =	dma.local @!p0 [hbm:s6], $0xF7A  }
0x23: {  	s9 =	sor.u32 $0xD0000000, s2;
	s6 =	simm.s32 $0x108;
	_ =	swait.ge @!p0 [sflag:s8], $0x0  }
0x24: {  	s3 =	sadd.s32 $0x88, s3;
	s6 =	simm.s32 @!p1 $0x1082;
	[sflag:s4] =	ssyncset.s32 $0xFFFFF086  }
0x25: {  	[simem:s6], [sflag:s4] =	dma.local [hbm:s3], $0xF7A  }
0x26: {  	[smem:$0x3F90] =	sst s1;
	(tag) =	ssettag s2;
	_ =	strace s9  }
0x27: {  	s1 =	sld [smem:$0x3FA0]  }
0x28: {  	s2 =	sld [smem:$0x3FA1]  }
0x29: {  	s4 =	sld [smem:$0x3FA3]  }
0x2a: {  	p0 =	seq.s32 s5, $0x0;
	s5 =	sld [smem:$0x3FA4]  }
0x2b: {  	s6 =	sld [smem:$0x3FA5]  }
0x2c: {  	s7 =	sld [smem:$0x3FA6]  }
0x2d: {  	s3 =	simm.s32 $0x108;
	s8 =	sld [smem:$0x3FA7]  }
0x2e: {  	s3 =	simm.s32 @!p0 $0x1082;
	s9 =	sld [smem:$0x3FA8]  }
0x2f: {  	lr =	sadd.s32 s0, s3;
	s0 =	sld [smem:$0x3F9F]  }
0x30: {  	s3 =	sld [smem:$0x3FA2]  }
0x31: {  	[smem:$0x3FAB] =	sst s10  }
0x32: {  	s10 =	sld [smem:$0x3FA9];
	_ =	sdelay $0x3  }
0x33: {  	p0 =	seq.s32 s10, $0x1;
	s10 =	sld [smem:$0x3FAB];
	_ =	sdelay $0x3  }
0x34: {  	[smem:$0x3FAB] =	sst s10  }
0x35: {  	s10 =	sld [smem:$0x3FAA];
	_ =	sdelay $0x3  }
0x36: {  	p1 =	seq.s32 s10, $0x1;
	s10 =	sld [smem:$0x3FAB];
	_ =	sdelay $0x3  }
0x37: {  	[smem:$0x3FAB] =	sst s10  }
0x38: {  	s10 =	sld [smem:$0x3FAC]  }
0x39: {  	_ = 	snop;
	(pc) =	sbr.ind lr, $3  }
0x3a: {  	_ = 	snop  }
0x3b: {  	_ = 	snop  }
0x3c: {  	p2 =	seq.s32 s10, $0x1;
	s10 =	sld [smem:$0x3FAB]  }
0x3d: {  	_ =	shalt  }
0x3e: {  	_ =	shalt  }
0x3f: {  	_ =	shalt  }
0x40: {  	_ =	shalt  }
0x41: {  	_ =	shalt  }
0x42: {  	_ =	shalt  }
0x43: {  	_ =	shalt  }
0x44: {  	_ =	shalt  }
0x45: {  	_ =	shalt  }
0x46: {  	_ =	shalt  }
0x47: {  	_ =	shalt  }
0x48: {  	_ =	shalt  }
0x49: {  	_ =	shalt  }
0x4a: {  	_ =	shalt  }
0x4b: {  	_ =	shalt  }
0x4c: {  	_ =	shalt  }
0x4d: {  	_ =	shalt  }
0x4e: {  	_ =	shalt  }
0x4f: {  	_ =	shalt  }
0x50: {  	_ =	shalt  }
0x51: {  	_ =	shalt  }
0x52: {  	_ =	shalt  }
0x53: {  	_ =	shalt  }
0x54: {  	_ =	shalt  }
0x55: {  	_ =	shalt  }
0x56: {  	_ =	shalt  }
0x57: {  	_ =	shalt  }
0x58: {  	_ =	shalt  }
0x59: {  	_ =	shalt  }
0x5a: {  	_ =	shalt  }
0x5b: {  	_ =	shalt  }
0x5c: {  	_ =	shalt  }
0x5d: {  	_ =	shalt  }
0x5e: {  	_ =	shalt  }
0x5f: {  	_ =	shalt  }
0x60: {  	_ =	shalt  }
0x61: {  	_ =	shalt  }
0x62: {  	_ =	shalt  }
0x63: {  	_ =	shalt  }
0x64: {  	_ =	shalt  }
0x65: {  	_ =	shalt  }
0x66: {  	_ =	shalt  }
0x67: {  	_ =	shalt  }
0x68: {  	_ =	shalt  }
0x69: {  	_ =	shalt  }
0x6a: {  	_ =	shalt  }
0x6b: {  	_ =	shalt  }
0x6c: {  	_ =	shalt  }
0x6d: {  	_ =	shalt  }
0x6e: {  	_ =	shalt  }
0x6f: {  	_ =	shalt  }
0x70: {  	_ =	shalt  }
0x71: {  	_ =	shalt  }
0x72: {  	_ =	shalt  }
0x73: {  	_ =	shalt  }
0x74: {  	_ =	shalt  }
0x75: {  	_ =	shalt  }
0x76: {  	_ =	shalt  }
0x77: {  	_ =	shalt  }
0x78: {  	_ =	shalt  }
0x79: {  	_ =	shalt  }
0x7a: {  	_ =	shalt  }
0x7b: {  	_ =	shalt  }
0x7c: {  	_ =	shalt  }
0x7d: {  	_ =	shalt  }
0x7e: {  	_ =	shalt  }
0x7f: {  	_ =	shalt  }
0x80: {  	_ =	shalt  }
0x81: {  	_ =	shalt  }
0x82: {  	_ =	shalt  }
0x83: {  	_ =	shalt  }
0x84: {  	_ =	shalt  }
0x85: {  	_ =	shalt  }
0x86: {  	_ =	shalt  }
0x87: {  	_ =	shalt  }
.Lfunc_end0:
.L_simem_size_0:
called_computation_lowered:
.L_overlay_start_0:
0x88: {  	s2 =	sld [smem:$0x3FD9]  }
0x89: {  	s3 =	sld [smem:$0x3FFE];
	_ =	sdelay $0x1  }
0x8a: {  	s1 =	srdreg.scid  }
0x8b: {  	s0 =	sand.u32 $0x1, s1  }
0x8c: {  	s16 =	sshll.u32 s0, $0xA;
	s2 =	sadd.s32 s3, s2  }
0x8d: {  	s2 =	sadd.s32 s2, s16  }
0x8e: {  	[smem:$0x3FB7] =	sst s2  }
0x8f: {  	_ = 	snop  }
0x90: {  	(tm) =	ssettm $0x1  }
0x91: {  	s17 =	sld [smem:$0x3FFB];
	_ =	sdelay $0x3  }
0x92: {  	_ =	strace s17  }
0x93: {  	s2 =	sld [smem:$0x3FFC];
	_ =	sdelay $0x3  }
0x94: {  	_ =	strace s2  }
0x95: {  	s2 =	sld [smem:$0x3FFD];
	_ =	sdelay $0x3  }
0x96: {  	_ =	strace s2  }
0x97: {  	_ =	strace $0x8FFFFFFF  }
0x98: {  	s18 =	sld [smem:$0x3FDB];
	_ =	sdelay $0x1  }
0x99: {  	s19 =	simm.s32 $_scs_section_size  }
0x9a: {  	s4 =	simm.s32 $_size__tile_overlayer_lowered;
	s5 =	simm.s32 $_tile_overlayer_lowered  }
0x9b: {  	s22 =	simm.s32 $0x1BFF;
	s21 =	sshll.u32 s5, $0x1;
	s2 =	sadd.s32 s19, s18  }
0x9c: {  	s6 =	simm.s32 $0x0;
	s20 =	sshll.u32 s4, $0x1;
	s4 =	sadd.s32 s21, s2  }
0x9d: {  	[timem:s6], [sflag:s22] =	dma.local [hbm:s4], s20  }
0x9e: {  	_ =	swait.ge [sflag:s22], s20  }
0x9f: {  	s3 =	ssub.s32 $0x0, s20;
	[sflag:s22] =	ssyncset.done $0x0  }
0xa0: {  	[sflag:s22] =	ssyncadd.s32 s3;
	_ =	sdelay $0x1  }
0xa1: {  	s23 =	simm.s32 $0x1B8B  }
0xa2: {  	_ =	swait.ge [sflag:s23], $0x1  }
0xa3: {  	[sflag:s23] =	ssyncset.done $0x0  }
0xa4: {  	s25 =	simm.s32 $0x1B8E;
	s24 =	sld [smem:$0x3FFE];
	[sflag:s23] =	ssyncadd.s32 $0xFFFFFFFF  }
0xa5: {  	s26 =	simm.s32 $execute0_lowered;
	[smem:$0x3FD2] =	sst s25  }
0xa6: {  	s4 =	sshll.u32 s26, $0x1;
	_ =	strace $0x80000046;
	[dreg:$0x1] =	wrdreg $0xFFFFFFFF  }
0xa7: {  	s28 =	simm.s32 $_size_execute0_lowered;
	s2 =	sadd.s32 s2, s4;
	[dreg:$0x0] =	wrdreg $0x0  }
0xa8: {  	s4 =	sshll.u32 s28, $0x1;
	[dreg:$0x2] =	wrdreg s2  }
0xa9: {  	[dreg:$0x3] =	wrdreg s4  }
0xaa: {  	[dreg:$0x4] =	wrdreg $0xC0  }
0xab: {  	_ =	task [dreg:s6], $0x5FFFF  }
0xac: {  	[dreg:$0x1] =	wrdreg $0xFFFFFFFF  }
0xad: {  	[dreg:$0x0] =	wrdreg $0x60  }
0xae: {  	[dreg:$0x2] =	wrdreg s24  }
0xaf: {  	[dreg:$0x3] =	wrdreg $0x9  }
0xb0: {  	_ =	task.clear_ibuf [dreg:s6], $0x4FFFF;
	_ =	strace $0x90000046  }
0xb1: {  	s29 =	simm.s32 $0x9;
	_ =	strace $0x80000048  }
0xb2: {  	_ =	swait.ge [sflag:s29], $0x1  }
0xb3: {  	[sflag:s29] =	ssyncadd.s32 $0xFFFFFFFF  }
0xb4: {  	_ =	strace $0x90000048  }
0xb5: {  	_ =	sfence  }
0xb6: {  	s30 =	sld [smem:$0x0];
	_ =	sdelay $0x2  }
0xb7: {  	s31 =	sshll.u32 s1, $0xD;
	s1 =	sshrl.u32 s1, $0x2  }
0xb8: {  	s3 =	sand.u32 $0x4000, s31;
	s1 =	sadd.s32 s1, s30  }
0xb9: {  	s0 =	sor.u32 s3, s0;
	s1 =	sshll.u32 s1, $0x11  }
0xba: {  	s0 =	sor.u32 s1, s0  }
0xbb: {  	s0 =	sadd.s32 $0x8F2B, s0  }
0xbc: {  	[sflag:s0] =	ssyncadd.remote.s32 $0x1  }
0xbd: {  	_ =	sfence.sel $0xFFFF  }
0xbe: {  	[dreg:$0x0] =	wrdreg $0xFFFFFFFF;
	(pc) =	sbr.abs _section_cstart, $3  }
0xbf: {  	[dreg:$0x1] =	wrdreg $0xFFFFFFFF  }
0xc0: {  	_ =	task.clear_ibuf [dreg:s6], $0x2FFFF;
	_ =	strace $0x9FFFFFFF  }
0xc1: {  	(tm) =	ssettm $0x7FFFFFFF  }
tec
execute0_lowered:
.L_overlay_start_1:
0x0: {  	(tag) =	ssettag $0x1  }
0x1: {  	s0 =	srdreg.scid;
	s5 =	rddreg [dreg:$0x0]  }
0x2: {  	s1 =	stileid.u32;
	s6 =	simm.s32 $0x1;
	s9 =	simm.s32 $0x1  }
0x3: {  	s10 =	simm.s32 $0x3;
	s13 =	simm.s32 $0x0;
	s2 =	sshll.u32 s0, $0xC  }
0x4: {  	s12 =	simm.s32 $0x0;
	s3 =	sshll.u32 s1, $0xD;
	s2 =	sand.u32 $0x1000, s2  }
0x5: {  	s0 =	rddreg [dreg:$0x1];
	_ =	strace $0x80000047;
	s2 =	sor.u32 s3, s2  }
0x6: {  	s4 =	sadd.s32 $0x31800, s5;
	[sflag:s6] =	ssyncpa.u1 $0x0;
	s8 =	ssub.s32 $0x28000, s2  }
.Ltmp0:
0x7: {  	s3 =	sadd.s32 $0x2C800, s5;
	s7 =	sand.u32 $0x1F000, s8;
	(pc) =	sbr.rel .LBB2_1-.Ltmp0, $4  }
0x8: {  	s5 =	sadd.s32 $0x37000, s5;
	s11 =	smov.u32 s2;
	p0 =	sne.s32 s7, $0x0  }
0x9: {  	s8 =	sshrl.u32 s8, $0x11;
	s7 =	simm.s32 $0x2;
	s9 =	simm.s32 @!p0 $0x0  }
0xa: {  	[sflag:s7] =	ssyncpa.u1 $0x0;
	p0 =	por $0x0, $0x0;
	s8 =	sadd.s32 s9, s8  }
0xb: {  	vm0 =	vmmov $0xffff;
	[sflag:s10] =	ssyncpa.u1 $0x0;
	s10 =	simm.s32 $0x0;
	s9 =	sadd.s32 $0x1, s8  }
.LBB2_4:
0xc: {  	v2 =	vnsel vm1, $0x0, v2  }
0xd: {  	vm1 =	vgt.s32 v0, $0x0;
	v2 =	vmin.u32 v2, $0x270FF  }
0xe: {  	v0 =	vnsel vm1, $0x0, v0  }
0xf: {  	v0 =	vmin.u32 v0, $0x270FF  }
0x10: {  	[tilespmem:s15], [sflag:$0x1] =	stream.indirect_vreg.gather [hbm4b:s3+s10], $0x1, v1, vm0, $0x4038;
	[tilespmem:$0x4000] =	vst v63  }
0x11: {  	(ifvalue) =	ssetifvalue $0x7FFFFFFF  }
0x12: {  	[tilespmem:s16], [sflag:$0x1] =	stream.indirect_vreg.gather [hbm4b:s3+s10], $0x1, v2, vm0, $0x4038;
	[tilespmem:$0x4000] =	vst v63  }
0x13: {  	s29 =	sadd.s32 $0x10, s16;
	(ifvalue) =	ssetifvalue $0x7FFFFFFF  }
0x14: {  	[tilespmem:s29], [sflag:$0x1] =	stream.indirect_vreg.gather [hbm4b:s3+s10], $0x1, v0, vm0, $0x4038;
	[tilespmem:$0x4000] =	vst v63  }
0x15: {  	_ =	swait.ge [sflag:s6], $0x1000  }
0x16: {  	s30 =	sshrl.u32 s13, $0x3;
	[sflag:s6] =	ssyncset.done $0x0  }
0x17: {  	s31 =	sand.u32 $0x7, s13;
	s15 =	sadd.s32 s5, s30;
	[sflag:s6] =	ssyncadd.s32 $0xFFFFF000  }
0x18: {  	[hbm4b:s15+s31] =	stream.linear.scatter [tilespmem:s14], [sflag:$0x3], $0x1000, $0x38;
	[tilespmem:$0x4000] =	vst v63  }
.LBB2_5:
0x19: {  	s15 =	sadd.s32 $0x20000, s11  }
0x1a: {  	p2 =	sgt.s32 s15, $0x27FFF  }
0x1b: {  	s15 =	smov.u32 @p2 s2;
	p2 =	sne.s32 s12, s9  }
.Ltmp1:
0x1c: {  	p1 =	slt.u32 s12, $0x2;
	(pc) =	sbr.rel @!p2 .LBB2_6-.Ltmp1, $4  }
0x1d: {  	s14 =	simm.s32 @!p1 $0x3  }
0x1e: {  	s16 =	sadd.s32 $0x1, s12;
	_ =	swait.ge @!p1 [sflag:s14], $0x1000  }
0x1f: {  	s13 =	smov.u32 s11;
	p0 =	por !p0, !p0;
	[sflag:s14] =	ssyncset.done @!p1 $0x0  }
0x20: {  	s12 =	smov.u32 s16;
	s11 =	smov.u32 s15;
	[sflag:s14] =	ssyncadd.s32 @!p1 $0xFFFFF000  }
.LBB2_1:
0x21: {  	p1 =	sge.u32 s12, s8  }
0x22: {  	s14 =	sxor.u32 @!p1 $0xFFFFFFFF, s12  }
0x23: {  	s31 =	sadd.s32 $0xFFFFFFFF, s12;
	s15 =	sshrl.u32 @!p1 s11, $0x3;
	s14 =	sshll.u32 @!p1 s14, $0xC  }
0x24: {  	s16 =	sand.u32 @!p1 $0x7, s11;
	s15 =	sadd.s32 @!p1 s4, s15;
	s14 =	sand.u32 @!p1 $0x1000, s14  }
0x25: {  	[tilespmem:s14], [sflag:$0x2] =	stream.linear.gather @!p1 [hbm4b:s15+s16], $0x1000, $0x38;
	[tilespmem:$0x4000] =	vst v63  }
0x26: {  	p1 =	sge.u32 s31, s8  }
.Ltmp2:
0x27: {  	_ = 	snop;
	(pc) =	sbr.rel @p1 .LBB2_5-.Ltmp2, $1  }
0x28: {  	_ =	sdelay $0x3  }
0x29: {  	s14 =	simm.s32 $0x1  }
0x2a: {  	_ =	swait.ge [sflag:s7], $0x1000;
	s14 =	simm.s32 @!p0 $0x0  }
0x2b: {  	[sflag:s7] =	ssyncset.done $0x0;
	s14 =	sshll.u32 s14, $0xC  }
0x2c: {  	[sflag:s7] =	ssyncadd.s32 $0xFFFFF000;
	(ifvalue) =	ssetifvalue $0x7FFFFFFF;
	v0 =	vld.msk [tilespmem:s14+$0x0 ss:$0x1], $0xffff;
	_ =	sdelay $0x4  }
0x2d: {  	s15 =	sadd.s32 $0x10, s14;
	vm1 =	vgt.s32 v0, $0x0  }
0x2e: {  	v2 =	vld.msk [tilespmem:s15+$0x0 ss:$0x1], $0xffff;
	v1 =	vnsel vm1, $0x0, v0  }
0x2f: {  	v1 =	vmin.u32 v1, $0x270FF;
	_ =	sdelay $0x1  }
0x30: {  	s16 =	sshll.u32 s12, $0xC;
	s18 =	simm.s32 $0x20  }
0x31: {  	s16 =	sand.u32 $0x1000, s16;
	s17 =	sadd.s32 $0x10, s15;
	s15 =	sor.u32 $0x2000, s14  }
0x32: {  	s14 =	sor.u32 $0x2000, s16;
	s16 =	sadd.s32 $0x10, s15;
	v0 =	vld.msk [tilespmem:s17+$0x0 ss:$0x1], $0xffff;
	vm1 =	vgt.s32 v2, $0x0;
	(ifvalue) =	ssetifvalue $0x7FFFFFFF  }
.LBB2_3:
0x33: {  	[tilespmem:s15], [sflag:$0x1] =	stream.indirect_vreg.gather [hbm4b:s3+s10], $0x1, v1, vm0, $0x4038;
	[tilespmem:$0x4000] =	vst v63  }
0x34: {  	s18 =	sadd.s32 $0x10, s18  }
0x35: {  	v2 =	vnsel vm1, $0x0, v2;
	p1 =	slt.u32 s18, $0xFF0  }
.Ltmp3:
0x36: {  	s15 =	smov.u32 s16;
	v1 =	vmin.u32 v2, $0x270FF;
	(pc) =	sbr.rel @p1 .LBB2_3-.Ltmp3, $3  }
0x37: {  	_ =	sdelay $0x1  }
0x38: {  	s17 =	sadd.s32 $0x10, s17  }
0x39: {  	vm1 =	vgt.s32 v0, $0x0;
	s16 =	sadd.s32 $0x10, s16;
	v2 =	vmov v0;
	(ifvalue) =	ssetifvalue $0x7FFFFFFF;
	v0 =	vld.msk [tilespmem:s17+$0x0 ss:$0x1], $0xffff  }
.Ltmp4:
0x3a: {  	_ = 	snop;
	(pc) =	sbr.rel .LBB2_4-.Ltmp4, $1  }
0x3b: {  	_ =	sdelay $0x3  }
.LBB2_6:
0x3c: {  	_ =	sfence.sel $0x180000  }
0x3d: {  	s2 =	simm.s32 $0x2;
	[bflag:$0x0] =	sbarrier.arrive $0xFFFF  }
0x3e: {  	s30 =	simm.s32 $0x3;
	[sflag:s2] =	ssyncpa.u1 $0x1  }
0x3f: {  	s31 =	simm.s32 $0x1;
	[sflag:s30] =	ssyncpa.u1 $0x1  }
0x40: {  	[sflag:s31] =	ssyncpa.u1 $0x1  }
0x41: {  	p0 =	sne.s32 s1, $0x0;
	_ =	strace $0x90000047  }
0x42: {  	s0 =	sadd.s32 @!p0 $0x100000, s0;
	[bflag:$0x2] =	sbarrier.arrive $0xFFFF  }
0x43: {  	[sflag:s0] =	ssyncadd.tile.s32 @!p0 $0x1;
	_ =	shalt  }
.Lfunc_end2:
_tile_overlayer_lowered:
.L_overlay_start_2:
0x44: {  	(tag) =	ssettag $0x2  }
0x45: {  	s0 =	rddreg [dreg:$0x0];
	s2 =	stileid.u32  }
0x46: {  	s1 =	rddreg [dreg:$0x1];
	p0 =	sne.s32 s2, $0x0  }
0x47: {  	s3 =	rddreg [dreg:$0x2];
	[bflag:$0x3] =	sbarrier.arrive $0xFFFF;
	s2 =	simm.s32 @!p0 $0x1C01  }
0x48: {  	[timem:s3], [sflag:s2] =	dma.local @!p0 [hbm:s0], s1  }
0x49: {  	s0 =	simm.s32 @!p0 $0x1  }
0x4a: {  	_ =	swait.ge @!p0 [sflag:s0], s1  }
0x4b: {  	s1 =	ssub.s32 @!p0 $0x0, s1;
	[sflag:s0] =	ssyncset.done @!p0 $0x0  }
0x4c: {  	[sflag:s0] =	ssyncadd.s32 @!p0 s1  }
0x4d: {  	[bflag:$0x3] =	sbarrier.arrive $0xFFFF  }
0x4e: {  	_ =	shalt  }

// kernel: kernel.16.cloned.1.call-start
scs
__scs_entry_jumppad:
0x0: {  	(pc) =	sbr.rel $0x88, $3  }
0x1: {  	(tag) =	ssettag $0x0;
	lr =	simm.s32 $0x1  }
0x2: {  	[smem:$0x3F90] =	sst lr;
	_ =	strace $0xD0000000  }
0x3: {  	_ = 	snop  }
0x4: {  	_ = 	snop  }
0x5: {  	_ = 	snop  }
0x6: {  	_ = 	snop  }
0x7: {  	_ = 	snop  }
__scs_overlays_trampoline_lowered:
0x8: {  	[smem:$0x3F9F] =	sst s0  }
0x9: {  	[smem:$0x3FA0] =	sst s1  }
0xa: {  	[smem:$0x3FA1] =	sst s2  }
0xb: {  	[smem:$0x3FA2] =	sst s3  }
0xc: {  	[smem:$0x3FA3] =	sst s4  }
0xd: {  	[smem:$0x3FA4] =	sst s5  }
0xe: {  	[smem:$0x3FA5] =	sst s6  }
0xf: {  	[smem:$0x3FA6] =	sst s7  }
0x10: {  	[smem:$0x3FA7] =	sst s8  }
0x11: {  	[smem:$0x3FA8] =	sst s9;
	s0 =	simm.s32 @!p0 $0x0  }
0x12: {  	s1 =	sld [smem:$0x3F8E];
	s0 =	simm.s32 @p0 $0x1  }
0x13: {  	[smem:$0x3FA9] =	sst s0;
	s0 =	simm.s32 @!p1 $0x0  }
0x14: {  	s2 =	sld [smem:$0x3F8D];
	s0 =	simm.s32 @p1 $0x1  }
0x15: {  	[smem:$0x3FAA] =	sst s0;
	s0 =	simm.s32 @!p2 $0x0  }
0x16: {  	s3 =	sld [smem:$0x3FDB];
	s0 =	simm.s32 @p2 $0x1  }
0x17: {  	s4 =	simm.s32 $0x1BF5;
	[smem:$0x3FAC] =	sst s0  }
0x18: {  	s0 =	sld [smem:$0x3F8F];
	_ =	swait.ge [sflag:s4], $0x0  }
0x19: {  	s7 =	sld [smem:$0x3F90]  }
0x1a: {  	s8 =	sadd.s32 $0xFFFFE003, lr  }
0x1b: {  	s9 =	sadd.s32 $0xFFFFFEF7, lr;
	s5 =	simm.s32 $0xFFFFFFFF;
	p2 =	slt.u32 s8, $0xFFFFF086  }
0x1c: {  	p1 =	slt.u32 s9, $0xF7A;
	s5 =	simm.s32 @!p2 $0x0  }
0x1d: {  	s5 =	simm.s32 @p1 $0x1;
	p0 =	seq.s32 s7, s2  }
0x1e: {  	s7 =	smul.u32 @!p0 $0xF7A, s2;
	p2 =	seq.s32 @!p0 s5, $0x0  }
0x1f: {  	s9 =	smul.u32 $0xF7A, s1;
	s8 =	simm.s32 @!p0 $0x1BF5;
	p2 =	por !p2, p0  }
0x20: {  	[sflag:s8] =	ssyncset.s32 @!p0 $0xFFFFF086;
	s6 =	sadd.s32 @!p0 s3, s7;
	s7 =	simm.s32 @!p0 $0x108  }
0x21: {  	s3 =	sadd.s32 s3, s9;
	s6 =	sadd.s32 @!p0 $0x88, s6;
	s7 =	simm.s32 @p2 $0x1082  }
0x22: {  	[simem:s7], [sflag:s8] =	dma.local @!p0 [hbm:s6], $0xF7A  }
0x23: {  	s9 =	sor.u32 $0xD0000000, s2;
	s6 =	simm.s32 $0x108;
	_ =	swait.ge @!p0 [sflag:s8], $0x0  }
0x24: {  	s3 =	sadd.s32 $0x88, s3;
	s6 =	simm.s32 @!p1 $0x1082;
	[sflag:s4] =	ssyncset.s32 $0xFFFFF086  }
0x25: {  	[simem:s6], [sflag:s4] =	dma.local [hbm:s3], $0xF7A  }
0x26: {  	[smem:$0x3F90] =	sst s1;
	(tag) =	ssettag s2;
	_ =	strace s9  }
0x27: {  	s1 =	sld [smem:$0x3FA0]  }
0x28: {  	s2 =	sld [smem:$0x3FA1]  }
0x29: {  	s4 =	sld [smem:$0x3FA3]  }
0x2a: {  	p0 =	seq.s32 s5, $0x0;
	s5 =	sld [smem:$0x3FA4]  }
0x2b: {  	s6 =	sld [smem:$0x3FA5]  }
0x2c: {  	s7 =	sld [smem:$0x3FA6]  }
0x2d: {  	s3 =	simm.s32 $0x108;
	s8 =	sld [smem:$0x3FA7]  }
0x2e: {  	s3 =	simm.s32 @!p0 $0x1082;
	s9 =	sld [smem:$0x3FA8]  }
0x2f: {  	lr =	sadd.s32 s0, s3;
	s0 =	sld [smem:$0x3F9F]  }
0x30: {  	s3 =	sld [smem:$0x3FA2]  }
0x31: {  	[smem:$0x3FAB] =	sst s10  }
0x32: {  	s10 =	sld [smem:$0x3FA9];
	_ =	sdelay $0x3  }
0x33: {  	p0 =	seq.s32 s10, $0x1;
	s10 =	sld [smem:$0x3FAB];
	_ =	sdelay $0x3  }
0x34: {  	[smem:$0x3FAB] =	sst s10  }
0x35: {  	s10 =	sld [smem:$0x3FAA];
	_ =	sdelay $0x3  }
0x36: {  	p1 =	seq.s32 s10, $0x1;
	s10 =	sld [smem:$0x3FAB];
	_ =	sdelay $0x3  }
0x37: {  	[smem:$0x3FAB] =	sst s10  }
0x38: {  	s10 =	sld [smem:$0x3FAC]  }
0x39: {  	_ = 	snop;
	(pc) =	sbr.ind lr, $3  }
0x3a: {  	_ = 	snop  }
0x3b: {  	_ = 	snop  }
0x3c: {  	p2 =	seq.s32 s10, $0x1;
	s10 =	sld [smem:$0x3FAB]  }
0x3d: {  	_ =	shalt  }
0x3e: {  	_ =	shalt  }
0x3f: {  	_ =	shalt  }
0x40: {  	_ =	shalt  }
0x41: {  	_ =	shalt  }
0x42: {  	_ =	shalt  }
0x43: {  	_ =	shalt  }
0x44: {  	_ =	shalt  }
0x45: {  	_ =	shalt  }
0x46: {  	_ =	shalt  }
0x47: {  	_ =	shalt  }
0x48: {  	_ =	shalt  }
0x49: {  	_ =	shalt  }
0x4a: {  	_ =	shalt  }
0x4b: {  	_ =	shalt  }
0x4c: {  	_ =	shalt  }
0x4d: {  	_ =	shalt  }
0x4e: {  	_ =	shalt  }
0x4f: {  	_ =	shalt  }
0x50: {  	_ =	shalt  }
0x51: {  	_ =	shalt  }
0x52: {  	_ =	shalt  }
0x53: {  	_ =	shalt  }
0x54: {  	_ =	shalt  }
0x55: {  	_ =	shalt  }
0x56: {  	_ =	shalt  }
0x57: {  	_ =	shalt  }
0x58: {  	_ =	shalt  }
0x59: {  	_ =	shalt  }
0x5a: {  	_ =	shalt  }
0x5b: {  	_ =	shalt  }
0x5c: {  	_ =	shalt  }
0x5d: {  	_ =	shalt  }
0x5e: {  	_ =	shalt  }
0x5f: {  	_ =	shalt  }
0x60: {  	_ =	shalt  }
0x61: {  	_ =	shalt  }
0x62: {  	_ =	shalt  }
0x63: {  	_ =	shalt  }
0x64: {  	_ =	shalt  }
0x65: {  	_ =	shalt  }
0x66: {  	_ =	shalt  }
0x67: {  	_ =	shalt  }
0x68: {  	_ =	shalt  }
0x69: {  	_ =	shalt  }
0x6a: {  	_ =	shalt  }
0x6b: {  	_ =	shalt  }
0x6c: {  	_ =	shalt  }
0x6d: {  	_ =	shalt  }
0x6e: {  	_ =	shalt  }
0x6f: {  	_ =	shalt  }
0x70: {  	_ =	shalt  }
0x71: {  	_ =	shalt  }
0x72: {  	_ =	shalt  }
0x73: {  	_ =	shalt  }
0x74: {  	_ =	shalt  }
0x75: {  	_ =	shalt  }
0x76: {  	_ =	shalt  }
0x77: {  	_ =	shalt  }
0x78: {  	_ =	shalt  }
0x79: {  	_ =	shalt  }
0x7a: {  	_ =	shalt  }
0x7b: {  	_ =	shalt  }
0x7c: {  	_ =	shalt  }
0x7d: {  	_ =	shalt  }
0x7e: {  	_ =	shalt  }
0x7f: {  	_ =	shalt  }
0x80: {  	_ =	shalt  }
0x81: {  	_ =	shalt  }
0x82: {  	_ =	shalt  }
0x83: {  	_ =	shalt  }
0x84: {  	_ =	shalt  }
0x85: {  	_ =	shalt  }
0x86: {  	_ =	shalt  }
0x87: {  	_ =	shalt  }
.Lfunc_end0:
.L_simem_size_0:
called_computation.1_lowered:
.L_overlay_start_0:
0x88: {  	s2 =	sld [smem:$0x3FD9]  }
0x89: {  	s3 =	sld [smem:$0x3FFE];
	_ =	sdelay $0x1  }
0x8a: {  	s1 =	srdreg.scid  }
0x8b: {  	s0 =	sand.u32 $0x1, s1  }
0x8c: {  	s16 =	sshll.u32 s0, $0xA;
	s2 =	sadd.s32 s3, s2  }
0x8d: {  	s2 =	sadd.s32 s2, s16  }
0x8e: {  	[smem:$0x3FB7] =	sst s2  }
0x8f: {  	_ = 	snop  }
0x90: {  	(tm) =	ssettm $0x1  }
0x91: {  	s17 =	sld [smem:$0x3FFB];
	_ =	sdelay $0x3  }
0x92: {  	_ =	strace s17  }
0x93: {  	s2 =	sld [smem:$0x3FFC];
	_ =	sdelay $0x3  }
0x94: {  	_ =	strace s2  }
0x95: {  	s2 =	sld [smem:$0x3FFD];
	_ =	sdelay $0x3  }
0x96: {  	_ =	strace s2  }
0x97: {  	_ =	strace $0x8FFFFFFF  }
0x98: {  	s18 =	sld [smem:$0x3FDB];
	_ =	sdelay $0x1  }
0x99: {  	s19 =	simm.s32 $_scs_section_size  }
0x9a: {  	s4 =	simm.s32 $_size__tile_overlayer_lowered;
	s5 =	simm.s32 $_tile_overlayer_lowered  }
0x9b: {  	s22 =	simm.s32 $0x1BFF;
	s21 =	sshll.u32 s5, $0x1;
	s2 =	sadd.s32 s19, s18  }
0x9c: {  	s6 =	simm.s32 $0x0;
	s20 =	sshll.u32 s4, $0x1;
	s4 =	sadd.s32 s21, s2  }
0x9d: {  	[timem:s6], [sflag:s22] =	dma.local [hbm:s4], s20  }
0x9e: {  	_ =	swait.ge [sflag:s22], s20  }
0x9f: {  	s3 =	ssub.s32 $0x0, s20;
	[sflag:s22] =	ssyncset.done $0x0  }
0xa0: {  	[sflag:s22] =	ssyncadd.s32 s3;
	_ =	sdelay $0x1  }
0xa1: {  	s23 =	simm.s32 $0x1B8B  }
0xa2: {  	_ =	swait.ge [sflag:s23], $0x1  }
0xa3: {  	[sflag:s23] =	ssyncset.done $0x0  }
0xa4: {  	s25 =	simm.s32 $0x1B8E;
	s24 =	sld [smem:$0x3FFE];
	[sflag:s23] =	ssyncadd.s32 $0xFFFFFFFF  }
0xa5: {  	s26 =	simm.s32 $execute0_lowered;
	[smem:$0x3FD2] =	sst s25  }
0xa6: {  	s4 =	sshll.u32 s26, $0x1;
	_ =	strace $0x80000049;
	[dreg:$0x1] =	wrdreg $0xFFFFFFFF  }
0xa7: {  	s28 =	simm.s32 $_size_execute0_lowered;
	s2 =	sadd.s32 s2, s4;
	[dreg:$0x0] =	wrdreg $0x0  }
0xa8: {  	s4 =	sshll.u32 s28, $0x1;
	[dreg:$0x2] =	wrdreg s2  }
0xa9: {  	[dreg:$0x3] =	wrdreg s4  }
0xaa: {  	[dreg:$0x4] =	wrdreg $0xC0  }
0xab: {  	_ =	task [dreg:s6], $0x5FFFF  }
0xac: {  	[dreg:$0x1] =	wrdreg $0xFFFFFFFF  }
0xad: {  	[dreg:$0x0] =	wrdreg $0x60  }
0xae: {  	[dreg:$0x2] =	wrdreg s24  }
0xaf: {  	[dreg:$0x3] =	wrdreg $0x9  }
0xb0: {  	_ =	task.clear_ibuf [dreg:s6], $0x4FFFF;
	_ =	strace $0x90000049  }
0xb1: {  	s29 =	simm.s32 $0x9;
	_ =	strace $0x8000004B  }
0xb2: {  	_ =	swait.ge [sflag:s29], $0x1  }
0xb3: {  	[sflag:s29] =	ssyncadd.s32 $0xFFFFFFFF  }
0xb4: {  	_ =	strace $0x9000004B  }
0xb5: {  	_ =	sfence  }
0xb6: {  	s30 =	sld [smem:$0x0];
	_ =	sdelay $0x2  }
0xb7: {  	s31 =	sshll.u32 s1, $0xD;
	s1 =	sshrl.u32 s1, $0x2  }
0xb8: {  	s3 =	sand.u32 $0x4000, s31;
	s1 =	sadd.s32 s1, s30  }
0xb9: {  	s0 =	sor.u32 s3, s0;
	s1 =	sshll.u32 s1, $0x11  }
0xba: {  	s0 =	sor.u32 s1, s0  }
0xbb: {  	s0 =	sadd.s32 $0x8F2B, s0  }
0xbc: {  	[sflag:s0] =	ssyncadd.remote.s32 $0x1  }
0xbd: {  	_ =	sfence.sel $0xFFFF  }
0xbe: {  	[dreg:$0x0] =	wrdreg $0xFFFFFFFF;
	(pc) =	sbr.abs _section_cstart, $3  }
0xbf: {  	[dreg:$0x1] =	wrdreg $0xFFFFFFFF  }
0xc0: {  	_ =	task.clear_ibuf [dreg:s6], $0x2FFFF;
	_ =	strace $0x9FFFFFFF  }
0xc1: {  	(tm) =	ssettm $0x7FFFFFFF  }
tec
execute0_lowered:
.L_overlay_start_1:
0x0: {  	(tag) =	ssettag $0x1  }
0x1: {  	s1 =	srdreg.scid;
	s0 =	stileid.u32  }
0x2: {  	s4 =	rddreg [dreg:$0x0];
	s2 =	simm.s32 $0x0;
	s14 =	simm.s32 $0x1400  }
0x3: {  	s15 =	simm.s32 $0x5400;
	s16 =	simm.s32 $0x100;
	s17 =	simm.s32 $0x9400  }
0x4: {  	s18 =	simm.s32 $0x180;
	s19 =	simm.s32 $0xD400;
	s20 =	simm.s32 $0x200  }
0x5: {  	s21 =	simm.s32 $0x11400;
	s22 =	simm.s32 $0x1;
	s23 =	simm.s32 $0x2  }
0x6: {  	s24 =	simm.s32 $0x3;
	s25 =	simm.s32 $0x4;
	s26 =	simm.s32 $0x5  }
0x7: {  	s6 =	sand.u32 $0x1, s1;
	s3 =	sshll.u32 s0, $0x1;
	s30 =	smul.u32 $0x27100, s0  }
0x8: {  	s28 =	simm.s32 $0x0;
	s3 =	sor.u32 s6, s3;
	s12 =	smul.u32 $0x13880, s6  }
0x9: {  	[smem:$0x7FF] =	sst s2;
	s9 =	sadd.s32 $0x3C000, s4;
	s5 =	smul.u32 $0x280, s3  }
0xa: {  	_ =	strace $0x8000004A;
	s8 =	ssub.s32 $0x2, s6;
	s7 =	smul.u32 $0x9C400, s3  }
0xb: {  	s3 =	sadd.s32 $0x5600, s4;
	s29 =	sshrl.u32 s8, $0x1;
	s13 =	sadd.s32 s30, s9  }
0xc: {  	s10 =	ssub.s32 s8, s29;
	s31 =	sadd.s32 s12, s13;
	s12 =	simm.s32 $0x6  }
0xd: {  	s13 =	simm.s32 $0x80;
	s5 =	sadd.s32 s5, s4;
	s7 =	sshrl.u32 s7, $0x3  }
0xe: {  	s10 =	smax.u32 s10, $0x1;
	s11 =	sadd.s32 s9, s7;
	s4 =	sadd.s32 $0x37000, s5  }
0xf: {  	s5 =	sadd.s32 $0x11800, s11;
	s6 =	sadd.s32 $0x12000, s11;
	s7 =	sadd.s32 $0x12800, s11  }
0x10: {  	s8 =	sadd.s32 $0x13000, s11;
	s9 =	sadd.s32 $0x13080, s11;
	s11 =	sadd.s32 $0x2000, s31  }
.LBB2_1:
0x11: {  	[tilespmem:s2], [sflag:$0x6] =	stream.linear.gather [hbm4b:s4+s2], $0x1400, $0x38;
	[tilespmem:$0x15400] =	vst v63  }
0x12: {  	_ =	swait.ge [sflag:s12], $0x1400  }
0x13: {  	[sflag:s12] =	ssyncset.done $0x0  }
0x14: {  	[sflag:s12] =	ssyncadd.s32 $0xFFFFEC00  }
0x15: {  	[tilespmem:s14], [sflag:$0x1] =	stream.indirect.gather [hbm4b:s3+s13], $0x80, s2, s13, $0xb8;
	[tilespmem:$0x15400] =	vst v63  }
0x16: {  	_ = 	snop  }
0x17: {  	[tilespmem:s15], [sflag:$0x2] =	stream.indirect.gather [hbm4b:s3+s13], $0x80, s13, s13, $0xb8;
	[tilespmem:$0x15400] =	vst v63  }
0x18: {  	_ = 	snop  }
0x19: {  	[tilespmem:s17], [sflag:$0x3] =	stream.indirect.gather [hbm4b:s3+s13], $0x80, s16, s13, $0xb8;
	[tilespmem:$0x15400] =	vst v63  }
0x1a: {  	_ = 	snop  }
0x1b: {  	[tilespmem:s19], [sflag:$0x4] =	stream.indirect.gather [hbm4b:s3+s13], $0x80, s18, s13, $0xb8;
	[tilespmem:$0x15400] =	vst v63  }
0x1c: {  	_ = 	snop  }
0x1d: {  	[tilespmem:s21], [sflag:$0x5] =	stream.indirect.gather [hbm4b:s3+s13], $0x80, s20, s13, $0xb8;
	[tilespmem:$0x15400] =	vst v63  }
0x1e: {  	_ =	swait.ge [sflag:s22], $0x4000  }
0x1f: {  	[sflag:s22] =	ssyncset.done $0x0  }
0x20: {  	s29 =	sadd.s32 $0xFFFFE000, s11;
	[sflag:s22] =	ssyncadd.s32 $0xFFFFC000  }
0x21: {  	[hbm4b:s29+s2] =	stream.linear.scatter [tilespmem:s14], [sflag:$0x6], $0x4000, $0x38;
	[tilespmem:$0x15400] =	vst v63  }
0x22: {  	_ =	swait.ge [sflag:s12], $0x4000  }
0x23: {  	[sflag:s12] =	ssyncset.done $0x0  }
0x24: {  	s29 =	simm.s32 $0x280;
	[sflag:s12] =	ssyncadd.s32 $0xFFFFC000  }
0x25: {  	[tilespmem:s14], [sflag:$0x1] =	stream.indirect.gather [hbm4b:s3+s13], $0x80, s29, s13, $0xb8;
	[tilespmem:$0x15400] =	vst v63  }
0x26: {  	_ =	swait.ge [sflag:s23], $0x4000  }
0x27: {  	[sflag:s23] =	ssyncset.done $0x0  }
0x28: {  	s29 =	sadd.s32 $0xFFFFE800, s11;
	[sflag:s23] =	ssyncadd.s32 $0xFFFFC000  }
0x29: {  	[hbm4b:s29+s2] =	stream.linear.scatter [tilespmem:s15], [sflag:$0x6], $0x4000, $0x38;
	[tilespmem:$0x15400] =	vst v63  }
0x2a: {  	_ =	swait.ge [sflag:s12], $0x4000  }
0x2b: {  	[sflag:s12] =	ssyncset.done $0x0  }
0x2c: {  	s29 =	simm.s32 $0x300;
	[sflag:s12] =	ssyncadd.s32 $0xFFFFC000  }
0x2d: {  	[tilespmem:s15], [sflag:$0x2] =	stream.indirect.gather [hbm4b:s3+s13], $0x80, s29, s13, $0xb8;
	[tilespmem:$0x15400] =	vst v63  }
0x2e: {  	_ =	swait.ge [sflag:s24], $0x4000  }
0x2f: {  	[sflag:s24] =	ssyncset.done $0x0  }
0x30: {  	s29 =	sadd.s32 $0xFFFFF000, s11;
	[sflag:s24] =	ssyncadd.s32 $0xFFFFC000  }
0x31: {  	[hbm4b:s29+s2] =	stream.linear.scatter [tilespmem:s17], [sflag:$0x6], $0x4000, $0x38;
	[tilespmem:$0x15400] =	vst v63  }
0x32: {  	_ =	swait.ge [sflag:s12], $0x4000  }
0x33: {  	[sflag:s12] =	ssyncset.done $0x0  }
0x34: {  	s29 =	simm.s32 $0x380;
	[sflag:s12] =	ssyncadd.s32 $0xFFFFC000  }
0x35: {  	[tilespmem:s17], [sflag:$0x3] =	stream.indirect.gather [hbm4b:s3+s13], $0x80, s29, s13, $0xb8;
	[tilespmem:$0x15400] =	vst v63  }
0x36: {  	_ =	swait.ge [sflag:s25], $0x4000  }
0x37: {  	[sflag:s25] =	ssyncset.done $0x0  }
0x38: {  	s29 =	sadd.s32 $0xFFFFF800, s11;
	[sflag:s25] =	ssyncadd.s32 $0xFFFFC000  }
0x39: {  	[hbm4b:s29+s2] =	stream.linear.scatter [tilespmem:s19], [sflag:$0x6], $0x4000, $0x38;
	[tilespmem:$0x15400] =	vst v63  }
0x3a: {  	_ =	swait.ge [sflag:s12], $0x4000  }
0x3b: {  	[sflag:s12] =	ssyncset.done $0x0  }
0x3c: {  	s29 =	simm.s32 $0x400;
	[sflag:s12] =	ssyncadd.s32 $0xFFFFC000  }
0x3d: {  	[tilespmem:s19], [sflag:$0x4] =	stream.indirect.gather [hbm4b:s3+s13], $0x80, s29, s13, $0xb8;
	[tilespmem:$0x15400] =	vst v63  }
0x3e: {  	_ =	swait.ge [sflag:s26], $0x4000  }
0x3f: {  	[sflag:s26] =	ssyncset.done $0x0  }
0x40: {  	[sflag:s26] =	ssyncadd.s32 $0xFFFFC000  }
0x41: {  	[hbm4b:s11+s2] =	stream.linear.scatter [tilespmem:s21], [sflag:$0x6], $0x4000, $0x38;
	[tilespmem:$0x15400] =	vst v63  }
0x42: {  	_ =	swait.ge [sflag:s12], $0x4000  }
0x43: {  	s31 =	simm.s32 $0x480;
	[sflag:s12] =	ssyncset.done $0x0  }
0x44: {  	s30 =	sadd.s32 $0x2800, s11;
	s29 =	simm.s32 $0xA00;
	[sflag:s12] =	ssyncadd.s32 $0xFFFFC000  }
.LBB2_2:
0x45: {  	[tilespmem:s21], [sflag:$0x5] =	stream.indirect.gather [hbm4b:s3+s13], $0x80, s31, s13, $0xb8;
	[tilespmem:$0x15400] =	vst v63  }
0x46: {  	s31 =	smov.u32 s29  }
0x47: {  	p0 =	sne.s32 s29, $0x3C00;
	s29 =	sadd.s32 $0xA00, s29;
	_ =	swait.ge [sflag:s22], $0x4000  }
0x48: {  	[sflag:s22] =	ssyncset.done $0x0  }
0x49: {  	s1 =	sadd.s32 $0xFFFFE000, s30;
	[sflag:s22] =	ssyncadd.s32 $0xFFFFC000  }
0x4a: {  	[hbm4b:s1+s2] =	stream.linear.scatter [tilespmem:s14], [sflag:$0x6], $0x4000, $0x38;
	[tilespmem:$0x15400] =	vst v63  }
0x4b: {  	_ =	swait.ge [sflag:s12], $0x4000  }
0x4c: {  	s31 =	sshra.s32 s31, $0x2;
	[sflag:s12] =	ssyncset.done $0x0  }
0x4d: {  	s1 =	sadd.s32 $0x280, s31;
	[sflag:s12] =	ssyncadd.s32 $0xFFFFC000  }
0x4e: {  	[tilespmem:s14], [sflag:$0x1] =	stream.indirect.gather [hbm4b:s3+s13], $0x80, s1, s13, $0xb8;
	[tilespmem:$0x15400] =	vst v63  }
0x4f: {  	_ =	swait.ge [sflag:s23], $0x4000  }
0x50: {  	[sflag:s23] =	ssyncset.done $0x0  }
0x51: {  	s1 =	sadd.s32 $0xFFFFE800, s30;
	[sflag:s23] =	ssyncadd.s32 $0xFFFFC000  }
0x52: {  	[hbm4b:s1+s2] =	stream.linear.scatter [tilespmem:s15], [sflag:$0x6], $0x4000, $0x38;
	[tilespmem:$0x15400] =	vst v63  }
0x53: {  	_ =	swait.ge [sflag:s12], $0x4000  }
0x54: {  	[sflag:s12] =	ssyncset.done $0x0  }
0x55: {  	s1 =	sadd.s32 $0x300, s31;
	[sflag:s12] =	ssyncadd.s32 $0xFFFFC000  }
0x56: {  	[tilespmem:s15], [sflag:$0x2] =	stream.indirect.gather [hbm4b:s3+s13], $0x80, s1, s13, $0xb8;
	[tilespmem:$0x15400] =	vst v63  }
0x57: {  	_ =	swait.ge [sflag:s24], $0x4000  }
0x58: {  	[sflag:s24] =	ssyncset.done $0x0  }
0x59: {  	s1 =	sadd.s32 $0xFFFFF000, s30;
	[sflag:s24] =	ssyncadd.s32 $0xFFFFC000  }
0x5a: {  	[hbm4b:s1+s2] =	stream.linear.scatter [tilespmem:s17], [sflag:$0x6], $0x4000, $0x38;
	[tilespmem:$0x15400] =	vst v63  }
0x5b: {  	_ =	swait.ge [sflag:s12], $0x4000  }
0x5c: {  	[sflag:s12] =	ssyncset.done $0x0  }
0x5d: {  	s1 =	sadd.s32 $0x380, s31;
	[sflag:s12] =	ssyncadd.s32 $0xFFFFC000  }
0x5e: {  	[tilespmem:s17], [sflag:$0x3] =	stream.indirect.gather [hbm4b:s3+s13], $0x80, s1, s13, $0xb8;
	[tilespmem:$0x15400] =	vst v63  }
0x5f: {  	_ =	swait.ge [sflag:s25], $0x4000  }
0x60: {  	[sflag:s25] =	ssyncset.done $0x0  }
0x61: {  	s1 =	sadd.s32 $0xFFFFF800, s30;
	[sflag:s25] =	ssyncadd.s32 $0xFFFFC000  }
0x62: {  	[hbm4b:s1+s2] =	stream.linear.scatter [tilespmem:s19], [sflag:$0x6], $0x4000, $0x38;
	[tilespmem:$0x15400] =	vst v63  }
0x63: {  	_ =	swait.ge [sflag:s12], $0x4000  }
0x64: {  	[sflag:s12] =	ssyncset.done $0x0  }
0x65: {  	s1 =	sadd.s32 $0x400, s31;
	[sflag:s12] =	ssyncadd.s32 $0xFFFFC000  }
0x66: {  	[tilespmem:s19], [sflag:$0x4] =	stream.indirect.gather [hbm4b:s3+s13], $0x80, s1, s13, $0xb8;
	[tilespmem:$0x15400] =	vst v63  }
0x67: {  	_ =	swait.ge [sflag:s26], $0x4000  }
0x68: {  	[sflag:s26] =	ssyncset.done $0x0  }
.Ltmp0:
0x69: {  	[sflag:s26] =	ssyncadd.s32 $0xFFFFC000;
	(pc) =	sbr.rel @p0 .LBB2_2-.Ltmp0, $4  }
0x6a: {  	[hbm4b:s30+s2] =	stream.linear.scatter [tilespmem:s21], [sflag:$0x6], $0x4000, $0x38;
	[tilespmem:$0x15400] =	vst v63  }
0x6b: {  	_ =	swait.ge [sflag:s12], $0x4000  }
0x6c: {  	[sflag:s12] =	ssyncset.done $0x0  }
0x6d: {  	s31 =	sadd.s32 $0x480, s31;
	s30 =	sadd.s32 $0x2800, s30;
	[sflag:s12] =	ssyncadd.s32 $0xFFFFC000  }
0x6e: {  	[tilespmem:s21], [sflag:$0x5] =	stream.indirect.gather [hbm4b:s3+s13], $0x80, s31, s13, $0xb8;
	[tilespmem:$0x15400] =	vst v63  }
0x6f: {  	_ =	swait.ge [sflag:s22], $0x4000  }
0x70: {  	[sflag:s22] =	ssyncset.done $0x0  }
0x71: {  	[sflag:s22] =	ssyncadd.s32 $0xFFFFC000  }
0x72: {  	[hbm4b:s5+s2] =	stream.linear.scatter [tilespmem:s14], [sflag:$0x6], $0x4000, $0x38;
	[tilespmem:$0x15400] =	vst v63  }
0x73: {  	_ =	swait.ge [sflag:s12], $0x4000  }
0x74: {  	[sflag:s12] =	ssyncset.done $0x0  }
0x75: {  	[sflag:s12] =	ssyncadd.s32 $0xFFFFC000  }
0x76: {  	_ =	swait.ge [sflag:s23], $0x4000  }
0x77: {  	[sflag:s23] =	ssyncset.done $0x0  }
0x78: {  	[sflag:s23] =	ssyncadd.s32 $0xFFFFC000  }
0x79: {  	[hbm4b:s6+s2] =	stream.linear.scatter [tilespmem:s15], [sflag:$0x6], $0x4000, $0x38;
	[tilespmem:$0x15400] =	vst v63  }
0x7a: {  	_ =	swait.ge [sflag:s12], $0x4000  }
0x7b: {  	[sflag:s12] =	ssyncset.done $0x0  }
0x7c: {  	[sflag:s12] =	ssyncadd.s32 $0xFFFFC000  }
0x7d: {  	_ =	swait.ge [sflag:s24], $0x4000  }
0x7e: {  	[sflag:s24] =	ssyncset.done $0x0  }
0x7f: {  	[sflag:s24] =	ssyncadd.s32 $0xFFFFC000  }
0x80: {  	[hbm4b:s7+s2] =	stream.linear.scatter [tilespmem:s17], [sflag:$0x6], $0x4000, $0x38;
	[tilespmem:$0x15400] =	vst v63  }
0x81: {  	_ =	swait.ge [sflag:s12], $0x4000  }
0x82: {  	[sflag:s12] =	ssyncset.done $0x0  }
0x83: {  	[sflag:s12] =	ssyncadd.s32 $0xFFFFC000  }
0x84: {  	_ =	swait.ge [sflag:s25], $0x4000  }
0x85: {  	[sflag:s25] =	ssyncset.done $0x0  }
0x86: {  	[sflag:s25] =	ssyncadd.s32 $0xFFFFC000  }
0x87: {  	[hbm4b:s8+s2] =	stream.linear.scatter [tilespmem:s19], [sflag:$0x6], $0x4000, $0x38;
	[tilespmem:$0x15400] =	vst v63  }
0x88: {  	_ =	swait.ge [sflag:s12], $0x4000  }
0x89: {  	[sflag:s12] =	ssyncset.done $0x0  }
0x8a: {  	[sflag:s12] =	ssyncadd.s32 $0xFFFFC000  }
0x8b: {  	s28 =	sadd.s32 $0x1, s28;
	_ =	swait.ge [sflag:s26], $0x4000  }
0x8c: {  	p0 =	sne.s32 s28, s10;
	[sflag:s26] =	ssyncset.done $0x0  }
.Ltmp1:
0x8d: {  	[sflag:s26] =	ssyncadd.s32 $0xFFFFC000;
	(pc) =	sbr.rel @p0 .LBB2_1-.Ltmp1, $4  }
0x8e: {  	[hbm4b:s9+s2] =	stream.linear.scatter [tilespmem:s21], [sflag:$0x6], $0x4000, $0x38;
	[tilespmem:$0x15400] =	vst v63  }
0x8f: {  	_ =	swait.ge [sflag:s12], $0x4000  }
0x90: {  	[sflag:s12] =	ssyncset.done $0x0  }
0x91: {  	[sflag:s12] =	ssyncadd.s32 $0xFFFFC000  }
0x92: {  	_ =	sfence.sel $0x180000  }
0x93: {  	[bflag:$0x0] =	sbarrier.arrive $0xFFFF  }
0x94: {  	_ =	strace $0x9000004A  }
0x95: {  	[bflag:$0x2] =	sbarrier.arrive $0xFFFF  }
0x96: {  	p0 =	sne.s32 s0, $0x0;
	s0 =	rddreg [dreg:$0x1]  }
0x97: {  	s0 =	sadd.s32 @!p0 $0x100000, s0  }
0x98: {  	[sflag:s0] =	ssyncadd.tile.s32 @!p0 $0x1;
	_ =	shalt  }
.Lfunc_end2:
_tile_overlayer_lowered:
.L_overlay_start_2:
0x99: {  	(tag) =	ssettag $0x2  }
0x9a: {  	s0 =	rddreg [dreg:$0x0];
	s2 =	stileid.u32  }
0x9b: {  	s1 =	rddreg [dreg:$0x1];
	p0 =	sne.s32 s2, $0x0  }
0x9c: {  	s3 =	rddreg [dreg:$0x2];
	[bflag:$0x3] =	sbarrier.arrive $0xFFFF;
	s2 =	simm.s32 @!p0 $0x1C06  }
0x9d: {  	[timem:s3], [sflag:s2] =	dma.local @!p0 [hbm:s0], s1  }
0x9e: {  	s0 =	simm.s32 @!p0 $0x6  }
0x9f: {  	_ =	swait.ge @!p0 [sflag:s0], s1  }
0xa0: {  	s1 =	ssub.s32 @!p0 $0x0, s1;
	[sflag:s0] =	ssyncset.done @!p0 $0x0  }
0xa1: {  	[sflag:s0] =	ssyncadd.s32 @!p0 s1  }
0xa2: {  	[bflag:$0x3] =	sbarrier.arrive $0xFFFF  }
0xa3: {  	_ =	shalt  }

// kernel: kernel.19.cloned.1.call-start
scs
__scs_entry_jumppad:
0x0: {  	(pc) =	sbr.rel $0x88, $3  }
0x1: {  	(tag) =	ssettag $0x0;
	lr =	simm.s32 $0x1  }
0x2: {  	[smem:$0x3F90] =	sst lr;
	_ =	strace $0xD0000000  }
0x3: {  	_ = 	snop  }
0x4: {  	_ = 	snop  }
0x5: {  	_ = 	snop  }
0x6: {  	_ = 	snop  }
0x7: {  	_ = 	snop  }
__scs_overlays_trampoline_lowered:
0x8: {  	[smem:$0x3F9F] =	sst s0  }
0x9: {  	[smem:$0x3FA0] =	sst s1  }
0xa: {  	[smem:$0x3FA1] =	sst s2  }
0xb: {  	[smem:$0x3FA2] =	sst s3  }
0xc: {  	[smem:$0x3FA3] =	sst s4  }
0xd: {  	[smem:$0x3FA4] =	sst s5  }
0xe: {  	[smem:$0x3FA5] =	sst s6  }
0xf: {  	[smem:$0x3FA6] =	sst s7  }
0x10: {  	[smem:$0x3FA7] =	sst s8  }
0x11: {  	[smem:$0x3FA8] =	sst s9;
	s0 =	simm.s32 @!p0 $0x0  }
0x12: {  	s1 =	sld [smem:$0x3F8E];
	s0 =	simm.s32 @p0 $0x1  }
0x13: {  	[smem:$0x3FA9] =	sst s0;
	s0 =	simm.s32 @!p1 $0x0  }
0x14: {  	s2 =	sld [smem:$0x3F8D];
	s0 =	simm.s32 @p1 $0x1  }
0x15: {  	[smem:$0x3FAA] =	sst s0;
	s0 =	simm.s32 @!p2 $0x0  }
0x16: {  	s3 =	sld [smem:$0x3FDB];
	s0 =	simm.s32 @p2 $0x1  }
0x17: {  	s4 =	simm.s32 $0x1BF5;
	[smem:$0x3FAC] =	sst s0  }
0x18: {  	s0 =	sld [smem:$0x3F8F];
	_ =	swait.ge [sflag:s4], $0x0  }
0x19: {  	s7 =	sld [smem:$0x3F90]  }
0x1a: {  	s8 =	sadd.s32 $0xFFFFE003, lr  }
0x1b: {  	s9 =	sadd.s32 $0xFFFFFEF7, lr;
	s5 =	simm.s32 $0xFFFFFFFF;
	p2 =	slt.u32 s8, $0xFFFFF086  }
0x1c: {  	p1 =	slt.u32 s9, $0xF7A;
	s5 =	simm.s32 @!p2 $0x0  }
0x1d: {  	s5 =	simm.s32 @p1 $0x1;
	p0 =	seq.s32 s7, s2  }
0x1e: {  	s7 =	smul.u32 @!p0 $0xF7A, s2;
	p2 =	seq.s32 @!p0 s5, $0x0  }
0x1f: {  	s9 =	smul.u32 $0xF7A, s1;
	s8 =	simm.s32 @!p0 $0x1BF5;
	p2 =	por !p2, p0  }
0x20: {  	[sflag:s8] =	ssyncset.s32 @!p0 $0xFFFFF086;
	s6 =	sadd.s32 @!p0 s3, s7;
	s7 =	simm.s32 @!p0 $0x108  }
0x21: {  	s3 =	sadd.s32 s3, s9;
	s6 =	sadd.s32 @!p0 $0x88, s6;
	s7 =	simm.s32 @p2 $0x1082  }
0x22: {  	[simem:s7], [sflag:s8] =	dma.local @!p0 [hbm:s6], $0xF7A  }
0x23: {  	s9 =	sor.u32 $0xD0000000, s2;
	s6 =	simm.s32 $0x108;
	_ =	swait.ge @!p0 [sflag:s8], $0x0  }
0x24: {  	s3 =	sadd.s32 $0x88, s3;
	s6 =	simm.s32 @!p1 $0x1082;
	[sflag:s4] =	ssyncset.s32 $0xFFFFF086  }
0x25: {  	[simem:s6], [sflag:s4] =	dma.local [hbm:s3], $0xF7A  }
0x26: {  	[smem:$0x3F90] =	sst s1;
	(tag) =	ssettag s2;
	_ =	strace s9  }
0x27: {  	s1 =	sld [smem:$0x3FA0]  }
0x28: {  	s2 =	sld [smem:$0x3FA1]  }
0x29: {  	s4 =	sld [smem:$0x3FA3]  }
0x2a: {  	p0 =	seq.s32 s5, $0x0;
	s5 =	sld [smem:$0x3FA4]  }
0x2b: {  	s6 =	sld [smem:$0x3FA5]  }
0x2c: {  	s7 =	sld [smem:$0x3FA6]  }
0x2d: {  	s3 =	simm.s32 $0x108;
	s8 =	sld [smem:$0x3FA7]  }
0x2e: {  	s3 =	simm.s32 @!p0 $0x1082;
	s9 =	sld [smem:$0x3FA8]  }
0x2f: {  	lr =	sadd.s32 s0, s3;
	s0 =	sld [smem:$0x3F9F]  }
0x30: {  	s3 =	sld [smem:$0x3FA2]  }
0x31: {  	[smem:$0x3FAB] =	sst s10  }
0x32: {  	s10 =	sld [smem:$0x3FA9];
	_ =	sdelay $0x3  }
0x33: {  	p0 =	seq.s32 s10, $0x1;
	s10 =	sld [smem:$0x3FAB];
	_ =	sdelay $0x3  }
0x34: {  	[smem:$0x3FAB] =	sst s10  }
0x35: {  	s10 =	sld [smem:$0x3FAA];
	_ =	sdelay $0x3  }
0x36: {  	p1 =	seq.s32 s10, $0x1;
	s10 =	sld [smem:$0x3FAB];
	_ =	sdelay $0x3  }
0x37: {  	[smem:$0x3FAB] =	sst s10  }
0x38: {  	s10 =	sld [smem:$0x3FAC]  }
0x39: {  	_ = 	snop;
	(pc) =	sbr.ind lr, $3  }
0x3a: {  	_ = 	snop  }
0x3b: {  	_ = 	snop  }
0x3c: {  	p2 =	seq.s32 s10, $0x1;
	s10 =	sld [smem:$0x3FAB]  }
0x3d: {  	_ =	shalt  }
0x3e: {  	_ =	shalt  }
0x3f: {  	_ =	shalt  }
0x40: {  	_ =	shalt  }
0x41: {  	_ =	shalt  }
0x42: {  	_ =	shalt  }
0x43: {  	_ =	shalt  }
0x44: {  	_ =	shalt  }
0x45: {  	_ =	shalt  }
0x46: {  	_ =	shalt  }
0x47: {  	_ =	shalt  }
0x48: {  	_ =	shalt  }
0x49: {  	_ =	shalt  }
0x4a: {  	_ =	shalt  }
0x4b: {  	_ =	shalt  }
0x4c: {  	_ =	shalt  }
0x4d: {  	_ =	shalt  }
0x4e: {  	_ =	shalt  }
0x4f: {  	_ =	shalt  }
0x50: {  	_ =	shalt  }
0x51: {  	_ =	shalt  }
0x52: {  	_ =	shalt  }
0x53: {  	_ =	shalt  }
0x54: {  	_ =	shalt  }
0x55: {  	_ =	shalt  }
0x56: {  	_ =	shalt  }
0x57: {  	_ =	shalt  }
0x58: {  	_ =	shalt  }
0x59: {  	_ =	shalt  }
0x5a: {  	_ =	shalt  }
0x5b: {  	_ =	shalt  }
0x5c: {  	_ =	shalt  }
0x5d: {  	_ =	shalt  }
0x5e: {  	_ =	shalt  }
0x5f: {  	_ =	shalt  }
0x60: {  	_ =	shalt  }
0x61: {  	_ =	shalt  }
0x62: {  	_ =	shalt  }
0x63: {  	_ =	shalt  }
0x64: {  	_ =	shalt  }
0x65: {  	_ =	shalt  }
0x66: {  	_ =	shalt  }
0x67: {  	_ =	shalt  }
0x68: {  	_ =	shalt  }
0x69: {  	_ =	shalt  }
0x6a: {  	_ =	shalt  }
0x6b: {  	_ =	shalt  }
0x6c: {  	_ =	shalt  }
0x6d: {  	_ =	shalt  }
0x6e: {  	_ =	shalt  }
0x6f: {  	_ =	shalt  }
0x70: {  	_ =	shalt  }
0x71: {  	_ =	shalt  }
0x72: {  	_ =	shalt  }
0x73: {  	_ =	shalt  }
0x74: {  	_ =	shalt  }
0x75: {  	_ =	shalt  }
0x76: {  	_ =	shalt  }
0x77: {  	_ =	shalt  }
0x78: {  	_ =	shalt  }
0x79: {  	_ =	shalt  }
0x7a: {  	_ =	shalt  }
0x7b: {  	_ =	shalt  }
0x7c: {  	_ =	shalt  }
0x7d: {  	_ =	shalt  }
0x7e: {  	_ =	shalt  }
0x7f: {  	_ =	shalt  }
0x80: {  	_ =	shalt  }
0x81: {  	_ =	shalt  }
0x82: {  	_ =	shalt  }
0x83: {  	_ =	shalt  }
0x84: {  	_ =	shalt  }
0x85: {  	_ =	shalt  }
0x86: {  	_ =	shalt  }
0x87: {  	_ =	shalt  }
.Lfunc_end0:
.L_simem_size_0:
called_computation.2_lowered:
.L_overlay_start_0:
0x88: {  	s2 =	sld [smem:$0x3FD9]  }
0x89: {  	s3 =	sld [smem:$0x3FFE];
	_ =	sdelay $0x1  }
0x8a: {  	s1 =	srdreg.scid  }
0x8b: {  	s0 =	sand.u32 $0x1, s1  }
0x8c: {  	s16 =	sshll.u32 s0, $0xA;
	s2 =	sadd.s32 s3, s2  }
0x8d: {  	s2 =	sadd.s32 s2, s16  }
0x8e: {  	[smem:$0x3FB7] =	sst s2  }
0x8f: {  	_ = 	snop  }
0x90: {  	(tm) =	ssettm $0x1  }
0x91: {  	s17 =	sld [smem:$0x3FFB];
	_ =	sdelay $0x3  }
0x92: {  	_ =	strace s17  }
0x93: {  	s2 =	sld [smem:$0x3FFC];
	_ =	sdelay $0x3  }
0x94: {  	_ =	strace s2  }
0x95: {  	s2 =	sld [smem:$0x3FFD];
	_ =	sdelay $0x3  }
0x96: {  	_ =	strace s2  }
0x97: {  	_ =	strace $0x8FFFFFFF  }
0x98: {  	s18 =	sld [smem:$0x3FDB];
	_ =	sdelay $0x1  }
0x99: {  	s19 =	simm.s32 $_scs_section_size  }
0x9a: {  	s4 =	simm.s32 $_size__tile_overlayer_lowered;
	s5 =	simm.s32 $_tile_overlayer_lowered  }
0x9b: {  	s22 =	simm.s32 $0x1BFF;
	s21 =	sshll.u32 s5, $0x1;
	s2 =	sadd.s32 s19, s18  }
0x9c: {  	s6 =	simm.s32 $0x0;
	s20 =	sshll.u32 s4, $0x1;
	s4 =	sadd.s32 s21, s2  }
0x9d: {  	[timem:s6], [sflag:s22] =	dma.local [hbm:s4], s20  }
0x9e: {  	_ =	swait.ge [sflag:s22], s20  }
0x9f: {  	s3 =	ssub.s32 $0x0, s20;
	[sflag:s22] =	ssyncset.done $0x0  }
0xa0: {  	[sflag:s22] =	ssyncadd.s32 s3;
	_ =	sdelay $0x1  }
0xa1: {  	s23 =	simm.s32 $0x1B8B  }
0xa2: {  	_ =	swait.ge [sflag:s23], $0x1  }
0xa3: {  	[sflag:s23] =	ssyncset.done $0x0  }
0xa4: {  	s25 =	simm.s32 $0x1B8E;
	s24 =	sld [smem:$0x3FFE];
	[sflag:s23] =	ssyncadd.s32 $0xFFFFFFFF  }
0xa5: {  	s26 =	simm.s32 $execute0_lowered;
	[smem:$0x3FD2] =	sst s25  }
0xa6: {  	s4 =	sshll.u32 s26, $0x1;
	_ =	strace $0x8000004C;
	[dreg:$0x1] =	wrdreg $0xFFFFFFFF  }
0xa7: {  	s28 =	simm.s32 $_size_execute0_lowered;
	s2 =	sadd.s32 s2, s4;
	[dreg:$0x0] =	wrdreg $0x0  }
0xa8: {  	s4 =	sshll.u32 s28, $0x1;
	[dreg:$0x2] =	wrdreg s2  }
0xa9: {  	[dreg:$0x3] =	wrdreg s4  }
0xaa: {  	[dreg:$0x4] =	wrdreg $0xC0  }
0xab: {  	_ =	task [dreg:s6], $0x5FFFF  }
0xac: {  	[dreg:$0x1] =	wrdreg $0xFFFFFFFF  }
0xad: {  	[dreg:$0x0] =	wrdreg $0x60  }
0xae: {  	[dreg:$0x2] =	wrdreg s24  }
0xaf: {  	[dreg:$0x3] =	wrdreg $0x9  }
0xb0: {  	_ =	task.clear_ibuf [dreg:s6], $0x4FFFF;
	_ =	strace $0x9000004C  }
0xb1: {  	s29 =	simm.s32 $0x9;
	_ =	strace $0x8000004E  }
0xb2: {  	_ =	swait.ge [sflag:s29], $0x1  }
0xb3: {  	[sflag:s29] =	ssyncadd.s32 $0xFFFFFFFF  }
0xb4: {  	_ =	strace $0x9000004E  }
0xb5: {  	_ =	sfence  }
0xb6: {  	s30 =	sld [smem:$0x0];
	_ =	sdelay $0x2  }
0xb7: {  	s31 =	sshll.u32 s1, $0xD;
	s1 =	sshrl.u32 s1, $0x2  }
0xb8: {  	s3 =	sand.u32 $0x4000, s31;
	s1 =	sadd.s32 s1, s30  }
0xb9: {  	s0 =	sor.u32 s3, s0;
	s1 =	sshll.u32 s1, $0x11  }
0xba: {  	s0 =	sor.u32 s1, s0  }
0xbb: {  	s0 =	sadd.s32 $0x8F2B, s0  }
0xbc: {  	[sflag:s0] =	ssyncadd.remote.s32 $0x1  }
0xbd: {  	_ =	sfence.sel $0xFFFF  }
0xbe: {  	[dreg:$0x0] =	wrdreg $0xFFFFFFFF;
	(pc) =	sbr.abs _section_cstart, $3  }
0xbf: {  	[dreg:$0x1] =	wrdreg $0xFFFFFFFF  }
0xc0: {  	_ =	task.clear_ibuf [dreg:s6], $0x2FFFF;
	_ =	strace $0x9FFFFFFF  }
0xc1: {  	(tm) =	ssettm $0x7FFFFFFF  }
tec
execute0_lowered:
.L_overlay_start_1:
0x0: {  	(tag) =	ssettag $0x1  }
0x1: {  	s1 =	srdreg.scid;
	s0 =	stileid.u32  }
0x2: {  	s4 =	rddreg [dreg:$0x0];
	s2 =	simm.s32 $0x0;
	s14 =	simm.s32 $0x1400  }
0x3: {  	s15 =	simm.s32 $0x5400;
	s16 =	simm.s32 $0x100;
	s17 =	simm.s32 $0x9400  }
0x4: {  	s18 =	simm.s32 $0x180;
	s19 =	simm.s32 $0xD400;
	s20 =	simm.s32 $0x200  }
0x5: {  	s21 =	simm.s32 $0x11400;
	s22 =	simm.s32 $0x1;
	s23 =	simm.s32 $0x2  }
0x6: {  	s24 =	simm.s32 $0x3;
	s25 =	simm.s32 $0x4;
	s26 =	simm.s32 $0x5  }
0x7: {  	s6 =	sand.u32 $0x1, s1;
	s3 =	sshll.u32 s0, $0x1;
	s30 =	smul.u32 $0x27100, s0  }
0x8: {  	s28 =	simm.s32 $0x0;
	s3 =	sor.u32 s6, s3;
	s12 =	smul.u32 $0x13880, s6  }
0x9: {  	[smem:$0x7FF] =	sst s2;
	s9 =	sadd.s32 $0x3C000, s4;
	s5 =	smul.u32 $0x280, s3  }
0xa: {  	_ =	strace $0x8000004D;
	s8 =	ssub.s32 $0x2, s6;
	s7 =	smul.u32 $0x9C400, s3  }
0xb: {  	s3 =	sadd.s32 $0x5600, s4;
	s29 =	sshrl.u32 s8, $0x1;
	s13 =	sadd.s32 s30, s9  }
0xc: {  	s10 =	ssub.s32 s8, s29;
	s31 =	sadd.s32 s12, s13;
	s12 =	simm.s32 $0x6  }
0xd: {  	s13 =	simm.s32 $0x80;
	s5 =	sadd.s32 s5, s4;
	s7 =	sshrl.u32 s7, $0x3  }
0xe: {  	s10 =	smax.u32 s10, $0x1;
	s11 =	sadd.s32 s9, s7;
	s4 =	sadd.s32 $0x37000, s5  }
0xf: {  	s5 =	sadd.s32 $0x11800, s11;
	s6 =	sadd.s32 $0x12000, s11;
	s7 =	sadd.s32 $0x12800, s11  }
0x10: {  	s8 =	sadd.s32 $0x13000, s11;
	s9 =	sadd.s32 $0x13080, s11;
	s11 =	sadd.s32 $0x2000, s31  }
.LBB2_1:
0x11: {  	[tilespmem:s2], [sflag:$0x6] =	stream.linear.gather [hbm4b:s4+s2], $0x1400, $0x38;
	[tilespmem:$0x15400] =	vst v63  }
0x12: {  	_ =	swait.ge [sflag:s12], $0x1400  }
0x13: {  	[sflag:s12] =	ssyncset.done $0x0  }
0x14: {  	[sflag:s12] =	ssyncadd.s32 $0xFFFFEC00  }
0x15: {  	[tilespmem:s14], [sflag:$0x1] =	stream.indirect.gather [hbm4b:s3+s13], $0x80, s2, s13, $0xb8;
	[tilespmem:$0x15400] =	vst v63  }
0x16: {  	_ = 	snop  }
0x17: {  	[tilespmem:s15], [sflag:$0x2] =	stream.indirect.gather [hbm4b:s3+s13], $0x80, s13, s13, $0xb8;
	[tilespmem:$0x15400] =	vst v63  }
0x18: {  	_ = 	snop  }
0x19: {  	[tilespmem:s17], [sflag:$0x3] =	stream.indirect.gather [hbm4b:s3+s13], $0x80, s16, s13, $0xb8;
	[tilespmem:$0x15400] =	vst v63  }
0x1a: {  	_ = 	snop  }
0x1b: {  	[tilespmem:s19], [sflag:$0x4] =	stream.indirect.gather [hbm4b:s3+s13], $0x80, s18, s13, $0xb8;
	[tilespmem:$0x15400] =	vst v63  }
0x1c: {  	_ = 	snop  }
0x1d: {  	[tilespmem:s21], [sflag:$0x5] =	stream.indirect.gather [hbm4b:s3+s13], $0x80, s20, s13, $0xb8;
	[tilespmem:$0x15400] =	vst v63  }
0x1e: {  	_ =	swait.ge [sflag:s22], $0x4000  }
0x1f: {  	[sflag:s22] =	ssyncset.done $0x0  }
0x20: {  	s29 =	sadd.s32 $0xFFFFE000, s11;
	[sflag:s22] =	ssyncadd.s32 $0xFFFFC000  }
0x21: {  	[hbm4b:s29+s2] =	stream.linear.scatter [tilespmem:s14], [sflag:$0x6], $0x4000, $0x38;
	[tilespmem:$0x15400] =	vst v63  }
0x22: {  	_ =	swait.ge [sflag:s12], $0x4000  }
0x23: {  	[sflag:s12] =	ssyncset.done $0x0  }
0x24: {  	s29 =	simm.s32 $0x280;
	[sflag:s12] =	ssyncadd.s32 $0xFFFFC000  }
0x25: {  	[tilespmem:s14], [sflag:$0x1] =	stream.indirect.gather [hbm4b:s3+s13], $0x80, s29, s13, $0xb8;
	[tilespmem:$0x15400] =	vst v63  }
0x26: {  	_ =	swait.ge [sflag:s23], $0x4000  }
0x27: {  	[sflag:s23] =	ssyncset.done $0x0  }
0x28: {  	s29 =	sadd.s32 $0xFFFFE800, s11;
	[sflag:s23] =	ssyncadd.s32 $0xFFFFC000  }
0x29: {  	[hbm4b:s29+s2] =	stream.linear.scatter [tilespmem:s15], [sflag:$0x6], $0x4000, $0x38;
	[tilespmem:$0x15400] =	vst v63  }
0x2a: {  	_ =	swait.ge [sflag:s12], $0x4000  }
0x2b: {  	[sflag:s12] =	ssyncset.done $0x0  }
0x2c: {  	s29 =	simm.s32 $0x300;
	[sflag:s12] =	ssyncadd.s32 $0xFFFFC000  }
0x2d: {  	[tilespmem:s15], [sflag:$0x2] =	stream.indirect.gather [hbm4b:s3+s13], $0x80, s29, s13, $0xb8;
	[tilespmem:$0x15400] =	vst v63  }
0x2e: {  	_ =	swait.ge [sflag:s24], $0x4000  }
0x2f: {  	[sflag:s24] =	ssyncset.done $0x0  }
0x30: {  	s29 =	sadd.s32 $0xFFFFF000, s11;
	[sflag:s24] =	ssyncadd.s32 $0xFFFFC000  }
0x31: {  	[hbm4b:s29+s2] =	stream.linear.scatter [tilespmem:s17], [sflag:$0x6], $0x4000, $0x38;
	[tilespmem:$0x15400] =	vst v63  }
0x32: {  	_ =	swait.ge [sflag:s12], $0x4000  }
0x33: {  	[sflag:s12] =	ssyncset.done $0x0  }
0x34: {  	s29 =	simm.s32 $0x380;
	[sflag:s12] =	ssyncadd.s32 $0xFFFFC000  }
0x35: {  	[tilespmem:s17], [sflag:$0x3] =	stream.indirect.gather [hbm4b:s3+s13], $0x80, s29, s13, $0xb8;
	[tilespmem:$0x15400] =	vst v63  }
0x36: {  	_ =	swait.ge [sflag:s25], $0x4000  }
0x37: {  	[sflag:s25] =	ssyncset.done $0x0  }
0x38: {  	s29 =	sadd.s32 $0xFFFFF800, s11;
	[sflag:s25] =	ssyncadd.s32 $0xFFFFC000  }
0x39: {  	[hbm4b:s29+s2] =	stream.linear.scatter [tilespmem:s19], [sflag:$0x6], $0x4000, $0x38;
	[tilespmem:$0x15400] =	vst v63  }
0x3a: {  	_ =	swait.ge [sflag:s12], $0x4000  }
0x3b: {  	[sflag:s12] =	ssyncset.done $0x0  }
0x3c: {  	s29 =	simm.s32 $0x400;
	[sflag:s12] =	ssyncadd.s32 $0xFFFFC000  }
0x3d: {  	[tilespmem:s19], [sflag:$0x4] =	stream.indirect.gather [hbm4b:s3+s13], $0x80, s29, s13, $0xb8;
	[tilespmem:$0x15400] =	vst v63  }
0x3e: {  	_ =	swait.ge [sflag:s26], $0x4000  }
0x3f: {  	[sflag:s26] =	ssyncset.done $0x0  }
0x40: {  	[sflag:s26] =	ssyncadd.s32 $0xFFFFC000  }
0x41: {  	[hbm4b:s11+s2] =	stream.linear.scatter [tilespmem:s21], [sflag:$0x6], $0x4000, $0x38;
	[tilespmem:$0x15400] =	vst v63  }
0x42: {  	_ =	swait.ge [sflag:s12], $0x4000  }
0x43: {  	s31 =	simm.s32 $0x480;
	[sflag:s12] =	ssyncset.done $0x0  }
0x44: {  	s30 =	sadd.s32 $0x2800, s11;
	s29 =	simm.s32 $0xA00;
	[sflag:s12] =	ssyncadd.s32 $0xFFFFC000  }
.LBB2_2:
0x45: {  	[tilespmem:s21], [sflag:$0x5] =	stream.indirect.gather [hbm4b:s3+s13], $0x80, s31, s13, $0xb8;
	[tilespmem:$0x15400] =	vst v63  }
0x46: {  	s31 =	smov.u32 s29  }
0x47: {  	p0 =	sne.s32 s29, $0x3C00;
	s29 =	sadd.s32 $0xA00, s29;
	_ =	swait.ge [sflag:s22], $0x4000  }
0x48: {  	[sflag:s22] =	ssyncset.done $0x0  }
0x49: {  	s1 =	sadd.s32 $0xFFFFE000, s30;
	[sflag:s22] =	ssyncadd.s32 $0xFFFFC000  }
0x4a: {  	[hbm4b:s1+s2] =	stream.linear.scatter [tilespmem:s14], [sflag:$0x6], $0x4000, $0x38;
	[tilespmem:$0x15400] =	vst v63  }
0x4b: {  	_ =	swait.ge [sflag:s12], $0x4000  }
0x4c: {  	s31 =	sshra.s32 s31, $0x2;
	[sflag:s12] =	ssyncset.done $0x0  }
0x4d: {  	s1 =	sadd.s32 $0x280, s31;
	[sflag:s12] =	ssyncadd.s32 $0xFFFFC000  }
0x4e: {  	[tilespmem:s14], [sflag:$0x1] =	stream.indirect.gather [hbm4b:s3+s13], $0x80, s1, s13, $0xb8;
	[tilespmem:$0x15400] =	vst v63  }
0x4f: {  	_ =	swait.ge [sflag:s23], $0x4000  }
0x50: {  	[sflag:s23] =	ssyncset.done $0x0  }
0x51: {  	s1 =	sadd.s32 $0xFFFFE800, s30;
	[sflag:s23] =	ssyncadd.s32 $0xFFFFC000  }
0x52: {  	[hbm4b:s1+s2] =	stream.linear.scatter [tilespmem:s15], [sflag:$0x6], $0x4000, $0x38;
	[tilespmem:$0x15400] =	vst v63  }
0x53: {  	_ =	swait.ge [sflag:s12], $0x4000  }
0x54: {  	[sflag:s12] =	ssyncset.done $0x0  }
0x55: {  	s1 =	sadd.s32 $0x300, s31;
	[sflag:s12] =	ssyncadd.s32 $0xFFFFC000  }
0x56: {  	[tilespmem:s15], [sflag:$0x2] =	stream.indirect.gather [hbm4b:s3+s13], $0x80, s1, s13, $0xb8;
	[tilespmem:$0x15400] =	vst v63  }
0x57: {  	_ =	swait.ge [sflag:s24], $0x4000  }
0x58: {  	[sflag:s24] =	ssyncset.done $0x0  }
0x59: {  	s1 =	sadd.s32 $0xFFFFF000, s30;
	[sflag:s24] =	ssyncadd.s32 $0xFFFFC000  }
0x5a: {  	[hbm4b:s1+s2] =	stream.linear.scatter [tilespmem:s17], [sflag:$0x6], $0x4000, $0x38;
	[tilespmem:$0x15400] =	vst v63  }
0x5b: {  	_ =	swait.ge [sflag:s12], $0x4000  }
0x5c: {  	[sflag:s12] =	ssyncset.done $0x0  }
0x5d: {  	s1 =	sadd.s32 $0x380, s31;
	[sflag:s12] =	ssyncadd.s32 $0xFFFFC000  }
0x5e: {  	[tilespmem:s17], [sflag:$0x3] =	stream.indirect.gather [hbm4b:s3+s13], $0x80, s1, s13, $0xb8;
	[tilespmem:$0x15400] =	vst v63  }
0x5f: {  	_ =	swait.ge [sflag:s25], $0x4000  }
0x60: {  	[sflag:s25] =	ssyncset.done $0x0  }
0x61: {  	s1 =	sadd.s32 $0xFFFFF800, s30;
	[sflag:s25] =	ssyncadd.s32 $0xFFFFC000  }
0x62: {  	[hbm4b:s1+s2] =	stream.linear.scatter [tilespmem:s19], [sflag:$0x6], $0x4000, $0x38;
	[tilespmem:$0x15400] =	vst v63  }
0x63: {  	_ =	swait.ge [sflag:s12], $0x4000  }
0x64: {  	[sflag:s12] =	ssyncset.done $0x0  }
0x65: {  	s1 =	sadd.s32 $0x400, s31;
	[sflag:s12] =	ssyncadd.s32 $0xFFFFC000  }
0x66: {  	[tilespmem:s19], [sflag:$0x4] =	stream.indirect.gather [hbm4b:s3+s13], $0x80, s1, s13, $0xb8;
	[tilespmem:$0x15400] =	vst v63  }
0x67: {  	_ =	swait.ge [sflag:s26], $0x4000  }
0x68: {  	[sflag:s26] =	ssyncset.done $0x0  }
.Ltmp0:
0x69: {  	[sflag:s26] =	ssyncadd.s32 $0xFFFFC000;
	(pc) =	sbr.rel @p0 .LBB2_2-.Ltmp0, $4  }
0x6a: {  	[hbm4b:s30+s2] =	stream.linear.scatter [tilespmem:s21], [sflag:$0x6], $0x4000, $0x38;
	[tilespmem:$0x15400] =	vst v63  }
0x6b: {  	_ =	swait.ge [sflag:s12], $0x4000  }
0x6c: {  	[sflag:s12] =	ssyncset.done $0x0  }
0x6d: {  	s31 =	sadd.s32 $0x480, s31;
	s30 =	sadd.s32 $0x2800, s30;
	[sflag:s12] =	ssyncadd.s32 $0xFFFFC000  }
0x6e: {  	[tilespmem:s21], [sflag:$0x5] =	stream.indirect.gather [hbm4b:s3+s13], $0x80, s31, s13, $0xb8;
	[tilespmem:$0x15400] =	vst v63  }
0x6f: {  	_ =	swait.ge [sflag:s22], $0x4000  }
0x70: {  	[sflag:s22] =	ssyncset.done $0x0  }
0x71: {  	[sflag:s22] =	ssyncadd.s32 $0xFFFFC000  }
0x72: {  	[hbm4b:s5+s2] =	stream.linear.scatter [tilespmem:s14], [sflag:$0x6], $0x4000, $0x38;
	[tilespmem:$0x15400] =	vst v63  }
0x73: {  	_ =	swait.ge [sflag:s12], $0x4000  }
0x74: {  	[sflag:s12] =	ssyncset.done $0x0  }
0x75: {  	[sflag:s12] =	ssyncadd.s32 $0xFFFFC000  }
0x76: {  	_ =	swait.ge [sflag:s23], $0x4000  }
0x77: {  	[sflag:s23] =	ssyncset.done $0x0  }
0x78: {  	[sflag:s23] =	ssyncadd.s32 $0xFFFFC000  }
0x79: {  	[hbm4b:s6+s2] =	stream.linear.scatter [tilespmem:s15], [sflag:$0x6], $0x4000, $0x38;
	[tilespmem:$0x15400] =	vst v63  }
0x7a: {  	_ =	swait.ge [sflag:s12], $0x4000  }
0x7b: {  	[sflag:s12] =	ssyncset.done $0x0  }
0x7c: {  	[sflag:s12] =	ssyncadd.s32 $0xFFFFC000  }
0x7d: {  	_ =	swait.ge [sflag:s24], $0x4000  }
0x7e: {  	[sflag:s24] =	ssyncset.done $0x0  }
0x7f: {  	[sflag:s24] =	ssyncadd.s32 $0xFFFFC000  }
0x80: {  	[hbm4b:s7+s2] =	stream.linear.scatter [tilespmem:s17], [sflag:$0x6], $0x4000, $0x38;
	[tilespmem:$0x15400] =	vst v63  }
0x81: {  	_ =	swait.ge [sflag:s12], $0x4000  }
0x82: {  	[sflag:s12] =	ssyncset.done $0x0  }
0x83: {  	[sflag:s12] =	ssyncadd.s32 $0xFFFFC000  }
0x84: {  	_ =	swait.ge [sflag:s25], $0x4000  }
0x85: {  	[sflag:s25] =	ssyncset.done $0x0  }
0x86: {  	[sflag:s25] =	ssyncadd.s32 $0xFFFFC000  }
0x87: {  	[hbm4b:s8+s2] =	stream.linear.scatter [tilespmem:s19], [sflag:$0x6], $0x4000, $0x38;
	[tilespmem:$0x15400] =	vst v63  }
0x88: {  	_ =	swait.ge [sflag:s12], $0x4000  }
0x89: {  	[sflag:s12] =	ssyncset.done $0x0  }
0x8a: {  	[sflag:s12] =	ssyncadd.s32 $0xFFFFC000  }
0x8b: {  	s28 =	sadd.s32 $0x1, s28;
	_ =	swait.ge [sflag:s26], $0x4000  }
0x8c: {  	p0 =	sne.s32 s28, s10;
	[sflag:s26] =	ssyncset.done $0x0  }
.Ltmp1:
0x8d: {  	[sflag:s26] =	ssyncadd.s32 $0xFFFFC000;
	(pc) =	sbr.rel @p0 .LBB2_1-.Ltmp1, $4  }
0x8e: {  	[hbm4b:s9+s2] =	stream.linear.scatter [tilespmem:s21], [sflag:$0x6], $0x4000, $0x38;
	[tilespmem:$0x15400] =	vst v63  }
0x8f: {  	_ =	swait.ge [sflag:s12], $0x4000  }
0x90: {  	[sflag:s12] =	ssyncset.done $0x0  }
0x91: {  	[sflag:s12] =	ssyncadd.s32 $0xFFFFC000  }
0x92: {  	_ =	sfence.sel $0x180000  }
0x93: {  	[bflag:$0x0] =	sbarrier.arrive $0xFFFF  }
0x94: {  	_ =	strace $0x9000004D  }
0x95: {  	[bflag:$0x2] =	sbarrier.arrive $0xFFFF  }
0x96: {  	p0 =	sne.s32 s0, $0x0;
	s0 =	rddreg [dreg:$0x1]  }
0x97: {  	s0 =	sadd.s32 @!p0 $0x100000, s0  }
0x98: {  	[sflag:s0] =	ssyncadd.tile.s32 @!p0 $0x1;
	_ =	shalt  }
.Lfunc_end2:
_tile_overlayer_lowered:
.L_overlay_start_2:
0x99: {  	(tag) =	ssettag $0x2  }
0x9a: {  	s0 =	rddreg [dreg:$0x0];
	s2 =	stileid.u32  }
0x9b: {  	s1 =	rddreg [dreg:$0x1];
	p0 =	sne.s32 s2, $0x0  }
0x9c: {  	s3 =	rddreg [dreg:$0x2];
	[bflag:$0x3] =	sbarrier.arrive $0xFFFF;
	s2 =	simm.s32 @!p0 $0x1C06  }
0x9d: {  	[timem:s3], [sflag:s2] =	dma.local @!p0 [hbm:s0], s1  }
0x9e: {  	s0 =	simm.s32 @!p0 $0x6  }
0x9f: {  	_ =	swait.ge @!p0 [sflag:s0], s1  }
0xa0: {  	s1 =	ssub.s32 @!p0 $0x0, s1;
	[sflag:s0] =	ssyncset.done @!p0 $0x0  }
0xa1: {  	[sflag:s0] =	ssyncadd.s32 @!p0 s1  }
0xa2: {  	[bflag:$0x3] =	sbarrier.arrive $0xFFFF  }
0xa3: {  	_ =	shalt  }

// kernel: kernel.22.cloned.1.call-start
scs
__scs_entry_jumppad:
0x0: {  	(pc) =	sbr.rel $0x88, $3  }
0x1: {  	(tag) =	ssettag $0x0;
	lr =	simm.s32 $0x1  }
0x2: {  	[smem:$0x3F90] =	sst lr;
	_ =	strace $0xD0000000  }
0x3: {  	_ = 	snop  }
0x4: {  	_ = 	snop  }
0x5: {  	_ = 	snop  }
0x6: {  	_ = 	snop  }
0x7: {  	_ = 	snop  }
__scs_overlays_trampoline_lowered:
0x8: {  	[smem:$0x3F9F] =	sst s0  }
0x9: {  	[smem:$0x3FA0] =	sst s1  }
0xa: {  	[smem:$0x3FA1] =	sst s2  }
0xb: {  	[smem:$0x3FA2] =	sst s3  }
0xc: {  	[smem:$0x3FA3] =	sst s4  }
0xd: {  	[smem:$0x3FA4] =	sst s5  }
0xe: {  	[smem:$0x3FA5] =	sst s6  }
0xf: {  	[smem:$0x3FA6] =	sst s7  }
0x10: {  	[smem:$0x3FA7] =	sst s8  }
0x11: {  	[smem:$0x3FA8] =	sst s9;
	s0 =	simm.s32 @!p0 $0x0  }
0x12: {  	s1 =	sld [smem:$0x3F8E];
	s0 =	simm.s32 @p0 $0x1  }
0x13: {  	[smem:$0x3FA9] =	sst s0;
	s0 =	simm.s32 @!p1 $0x0  }
0x14: {  	s2 =	sld [smem:$0x3F8D];
	s0 =	simm.s32 @p1 $0x1  }
0x15: {  	[smem:$0x3FAA] =	sst s0;
	s0 =	simm.s32 @!p2 $0x0  }
0x16: {  	s3 =	sld [smem:$0x3FDB];
	s0 =	simm.s32 @p2 $0x1  }
0x17: {  	s4 =	simm.s32 $0x1BF5;
	[smem:$0x3FAC] =	sst s0  }
0x18: {  	s0 =	sld [smem:$0x3F8F];
	_ =	swait.ge [sflag:s4], $0x0  }
0x19: {  	s7 =	sld [smem:$0x3F90]  }
0x1a: {  	s8 =	sadd.s32 $0xFFFFE003, lr  }
0x1b: {  	s9 =	sadd.s32 $0xFFFFFEF7, lr;
	s5 =	simm.s32 $0xFFFFFFFF;
	p2 =	slt.u32 s8, $0xFFFFF086  }
0x1c: {  	p1 =	slt.u32 s9, $0xF7A;
	s5 =	simm.s32 @!p2 $0x0  }
0x1d: {  	s5 =	simm.s32 @p1 $0x1;
	p0 =	seq.s32 s7, s2  }
0x1e: {  	s7 =	smul.u32 @!p0 $0xF7A, s2;
	p2 =	seq.s32 @!p0 s5, $0x0  }
0x1f: {  	s9 =	smul.u32 $0xF7A, s1;
	s8 =	simm.s32 @!p0 $0x1BF5;
	p2 =	por !p2, p0  }
0x20: {  	[sflag:s8] =	ssyncset.s32 @!p0 $0xFFFFF086;
	s6 =	sadd.s32 @!p0 s3, s7;
	s7 =	simm.s32 @!p0 $0x108  }
0x21: {  	s3 =	sadd.s32 s3, s9;
	s6 =	sadd.s32 @!p0 $0x88, s6;
	s7 =	simm.s32 @p2 $0x1082  }
0x22: {  	[simem:s7], [sflag:s8] =	dma.local @!p0 [hbm:s6], $0xF7A  }
0x23: {  	s9 =	sor.u32 $0xD0000000, s2;
	s6 =	simm.s32 $0x108;
	_ =	swait.ge @!p0 [sflag:s8], $0x0  }
0x24: {  	s3 =	sadd.s32 $0x88, s3;
	s6 =	simm.s32 @!p1 $0x1082;
	[sflag:s4] =	ssyncset.s32 $0xFFFFF086  }
0x25: {  	[simem:s6], [sflag:s4] =	dma.local [hbm:s3], $0xF7A  }
0x26: {  	[smem:$0x3F90] =	sst s1;
	(tag) =	ssettag s2;
	_ =	strace s9  }
0x27: {  	s1 =	sld [smem:$0x3FA0]  }
0x28: {  	s2 =	sld [smem:$0x3FA1]  }
0x29: {  	s4 =	sld [smem:$0x3FA3]  }
0x2a: {  	p0 =	seq.s32 s5, $0x0;
	s5 =	sld [smem:$0x3FA4]  }
0x2b: {  	s6 =	sld [smem:$0x3FA5]  }
0x2c: {  	s7 =	sld [smem:$0x3FA6]  }
0x2d: {  	s3 =	simm.s32 $0x108;
	s8 =	sld [smem:$0x3FA7]  }
0x2e: {  	s3 =	simm.s32 @!p0 $0x1082;
	s9 =	sld [smem:$0x3FA8]  }
0x2f: {  	lr =	sadd.s32 s0, s3;
	s0 =	sld [smem:$0x3F9F]  }
0x30: {  	s3 =	sld [smem:$0x3FA2]  }
0x31: {  	[smem:$0x3FAB] =	sst s10  }
0x32: {  	s10 =	sld [smem:$0x3FA9];
	_ =	sdelay $0x3  }
0x33: {  	p0 =	seq.s32 s10, $0x1;
	s10 =	sld [smem:$0x3FAB];
	_ =	sdelay $0x3  }
0x34: {  	[smem:$0x3FAB] =	sst s10  }
0x35: {  	s10 =	sld [smem:$0x3FAA];
	_ =	sdelay $0x3  }
0x36: {  	p1 =	seq.s32 s10, $0x1;
	s10 =	sld [smem:$0x3FAB];
	_ =	sdelay $0x3  }
0x37: {  	[smem:$0x3FAB] =	sst s10  }
0x38: {  	s10 =	sld [smem:$0x3FAC]  }
0x39: {  	_ = 	snop;
	(pc) =	sbr.ind lr, $3  }
0x3a: {  	_ = 	snop  }
0x3b: {  	_ = 	snop  }
0x3c: {  	p2 =	seq.s32 s10, $0x1;
	s10 =	sld [smem:$0x3FAB]  }
0x3d: {  	_ =	shalt  }
0x3e: {  	_ =	shalt  }
0x3f: {  	_ =	shalt  }
0x40: {  	_ =	shalt  }
0x41: {  	_ =	shalt  }
0x42: {  	_ =	shalt  }
0x43: {  	_ =	shalt  }
0x44: {  	_ =	shalt  }
0x45: {  	_ =	shalt  }
0x46: {  	_ =	shalt  }
0x47: {  	_ =	shalt  }
0x48: {  	_ =	shalt  }
0x49: {  	_ =	shalt  }
0x4a: {  	_ =	shalt  }
0x4b: {  	_ =	shalt  }
0x4c: {  	_ =	shalt  }
0x4d: {  	_ =	shalt  }
0x4e: {  	_ =	shalt  }
0x4f: {  	_ =	shalt  }
0x50: {  	_ =	shalt  }
0x51: {  	_ =	shalt  }
0x52: {  	_ =	shalt  }
0x53: {  	_ =	shalt  }
0x54: {  	_ =	shalt  }
0x55: {  	_ =	shalt  }
0x56: {  	_ =	shalt  }
0x57: {  	_ =	shalt  }
0x58: {  	_ =	shalt  }
0x59: {  	_ =	shalt  }
0x5a: {  	_ =	shalt  }
0x5b: {  	_ =	shalt  }
0x5c: {  	_ =	shalt  }
0x5d: {  	_ =	shalt  }
0x5e: {  	_ =	shalt  }
0x5f: {  	_ =	shalt  }
0x60: {  	_ =	shalt  }
0x61: {  	_ =	shalt  }
0x62: {  	_ =	shalt  }
0x63: {  	_ =	shalt  }
0x64: {  	_ =	shalt  }
0x65: {  	_ =	shalt  }
0x66: {  	_ =	shalt  }
0x67: {  	_ =	shalt  }
0x68: {  	_ =	shalt  }
0x69: {  	_ =	shalt  }
0x6a: {  	_ =	shalt  }
0x6b: {  	_ =	shalt  }
0x6c: {  	_ =	shalt  }
0x6d: {  	_ =	shalt  }
0x6e: {  	_ =	shalt  }
0x6f: {  	_ =	shalt  }
0x70: {  	_ =	shalt  }
0x71: {  	_ =	shalt  }
0x72: {  	_ =	shalt  }
0x73: {  	_ =	shalt  }
0x74: {  	_ =	shalt  }
0x75: {  	_ =	shalt  }
0x76: {  	_ =	shalt  }
0x77: {  	_ =	shalt  }
0x78: {  	_ =	shalt  }
0x79: {  	_ =	shalt  }
0x7a: {  	_ =	shalt  }
0x7b: {  	_ =	shalt  }
0x7c: {  	_ =	shalt  }
0x7d: {  	_ =	shalt  }
0x7e: {  	_ =	shalt  }
0x7f: {  	_ =	shalt  }
0x80: {  	_ =	shalt  }
0x81: {  	_ =	shalt  }
0x82: {  	_ =	shalt  }
0x83: {  	_ =	shalt  }
0x84: {  	_ =	shalt  }
0x85: {  	_ =	shalt  }
0x86: {  	_ =	shalt  }
0x87: {  	_ =	shalt  }
.Lfunc_end0:
.L_simem_size_0:
called_computation.3_lowered:
.L_overlay_start_0:
0x88: {  	s2 =	sld [smem:$0x3FD9]  }
0x89: {  	s3 =	sld [smem:$0x3FFE];
	_ =	sdelay $0x1  }
0x8a: {  	s1 =	srdreg.scid  }
0x8b: {  	s0 =	sand.u32 $0x1, s1  }
0x8c: {  	s16 =	sshll.u32 s0, $0xA;
	s2 =	sadd.s32 s3, s2  }
0x8d: {  	s2 =	sadd.s32 s2, s16  }
0x8e: {  	[smem:$0x3FB7] =	sst s2  }
0x8f: {  	_ = 	snop  }
0x90: {  	(tm) =	ssettm $0x1  }
0x91: {  	s17 =	sld [smem:$0x3FFB];
	_ =	sdelay $0x3  }
0x92: {  	_ =	strace s17  }
0x93: {  	s2 =	sld [smem:$0x3FFC];
	_ =	sdelay $0x3  }
0x94: {  	_ =	strace s2  }
0x95: {  	s2 =	sld [smem:$0x3FFD];
	_ =	sdelay $0x3  }
0x96: {  	_ =	strace s2  }
0x97: {  	_ =	strace $0x8FFFFFFF  }
0x98: {  	s18 =	sld [smem:$0x3FDB];
	_ =	sdelay $0x1  }
0x99: {  	s19 =	simm.s32 $_scs_section_size  }
0x9a: {  	s4 =	simm.s32 $_size__tile_overlayer_lowered;
	s5 =	simm.s32 $_tile_overlayer_lowered  }
0x9b: {  	s22 =	simm.s32 $0x1BFF;
	s21 =	sshll.u32 s5, $0x1;
	s2 =	sadd.s32 s19, s18  }
0x9c: {  	s6 =	simm.s32 $0x0;
	s20 =	sshll.u32 s4, $0x1;
	s4 =	sadd.s32 s21, s2  }
0x9d: {  	[timem:s6], [sflag:s22] =	dma.local [hbm:s4], s20  }
0x9e: {  	_ =	swait.ge [sflag:s22], s20  }
0x9f: {  	s3 =	ssub.s32 $0x0, s20;
	[sflag:s22] =	ssyncset.done $0x0  }
0xa0: {  	[sflag:s22] =	ssyncadd.s32 s3;
	_ =	sdelay $0x1  }
0xa1: {  	s23 =	simm.s32 $0x1B8B  }
0xa2: {  	_ =	swait.ge [sflag:s23], $0x1  }
0xa3: {  	[sflag:s23] =	ssyncset.done $0x0  }
0xa4: {  	s25 =	simm.s32 $0x1B8E;
	s24 =	sld [smem:$0x3FFE];
	[sflag:s23] =	ssyncadd.s32 $0xFFFFFFFF  }
0xa5: {  	s26 =	simm.s32 $execute0_lowered;
	[smem:$0x3FD2] =	sst s25  }
0xa6: {  	s4 =	sshll.u32 s26, $0x1;
	_ =	strace $0x8000004F;
	[dreg:$0x1] =	wrdreg $0xFFFFFFFF  }
0xa7: {  	s28 =	simm.s32 $_size_execute0_lowered;
	s2 =	sadd.s32 s2, s4;
	[dreg:$0x0] =	wrdreg $0x0  }
0xa8: {  	s4 =	sshll.u32 s28, $0x1;
	[dreg:$0x2] =	wrdreg s2  }
0xa9: {  	[dreg:$0x3] =	wrdreg s4  }
0xaa: {  	[dreg:$0x4] =	wrdreg $0xC0  }
0xab: {  	_ =	task [dreg:s6], $0x5FFFF  }
0xac: {  	[dreg:$0x1] =	wrdreg $0xFFFFFFFF  }
0xad: {  	[dreg:$0x0] =	wrdreg $0x60  }
0xae: {  	[dreg:$0x2] =	wrdreg s24  }
0xaf: {  	[dreg:$0x3] =	wrdreg $0x9  }
0xb0: {  	_ =	task.clear_ibuf [dreg:s6], $0x4FFFF;
	_ =	strace $0x9000004F  }
0xb1: {  	s29 =	simm.s32 $0x9;
	_ =	strace $0x80000051  }
0xb2: {  	_ =	swait.ge [sflag:s29], $0x1  }
0xb3: {  	[sflag:s29] =	ssyncadd.s32 $0xFFFFFFFF  }
0xb4: {  	_ =	strace $0x90000051  }
0xb5: {  	_ =	sfence  }
0xb6: {  	s30 =	sld [smem:$0x0];
	_ =	sdelay $0x2  }
0xb7: {  	s31 =	sshll.u32 s1, $0xD;
	s1 =	sshrl.u32 s1, $0x2  }
0xb8: {  	s3 =	sand.u32 $0x4000, s31;
	s1 =	sadd.s32 s1, s30  }
0xb9: {  	s0 =	sor.u32 s3, s0;
	s1 =	sshll.u32 s1, $0x11  }
0xba: {  	s0 =	sor.u32 s1, s0  }
0xbb: {  	s0 =	sadd.s32 $0x8F2B, s0  }
0xbc: {  	[sflag:s0] =	ssyncadd.remote.s32 $0x1  }
0xbd: {  	_ =	sfence.sel $0xFFFF  }
0xbe: {  	[dreg:$0x0] =	wrdreg $0xFFFFFFFF;
	(pc) =	sbr.abs _section_cstart, $3  }
0xbf: {  	[dreg:$0x1] =	wrdreg $0xFFFFFFFF  }
0xc0: {  	_ =	task.clear_ibuf [dreg:s6], $0x2FFFF;
	_ =	strace $0x9FFFFFFF  }
0xc1: {  	(tm) =	ssettm $0x7FFFFFFF  }
tec
execute0_lowered:
.L_overlay_start_1:
0x0: {  	(tag) =	ssettag $0x1  }
0x1: {  	s1 =	srdreg.scid;
	s0 =	stileid.u32  }
0x2: {  	s4 =	rddreg [dreg:$0x0];
	s2 =	simm.s32 $0x0;
	s14 =	simm.s32 $0x1400  }
0x3: {  	s15 =	simm.s32 $0x5400;
	s16 =	simm.s32 $0x100;
	s17 =	simm.s32 $0x9400  }
0x4: {  	s18 =	simm.s32 $0x180;
	s19 =	simm.s32 $0xD400;
	s20 =	simm.s32 $0x200  }
0x5: {  	s21 =	simm.s32 $0x11400;
	s22 =	simm.s32 $0x1;
	s23 =	simm.s32 $0x2  }
0x6: {  	s24 =	simm.s32 $0x3;
	s25 =	simm.s32 $0x4;
	s26 =	simm.s32 $0x5  }
0x7: {  	s6 =	sand.u32 $0x1, s1;
	s3 =	sshll.u32 s0, $0x1;
	s30 =	smul.u32 $0x27100, s0  }
0x8: {  	s28 =	simm.s32 $0x0;
	s3 =	sor.u32 s6, s3;
	s12 =	smul.u32 $0x13880, s6  }
0x9: {  	[smem:$0x7FF] =	sst s2;
	s9 =	sadd.s32 $0x3C000, s4;
	s5 =	smul.u32 $0x280, s3  }
0xa: {  	_ =	strace $0x80000050;
	s8 =	ssub.s32 $0x2, s6;
	s7 =	smul.u32 $0x9C400, s3  }
0xb: {  	s3 =	sadd.s32 $0x5600, s4;
	s29 =	sshrl.u32 s8, $0x1;
	s13 =	sadd.s32 s30, s9  }
0xc: {  	s10 =	ssub.s32 s8, s29;
	s31 =	sadd.s32 s12, s13;
	s12 =	simm.s32 $0x6  }
0xd: {  	s13 =	simm.s32 $0x80;
	s5 =	sadd.s32 s5, s4;
	s7 =	sshrl.u32 s7, $0x3  }
0xe: {  	s10 =	smax.u32 s10, $0x1;
	s11 =	sadd.s32 s9, s7;
	s4 =	sadd.s32 $0x37000, s5  }
0xf: {  	s5 =	sadd.s32 $0x11800, s11;
	s6 =	sadd.s32 $0x12000, s11;
	s7 =	sadd.s32 $0x12800, s11  }
0x10: {  	s8 =	sadd.s32 $0x13000, s11;
	s9 =	sadd.s32 $0x13080, s11;
	s11 =	sadd.s32 $0x2000, s31  }
.LBB2_1:
0x11: {  	[tilespmem:s2], [sflag:$0x6] =	stream.linear.gather [hbm4b:s4+s2], $0x1400, $0x38;
	[tilespmem:$0x15400] =	vst v63  }
0x12: {  	_ =	swait.ge [sflag:s12], $0x1400  }
0x13: {  	[sflag:s12] =	ssyncset.done $0x0  }
0x14: {  	[sflag:s12] =	ssyncadd.s32 $0xFFFFEC00  }
0x15: {  	[tilespmem:s14], [sflag:$0x1] =	stream.indirect.gather [hbm4b:s3+s13], $0x80, s2, s13, $0xb8;
	[tilespmem:$0x15400] =	vst v63  }
0x16: {  	_ = 	snop  }
0x17: {  	[tilespmem:s15], [sflag:$0x2] =	stream.indirect.gather [hbm4b:s3+s13], $0x80, s13, s13, $0xb8;
	[tilespmem:$0x15400] =	vst v63  }
0x18: {  	_ = 	snop  }
0x19: {  	[tilespmem:s17], [sflag:$0x3] =	stream.indirect.gather [hbm4b:s3+s13], $0x80, s16, s13, $0xb8;
	[tilespmem:$0x15400] =	vst v63  }
0x1a: {  	_ = 	snop  }
0x1b: {  	[tilespmem:s19], [sflag:$0x4] =	stream.indirect.gather [hbm4b:s3+s13], $0x80, s18, s13, $0xb8;
	[tilespmem:$0x15400] =	vst v63  }
0x1c: {  	_ = 	snop  }
0x1d: {  	[tilespmem:s21], [sflag:$0x5] =	stream.indirect.gather [hbm4b:s3+s13], $0x80, s20, s13, $0xb8;
	[tilespmem:$0x15400] =	vst v63  }
0x1e: {  	_ =	swait.ge [sflag:s22], $0x4000  }
0x1f: {  	[sflag:s22] =	ssyncset.done $0x0  }
0x20: {  	s29 =	sadd.s32 $0xFFFFE000, s11;
	[sflag:s22] =	ssyncadd.s32 $0xFFFFC000  }
0x21: {  	[hbm4b:s29+s2] =	stream.linear.scatter [tilespmem:s14], [sflag:$0x6], $0x4000, $0x38;
	[tilespmem:$0x15400] =	vst v63  }
0x22: {  	_ =	swait.ge [sflag:s12], $0x4000  }
0x23: {  	[sflag:s12] =	ssyncset.done $0x0  }
0x24: {  	s29 =	simm.s32 $0x280;
	[sflag:s12] =	ssyncadd.s32 $0xFFFFC000  }
0x25: {  	[tilespmem:s14], [sflag:$0x1] =	stream.indirect.gather [hbm4b:s3+s13], $0x80, s29, s13, $0xb8;
	[tilespmem:$0x15400] =	vst v63  }
0x26: {  	_ =	swait.ge [sflag:s23], $0x4000  }
0x27: {  	[sflag:s23] =	ssyncset.done $0x0  }
0x28: {  	s29 =	sadd.s32 $0xFFFFE800, s11;
	[sflag:s23] =	ssyncadd.s32 $0xFFFFC000  }
0x29: {  	[hbm4b:s29+s2] =	stream.linear.scatter [tilespmem:s15], [sflag:$0x6], $0x4000, $0x38;
	[tilespmem:$0x15400] =	vst v63  }
0x2a: {  	_ =	swait.ge [sflag:s12], $0x4000  }
0x2b: {  	[sflag:s12] =	ssyncset.done $0x0  }
0x2c: {  	s29 =	simm.s32 $0x300;
	[sflag:s12] =	ssyncadd.s32 $0xFFFFC000  }
0x2d: {  	[tilespmem:s15], [sflag:$0x2] =	stream.indirect.gather [hbm4b:s3+s13], $0x80, s29, s13, $0xb8;
	[tilespmem:$0x15400] =	vst v63  }
0x2e: {  	_ =	swait.ge [sflag:s24], $0x4000  }
0x2f: {  	[sflag:s24] =	ssyncset.done $0x0  }
0x30: {  	s29 =	sadd.s32 $0xFFFFF000, s11;
	[sflag:s24] =	ssyncadd.s32 $0xFFFFC000  }
0x31: {  	[hbm4b:s29+s2] =	stream.linear.scatter [tilespmem:s17], [sflag:$0x6], $0x4000, $0x38;
	[tilespmem:$0x15400] =	vst v63  }
0x32: {  	_ =	swait.ge [sflag:s12], $0x4000  }
0x33: {  	[sflag:s12] =	ssyncset.done $0x0  }
0x34: {  	s29 =	simm.s32 $0x380;
	[sflag:s12] =	ssyncadd.s32 $0xFFFFC000  }
0x35: {  	[tilespmem:s17], [sflag:$0x3] =	stream.indirect.gather [hbm4b:s3+s13], $0x80, s29, s13, $0xb8;
	[tilespmem:$0x15400] =	vst v63  }
0x36: {  	_ =	swait.ge [sflag:s25], $0x4000  }
0x37: {  	[sflag:s25] =	ssyncset.done $0x0  }
0x38: {  	s29 =	sadd.s32 $0xFFFFF800, s11;
	[sflag:s25] =	ssyncadd.s32 $0xFFFFC000  }
0x39: {  	[hbm4b:s29+s2] =	stream.linear.scatter [tilespmem:s19], [sflag:$0x6], $0x4000, $0x38;
	[tilespmem:$0x15400] =	vst v63  }
0x3a: {  	_ =	swait.ge [sflag:s12], $0x4000  }
0x3b: {  	[sflag:s12] =	ssyncset.done $0x0  }
0x3c: {  	s29 =	simm.s32 $0x400;
	[sflag:s12] =	ssyncadd.s32 $0xFFFFC000  }
0x3d: {  	[tilespmem:s19], [sflag:$0x4] =	stream.indirect.gather [hbm4b:s3+s13], $0x80, s29, s13, $0xb8;
	[tilespmem:$0x15400] =	vst v63  }
0x3e: {  	_ =	swait.ge [sflag:s26], $0x4000  }
0x3f: {  	[sflag:s26] =	ssyncset.done $0x0  }
0x40: {  	[sflag:s26] =	ssyncadd.s32 $0xFFFFC000  }
0x41: {  	[hbm4b:s11+s2] =	stream.linear.scatter [tilespmem:s21], [sflag:$0x6], $0x4000, $0x38;
	[tilespmem:$0x15400] =	vst v63  }
0x42: {  	_ =	swait.ge [sflag:s12], $0x4000  }
0x43: {  	s31 =	simm.s32 $0x480;
	[sflag:s12] =	ssyncset.done $0x0  }
0x44: {  	s30 =	sadd.s32 $0x2800, s11;
	s29 =	simm.s32 $0xA00;
	[sflag:s12] =	ssyncadd.s32 $0xFFFFC000  }
.LBB2_2:
0x45: {  	[tilespmem:s21], [sflag:$0x5] =	stream.indirect.gather [hbm4b:s3+s13], $0x80, s31, s13, $0xb8;
	[tilespmem:$0x15400] =	vst v63  }
0x46: {  	s31 =	smov.u32 s29  }
0x47: {  	p0 =	sne.s32 s29, $0x3C00;
	s29 =	sadd.s32 $0xA00, s29;
	_ =	swait.ge [sflag:s22], $0x4000  }
0x48: {  	[sflag:s22] =	ssyncset.done $0x0  }
0x49: {  	s1 =	sadd.s32 $0xFFFFE000, s30;
	[sflag:s22] =	ssyncadd.s32 $0xFFFFC000  }
0x4a: {  	[hbm4b:s1+s2] =	stream.linear.scatter [tilespmem:s14], [sflag:$0x6], $0x4000, $0x38;
	[tilespmem:$0x15400] =	vst v63  }
0x4b: {  	_ =	swait.ge [sflag:s12], $0x4000  }
0x4c: {  	s31 =	sshra.s32 s31, $0x2;
	[sflag:s12] =	ssyncset.done $0x0  }
0x4d: {  	s1 =	sadd.s32 $0x280, s31;
	[sflag:s12] =	ssyncadd.s32 $0xFFFFC000  }
0x4e: {  	[tilespmem:s14], [sflag:$0x1] =	stream.indirect.gather [hbm4b:s3+s13], $0x80, s1, s13, $0xb8;
	[tilespmem:$0x15400] =	vst v63  }
0x4f: {  	_ =	swait.ge [sflag:s23], $0x4000  }
0x50: {  	[sflag:s23] =	ssyncset.done $0x0  }
0x51: {  	s1 =	sadd.s32 $0xFFFFE800, s30;
	[sflag:s23] =	ssyncadd.s32 $0xFFFFC000  }
0x52: {  	[hbm4b:s1+s2] =	stream.linear.scatter [tilespmem:s15], [sflag:$0x6], $0x4000, $0x38;
	[tilespmem:$0x15400] =	vst v63  }
0x53: {  	_ =	swait.ge [sflag:s12], $0x4000  }
0x54: {  	[sflag:s12] =	ssyncset.done $0x0  }
0x55: {  	s1 =	sadd.s32 $0x300, s31;
	[sflag:s12] =	ssyncadd.s32 $0xFFFFC000  }
0x56: {  	[tilespmem:s15], [sflag:$0x2] =	stream.indirect.gather [hbm4b:s3+s13], $0x80, s1, s13, $0xb8;
	[tilespmem:$0x15400] =	vst v63  }
0x57: {  	_ =	swait.ge [sflag:s24], $0x4000  }
0x58: {  	[sflag:s24] =	ssyncset.done $0x0  }
0x59: {  	s1 =	sadd.s32 $0xFFFFF000, s30;
	[sflag:s24] =	ssyncadd.s32 $0xFFFFC000  }
0x5a: {  	[hbm4b:s1+s2] =	stream.linear.scatter [tilespmem:s17], [sflag:$0x6], $0x4000, $0x38;
	[tilespmem:$0x15400] =	vst v63  }
0x5b: {  	_ =	swait.ge [sflag:s12], $0x4000  }
0x5c: {  	[sflag:s12] =	ssyncset.done $0x0  }
0x5d: {  	s1 =	sadd.s32 $0x380, s31;
	[sflag:s12] =	ssyncadd.s32 $0xFFFFC000  }
0x5e: {  	[tilespmem:s17], [sflag:$0x3] =	stream.indirect.gather [hbm4b:s3+s13], $0x80, s1, s13, $0xb8;
	[tilespmem:$0x15400] =	vst v63  }
0x5f: {  	_ =	swait.ge [sflag:s25], $0x4000  }
0x60: {  	[sflag:s25] =	ssyncset.done $0x0  }
0x61: {  	s1 =	sadd.s32 $0xFFFFF800, s30;
	[sflag:s25] =	ssyncadd.s32 $0xFFFFC000  }
0x62: {  	[hbm4b:s1+s2] =	stream.linear.scatter [tilespmem:s19], [sflag:$0x6], $0x4000, $0x38;
	[tilespmem:$0x15400] =	vst v63  }
0x63: {  	_ =	swait.ge [sflag:s12], $0x4000  }
0x64: {  	[sflag:s12] =	ssyncset.done $0x0  }
0x65: {  	s1 =	sadd.s32 $0x400, s31;
	[sflag:s12] =	ssyncadd.s32 $0xFFFFC000  }
0x66: {  	[tilespmem:s19], [sflag:$0x4] =	stream.indirect.gather [hbm4b:s3+s13], $0x80, s1, s13, $0xb8;
	[tilespmem:$0x15400] =	vst v63  }
0x67: {  	_ =	swait.ge [sflag:s26], $0x4000  }
0x68: {  	[sflag:s26] =	ssyncset.done $0x0  }
.Ltmp0:
0x69: {  	[sflag:s26] =	ssyncadd.s32 $0xFFFFC000;
	(pc) =	sbr.rel @p0 .LBB2_2-.Ltmp0, $4  }
0x6a: {  	[hbm4b:s30+s2] =	stream.linear.scatter [tilespmem:s21], [sflag:$0x6], $0x4000, $0x38;
	[tilespmem:$0x15400] =	vst v63  }
0x6b: {  	_ =	swait.ge [sflag:s12], $0x4000  }
0x6c: {  	[sflag:s12] =	ssyncset.done $0x0  }
0x6d: {  	s31 =	sadd.s32 $0x480, s31;
	s30 =	sadd.s32 $0x2800, s30;
	[sflag:s12] =	ssyncadd.s32 $0xFFFFC000  }
0x6e: {  	[tilespmem:s21], [sflag:$0x5] =	stream.indirect.gather [hbm4b:s3+s13], $0x80, s31, s13, $0xb8;
	[tilespmem:$0x15400] =	vst v63  }
0x6f: {  	_ =	swait.ge [sflag:s22], $0x4000  }
0x70: {  	[sflag:s22] =	ssyncset.done $0x0  }
0x71: {  	[sflag:s22] =	ssyncadd.s32 $0xFFFFC000  }
0x72: {  	[hbm4b:s5+s2] =	stream.linear.scatter [tilespmem:s14], [sflag:$0x6], $0x4000, $0x38;
	[tilespmem:$0x15400] =	vst v63  }
0x73: {  	_ =	swait.ge [sflag:s12], $0x4000  }
0x74: {  	[sflag:s12] =	ssyncset.done $0x0  }
0x75: {  	[sflag:s12] =	ssyncadd.s32 $0xFFFFC000  }
0x76: {  	_ =	swait.ge [sflag:s23], $0x4000  }
0x77: {  	[sflag:s23] =	ssyncset.done $0x0  }
0x78: {  	[sflag:s23] =	ssyncadd.s32 $0xFFFFC000  }
0x79: {  	[hbm4b:s6+s2] =	stream.linear.scatter [tilespmem:s15], [sflag:$0x6], $0x4000, $0x38;
	[tilespmem:$0x15400] =	vst v63  }
0x7a: {  	_ =	swait.ge [sflag:s12], $0x4000  }
0x7b: {  	[sflag:s12] =	ssyncset.done $0x0  }
0x7c: {  	[sflag:s12] =	ssyncadd.s32 $0xFFFFC000  }
0x7d: {  	_ =	swait.ge [sflag:s24], $0x4000  }
0x7e: {  	[sflag:s24] =	ssyncset.done $0x0  }
0x7f: {  	[sflag:s24] =	ssyncadd.s32 $0xFFFFC000  }
0x80: {  	[hbm4b:s7+s2] =	stream.linear.scatter [tilespmem:s17], [sflag:$0x6], $0x4000, $0x38;
	[tilespmem:$0x15400] =	vst v63  }
0x81: {  	_ =	swait.ge [sflag:s12], $0x4000  }
0x82: {  	[sflag:s12] =	ssyncset.done $0x0  }
0x83: {  	[sflag:s12] =	ssyncadd.s32 $0xFFFFC000  }
0x84: {  	_ =	swait.ge [sflag:s25], $0x4000  }
0x85: {  	[sflag:s25] =	ssyncset.done $0x0  }
0x86: {  	[sflag:s25] =	ssyncadd.s32 $0xFFFFC000  }
0x87: {  	[hbm4b:s8+s2] =	stream.linear.scatter [tilespmem:s19], [sflag:$0x6], $0x4000, $0x38;
	[tilespmem:$0x15400] =	vst v63  }
0x88: {  	_ =	swait.ge [sflag:s12], $0x4000  }
0x89: {  	[sflag:s12] =	ssyncset.done $0x0  }
0x8a: {  	[sflag:s12] =	ssyncadd.s32 $0xFFFFC000  }
0x8b: {  	s28 =	sadd.s32 $0x1, s28;
	_ =	swait.ge [sflag:s26], $0x4000  }
0x8c: {  	p0 =	sne.s32 s28, s10;
	[sflag:s26] =	ssyncset.done $0x0  }
.Ltmp1:
0x8d: {  	[sflag:s26] =	ssyncadd.s32 $0xFFFFC000;
	(pc) =	sbr.rel @p0 .LBB2_1-.Ltmp1, $4  }
0x8e: {  	[hbm4b:s9+s2] =	stream.linear.scatter [tilespmem:s21], [sflag:$0x6], $0x4000, $0x38;
	[tilespmem:$0x15400] =	vst v63  }
0x8f: {  	_ =	swait.ge [sflag:s12], $0x4000  }
0x90: {  	[sflag:s12] =	ssyncset.done $0x0  }
0x91: {  	[sflag:s12] =	ssyncadd.s32 $0xFFFFC000  }
0x92: {  	_ =	sfence.sel $0x180000  }
0x93: {  	[bflag:$0x0] =	sbarrier.arrive $0xFFFF  }
0x94: {  	_ =	strace $0x90000050  }
0x95: {  	[bflag:$0x2] =	sbarrier.arrive $0xFFFF  }
0x96: {  	p0 =	sne.s32 s0, $0x0;
	s0 =	rddreg [dreg:$0x1]  }
0x97: {  	s0 =	sadd.s32 @!p0 $0x100000, s0  }
0x98: {  	[sflag:s0] =	ssyncadd.tile.s32 @!p0 $0x1;
	_ =	shalt  }
.Lfunc_end2:
_tile_overlayer_lowered:
.L_overlay_start_2:
0x99: {  	(tag) =	ssettag $0x2  }
0x9a: {  	s0 =	rddreg [dreg:$0x0];
	s2 =	stileid.u32  }
0x9b: {  	s1 =	rddreg [dreg:$0x1];
	p0 =	sne.s32 s2, $0x0  }
0x9c: {  	s3 =	rddreg [dreg:$0x2];
	[bflag:$0x3] =	sbarrier.arrive $0xFFFF;
	s2 =	simm.s32 @!p0 $0x1C06  }
0x9d: {  	[timem:s3], [sflag:s2] =	dma.local @!p0 [hbm:s0], s1  }
0x9e: {  	s0 =	simm.s32 @!p0 $0x6  }
0x9f: {  	_ =	swait.ge @!p0 [sflag:s0], s1  }
0xa0: {  	s1 =	ssub.s32 @!p0 $0x0, s1;
	[sflag:s0] =	ssyncset.done @!p0 $0x0  }
0xa1: {  	[sflag:s0] =	ssyncadd.s32 @!p0 s1  }
0xa2: {  	[bflag:$0x3] =	sbarrier.arrive $0xFFFF  }
0xa3: {  	_ =	shalt  }

</sc_bundles>
